<compile_context>
chip_gen: v7x
topology: tpu7x:2x2x1
jax: 0.10.2.dev20260603
libtpu: 0.0.44.dev20260713+nightly
codegen_flags: <defaults>
</compile_context>

<pallas_src>
import math

import jax
import jax.numpy as jnp
from jax import lax
from jax.experimental import pallas as pl
from jax.experimental.pallas import tpu as pltpu
from jax.experimental.pallas import tpu_sc as plsc

_N = 10000
_E = 320000
_DH = 128
_T1 = 128
_T2 = 16
_THRESH = 1.0 / (_T1 - 1)

_CH = 80
_NW = 32
_CPT = 128
_NBUF = 4
_NSTG = _CPT // 8
_EPT = _CPT * _CH
_REAL_EPT = _E // _NW
_E_PAD = _EPT * _NW
_RPT = 632
_N_PAD = _RPT * 16

_R = 1000
_G = _N // _R


def _mm(a, b):
    return jnp.dot(a, b, preferred_element_type=jnp.float32)


def _mmT(a, b):
    return lax.dot_general(a, b, (((0,), (0,)), ((), ())),
                           preferred_element_type=jnp.float32)



def _sc_segsum_body(src_hbm, gi2_hbm, si2_hbm, z_hbm, out_hbm, *scr):
    gi_r, si_r = scr[0], scr[1]
    bufs = list(scr[2:2 + _NBUF])
    gsems = list(scr[2 + _NBUF:2 + 2 * _NBUF])
    ssems = list(scr[2 + 2 * _NBUF:2 + 3 * _NBUF])
    isems = list(scr[2 + 3 * _NBUF:4 + 3 * _NBUF])
    acc_sh = scr[4 + 3 * _NBUF]
    cid = lax.axis_index("c")
    sid = lax.axis_index("s")
    wid = sid * 2 + cid
    pltpu.sync_copy(z_hbm, acc_sh.at[pl.ds(sid * _RPT, _RPT)])
    plsc.subcore_barrier()

    def _stage(gg, p):
        off = wid * _CPT + gg * 8
        pltpu.async_copy(gi2_hbm.at[pl.ds(off, 8)], gi_r.at[p], isems[p])
        pltpu.async_copy(si2_hbm.at[pl.ds(off, 8)], si_r.at[p], isems[p])

    def _wait_stage(gg, p):
        off = wid * _CPT + gg * 8
        pltpu.make_async_copy(gi2_hbm.at[pl.ds(off, 8)], gi_r.at[p],
                              isems[p]).wait()
        pltpu.make_async_copy(si2_hbm.at[pl.ds(off, 8)], si_r.at[p],
                              isems[p]).wait()

    def _gather(b, p, r):
        pltpu.async_copy(src_hbm.at[gi_r.at[p, r]], bufs[b], gsems[b])

    def _wait_gather(b, p, r):
        pltpu.make_async_copy(src_hbm.at[gi_r.at[p, r]], bufs[b],
                              gsems[b]).wait()

    def _scatter(b, p, r):
        pltpu.async_copy(bufs[b], acc_sh.at[si_r.at[p, r]], ssems[b],
                        add=True)

    def _wait_scatter(b, p, r):
        pltpu.make_async_copy(bufs[b], acc_sh.at[si_r.at[p, r]],
                              ssems[b]).wait()

    def _group(pg, h, pn, hn, pre_b=None, issue_next=True):
        for b in range(_NBUF):
            _wait_gather(b, pg, h * _NBUF + b)
            _scatter(b, pg, h * _NBUF + b)
        if pre_b is not None:
            pre_b()
        for b in range(_NBUF):
            _wait_scatter(b, pg, h * _NBUF + b)
            if issue_next:
                _gather(b, pn, hn * _NBUF + b)

    _stage(0, 0)
    _stage(1, 1)
    _wait_stage(0, 0)
    for b in range(_NBUF):
        _gather(b, 0, b)

    def superbody(u, c):
        gg0 = 2 * u
        _group(0, 0, 0, 1)
        _group(0, 1, 1, 0, pre_b=lambda: _wait_stage(gg0 + 1, 1))
        _stage(gg0 + 2, 0)
        _group(1, 0, 1, 1)
        _group(1, 1, 0, 0, pre_b=lambda: _wait_stage(gg0 + 2, 0))
        _stage(gg0 + 3, 1)
        return c

    lax.fori_loop(0, _NSTG // 2 - 1, superbody, 0)
    _group(0, 0, 0, 1)
    _group(0, 1, 1, 0, pre_b=lambda: _wait_stage(_NSTG - 1, 1))
    _group(1, 0, 1, 1)
    _group(1, 1, 0, 0, issue_next=False)

    plsc.subcore_barrier()
    pltpu.sync_copy(acc_sh.at[pl.ds(sid * _RPT, _RPT)],
                    out_hbm.at[cid, pl.ds(sid * _RPT, _RPT)])


_sc_cache = {}


def _get_sc_segsum():
    if "segsum" not in _sc_cache:
        mesh = plsc.VectorSubcoreMesh(core_axis_name="c", subcore_axis_name="s",
                                      num_cores=2, num_subcores=16)
        _sc_cache["segsum"] = pl.kernel(
            _sc_segsum_body,
            out_type=jax.ShapeDtypeStruct((2, _N_PAD, _DH), jnp.float32),
            mesh=mesh,
            scratch_types=(
                [pltpu.VMEM((2, 8, _CH), jnp.int32),
                 pltpu.VMEM((2, 8, _CH), jnp.int32)]
                + [pltpu.VMEM((_CH, _DH), jnp.float32)] * _NBUF
                + [pltpu.SemaphoreType.DMA] * (2 * _NBUF + 2)
                + [pltpu.VMEM_SHARED((_N_PAD, _DH), jnp.float32)]))
    return _sc_cache["segsum"]


def _sc_pass1(x, row_g2, col_s2, z_init):
    return _get_sc_segsum()(x, row_g2, col_s2, z_init)


def _sc_pass2(s1s, col_g2, row_s2, z_init):
    return _get_sc_segsum()(s1s, col_g2, row_s2, z_init)



def _tc1_body(x_ref, ap_ref, wr_ref, br_ref, wo_ref, wp_ref, bp_ref, g_ref,
              b_ref, s1_ref, s1s_ref, px_ref, sts_ref):
    i = pl.program_id(0)
    agg = ap_ref[0] + ap_ref[1]
    x1 = jnp.maximum(
        _mm(agg, wr_ref[...]) + br_ref[...] + _mm(x_ref[...], wo_ref[...]),
        0.0)
    z = _mm(x1, wp_ref[...]) + bp_ref[...]
    m = jnp.mean(z, axis=-1, keepdims=True)
    v = jnp.mean((z - m) ** 2, axis=-1, keepdims=True)
    s1 = (z - m) / jnp.sqrt(v + 1e-5) * g_ref[...] + b_ref[...]
    s1_ref[...] = s1
    mx = jnp.max(s1, axis=-1, keepdims=True)
    ex = jnp.exp(s1 - mx)
    s1s = ex / jnp.sum(ex, axis=-1, keepdims=True)
    s1s_ref[...] = s1s

    @pl.when(i == 0)
    def _():
        px_ref[...] = jnp.zeros_like(px_ref)
        sts_ref[...] = jnp.zeros_like(sts_ref)

    px_ref[...] += _mmT(s1s, x1)
    sts_ref[...] += _mmT(s1s, s1s)


_tc1 = pl.pallas_call(
    _tc1_body,
    grid=(_G,),
    in_specs=[
        pl.BlockSpec((_R, _DH), lambda i: (i, 0)),
        pl.BlockSpec((2, _R, _DH), lambda i: (0, i, 0)),
        pl.BlockSpec((_DH, _DH), lambda i: (0, 0)),
        pl.BlockSpec((1, _DH), lambda i: (0, 0)),
        pl.BlockSpec((_DH, _DH), lambda i: (0, 0)),
        pl.BlockSpec((_DH, _T1), lambda i: (0, 0)),
        pl.BlockSpec((1, _T1), lambda i: (0, 0)),
        pl.BlockSpec((1, _T1), lambda i: (0, 0)),
        pl.BlockSpec((1, _T1), lambda i: (0, 0)),
    ],
    out_specs=[
        pl.BlockSpec((_R, _T1), lambda i: (i, 0)),
        pl.BlockSpec((_R, _T1), lambda i: (i, 0)),
        pl.BlockSpec((_T1, _DH), lambda i: (0, 0)),
        pl.BlockSpec((_T1, _T1), lambda i: (0, 0)),
    ],
    out_shape=[
        jax.ShapeDtypeStruct((_N, _T1), jnp.float32),
        jax.ShapeDtypeStruct((_N, _T1), jnp.float32),
        jax.ShapeDtypeStruct((_T1, _DH), jnp.float32),
        jax.ShapeDtypeStruct((_T1, _T1), jnp.float32),
    ],
)



def _tc2_body(ap_ref, s1s_ref, px_ref, sts_ref, wr2_ref, br2_ref,
              wo2_ref, wp2_ref, bp2_ref, g2_ref, b2_ref,
              mc1_ref, o1_ref, mc2_ref, o2_ref, ab_ref, s2_ref, an2_ref,
              pacc_ref, den_ref):
    i = pl.program_id(0)

    @pl.when(i == 0)
    def _():
        pacc_ref[...] = jnp.zeros_like(pacc_ref)
        den_ref[...] = jnp.zeros_like(den_ref)

    asb = ap_ref[0] + ap_ref[1]
    s1s_b = s1s_ref[...]
    pacc_ref[...] += _mmT(s1s_b, asb)
    deg_b = jnp.sum(asb, axis=1, keepdims=True)
    q_b = jnp.sum(s1s_b * s1s_b, axis=1, keepdims=True)
    den_ref[...] += jnp.reshape(jnp.sum(deg_b * q_b), (1, 1))

    @pl.when(i == _G - 1)
    def _():
        P = pacc_ref[...]
        eye1 = (lax.broadcasted_iota(jnp.int32, (_T1, _T1), 0)
                == lax.broadcasted_iota(jnp.int32, (_T1, _T1), 1)
                ).astype(jnp.float32)
        num1 = jnp.sum(P * eye1)
        den1 = den_ref[0, 0] + 1e-10
        mc1 = -num1 / den1
        sts = sts_ref[...]
        nrm = jnp.sqrt(jnp.sum(sts * sts))
        o1m = sts / (nrm + 1e-10) - eye1 / math.sqrt(_T1)
        o1 = jnp.sqrt(jnp.sum(o1m * o1m))
        adj_sq = P * (1.0 - eye1)
        d1 = jnp.sqrt(jnp.sum(adj_sq, axis=1, keepdims=True))
        dinv = 1.0 / (d1 + 1e-15)
        adj_norm1 = adj_sq * dinv * dinv.reshape(1, _T1)
        adj_bin = jnp.where(adj_norm1 > _THRESH, 1.0, 0.0).astype(jnp.float32)
        ab_ref[...] = adj_bin

        px = px_ref[...]
        agg2 = _mmT(adj_bin, px)
        x2 = jnp.maximum(
            _mm(agg2, wr2_ref[...]) + br2_ref[...] + _mm(px, wo2_ref[...]),
            0.0)
        z2 = _mm(x2, wp2_ref[...]) + bp2_ref[...]
        m2 = jnp.mean(z2, axis=-1, keepdims=True)
        v2 = jnp.mean((z2 - m2) ** 2, axis=-1, keepdims=True)
        s2 = (z2 - m2) / jnp.sqrt(v2 + 1e-5) * g2_ref[...] + b2_ref[...]
        s2_ref[...] = s2
        mx2 = jnp.max(s2, axis=-1, keepdims=True)
        ex2 = jnp.exp(s2 - mx2)
        s2s = ex2 / jnp.sum(ex2, axis=-1, keepdims=True)
        a_s2 = _mm(adj_bin, s2s)
        P2 = _mmT(s2s, a_s2)
        eye2 = (lax.broadcasted_iota(jnp.int32, (_T2, _T2), 0)
                == lax.broadcasted_iota(jnp.int32, (_T2, _T2), 1)
                ).astype(jnp.float32)
        num2 = jnp.sum(P2 * eye2)
        deg2 = jnp.sum(adj_bin, axis=1, keepdims=True)
        den2 = jnp.sum(deg2 * jnp.sum(s2s * s2s, axis=1, keepdims=True)) + 1e-10
        mc2 = -num2 / den2
        sts2 = _mmT(s2s, s2s)
        nrm2 = jnp.sqrt(jnp.sum(sts2 * sts2))
        o2m = sts2 / (nrm2 + 1e-10) - eye2 / math.sqrt(_T2)
        o2 = jnp.sqrt(jnp.sum(o2m * o2m))
        adj_sq2 = P2 * (1.0 - eye2)
        d2 = jnp.sqrt(jnp.sum(adj_sq2, axis=1, keepdims=True))
        dinv2 = 1.0 / (d2 + 1e-15)
        an2_ref[...] = adj_sq2 * dinv2 * dinv2.reshape(1, _T2)

        mc1_ref[...] = jnp.reshape(mc1, (1, 1))
        o1_ref[...] = jnp.reshape(o1, (1, 1))
        mc2_ref[...] = jnp.reshape(mc2, (1, 1))
        o2_ref[...] = jnp.reshape(o2, (1, 1))


_tc2 = pl.pallas_call(
    _tc2_body,
    grid=(_G,),
    in_specs=[
        pl.BlockSpec((2, _R, _T1), lambda i: (0, i, 0)),
        pl.BlockSpec((_R, _T1), lambda i: (i, 0)),
        pl.BlockSpec((_T1, _DH), lambda i: (0, 0)),
        pl.BlockSpec((_T1, _T1), lambda i: (0, 0)),
        pl.BlockSpec((_DH, _DH), lambda i: (0, 0)),
        pl.BlockSpec((1, _DH), lambda i: (0, 0)),
        pl.BlockSpec((_DH, _DH), lambda i: (0, 0)),
        pl.BlockSpec((_DH, _T2), lambda i: (0, 0)),
        pl.BlockSpec((1, _T2), lambda i: (0, 0)),
        pl.BlockSpec((1, _T2), lambda i: (0, 0)),
        pl.BlockSpec((1, _T2), lambda i: (0, 0)),
    ],
    out_specs=[
        pl.BlockSpec((1, 1), lambda i: (0, 0)),
        pl.BlockSpec((1, 1), lambda i: (0, 0)),
        pl.BlockSpec((1, 1), lambda i: (0, 0)),
        pl.BlockSpec((1, 1), lambda i: (0, 0)),
        pl.BlockSpec((_T1, _T1), lambda i: (0, 0)),
        pl.BlockSpec((_T1, _T2), lambda i: (0, 0)),
        pl.BlockSpec((_T2, _T2), lambda i: (0, 0)),
    ],
    out_shape=[
        jax.ShapeDtypeStruct((1, 1), jnp.float32),
        jax.ShapeDtypeStruct((1, 1), jnp.float32),
        jax.ShapeDtypeStruct((1, 1), jnp.float32),
        jax.ShapeDtypeStruct((1, 1), jnp.float32),
        jax.ShapeDtypeStruct((_T1, _T1), jnp.float32),
        jax.ShapeDtypeStruct((_T1, _T2), jnp.float32),
        jax.ShapeDtypeStruct((_T2, _T2), jnp.float32),
    ],
    scratch_shapes=[pltpu.VMEM((_T1, _T1), jnp.float32),
                    pltpu.VMEM((1, 1), jnp.float32)],
)


def kernel(x, edge_index, W_rel1, b_rel1, W_root1, W_pool1, b_pool1, ln1_g,
           ln1_b, W_rel2, b_rel2, W_root2, W_pool2, b_pool2, ln2_g, ln2_b):
    row = edge_index[0]
    col = edge_index[1]
    pad = _EPT - _REAL_EPT

    def _padded(idx, fill):
        return jnp.concatenate(
            [idx.reshape(_NW, _REAL_EPT),
             jnp.full((_NW, pad), fill, jnp.int32)], axis=1)

    row_g2 = _padded(row, 0).reshape(_E_PAD // _CH, _CH)
    col_s2 = _padded(col, _N).reshape(_E_PAD // _CH, _CH)
    col_g2 = _padded(col, 0).reshape(_E_PAD // _CH, _CH)
    row_s2 = _padded(row, _N).reshape(_E_PAD // _CH, _CH)
    z_init = jnp.zeros((_RPT, _DH), jnp.float32)

    agg_parts = _sc_pass1(x, row_g2, col_s2, z_init)
    s1, s1s, pooled_x1, sts1 = _tc1(
        x, agg_parts, W_rel1, b_rel1.reshape(1, -1), W_root1, W_pool1,
        b_pool1.reshape(1, -1), ln1_g.reshape(1, -1), ln1_b.reshape(1, -1))
    as_parts = _sc_pass2(s1s, col_g2, row_s2, z_init)
    mc1, o1, mc2, o2, adj_bin, s2, adj_norm2 = _tc2(
        as_parts, s1s, pooled_x1, sts1, W_rel2,
        b_rel2.reshape(1, -1), W_root2, W_pool2, b_pool2.reshape(1, -1),
        ln2_g.reshape(1, -1), ln2_b.reshape(1, -1))
    return (mc1.reshape(()), o1.reshape(()), mc2.reshape(()), o2.reshape(()),
            s1, adj_bin, s2, adj_norm2)

# --- scband reference (transcript-rebuilt; emitter-appended) ---
"""Pipeline reference for scband-sparse-net-83399674954375 (READ-ONLY COPY).

The authoritative reference and input builder live on the scoring server;
editing this copy changes nothing except your own understanding.
"""

import jax
import jax.numpy as jnp
import numpy as np
import math

N = 10000
E = 320000
D_IN = 128
D_H = 128
T1 = 128
T2 = 16
THRESH = 1.0 / (T1 - 1)

def _layer_norm(z, g, b, eps=1e-5):
    m = jnp.mean(z, axis=-1, keepdims=True)
    v = jnp.var(z, axis=-1, keepdims=True)
    return (z - m) / jnp.sqrt(v + eps) * g + b

def _forward(x, row, col, W_rel1, b_rel1, W_root1, W_pool1, b_pool1, ln1_g, ln1_b, W_rel2, b_rel2, W_root2, W_pool2, b_pool2, ln2_g, ln2_b):
    # GraphConv1 (PyG): out = lin_rel(segment_sum(x[src] at dst)) + lin_root(x)
    agg1 = jax.ops.segment_sum(x[row], col, num_segments=N)
    x1 = jax.nn.relu(agg1 @ W_rel1 + b_rel1 + x @ W_root1)
    s1 = _layer_norm(x1 @ W_pool1 + b_pool1, ln1_g, ln1_b)
    # sparse_mincut_pool level 1
    s1s = jax.nn.softmax(s1, axis=-1)
    pooled_x1 = s1s.T @ x1
    ew = jnp.ones((E,), dtype=x.dtype)
    A_s = jax.ops.segment_sum(s1s[col] * ew[:, None], row, num_segments=N)
    pooled_adj1 = s1s.T @ A_s
    mincut_num1 = jnp.trace(pooled_adj1)
    deg = jax.ops.segment_sum(ew, row, num_segments=N)
    mincut_den1 = jnp.trace(s1s.T @ (deg[:, None] * s1s)) + 1e-10
    mc1 = -mincut_num1 / mincut_den1
    sTs1 = s1s.T @ s1s
    o1 = jnp.linalg.norm(sTs1 / (jnp.linalg.norm(sTs1) + 1e-10) - jnp.eye(T1, dtype=x.dtype) / math.sqrt(T1))
    adj_sq1 = pooled_adj1 * (1.0 - jnp.eye(T1, dtype=x.dtype))
    d1 = jnp.sqrt(jnp.sum(adj_sq1, axis=1))[:, None]
    dinv1 = 1.0 / (d1 + 1e-15)
    adj_norm1 = adj_sq1 * dinv1 * dinv1.T
    # edge pruning; torch extracts edge_index_pool = nonzero(adj_bin).
    # Level-2 ops over that edge list with unit weights are exactly the dense
    # products below (agg at dst = adj_bin.T @ x; A_s = adj_bin @ s; deg = row-sum).
    adj_bin = jnp.where(adj_norm1 > THRESH, 1.0, 0.0).astype(x.dtype)
    agg2 = adj_bin.T @ pooled_x1
    x2 = jax.nn.relu(agg2 @ W_rel2 + b_rel2 + pooled_x1 @ W_root2)
    s2 = _layer_norm(x2 @ W_pool2 + b_pool2, ln2_g, ln2_b)
    s2s = jax.nn.softmax(s2, axis=-1)
    A_s2 = adj_bin @ s2s
    pooled_adj2 = s2s.T @ A_s2
    mincut_num2 = jnp.trace(pooled_adj2)
    deg2 = jnp.sum(adj_bin, axis=1)
    mincut_den2 = jnp.trace(s2s.T @ (deg2[:, None] * s2s)) + 1e-10
    mc2 = -mincut_num2 / mincut_den2
    sTs2 = s2s.T @ s2s
    o2 = jnp.linalg.norm(sTs2 / (jnp.linalg.norm(sTs2) + 1e-10) - jnp.eye(T2, dtype=x.dtype) / math.sqrt(T2))
    adj_sq2 = pooled_adj2 * (1.0 - jnp.eye(T2, dtype=x.dtype))
    d2 = jnp.sqrt(jnp.sum(adj_sq2, axis=1))[:, None]
    dinv2 = 1.0 / (d2 + 1e-15)
    adj_norm2 = adj_sq2 * dinv2 * dinv2.T
    return (mc1, o1, mc2, o2, s1, adj_bin, s2, adj_norm2)

def setup_inputs(seed: int = 0):
    key = jax.random.key(seed)
    ks = jax.random.split(key, 10)
    s_in = 1.0 / math.sqrt(D_IN)
    s_h = 1.0 / math.sqrt(D_H)
    return {
        'x': jax.random.normal(ks[0], (N, D_IN), dtype=jnp.float32),
        'edge_index': jax.random.randint(ks[1], (2, E), 0, N, dtype=jnp.int32),
        'W_rel1': jax.random.normal(ks[2], (D_IN, D_H), dtype=jnp.float32) * s_in,
        'b_rel1': jnp.zeros((D_H,), dtype=jnp.float32),
        'W_root1': jax.random.normal(ks[3], (D_IN, D_H), dtype=jnp.float32) * s_in,
        'W_pool1': jax.random.normal(ks[4], (D_H, T1), dtype=jnp.float32) * s_h,
        'b_pool1': jnp.zeros((T1,), dtype=jnp.float32),
        'ln1_g': jnp.ones((T1,), dtype=jnp.float32),
        'ln1_b': jnp.zeros((T1,), dtype=jnp.float32),
        'W_rel2': jax.random.normal(ks[5], (D_H, D_H), dtype=jnp.float32) * s_h,
        'b_rel2': jnp.zeros((D_H,), dtype=jnp.float32),
        'W_root2': jax.random.normal(ks[6], (D_H, D_H), dtype=jnp.float32) * s_h,
        'W_pool2': jax.random.normal(ks[7], (D_H, T2), dtype=jnp.float32) * s_h,
        'b_pool2': jnp.zeros((T2,), dtype=jnp.float32),
        'ln2_g': jnp.ones((T2,), dtype=jnp.float32),
        'ln2_b': jnp.zeros((T2,), dtype=jnp.float32),
    }

def reference(x, edge_index, W_rel1, b_rel1, W_root1, W_pool1, b_pool1, ln1_g, ln1_b, W_rel2, b_rel2, W_root2, W_pool2, b_pool2, ln2_g, ln2_b):
    row = edge_index[0]
    col = edge_index[1]
    return _forward(x, row, col, W_rel1, b_rel1, W_root1, W_pool1, b_pool1, ln1_g, ln1_b, W_rel2, b_rel2, W_root2, W_pool2, b_pool2, ln2_g, ln2_b)

if __name__ == "__main__":
    import jax
    _d = setup_inputs()
    print(jax.jit(kernel)(*tuple(_d.values())))

</pallas_src>

<mosaic_0001>
#map = affine_map<(d0, d1) -> (0, 0)>
#map1 = affine_map<(d0, d1) -> (0, 0, 0)>
module attributes {stable_mosaic.version = 14 : i64} {
  func.func @_sc_segsum_body(%arg0: i32, %arg1: i32, %arg2: memref<10000x128xf32, #tpu.memory_space<hbm>>, %arg3: memref<4096x80xi32, #tpu.memory_space<hbm>>, %arg4: memref<4096x80xi32, #tpu.memory_space<hbm>>, %arg5: memref<632x128xf32, #tpu.memory_space<hbm>>, %arg6: memref<2x10112x128xf32, #tpu.memory_space<hbm>>, %arg7: memref<2x8x80xi32, #tpu.memory_space<vmem>>, %arg8: memref<2x8x80xi32, #tpu.memory_space<vmem>>, %arg9: memref<80x128xf32, #tpu.memory_space<vmem>>, %arg10: memref<80x128xf32, #tpu.memory_space<vmem>>, %arg11: memref<80x128xf32, #tpu.memory_space<vmem>>, %arg12: memref<80x128xf32, #tpu.memory_space<vmem>>, %arg13: memref<!tpu.dma_semaphore, #tpu.memory_space<semaphore_mem>>, %arg14: memref<!tpu.dma_semaphore, #tpu.memory_space<semaphore_mem>>, %arg15: memref<!tpu.dma_semaphore, #tpu.memory_space<semaphore_mem>>, %arg16: memref<!tpu.dma_semaphore, #tpu.memory_space<semaphore_mem>>, %arg17: memref<!tpu.dma_semaphore, #tpu.memory_space<semaphore_mem>>, %arg18: memref<!tpu.dma_semaphore, #tpu.memory_space<semaphore_mem>>, %arg19: memref<!tpu.dma_semaphore, #tpu.memory_space<semaphore_mem>>, %arg20: memref<!tpu.dma_semaphore, #tpu.memory_space<semaphore_mem>>, %arg21: memref<!tpu.dma_semaphore, #tpu.memory_space<semaphore_mem>>, %arg22: memref<!tpu.dma_semaphore, #tpu.memory_space<semaphore_mem>>, %arg23: memref<10112x128xf32, #tpu.memory_space<vmem_shared>>) attributes {dimension_semantics = [#tpu.dimension_semantics<core_parallel>, #tpu.dimension_semantics<subcore_parallel>], iteration_bounds = array<i64: 2, 16>, scalar_prefetch = 0 : i64, scratch_operands = 17 : i64, tpu.core_type = #tpu.core_type<sc_vector_subcore>, window_params = [{transform_indices = #map}, {transform_indices = #map}, {transform_indices = #map}, {transform_indices = #map}, {transform_indices = #map1}]} {
    %mul3A = arith.constant 2 : i32
    %mul3A_0 = arith.muli %arg1, %mul3A : i32
    %add3A = arith.addi %mul3A_0, %arg0 : i32
    %mul3A_1 = arith.constant 632 : i32
    %mul3A_2 = arith.muli %arg1, %mul3A_1 : i32
    "tpu.region"() ({
      %run_scoped3A = tpu.sem_alloc : memref<!tpu.dma_semaphore, #tpu.memory_space<semaphore_mem>>
      %dma_start3A_643 = arith.constant 0 : i32
      %dma_start3A_644 = tpu.memref_slice %arg23[%mul3A_2, %dma_start3A_643] : memref<10112x128xf32, #tpu.memory_space<vmem_shared>> -> memref<632x128xf32, #tpu.memory_space<vmem_shared>>
      tpu.enqueue_dma source(%arg5 : memref<632x128xf32, #tpu.memory_space<hbm>>) target(%dma_start3A_644 : memref<632x128xf32, #tpu.memory_space<vmem_shared>>) target_semaphore(%run_scoped3A : memref<!tpu.dma_semaphore, #tpu.memory_space<semaphore_mem>>)
      %dma_wait3A_645 = arith.constant 0 : i32
      %dma_wait3A_646 = tpu.memref_slice %arg23[%mul3A_2, %dma_wait3A_645] : memref<10112x128xf32, #tpu.memory_space<vmem_shared>> -> memref<632x128xf32, #tpu.memory_space<vmem_shared>>
      tpu.wait_dma2 semaphore(%run_scoped3A : memref<!tpu.dma_semaphore, #tpu.memory_space<semaphore_mem>>) src(%arg5 : memref<632x128xf32, #tpu.memory_space<hbm>>) dst(%dma_wait3A_646 : memref<632x128xf32, #tpu.memory_space<vmem_shared>>)
      tpu.yield
    }) : () -> ()
    %barrier3A = arith.constant 0 : index
    tpu.barrier barrier_id(%barrier3A)
    %mul3A_3 = arith.constant 128 : i32
    %mul3A_4 = arith.muli %add3A, %mul3A_3 : i32
    %add3A_5 = arith.constant 0 : i32
    %add3A_6 = arith.addi %mul3A_4, %add3A_5 : i32
    %dma_start3A = arith.constant 0 : i32
    %dma_start3A_7 = arith.constant 0 : i32
    %dma_start3A_8 = arith.constant 0 : i32
    %dma_start3A_9 = tpu.memref_slice %arg7[%dma_start3A, %dma_start3A_7, %dma_start3A_8] : memref<2x8x80xi32, #tpu.memory_space<vmem>> -> memref<1x8x80xi32, #tpu.memory_space<vmem>>
    %dma_start3A_10 = tpu.memref_squeeze %dma_start3A_9 : memref<1x8x80xi32, #tpu.memory_space<vmem>> -> memref<8x80xi32, #tpu.memory_space<vmem>>
    %dma_start3A_11 = arith.constant 0 : i32
    %dma_start3A_12 = tpu.memref_slice %arg3[%add3A_6, %dma_start3A_11] : memref<4096x80xi32, #tpu.memory_space<hbm>> -> memref<8x80xi32, #tpu.memory_space<hbm>>
    %dma_start3A_13 = arith.constant 0 : i32
    %dma_start3A_14 = arith.constant 0 : i32
    %dma_start3A_15 = tpu.memref_slice %arg7[%dma_start3A, %dma_start3A_13, %dma_start3A_14] : memref<2x8x80xi32, #tpu.memory_space<vmem>> -> memref<1x8x80xi32, #tpu.memory_space<vmem>>
    %dma_start3A_16 = tpu.memref_squeeze %dma_start3A_15 : memref<1x8x80xi32, #tpu.memory_space<vmem>> -> memref<8x80xi32, #tpu.memory_space<vmem>>
    %dma_start3A_17 = arith.constant 0 : i32
    %dma_start3A_18 = tpu.memref_slice %arg3[%add3A_6, %dma_start3A_17] : memref<4096x80xi32, #tpu.memory_space<hbm>> -> memref<8x80xi32, #tpu.memory_space<hbm>>
    tpu.enqueue_dma source(%dma_start3A_18 : memref<8x80xi32, #tpu.memory_space<hbm>>) target(%dma_start3A_16 : memref<8x80xi32, #tpu.memory_space<vmem>>) target_semaphore(%arg21 : memref<!tpu.dma_semaphore, #tpu.memory_space<semaphore_mem>>)
    %dma_start3A_19 = arith.constant 0 : i32
    %dma_start3A_20 = arith.constant 0 : i32
    %dma_start3A_21 = arith.constant 0 : i32
    %dma_start3A_22 = tpu.memref_slice %arg8[%dma_start3A_19, %dma_start3A_20, %dma_start3A_21] : memref<2x8x80xi32, #tpu.memory_space<vmem>> -> memref<1x8x80xi32, #tpu.memory_space<vmem>>
    %dma_start3A_23 = tpu.memref_squeeze %dma_start3A_22 : memref<1x8x80xi32, #tpu.memory_space<vmem>> -> memref<8x80xi32, #tpu.memory_space<vmem>>
    %dma_start3A_24 = arith.constant 0 : i32
    %dma_start3A_25 = tpu.memref_slice %arg4[%add3A_6, %dma_start3A_24] : memref<4096x80xi32, #tpu.memory_space<hbm>> -> memref<8x80xi32, #tpu.memory_space<hbm>>
    %dma_start3A_26 = arith.constant 0 : i32
    %dma_start3A_27 = arith.constant 0 : i32
    %dma_start3A_28 = tpu.memref_slice %arg8[%dma_start3A_19, %dma_start3A_26, %dma_start3A_27] : memref<2x8x80xi32, #tpu.memory_space<vmem>> -> memref<1x8x80xi32, #tpu.memory_space<vmem>>
    %dma_start3A_29 = tpu.memref_squeeze %dma_start3A_28 : memref<1x8x80xi32, #tpu.memory_space<vmem>> -> memref<8x80xi32, #tpu.memory_space<vmem>>
    %dma_start3A_30 = arith.constant 0 : i32
    %dma_start3A_31 = tpu.memref_slice %arg4[%add3A_6, %dma_start3A_30] : memref<4096x80xi32, #tpu.memory_space<hbm>> -> memref<8x80xi32, #tpu.memory_space<hbm>>
    tpu.enqueue_dma source(%dma_start3A_31 : memref<8x80xi32, #tpu.memory_space<hbm>>) target(%dma_start3A_29 : memref<8x80xi32, #tpu.memory_space<vmem>>) target_semaphore(%arg21 : memref<!tpu.dma_semaphore, #tpu.memory_space<semaphore_mem>>)
    %mul3A_32 = arith.constant 128 : i32
    %mul3A_33 = arith.muli %add3A, %mul3A_32 : i32
    %add3A_34 = arith.constant 8 : i32
    %add3A_35 = arith.addi %mul3A_33, %add3A_34 : i32
    %dma_start3A_36 = arith.constant 1 : i32
    %dma_start3A_37 = arith.constant 0 : i32
    %dma_start3A_38 = arith.constant 0 : i32
    %dma_start3A_39 = tpu.memref_slice %arg7[%dma_start3A_36, %dma_start3A_37, %dma_start3A_38] : memref<2x8x80xi32, #tpu.memory_space<vmem>> -> memref<1x8x80xi32, #tpu.memory_space<vmem>>
    %dma_start3A_40 = tpu.memref_squeeze %dma_start3A_39 : memref<1x8x80xi32, #tpu.memory_space<vmem>> -> memref<8x80xi32, #tpu.memory_space<vmem>>
    %dma_start3A_41 = arith.constant 0 : i32
    %dma_start3A_42 = tpu.memref_slice %arg3[%add3A_35, %dma_start3A_41] : memref<4096x80xi32, #tpu.memory_space<hbm>> -> memref<8x80xi32, #tpu.memory_space<hbm>>
    %dma_start3A_43 = arith.constant 0 : i32
    %dma_start3A_44 = arith.constant 0 : i32
    %dma_start3A_45 = tpu.memref_slice %arg7[%dma_start3A_36, %dma_start3A_43, %dma_start3A_44] : memref<2x8x80xi32, #tpu.memory_space<vmem>> -> memref<1x8x80xi32, #tpu.memory_space<vmem>>
    %dma_start3A_46 = tpu.memref_squeeze %dma_start3A_45 : memref<1x8x80xi32, #tpu.memory_space<vmem>> -> memref<8x80xi32, #tpu.memory_space<vmem>>
    %dma_start3A_47 = arith.constant 0 : i32
    %dma_start3A_48 = tpu.memref_slice %arg3[%add3A_35, %dma_start3A_47] : memref<4096x80xi32, #tpu.memory_space<hbm>> -> memref<8x80xi32, #tpu.memory_space<hbm>>
    tpu.enqueue_dma source(%dma_start3A_48 : memref<8x80xi32, #tpu.memory_space<hbm>>) target(%dma_start3A_46 : memref<8x80xi32, #tpu.memory_space<vmem>>) target_semaphore(%arg22 : memref<!tpu.dma_semaphore, #tpu.memory_space<semaphore_mem>>)
    %dma_start3A_49 = arith.constant 1 : i32
    %dma_start3A_50 = arith.constant 0 : i32
    %dma_start3A_51 = arith.constant 0 : i32
    %dma_start3A_52 = tpu.memref_slice %arg8[%dma_start3A_49, %dma_start3A_50, %dma_start3A_51] : memref<2x8x80xi32, #tpu.memory_space<vmem>> -> memref<1x8x80xi32, #tpu.memory_space<vmem>>
    %dma_start3A_53 = tpu.memref_squeeze %dma_start3A_52 : memref<1x8x80xi32, #tpu.memory_space<vmem>> -> memref<8x80xi32, #tpu.memory_space<vmem>>
    %dma_start3A_54 = arith.constant 0 : i32
    %dma_start3A_55 = tpu.memref_slice %arg4[%add3A_35, %dma_start3A_54] : memref<4096x80xi32, #tpu.memory_space<hbm>> -> memref<8x80xi32, #tpu.memory_space<hbm>>
    %dma_start3A_56 = arith.constant 0 : i32
    %dma_start3A_57 = arith.constant 0 : i32
    %dma_start3A_58 = tpu.memref_slice %arg8[%dma_start3A_49, %dma_start3A_56, %dma_start3A_57] : memref<2x8x80xi32, #tpu.memory_space<vmem>> -> memref<1x8x80xi32, #tpu.memory_space<vmem>>
    %dma_start3A_59 = tpu.memref_squeeze %dma_start3A_58 : memref<1x8x80xi32, #tpu.memory_space<vmem>> -> memref<8x80xi32, #tpu.memory_space<vmem>>
    %dma_start3A_60 = arith.constant 0 : i32
    %dma_start3A_61 = tpu.memref_slice %arg4[%add3A_35, %dma_start3A_60] : memref<4096x80xi32, #tpu.memory_space<hbm>> -> memref<8x80xi32, #tpu.memory_space<hbm>>
    tpu.enqueue_dma source(%dma_start3A_61 : memref<8x80xi32, #tpu.memory_space<hbm>>) target(%dma_start3A_59 : memref<8x80xi32, #tpu.memory_space<vmem>>) target_semaphore(%arg22 : memref<!tpu.dma_semaphore, #tpu.memory_space<semaphore_mem>>)
    %mul3A_62 = arith.constant 128 : i32
    %mul3A_63 = arith.muli %add3A, %mul3A_62 : i32
    %add3A_64 = arith.constant 0 : i32
    %add3A_65 = arith.addi %mul3A_63, %add3A_64 : i32
    %dma_wait3A = arith.constant 0 : i32
    %dma_wait3A_66 = arith.constant 0 : i32
    %dma_wait3A_67 = arith.constant 0 : i32
    %dma_wait3A_68 = tpu.memref_slice %arg7[%dma_wait3A, %dma_wait3A_66, %dma_wait3A_67] : memref<2x8x80xi32, #tpu.memory_space<vmem>> -> memref<1x8x80xi32, #tpu.memory_space<vmem>>
    %dma_wait3A_69 = tpu.memref_squeeze %dma_wait3A_68 : memref<1x8x80xi32, #tpu.memory_space<vmem>> -> memref<8x80xi32, #tpu.memory_space<vmem>>
    %dma_wait3A_70 = arith.constant 0 : i32
    %dma_wait3A_71 = tpu.memref_slice %arg3[%add3A_65, %dma_wait3A_70] : memref<4096x80xi32, #tpu.memory_space<hbm>> -> memref<8x80xi32, #tpu.memory_space<hbm>>
    %dma_wait3A_72 = arith.constant 0 : i32
    %dma_wait3A_73 = arith.constant 0 : i32
    %dma_wait3A_74 = tpu.memref_slice %arg7[%dma_wait3A, %dma_wait3A_72, %dma_wait3A_73] : memref<2x8x80xi32, #tpu.memory_space<vmem>> -> memref<1x8x80xi32, #tpu.memory_space<vmem>>
    %dma_wait3A_75 = tpu.memref_squeeze %dma_wait3A_74 : memref<1x8x80xi32, #tpu.memory_space<vmem>> -> memref<8x80xi32, #tpu.memory_space<vmem>>
    %dma_wait3A_76 = arith.constant 0 : i32
    %dma_wait3A_77 = tpu.memref_slice %arg3[%add3A_65, %dma_wait3A_76] : memref<4096x80xi32, #tpu.memory_space<hbm>> -> memref<8x80xi32, #tpu.memory_space<hbm>>
    tpu.wait_dma2 semaphore(%arg21 : memref<!tpu.dma_semaphore, #tpu.memory_space<semaphore_mem>>) src(%dma_wait3A_77 : memref<8x80xi32, #tpu.memory_space<hbm>>) dst(%dma_wait3A_75 : memref<8x80xi32, #tpu.memory_space<vmem>>)
    %dma_wait3A_78 = arith.constant 0 : i32
    %dma_wait3A_79 = arith.constant 0 : i32
    %dma_wait3A_80 = arith.constant 0 : i32
    %dma_wait3A_81 = tpu.memref_slice %arg8[%dma_wait3A_78, %dma_wait3A_79, %dma_wait3A_80] : memref<2x8x80xi32, #tpu.memory_space<vmem>> -> memref<1x8x80xi32, #tpu.memory_space<vmem>>
    %dma_wait3A_82 = tpu.memref_squeeze %dma_wait3A_81 : memref<1x8x80xi32, #tpu.memory_space<vmem>> -> memref<8x80xi32, #tpu.memory_space<vmem>>
    %dma_wait3A_83 = arith.constant 0 : i32
    %dma_wait3A_84 = tpu.memref_slice %arg4[%add3A_65, %dma_wait3A_83] : memref<4096x80xi32, #tpu.memory_space<hbm>> -> memref<8x80xi32, #tpu.memory_space<hbm>>
    %dma_wait3A_85 = arith.constant 0 : i32
    %dma_wait3A_86 = arith.constant 0 : i32
    %dma_wait3A_87 = tpu.memref_slice %arg8[%dma_wait3A_78, %dma_wait3A_85, %dma_wait3A_86] : memref<2x8x80xi32, #tpu.memory_space<vmem>> -> memref<1x8x80xi32, #tpu.memory_space<vmem>>
    %dma_wait3A_88 = tpu.memref_squeeze %dma_wait3A_87 : memref<1x8x80xi32, #tpu.memory_space<vmem>> -> memref<8x80xi32, #tpu.memory_space<vmem>>
    %dma_wait3A_89 = arith.constant 0 : i32
    %dma_wait3A_90 = tpu.memref_slice %arg4[%add3A_65, %dma_wait3A_89] : memref<4096x80xi32, #tpu.memory_space<hbm>> -> memref<8x80xi32, #tpu.memory_space<hbm>>
    tpu.wait_dma2 semaphore(%arg21 : memref<!tpu.dma_semaphore, #tpu.memory_space<semaphore_mem>>) src(%dma_wait3A_90 : memref<8x80xi32, #tpu.memory_space<hbm>>) dst(%dma_wait3A_88 : memref<8x80xi32, #tpu.memory_space<vmem>>)
    %dma_start3A_91 = arith.constant 0 : i32
    %dma_start3A_92 = arith.constant 0 : i32
    %dma_start3A_93 = arith.constant 0 : i32
    %dma_start3A_94 = tpu.memref_slice %arg7[%dma_start3A_91, %dma_start3A_92, %dma_start3A_93] : memref<2x8x80xi32, #tpu.memory_space<vmem>> -> memref<1x1x80xi32, #tpu.memory_space<vmem>>
    %dma_start3A_95 = tpu.memref_squeeze %dma_start3A_94 : memref<1x1x80xi32, #tpu.memory_space<vmem>> -> memref<80xi32, #tpu.memory_space<vmem>>
    %dma_start3A_96 = arith.constant 0 : i32
    %dma_start3A_97 = arith.constant 0 : i32
    %dma_start3A_98 = tpu.memref_slice %arg2[%dma_start3A_96, %dma_start3A_97] : memref<10000x128xf32, #tpu.memory_space<hbm>> -> memref<10000x128xf32, #tpu.memory_space<hbm>>
    tpu.enqueue_indirect_dma source(%dma_start3A_98 : memref<10000x128xf32, #tpu.memory_space<hbm>>) target(%arg9 : memref<80x128xf32, #tpu.memory_space<vmem>>) offsets(%dma_start3A_95 : memref<80xi32, #tpu.memory_space<vmem>>) semaphore(%arg13 : memref<!tpu.dma_semaphore, #tpu.memory_space<semaphore_mem>>)
    %dma_start3A_99 = arith.constant 0 : i32
    %dma_start3A_100 = arith.constant 1 : i32
    %dma_start3A_101 = arith.constant 0 : i32
    %dma_start3A_102 = tpu.memref_slice %arg7[%dma_start3A_99, %dma_start3A_100, %dma_start3A_101] : memref<2x8x80xi32, #tpu.memory_space<vmem>> -> memref<1x1x80xi32, #tpu.memory_space<vmem>>
    %dma_start3A_103 = tpu.memref_squeeze %dma_start3A_102 : memref<1x1x80xi32, #tpu.memory_space<vmem>> -> memref<80xi32, #tpu.memory_space<vmem>>
    %dma_start3A_104 = arith.constant 0 : i32
    %dma_start3A_105 = arith.constant 0 : i32
    %dma_start3A_106 = tpu.memref_slice %arg2[%dma_start3A_104, %dma_start3A_105] : memref<10000x128xf32, #tpu.memory_space<hbm>> -> memref<10000x128xf32, #tpu.memory_space<hbm>>
    tpu.enqueue_indirect_dma source(%dma_start3A_106 : memref<10000x128xf32, #tpu.memory_space<hbm>>) target(%arg10 : memref<80x128xf32, #tpu.memory_space<vmem>>) offsets(%dma_start3A_103 : memref<80xi32, #tpu.memory_space<vmem>>) semaphore(%arg14 : memref<!tpu.dma_semaphore, #tpu.memory_space<semaphore_mem>>)
    %dma_start3A_107 = arith.constant 0 : i32
    %dma_start3A_108 = arith.constant 2 : i32
    %dma_start3A_109 = arith.constant 0 : i32
    %dma_start3A_110 = tpu.memref_slice %arg7[%dma_start3A_107, %dma_start3A_108, %dma_start3A_109] : memref<2x8x80xi32, #tpu.memory_space<vmem>> -> memref<1x1x80xi32, #tpu.memory_space<vmem>>
    %dma_start3A_111 = tpu.memref_squeeze %dma_start3A_110 : memref<1x1x80xi32, #tpu.memory_space<vmem>> -> memref<80xi32, #tpu.memory_space<vmem>>
    %dma_start3A_112 = arith.constant 0 : i32
    %dma_start3A_113 = arith.constant 0 : i32
    %dma_start3A_114 = tpu.memref_slice %arg2[%dma_start3A_112, %dma_start3A_113] : memref<10000x128xf32, #tpu.memory_space<hbm>> -> memref<10000x128xf32, #tpu.memory_space<hbm>>
    tpu.enqueue_indirect_dma source(%dma_start3A_114 : memref<10000x128xf32, #tpu.memory_space<hbm>>) target(%arg11 : memref<80x128xf32, #tpu.memory_space<vmem>>) offsets(%dma_start3A_111 : memref<80xi32, #tpu.memory_space<vmem>>) semaphore(%arg15 : memref<!tpu.dma_semaphore, #tpu.memory_space<semaphore_mem>>)
    %dma_start3A_115 = arith.constant 0 : i32
    %dma_start3A_116 = arith.constant 3 : i32
    %dma_start3A_117 = arith.constant 0 : i32
    %dma_start3A_118 = tpu.memref_slice %arg7[%dma_start3A_115, %dma_start3A_116, %dma_start3A_117] : memref<2x8x80xi32, #tpu.memory_space<vmem>> -> memref<1x1x80xi32, #tpu.memory_space<vmem>>
    %dma_start3A_119 = tpu.memref_squeeze %dma_start3A_118 : memref<1x1x80xi32, #tpu.memory_space<vmem>> -> memref<80xi32, #tpu.memory_space<vmem>>
    %dma_start3A_120 = arith.constant 0 : i32
    %dma_start3A_121 = arith.constant 0 : i32
    %dma_start3A_122 = tpu.memref_slice %arg2[%dma_start3A_120, %dma_start3A_121] : memref<10000x128xf32, #tpu.memory_space<hbm>> -> memref<10000x128xf32, #tpu.memory_space<hbm>>
    tpu.enqueue_indirect_dma source(%dma_start3A_122 : memref<10000x128xf32, #tpu.memory_space<hbm>>) target(%arg12 : memref<80x128xf32, #tpu.memory_space<vmem>>) offsets(%dma_start3A_119 : memref<80xi32, #tpu.memory_space<vmem>>) semaphore(%arg16 : memref<!tpu.dma_semaphore, #tpu.memory_space<semaphore_mem>>)
    %scan3A = arith.constant 0 : i32
    %scan3A_123 = arith.constant 0 : i32
    %scan3A_124 = arith.constant 7 : i32
    %scan3A_125 = arith.addi %scan3A_123, %scan3A_124 : i32
    %scan3A_126 = arith.constant 1 : i32
    scf.for %scan3A_643 = %scan3A_123 to %scan3A_125 step %scan3A_126  : i32 {
      %mul3A_644 = arith.constant 2 : i32
      %mul3A_645 = arith.muli %mul3A_644, %scan3A_643 : i32
      %dma_wait3A_646 = arith.constant 0 : i32
      %dma_wait3A_647 = arith.constant 0 : i32
      %dma_wait3A_648 = arith.constant 0 : i32
      %dma_wait3A_649 = tpu.memref_slice %arg7[%dma_wait3A_646, %dma_wait3A_647, %dma_wait3A_648] : memref<2x8x80xi32, #tpu.memory_space<vmem>> -> memref<1x1x80xi32, #tpu.memory_space<vmem>>
      %dma_wait3A_650 = tpu.memref_squeeze %dma_wait3A_649 : memref<1x1x80xi32, #tpu.memory_space<vmem>> -> memref<80xi32, #tpu.memory_space<vmem>>
      %dma_wait3A_651 = arith.constant 0 : i32
      %dma_wait3A_652 = arith.constant 0 : i32
      %dma_wait3A_653 = tpu.memref_slice %arg2[%dma_wait3A_651, %dma_wait3A_652] : memref<10000x128xf32, #tpu.memory_space<hbm>> -> memref<10000x128xf32, #tpu.memory_space<hbm>>
      tpu.wait_indirect_dma semaphore(%arg13 : memref<!tpu.dma_semaphore, #tpu.memory_space<semaphore_mem>>) src(%dma_wait3A_653 : memref<10000x128xf32, #tpu.memory_space<hbm>>) dst(%arg9 : memref<80x128xf32, #tpu.memory_space<vmem>>)
      %dma_start3A_654 = arith.constant 0 : i32
      %dma_start3A_655 = arith.constant 0 : i32
      %dma_start3A_656 = arith.constant 0 : i32
      %dma_start3A_657 = tpu.memref_slice %arg8[%dma_start3A_654, %dma_start3A_655, %dma_start3A_656] : memref<2x8x80xi32, #tpu.memory_space<vmem>> -> memref<1x1x80xi32, #tpu.memory_space<vmem>>
      %dma_start3A_658 = tpu.memref_squeeze %dma_start3A_657 : memref<1x1x80xi32, #tpu.memory_space<vmem>> -> memref<80xi32, #tpu.memory_space<vmem>>
      %dma_start3A_659 = arith.constant 0 : i32
      %dma_start3A_660 = arith.constant 0 : i32
      %dma_start3A_661 = tpu.memref_slice %arg23[%dma_start3A_659, %dma_start3A_660] : memref<10112x128xf32, #tpu.memory_space<vmem_shared>> -> memref<10112x128xf32, #tpu.memory_space<vmem_shared>>
      tpu.enqueue_indirect_dma source(%arg9 : memref<80x128xf32, #tpu.memory_space<vmem>>) target(%dma_start3A_661 : memref<10112x128xf32, #tpu.memory_space<vmem_shared>>) offsets(%dma_start3A_658 : memref<80xi32, #tpu.memory_space<vmem>>) semaphore(%arg17 : memref<!tpu.dma_semaphore, #tpu.memory_space<semaphore_mem>>) {add = true}
      %dma_wait3A_662 = arith.constant 0 : i32
      %dma_wait3A_663 = arith.constant 1 : i32
      %dma_wait3A_664 = arith.constant 0 : i32
      %dma_wait3A_665 = tpu.memref_slice %arg7[%dma_wait3A_662, %dma_wait3A_663, %dma_wait3A_664] : memref<2x8x80xi32, #tpu.memory_space<vmem>> -> memref<1x1x80xi32, #tpu.memory_space<vmem>>
      %dma_wait3A_666 = tpu.memref_squeeze %dma_wait3A_665 : memref<1x1x80xi32, #tpu.memory_space<vmem>> -> memref<80xi32, #tpu.memory_space<vmem>>
      %dma_wait3A_667 = arith.constant 0 : i32
      %dma_wait3A_668 = arith.constant 0 : i32
      %dma_wait3A_669 = tpu.memref_slice %arg2[%dma_wait3A_667, %dma_wait3A_668] : memref<10000x128xf32, #tpu.memory_space<hbm>> -> memref<10000x128xf32, #tpu.memory_space<hbm>>
      tpu.wait_indirect_dma semaphore(%arg14 : memref<!tpu.dma_semaphore, #tpu.memory_space<semaphore_mem>>) src(%dma_wait3A_669 : memref<10000x128xf32, #tpu.memory_space<hbm>>) dst(%arg10 : memref<80x128xf32, #tpu.memory_space<vmem>>)
      %dma_start3A_670 = arith.constant 0 : i32
      %dma_start3A_671 = arith.constant 1 : i32
      %dma_start3A_672 = arith.constant 0 : i32
      %dma_start3A_673 = tpu.memref_slice %arg8[%dma_start3A_670, %dma_start3A_671, %dma_start3A_672] : memref<2x8x80xi32, #tpu.memory_space<vmem>> -> memref<1x1x80xi32, #tpu.memory_space<vmem>>
      %dma_start3A_674 = tpu.memref_squeeze %dma_start3A_673 : memref<1x1x80xi32, #tpu.memory_space<vmem>> -> memref<80xi32, #tpu.memory_space<vmem>>
      %dma_start3A_675 = arith.constant 0 : i32
      %dma_start3A_676 = arith.constant 0 : i32
      %dma_start3A_677 = tpu.memref_slice %arg23[%dma_start3A_675, %dma_start3A_676] : memref<10112x128xf32, #tpu.memory_space<vmem_shared>> -> memref<10112x128xf32, #tpu.memory_space<vmem_shared>>
      tpu.enqueue_indirect_dma source(%arg10 : memref<80x128xf32, #tpu.memory_space<vmem>>) target(%dma_start3A_677 : memref<10112x128xf32, #tpu.memory_space<vmem_shared>>) offsets(%dma_start3A_674 : memref<80xi32, #tpu.memory_space<vmem>>) semaphore(%arg18 : memref<!tpu.dma_semaphore, #tpu.memory_space<semaphore_mem>>) {add = true}
      %dma_wait3A_678 = arith.constant 0 : i32
      %dma_wait3A_679 = arith.constant 2 : i32
      %dma_wait3A_680 = arith.constant 0 : i32
      %dma_wait3A_681 = tpu.memref_slice %arg7[%dma_wait3A_678, %dma_wait3A_679, %dma_wait3A_680] : memref<2x8x80xi32, #tpu.memory_space<vmem>> -> memref<1x1x80xi32, #tpu.memory_space<vmem>>
      %dma_wait3A_682 = tpu.memref_squeeze %dma_wait3A_681 : memref<1x1x80xi32, #tpu.memory_space<vmem>> -> memref<80xi32, #tpu.memory_space<vmem>>
      %dma_wait3A_683 = arith.constant 0 : i32
      %dma_wait3A_684 = arith.constant 0 : i32
      %dma_wait3A_685 = tpu.memref_slice %arg2[%dma_wait3A_683, %dma_wait3A_684] : memref<10000x128xf32, #tpu.memory_space<hbm>> -> memref<10000x128xf32, #tpu.memory_space<hbm>>
      tpu.wait_indirect_dma semaphore(%arg15 : memref<!tpu.dma_semaphore, #tpu.memory_space<semaphore_mem>>) src(%dma_wait3A_685 : memref<10000x128xf32, #tpu.memory_space<hbm>>) dst(%arg11 : memref<80x128xf32, #tpu.memory_space<vmem>>)
      %dma_start3A_686 = arith.constant 0 : i32
      %dma_start3A_687 = arith.constant 2 : i32
      %dma_start3A_688 = arith.constant 0 : i32
      %dma_start3A_689 = tpu.memref_slice %arg8[%dma_start3A_686, %dma_start3A_687, %dma_start3A_688] : memref<2x8x80xi32, #tpu.memory_space<vmem>> -> memref<1x1x80xi32, #tpu.memory_space<vmem>>
      %dma_start3A_690 = tpu.memref_squeeze %dma_start3A_689 : memref<1x1x80xi32, #tpu.memory_space<vmem>> -> memref<80xi32, #tpu.memory_space<vmem>>
      %dma_start3A_691 = arith.constant 0 : i32
      %dma_start3A_692 = arith.constant 0 : i32
      %dma_start3A_693 = tpu.memref_slice %arg23[%dma_start3A_691, %dma_start3A_692] : memref<10112x128xf32, #tpu.memory_space<vmem_shared>> -> memref<10112x128xf32, #tpu.memory_space<vmem_shared>>
      tpu.enqueue_indirect_dma source(%arg11 : memref<80x128xf32, #tpu.memory_space<vmem>>) target(%dma_start3A_693 : memref<10112x128xf32, #tpu.memory_space<vmem_shared>>) offsets(%dma_start3A_690 : memref<80xi32, #tpu.memory_space<vmem>>) semaphore(%arg19 : memref<!tpu.dma_semaphore, #tpu.memory_space<semaphore_mem>>) {add = true}
      %dma_wait3A_694 = arith.constant 0 : i32
      %dma_wait3A_695 = arith.constant 3 : i32
      %dma_wait3A_696 = arith.constant 0 : i32
      %dma_wait3A_697 = tpu.memref_slice %arg7[%dma_wait3A_694, %dma_wait3A_695, %dma_wait3A_696] : memref<2x8x80xi32, #tpu.memory_space<vmem>> -> memref<1x1x80xi32, #tpu.memory_space<vmem>>
      %dma_wait3A_698 = tpu.memref_squeeze %dma_wait3A_697 : memref<1x1x80xi32, #tpu.memory_space<vmem>> -> memref<80xi32, #tpu.memory_space<vmem>>
      %dma_wait3A_699 = arith.constant 0 : i32
      %dma_wait3A_700 = arith.constant 0 : i32
      %dma_wait3A_701 = tpu.memref_slice %arg2[%dma_wait3A_699, %dma_wait3A_700] : memref<10000x128xf32, #tpu.memory_space<hbm>> -> memref<10000x128xf32, #tpu.memory_space<hbm>>
      tpu.wait_indirect_dma semaphore(%arg16 : memref<!tpu.dma_semaphore, #tpu.memory_space<semaphore_mem>>) src(%dma_wait3A_701 : memref<10000x128xf32, #tpu.memory_space<hbm>>) dst(%arg12 : memref<80x128xf32, #tpu.memory_space<vmem>>)
      %dma_start3A_702 = arith.constant 0 : i32
      %dma_start3A_703 = arith.constant 3 : i32
      %dma_start3A_704 = arith.constant 0 : i32
      %dma_start3A_705 = tpu.memref_slice %arg8[%dma_start3A_702, %dma_start3A_703, %dma_start3A_704] : memref<2x8x80xi32, #tpu.memory_space<vmem>> -> memref<1x1x80xi32, #tpu.memory_space<vmem>>
      %dma_start3A_706 = tpu.memref_squeeze %dma_start3A_705 : memref<1x1x80xi32, #tpu.memory_space<vmem>> -> memref<80xi32, #tpu.memory_space<vmem>>
      %dma_start3A_707 = arith.constant 0 : i32
      %dma_start3A_708 = arith.constant 0 : i32
      %dma_start3A_709 = tpu.memref_slice %arg23[%dma_start3A_707, %dma_start3A_708] : memref<10112x128xf32, #tpu.memory_space<vmem_shared>> -> memref<10112x128xf32, #tpu.memory_space<vmem_shared>>
      tpu.enqueue_indirect_dma source(%arg12 : memref<80x128xf32, #tpu.memory_space<vmem>>) target(%dma_start3A_709 : memref<10112x128xf32, #tpu.memory_space<vmem_shared>>) offsets(%dma_start3A_706 : memref<80xi32, #tpu.memory_space<vmem>>) semaphore(%arg20 : memref<!tpu.dma_semaphore, #tpu.memory_space<semaphore_mem>>) {add = true}
      %dma_wait3A_710 = arith.constant 0 : i32
      %dma_wait3A_711 = arith.constant 0 : i32
      %dma_wait3A_712 = arith.constant 0 : i32
      %dma_wait3A_713 = tpu.memref_slice %arg8[%dma_wait3A_710, %dma_wait3A_711, %dma_wait3A_712] : memref<2x8x80xi32, #tpu.memory_space<vmem>> -> memref<1x1x80xi32, #tpu.memory_space<vmem>>
      %dma_wait3A_714 = tpu.memref_squeeze %dma_wait3A_713 : memref<1x1x80xi32, #tpu.memory_space<vmem>> -> memref<80xi32, #tpu.memory_space<vmem>>
      %dma_wait3A_715 = arith.constant 0 : i32
      %dma_wait3A_716 = arith.constant 0 : i32
      %dma_wait3A_717 = tpu.memref_slice %arg23[%dma_wait3A_715, %dma_wait3A_716] : memref<10112x128xf32, #tpu.memory_space<vmem_shared>> -> memref<10112x128xf32, #tpu.memory_space<vmem_shared>>
      tpu.wait_indirect_dma semaphore(%arg17 : memref<!tpu.dma_semaphore, #tpu.memory_space<semaphore_mem>>) src(%arg9 : memref<80x128xf32, #tpu.memory_space<vmem>>) dst(%dma_wait3A_717 : memref<10112x128xf32, #tpu.memory_space<vmem_shared>>)
      %dma_start3A_718 = arith.constant 0 : i32
      %dma_start3A_719 = arith.constant 4 : i32
      %dma_start3A_720 = arith.constant 0 : i32
      %dma_start3A_721 = tpu.memref_slice %arg7[%dma_start3A_718, %dma_start3A_719, %dma_start3A_720] : memref<2x8x80xi32, #tpu.memory_space<vmem>> -> memref<1x1x80xi32, #tpu.memory_space<vmem>>
      %dma_start3A_722 = tpu.memref_squeeze %dma_start3A_721 : memref<1x1x80xi32, #tpu.memory_space<vmem>> -> memref<80xi32, #tpu.memory_space<vmem>>
      %dma_start3A_723 = arith.constant 0 : i32
      %dma_start3A_724 = arith.constant 0 : i32
      %dma_start3A_725 = tpu.memref_slice %arg2[%dma_start3A_723, %dma_start3A_724] : memref<10000x128xf32, #tpu.memory_space<hbm>> -> memref<10000x128xf32, #tpu.memory_space<hbm>>
      tpu.enqueue_indirect_dma source(%dma_start3A_725 : memref<10000x128xf32, #tpu.memory_space<hbm>>) target(%arg9 : memref<80x128xf32, #tpu.memory_space<vmem>>) offsets(%dma_start3A_722 : memref<80xi32, #tpu.memory_space<vmem>>) semaphore(%arg13 : memref<!tpu.dma_semaphore, #tpu.memory_space<semaphore_mem>>)
      %dma_wait3A_726 = arith.constant 0 : i32
      %dma_wait3A_727 = arith.constant 1 : i32
      %dma_wait3A_728 = arith.constant 0 : i32
      %dma_wait3A_729 = tpu.memref_slice %arg8[%dma_wait3A_726, %dma_wait3A_727, %dma_wait3A_728] : memref<2x8x80xi32, #tpu.memory_space<vmem>> -> memref<1x1x80xi32, #tpu.memory_space<vmem>>
      %dma_wait3A_730 = tpu.memref_squeeze %dma_wait3A_729 : memref<1x1x80xi32, #tpu.memory_space<vmem>> -> memref<80xi32, #tpu.memory_space<vmem>>
      %dma_wait3A_731 = arith.constant 0 : i32
      %dma_wait3A_732 = arith.constant 0 : i32
      %dma_wait3A_733 = tpu.memref_slice %arg23[%dma_wait3A_731, %dma_wait3A_732] : memref<10112x128xf32, #tpu.memory_space<vmem_shared>> -> memref<10112x128xf32, #tpu.memory_space<vmem_shared>>
      tpu.wait_indirect_dma semaphore(%arg18 : memref<!tpu.dma_semaphore, #tpu.memory_space<semaphore_mem>>) src(%arg10 : memref<80x128xf32, #tpu.memory_space<vmem>>) dst(%dma_wait3A_733 : memref<10112x128xf32, #tpu.memory_space<vmem_shared>>)
      %dma_start3A_734 = arith.constant 0 : i32
      %dma_start3A_735 = arith.constant 5 : i32
      %dma_start3A_736 = arith.constant 0 : i32
      %dma_start3A_737 = tpu.memref_slice %arg7[%dma_start3A_734, %dma_start3A_735, %dma_start3A_736] : memref<2x8x80xi32, #tpu.memory_space<vmem>> -> memref<1x1x80xi32, #tpu.memory_space<vmem>>
      %dma_start3A_738 = tpu.memref_squeeze %dma_start3A_737 : memref<1x1x80xi32, #tpu.memory_space<vmem>> -> memref<80xi32, #tpu.memory_space<vmem>>
      %dma_start3A_739 = arith.constant 0 : i32
      %dma_start3A_740 = arith.constant 0 : i32
      %dma_start3A_741 = tpu.memref_slice %arg2[%dma_start3A_739, %dma_start3A_740] : memref<10000x128xf32, #tpu.memory_space<hbm>> -> memref<10000x128xf32, #tpu.memory_space<hbm>>
      tpu.enqueue_indirect_dma source(%dma_start3A_741 : memref<10000x128xf32, #tpu.memory_space<hbm>>) target(%arg10 : memref<80x128xf32, #tpu.memory_space<vmem>>) offsets(%dma_start3A_738 : memref<80xi32, #tpu.memory_space<vmem>>) semaphore(%arg14 : memref<!tpu.dma_semaphore, #tpu.memory_space<semaphore_mem>>)
      %dma_wait3A_742 = arith.constant 0 : i32
      %dma_wait3A_743 = arith.constant 2 : i32
      %dma_wait3A_744 = arith.constant 0 : i32
      %dma_wait3A_745 = tpu.memref_slice %arg8[%dma_wait3A_742, %dma_wait3A_743, %dma_wait3A_744] : memref<2x8x80xi32, #tpu.memory_space<vmem>> -> memref<1x1x80xi32, #tpu.memory_space<vmem>>
      %dma_wait3A_746 = tpu.memref_squeeze %dma_wait3A_745 : memref<1x1x80xi32, #tpu.memory_space<vmem>> -> memref<80xi32, #tpu.memory_space<vmem>>
      %dma_wait3A_747 = arith.constant 0 : i32
      %dma_wait3A_748 = arith.constant 0 : i32
      %dma_wait3A_749 = tpu.memref_slice %arg23[%dma_wait3A_747, %dma_wait3A_748] : memref<10112x128xf32, #tpu.memory_space<vmem_shared>> -> memref<10112x128xf32, #tpu.memory_space<vmem_shared>>
      tpu.wait_indirect_dma semaphore(%arg19 : memref<!tpu.dma_semaphore, #tpu.memory_space<semaphore_mem>>) src(%arg11 : memref<80x128xf32, #tpu.memory_space<vmem>>) dst(%dma_wait3A_749 : memref<10112x128xf32, #tpu.memory_space<vmem_shared>>)
      %dma_start3A_750 = arith.constant 0 : i32
      %dma_start3A_751 = arith.constant 6 : i32
      %dma_start3A_752 = arith.constant 0 : i32
      %dma_start3A_753 = tpu.memref_slice %arg7[%dma_start3A_750, %dma_start3A_751, %dma_start3A_752] : memref<2x8x80xi32, #tpu.memory_space<vmem>> -> memref<1x1x80xi32, #tpu.memory_space<vmem>>
      %dma_start3A_754 = tpu.memref_squeeze %dma_start3A_753 : memref<1x1x80xi32, #tpu.memory_space<vmem>> -> memref<80xi32, #tpu.memory_space<vmem>>
      %dma_start3A_755 = arith.constant 0 : i32
      %dma_start3A_756 = arith.constant 0 : i32
      %dma_start3A_757 = tpu.memref_slice %arg2[%dma_start3A_755, %dma_start3A_756] : memref<10000x128xf32, #tpu.memory_space<hbm>> -> memref<10000x128xf32, #tpu.memory_space<hbm>>
      tpu.enqueue_indirect_dma source(%dma_start3A_757 : memref<10000x128xf32, #tpu.memory_space<hbm>>) target(%arg11 : memref<80x128xf32, #tpu.memory_space<vmem>>) offsets(%dma_start3A_754 : memref<80xi32, #tpu.memory_space<vmem>>) semaphore(%arg15 : memref<!tpu.dma_semaphore, #tpu.memory_space<semaphore_mem>>)
      %dma_wait3A_758 = arith.constant 0 : i32
      %dma_wait3A_759 = arith.constant 3 : i32
      %dma_wait3A_760 = arith.constant 0 : i32
      %dma_wait3A_761 = tpu.memref_slice %arg8[%dma_wait3A_758, %dma_wait3A_759, %dma_wait3A_760] : memref<2x8x80xi32, #tpu.memory_space<vmem>> -> memref<1x1x80xi32, #tpu.memory_space<vmem>>
      %dma_wait3A_762 = tpu.memref_squeeze %dma_wait3A_761 : memref<1x1x80xi32, #tpu.memory_space<vmem>> -> memref<80xi32, #tpu.memory_space<vmem>>
      %dma_wait3A_763 = arith.constant 0 : i32
      %dma_wait3A_764 = arith.constant 0 : i32
      %dma_wait3A_765 = tpu.memref_slice %arg23[%dma_wait3A_763, %dma_wait3A_764] : memref<10112x128xf32, #tpu.memory_space<vmem_shared>> -> memref<10112x128xf32, #tpu.memory_space<vmem_shared>>
      tpu.wait_indirect_dma semaphore(%arg20 : memref<!tpu.dma_semaphore, #tpu.memory_space<semaphore_mem>>) src(%arg12 : memref<80x128xf32, #tpu.memory_space<vmem>>) dst(%dma_wait3A_765 : memref<10112x128xf32, #tpu.memory_space<vmem_shared>>)
      %dma_start3A_766 = arith.constant 0 : i32
      %dma_start3A_767 = arith.constant 7 : i32
      %dma_start3A_768 = arith.constant 0 : i32
      %dma_start3A_769 = tpu.memref_slice %arg7[%dma_start3A_766, %dma_start3A_767, %dma_start3A_768] : memref<2x8x80xi32, #tpu.memory_space<vmem>> -> memref<1x1x80xi32, #tpu.memory_space<vmem>>
      %dma_start3A_770 = tpu.memref_squeeze %dma_start3A_769 : memref<1x1x80xi32, #tpu.memory_space<vmem>> -> memref<80xi32, #tpu.memory_space<vmem>>
      %dma_start3A_771 = arith.constant 0 : i32
      %dma_start3A_772 = arith.constant 0 : i32
      %dma_start3A_773 = tpu.memref_slice %arg2[%dma_start3A_771, %dma_start3A_772] : memref<10000x128xf32, #tpu.memory_space<hbm>> -> memref<10000x128xf32, #tpu.memory_space<hbm>>
      tpu.enqueue_indirect_dma source(%dma_start3A_773 : memref<10000x128xf32, #tpu.memory_space<hbm>>) target(%arg12 : memref<80x128xf32, #tpu.memory_space<vmem>>) offsets(%dma_start3A_770 : memref<80xi32, #tpu.memory_space<vmem>>) semaphore(%arg16 : memref<!tpu.dma_semaphore, #tpu.memory_space<semaphore_mem>>)
      %dma_wait3A_774 = arith.constant 0 : i32
      %dma_wait3A_775 = arith.constant 4 : i32
      %dma_wait3A_776 = arith.constant 0 : i32
      %dma_wait3A_777 = tpu.memref_slice %arg7[%dma_wait3A_774, %dma_wait3A_775, %dma_wait3A_776] : memref<2x8x80xi32, #tpu.memory_space<vmem>> -> memref<1x1x80xi32, #tpu.memory_space<vmem>>
      %dma_wait3A_778 = tpu.memref_squeeze %dma_wait3A_777 : memref<1x1x80xi32, #tpu.memory_space<vmem>> -> memref<80xi32, #tpu.memory_space<vmem>>
      %dma_wait3A_779 = arith.constant 0 : i32
      %dma_wait3A_780 = arith.constant 0 : i32
      %dma_wait3A_781 = tpu.memref_slice %arg2[%dma_wait3A_779, %dma_wait3A_780] : memref<10000x128xf32, #tpu.memory_space<hbm>> -> memref<10000x128xf32, #tpu.memory_space<hbm>>
      tpu.wait_indirect_dma semaphore(%arg13 : memref<!tpu.dma_semaphore, #tpu.memory_space<semaphore_mem>>) src(%dma_wait3A_781 : memref<10000x128xf32, #tpu.memory_space<hbm>>) dst(%arg9 : memref<80x128xf32, #tpu.memory_space<vmem>>)
      %dma_start3A_782 = arith.constant 0 : i32
      %dma_start3A_783 = arith.constant 4 : i32
      %dma_start3A_784 = arith.constant 0 : i32
      %dma_start3A_785 = tpu.memref_slice %arg8[%dma_start3A_782, %dma_start3A_783, %dma_start3A_784] : memref<2x8x80xi32, #tpu.memory_space<vmem>> -> memref<1x1x80xi32, #tpu.memory_space<vmem>>
      %dma_start3A_786 = tpu.memref_squeeze %dma_start3A_785 : memref<1x1x80xi32, #tpu.memory_space<vmem>> -> memref<80xi32, #tpu.memory_space<vmem>>
      %dma_start3A_787 = arith.constant 0 : i32
      %dma_start3A_788 = arith.constant 0 : i32
      %dma_start3A_789 = tpu.memref_slice %arg23[%dma_start3A_787, %dma_start3A_788] : memref<10112x128xf32, #tpu.memory_space<vmem_shared>> -> memref<10112x128xf32, #tpu.memory_space<vmem_shared>>
      tpu.enqueue_indirect_dma source(%arg9 : memref<80x128xf32, #tpu.memory_space<vmem>>) target(%dma_start3A_789 : memref<10112x128xf32, #tpu.memory_space<vmem_shared>>) offsets(%dma_start3A_786 : memref<80xi32, #tpu.memory_space<vmem>>) semaphore(%arg17 : memref<!tpu.dma_semaphore, #tpu.memory_space<semaphore_mem>>) {add = true}
      %dma_wait3A_790 = arith.constant 0 : i32
      %dma_wait3A_791 = arith.constant 5 : i32
      %dma_wait3A_792 = arith.constant 0 : i32
      %dma_wait3A_793 = tpu.memref_slice %arg7[%dma_wait3A_790, %dma_wait3A_791, %dma_wait3A_792] : memref<2x8x80xi32, #tpu.memory_space<vmem>> -> memref<1x1x80xi32, #tpu.memory_space<vmem>>
      %dma_wait3A_794 = tpu.memref_squeeze %dma_wait3A_793 : memref<1x1x80xi32, #tpu.memory_space<vmem>> -> memref<80xi32, #tpu.memory_space<vmem>>
      %dma_wait3A_795 = arith.constant 0 : i32
      %dma_wait3A_796 = arith.constant 0 : i32
      %dma_wait3A_797 = tpu.memref_slice %arg2[%dma_wait3A_795, %dma_wait3A_796] : memref<10000x128xf32, #tpu.memory_space<hbm>> -> memref<10000x128xf32, #tpu.memory_space<hbm>>
      tpu.wait_indirect_dma semaphore(%arg14 : memref<!tpu.dma_semaphore, #tpu.memory_space<semaphore_mem>>) src(%dma_wait3A_797 : memref<10000x128xf32, #tpu.memory_space<hbm>>) dst(%arg10 : memref<80x128xf32, #tpu.memory_space<vmem>>)
      %dma_start3A_798 = arith.constant 0 : i32
      %dma_start3A_799 = arith.constant 5 : i32
      %dma_start3A_800 = arith.constant 0 : i32
      %dma_start3A_801 = tpu.memref_slice %arg8[%dma_start3A_798, %dma_start3A_799, %dma_start3A_800] : memref<2x8x80xi32, #tpu.memory_space<vmem>> -> memref<1x1x80xi32, #tpu.memory_space<vmem>>
      %dma_start3A_802 = tpu.memref_squeeze %dma_start3A_801 : memref<1x1x80xi32, #tpu.memory_space<vmem>> -> memref<80xi32, #tpu.memory_space<vmem>>
      %dma_start3A_803 = arith.constant 0 : i32
      %dma_start3A_804 = arith.constant 0 : i32
      %dma_start3A_805 = tpu.memref_slice %arg23[%dma_start3A_803, %dma_start3A_804] : memref<10112x128xf32, #tpu.memory_space<vmem_shared>> -> memref<10112x128xf32, #tpu.memory_space<vmem_shared>>
      tpu.enqueue_indirect_dma source(%arg10 : memref<80x128xf32, #tpu.memory_space<vmem>>) target(%dma_start3A_805 : memref<10112x128xf32, #tpu.memory_space<vmem_shared>>) offsets(%dma_start3A_802 : memref<80xi32, #tpu.memory_space<vmem>>) semaphore(%arg18 : memref<!tpu.dma_semaphore, #tpu.memory_space<semaphore_mem>>) {add = true}
      %dma_wait3A_806 = arith.constant 0 : i32
      %dma_wait3A_807 = arith.constant 6 : i32
      %dma_wait3A_808 = arith.constant 0 : i32
      %dma_wait3A_809 = tpu.memref_slice %arg7[%dma_wait3A_806, %dma_wait3A_807, %dma_wait3A_808] : memref<2x8x80xi32, #tpu.memory_space<vmem>> -> memref<1x1x80xi32, #tpu.memory_space<vmem>>
      %dma_wait3A_810 = tpu.memref_squeeze %dma_wait3A_809 : memref<1x1x80xi32, #tpu.memory_space<vmem>> -> memref<80xi32, #tpu.memory_space<vmem>>
      %dma_wait3A_811 = arith.constant 0 : i32
      %dma_wait3A_812 = arith.constant 0 : i32
      %dma_wait3A_813 = tpu.memref_slice %arg2[%dma_wait3A_811, %dma_wait3A_812] : memref<10000x128xf32, #tpu.memory_space<hbm>> -> memref<10000x128xf32, #tpu.memory_space<hbm>>
      tpu.wait_indirect_dma semaphore(%arg15 : memref<!tpu.dma_semaphore, #tpu.memory_space<semaphore_mem>>) src(%dma_wait3A_813 : memref<10000x128xf32, #tpu.memory_space<hbm>>) dst(%arg11 : memref<80x128xf32, #tpu.memory_space<vmem>>)
      %dma_start3A_814 = arith.constant 0 : i32
      %dma_start3A_815 = arith.constant 6 : i32
      %dma_start3A_816 = arith.constant 0 : i32
      %dma_start3A_817 = tpu.memref_slice %arg8[%dma_start3A_814, %dma_start3A_815, %dma_start3A_816] : memref<2x8x80xi32, #tpu.memory_space<vmem>> -> memref<1x1x80xi32, #tpu.memory_space<vmem>>
      %dma_start3A_818 = tpu.memref_squeeze %dma_start3A_817 : memref<1x1x80xi32, #tpu.memory_space<vmem>> -> memref<80xi32, #tpu.memory_space<vmem>>
      %dma_start3A_819 = arith.constant 0 : i32
      %dma_start3A_820 = arith.constant 0 : i32
      %dma_start3A_821 = tpu.memref_slice %arg23[%dma_start3A_819, %dma_start3A_820] : memref<10112x128xf32, #tpu.memory_space<vmem_shared>> -> memref<10112x128xf32, #tpu.memory_space<vmem_shared>>
      tpu.enqueue_indirect_dma source(%arg11 : memref<80x128xf32, #tpu.memory_space<vmem>>) target(%dma_start3A_821 : memref<10112x128xf32, #tpu.memory_space<vmem_shared>>) offsets(%dma_start3A_818 : memref<80xi32, #tpu.memory_space<vmem>>) semaphore(%arg19 : memref<!tpu.dma_semaphore, #tpu.memory_space<semaphore_mem>>) {add = true}
      %dma_wait3A_822 = arith.constant 0 : i32
      %dma_wait3A_823 = arith.constant 7 : i32
      %dma_wait3A_824 = arith.constant 0 : i32
      %dma_wait3A_825 = tpu.memref_slice %arg7[%dma_wait3A_822, %dma_wait3A_823, %dma_wait3A_824] : memref<2x8x80xi32, #tpu.memory_space<vmem>> -> memref<1x1x80xi32, #tpu.memory_space<vmem>>
      %dma_wait3A_826 = tpu.memref_squeeze %dma_wait3A_825 : memref<1x1x80xi32, #tpu.memory_space<vmem>> -> memref<80xi32, #tpu.memory_space<vmem>>
      %dma_wait3A_827 = arith.constant 0 : i32
      %dma_wait3A_828 = arith.constant 0 : i32
      %dma_wait3A_829 = tpu.memref_slice %arg2[%dma_wait3A_827, %dma_wait3A_828] : memref<10000x128xf32, #tpu.memory_space<hbm>> -> memref<10000x128xf32, #tpu.memory_space<hbm>>
      tpu.wait_indirect_dma semaphore(%arg16 : memref<!tpu.dma_semaphore, #tpu.memory_space<semaphore_mem>>) src(%dma_wait3A_829 : memref<10000x128xf32, #tpu.memory_space<hbm>>) dst(%arg12 : memref<80x128xf32, #tpu.memory_space<vmem>>)
      %dma_start3A_830 = arith.constant 0 : i32
      %dma_start3A_831 = arith.constant 7 : i32
      %dma_start3A_832 = arith.constant 0 : i32
      %dma_start3A_833 = tpu.memref_slice %arg8[%dma_start3A_830, %dma_start3A_831, %dma_start3A_832] : memref<2x8x80xi32, #tpu.memory_space<vmem>> -> memref<1x1x80xi32, #tpu.memory_space<vmem>>
      %dma_start3A_834 = tpu.memref_squeeze %dma_start3A_833 : memref<1x1x80xi32, #tpu.memory_space<vmem>> -> memref<80xi32, #tpu.memory_space<vmem>>
      %dma_start3A_835 = arith.constant 0 : i32
      %dma_start3A_836 = arith.constant 0 : i32
      %dma_start3A_837 = tpu.memref_slice %arg23[%dma_start3A_835, %dma_start3A_836] : memref<10112x128xf32, #tpu.memory_space<vmem_shared>> -> memref<10112x128xf32, #tpu.memory_space<vmem_shared>>
      tpu.enqueue_indirect_dma source(%arg12 : memref<80x128xf32, #tpu.memory_space<vmem>>) target(%dma_start3A_837 : memref<10112x128xf32, #tpu.memory_space<vmem_shared>>) offsets(%dma_start3A_834 : memref<80xi32, #tpu.memory_space<vmem>>) semaphore(%arg20 : memref<!tpu.dma_semaphore, #tpu.memory_space<semaphore_mem>>) {add = true}
      %add3A_838 = arith.constant 1 : i32
      %add3A_839 = arith.addi %mul3A_645, %add3A_838 : i32
      %mul3A_840 = arith.constant 128 : i32
      %mul3A_841 = arith.muli %add3A, %mul3A_840 : i32
      %mul3A_842 = arith.constant 8 : i32
      %mul3A_843 = arith.muli %add3A_839, %mul3A_842 : i32
      %add3A_844 = arith.addi %mul3A_841, %mul3A_843 : i32
      %dma_wait3A_845 = arith.constant 1 : i32
      %dma_wait3A_846 = arith.constant 0 : i32
      %dma_wait3A_847 = arith.constant 0 : i32
      %dma_wait3A_848 = tpu.memref_slice %arg7[%dma_wait3A_845, %dma_wait3A_846, %dma_wait3A_847] : memref<2x8x80xi32, #tpu.memory_space<vmem>> -> memref<1x8x80xi32, #tpu.memory_space<vmem>>
      %dma_wait3A_849 = tpu.memref_squeeze %dma_wait3A_848 : memref<1x8x80xi32, #tpu.memory_space<vmem>> -> memref<8x80xi32, #tpu.memory_space<vmem>>
      %dma_wait3A_850 = arith.constant 0 : i32
      %dma_wait3A_851 = tpu.memref_slice %arg3[%add3A_844, %dma_wait3A_850] : memref<4096x80xi32, #tpu.memory_space<hbm>> -> memref<8x80xi32, #tpu.memory_space<hbm>>
      %dma_wait3A_852 = arith.constant 0 : i32
      %dma_wait3A_853 = arith.constant 0 : i32
      %dma_wait3A_854 = tpu.memref_slice %arg7[%dma_wait3A_845, %dma_wait3A_852, %dma_wait3A_853] : memref<2x8x80xi32, #tpu.memory_space<vmem>> -> memref<1x8x80xi32, #tpu.memory_space<vmem>>
      %dma_wait3A_855 = tpu.memref_squeeze %dma_wait3A_854 : memref<1x8x80xi32, #tpu.memory_space<vmem>> -> memref<8x80xi32, #tpu.memory_space<vmem>>
      %dma_wait3A_856 = arith.constant 0 : i32
      %dma_wait3A_857 = tpu.memref_slice %arg3[%add3A_844, %dma_wait3A_856] : memref<4096x80xi32, #tpu.memory_space<hbm>> -> memref<8x80xi32, #tpu.memory_space<hbm>>
      tpu.wait_dma2 semaphore(%arg22 : memref<!tpu.dma_semaphore, #tpu.memory_space<semaphore_mem>>) src(%dma_wait3A_857 : memref<8x80xi32, #tpu.memory_space<hbm>>) dst(%dma_wait3A_855 : memref<8x80xi32, #tpu.memory_space<vmem>>)
      %dma_wait3A_858 = arith.constant 1 : i32
      %dma_wait3A_859 = arith.constant 0 : i32
      %dma_wait3A_860 = arith.constant 0 : i32
      %dma_wait3A_861 = tpu.memref_slice %arg8[%dma_wait3A_858, %dma_wait3A_859, %dma_wait3A_860] : memref<2x8x80xi32, #tpu.memory_space<vmem>> -> memref<1x8x80xi32, #tpu.memory_space<vmem>>
      %dma_wait3A_862 = tpu.memref_squeeze %dma_wait3A_861 : memref<1x8x80xi32, #tpu.memory_space<vmem>> -> memref<8x80xi32, #tpu.memory_space<vmem>>
      %dma_wait3A_863 = arith.constant 0 : i32
      %dma_wait3A_864 = tpu.memref_slice %arg4[%add3A_844, %dma_wait3A_863] : memref<4096x80xi32, #tpu.memory_space<hbm>> -> memref<8x80xi32, #tpu.memory_space<hbm>>
      %dma_wait3A_865 = arith.constant 0 : i32
      %dma_wait3A_866 = arith.constant 0 : i32
      %dma_wait3A_867 = tpu.memref_slice %arg8[%dma_wait3A_858, %dma_wait3A_865, %dma_wait3A_866] : memref<2x8x80xi32, #tpu.memory_space<vmem>> -> memref<1x8x80xi32, #tpu.memory_space<vmem>>
      %dma_wait3A_868 = tpu.memref_squeeze %dma_wait3A_867 : memref<1x8x80xi32, #tpu.memory_space<vmem>> -> memref<8x80xi32, #tpu.memory_space<vmem>>
      %dma_wait3A_869 = arith.constant 0 : i32
      %dma_wait3A_870 = tpu.memref_slice %arg4[%add3A_844, %dma_wait3A_869] : memref<4096x80xi32, #tpu.memory_space<hbm>> -> memref<8x80xi32, #tpu.memory_space<hbm>>
      tpu.wait_dma2 semaphore(%arg22 : memref<!tpu.dma_semaphore, #tpu.memory_space<semaphore_mem>>) src(%dma_wait3A_870 : memref<8x80xi32, #tpu.memory_space<hbm>>) dst(%dma_wait3A_868 : memref<8x80xi32, #tpu.memory_space<vmem>>)
      %dma_wait3A_871 = arith.constant 0 : i32
      %dma_wait3A_872 = arith.constant 4 : i32
      %dma_wait3A_873 = arith.constant 0 : i32
      %dma_wait3A_874 = tpu.memref_slice %arg8[%dma_wait3A_871, %dma_wait3A_872, %dma_wait3A_873] : memref<2x8x80xi32, #tpu.memory_space<vmem>> -> memref<1x1x80xi32, #tpu.memory_space<vmem>>
      %dma_wait3A_875 = tpu.memref_squeeze %dma_wait3A_874 : memref<1x1x80xi32, #tpu.memory_space<vmem>> -> memref<80xi32, #tpu.memory_space<vmem>>
      %dma_wait3A_876 = arith.constant 0 : i32
      %dma_wait3A_877 = arith.constant 0 : i32
      %dma_wait3A_878 = tpu.memref_slice %arg23[%dma_wait3A_876, %dma_wait3A_877] : memref<10112x128xf32, #tpu.memory_space<vmem_shared>> -> memref<10112x128xf32, #tpu.memory_space<vmem_shared>>
      tpu.wait_indirect_dma semaphore(%arg17 : memref<!tpu.dma_semaphore, #tpu.memory_space<semaphore_mem>>) src(%arg9 : memref<80x128xf32, #tpu.memory_space<vmem>>) dst(%dma_wait3A_878 : memref<10112x128xf32, #tpu.memory_space<vmem_shared>>)
      %dma_start3A_879 = arith.constant 1 : i32
      %dma_start3A_880 = arith.constant 0 : i32
      %dma_start3A_881 = arith.constant 0 : i32
      %dma_start3A_882 = tpu.memref_slice %arg7[%dma_start3A_879, %dma_start3A_880, %dma_start3A_881] : memref<2x8x80xi32, #tpu.memory_space<vmem>> -> memref<1x1x80xi32, #tpu.memory_space<vmem>>
      %dma_start3A_883 = tpu.memref_squeeze %dma_start3A_882 : memref<1x1x80xi32, #tpu.memory_space<vmem>> -> memref<80xi32, #tpu.memory_space<vmem>>
      %dma_start3A_884 = arith.constant 0 : i32
      %dma_start3A_885 = arith.constant 0 : i32
      %dma_start3A_886 = tpu.memref_slice %arg2[%dma_start3A_884, %dma_start3A_885] : memref<10000x128xf32, #tpu.memory_space<hbm>> -> memref<10000x128xf32, #tpu.memory_space<hbm>>
      tpu.enqueue_indirect_dma source(%dma_start3A_886 : memref<10000x128xf32, #tpu.memory_space<hbm>>) target(%arg9 : memref<80x128xf32, #tpu.memory_space<vmem>>) offsets(%dma_start3A_883 : memref<80xi32, #tpu.memory_space<vmem>>) semaphore(%arg13 : memref<!tpu.dma_semaphore, #tpu.memory_space<semaphore_mem>>)
      %dma_wait3A_887 = arith.constant 0 : i32
      %dma_wait3A_888 = arith.constant 5 : i32
      %dma_wait3A_889 = arith.constant 0 : i32
      %dma_wait3A_890 = tpu.memref_slice %arg8[%dma_wait3A_887, %dma_wait3A_888, %dma_wait3A_889] : memref<2x8x80xi32, #tpu.memory_space<vmem>> -> memref<1x1x80xi32, #tpu.memory_space<vmem>>
      %dma_wait3A_891 = tpu.memref_squeeze %dma_wait3A_890 : memref<1x1x80xi32, #tpu.memory_space<vmem>> -> memref<80xi32, #tpu.memory_space<vmem>>
      %dma_wait3A_892 = arith.constant 0 : i32
      %dma_wait3A_893 = arith.constant 0 : i32
      %dma_wait3A_894 = tpu.memref_slice %arg23[%dma_wait3A_892, %dma_wait3A_893] : memref<10112x128xf32, #tpu.memory_space<vmem_shared>> -> memref<10112x128xf32, #tpu.memory_space<vmem_shared>>
      tpu.wait_indirect_dma semaphore(%arg18 : memref<!tpu.dma_semaphore, #tpu.memory_space<semaphore_mem>>) src(%arg10 : memref<80x128xf32, #tpu.memory_space<vmem>>) dst(%dma_wait3A_894 : memref<10112x128xf32, #tpu.memory_space<vmem_shared>>)
      %dma_start3A_895 = arith.constant 1 : i32
      %dma_start3A_896 = arith.constant 1 : i32
      %dma_start3A_897 = arith.constant 0 : i32
      %dma_start3A_898 = tpu.memref_slice %arg7[%dma_start3A_895, %dma_start3A_896, %dma_start3A_897] : memref<2x8x80xi32, #tpu.memory_space<vmem>> -> memref<1x1x80xi32, #tpu.memory_space<vmem>>
      %dma_start3A_899 = tpu.memref_squeeze %dma_start3A_898 : memref<1x1x80xi32, #tpu.memory_space<vmem>> -> memref<80xi32, #tpu.memory_space<vmem>>
      %dma_start3A_900 = arith.constant 0 : i32
      %dma_start3A_901 = arith.constant 0 : i32
      %dma_start3A_902 = tpu.memref_slice %arg2[%dma_start3A_900, %dma_start3A_901] : memref<10000x128xf32, #tpu.memory_space<hbm>> -> memref<10000x128xf32, #tpu.memory_space<hbm>>
      tpu.enqueue_indirect_dma source(%dma_start3A_902 : memref<10000x128xf32, #tpu.memory_space<hbm>>) target(%arg10 : memref<80x128xf32, #tpu.memory_space<vmem>>) offsets(%dma_start3A_899 : memref<80xi32, #tpu.memory_space<vmem>>) semaphore(%arg14 : memref<!tpu.dma_semaphore, #tpu.memory_space<semaphore_mem>>)
      %dma_wait3A_903 = arith.constant 0 : i32
      %dma_wait3A_904 = arith.constant 6 : i32
      %dma_wait3A_905 = arith.constant 0 : i32
      %dma_wait3A_906 = tpu.memref_slice %arg8[%dma_wait3A_903, %dma_wait3A_904, %dma_wait3A_905] : memref<2x8x80xi32, #tpu.memory_space<vmem>> -> memref<1x1x80xi32, #tpu.memory_space<vmem>>
      %dma_wait3A_907 = tpu.memref_squeeze %dma_wait3A_906 : memref<1x1x80xi32, #tpu.memory_space<vmem>> -> memref<80xi32, #tpu.memory_space<vmem>>
      %dma_wait3A_908 = arith.constant 0 : i32
      %dma_wait3A_909 = arith.constant 0 : i32
      %dma_wait3A_910 = tpu.memref_slice %arg23[%dma_wait3A_908, %dma_wait3A_909] : memref<10112x128xf32, #tpu.memory_space<vmem_shared>> -> memref<10112x128xf32, #tpu.memory_space<vmem_shared>>
      tpu.wait_indirect_dma semaphore(%arg19 : memref<!tpu.dma_semaphore, #tpu.memory_space<semaphore_mem>>) src(%arg11 : memref<80x128xf32, #tpu.memory_space<vmem>>) dst(%dma_wait3A_910 : memref<10112x128xf32, #tpu.memory_space<vmem_shared>>)
      %dma_start3A_911 = arith.constant 1 : i32
      %dma_start3A_912 = arith.constant 2 : i32
      %dma_start3A_913 = arith.constant 0 : i32
      %dma_start3A_914 = tpu.memref_slice %arg7[%dma_start3A_911, %dma_start3A_912, %dma_start3A_913] : memref<2x8x80xi32, #tpu.memory_space<vmem>> -> memref<1x1x80xi32, #tpu.memory_space<vmem>>
      %dma_start3A_915 = tpu.memref_squeeze %dma_start3A_914 : memref<1x1x80xi32, #tpu.memory_space<vmem>> -> memref<80xi32, #tpu.memory_space<vmem>>
      %dma_start3A_916 = arith.constant 0 : i32
      %dma_start3A_917 = arith.constant 0 : i32
      %dma_start3A_918 = tpu.memref_slice %arg2[%dma_start3A_916, %dma_start3A_917] : memref<10000x128xf32, #tpu.memory_space<hbm>> -> memref<10000x128xf32, #tpu.memory_space<hbm>>
      tpu.enqueue_indirect_dma source(%dma_start3A_918 : memref<10000x128xf32, #tpu.memory_space<hbm>>) target(%arg11 : memref<80x128xf32, #tpu.memory_space<vmem>>) offsets(%dma_start3A_915 : memref<80xi32, #tpu.memory_space<vmem>>) semaphore(%arg15 : memref<!tpu.dma_semaphore, #tpu.memory_space<semaphore_mem>>)
      %dma_wait3A_919 = arith.constant 0 : i32
      %dma_wait3A_920 = arith.constant 7 : i32
      %dma_wait3A_921 = arith.constant 0 : i32
      %dma_wait3A_922 = tpu.memref_slice %arg8[%dma_wait3A_919, %dma_wait3A_920, %dma_wait3A_921] : memref<2x8x80xi32, #tpu.memory_space<vmem>> -> memref<1x1x80xi32, #tpu.memory_space<vmem>>
      %dma_wait3A_923 = tpu.memref_squeeze %dma_wait3A_922 : memref<1x1x80xi32, #tpu.memory_space<vmem>> -> memref<80xi32, #tpu.memory_space<vmem>>
      %dma_wait3A_924 = arith.constant 0 : i32
      %dma_wait3A_925 = arith.constant 0 : i32
      %dma_wait3A_926 = tpu.memref_slice %arg23[%dma_wait3A_924, %dma_wait3A_925] : memref<10112x128xf32, #tpu.memory_space<vmem_shared>> -> memref<10112x128xf32, #tpu.memory_space<vmem_shared>>
      tpu.wait_indirect_dma semaphore(%arg20 : memref<!tpu.dma_semaphore, #tpu.memory_space<semaphore_mem>>) src(%arg12 : memref<80x128xf32, #tpu.memory_space<vmem>>) dst(%dma_wait3A_926 : memref<10112x128xf32, #tpu.memory_space<vmem_shared>>)
      %dma_start3A_927 = arith.constant 1 : i32
      %dma_start3A_928 = arith.constant 3 : i32
      %dma_start3A_929 = arith.constant 0 : i32
      %dma_start3A_930 = tpu.memref_slice %arg7[%dma_start3A_927, %dma_start3A_928, %dma_start3A_929] : memref<2x8x80xi32, #tpu.memory_space<vmem>> -> memref<1x1x80xi32, #tpu.memory_space<vmem>>
      %dma_start3A_931 = tpu.memref_squeeze %dma_start3A_930 : memref<1x1x80xi32, #tpu.memory_space<vmem>> -> memref<80xi32, #tpu.memory_space<vmem>>
      %dma_start3A_932 = arith.constant 0 : i32
      %dma_start3A_933 = arith.constant 0 : i32
      %dma_start3A_934 = tpu.memref_slice %arg2[%dma_start3A_932, %dma_start3A_933] : memref<10000x128xf32, #tpu.memory_space<hbm>> -> memref<10000x128xf32, #tpu.memory_space<hbm>>
      tpu.enqueue_indirect_dma source(%dma_start3A_934 : memref<10000x128xf32, #tpu.memory_space<hbm>>) target(%arg12 : memref<80x128xf32, #tpu.memory_space<vmem>>) offsets(%dma_start3A_931 : memref<80xi32, #tpu.memory_space<vmem>>) semaphore(%arg16 : memref<!tpu.dma_semaphore, #tpu.memory_space<semaphore_mem>>)
      %add3A_935 = arith.constant 2 : i32
      %add3A_936 = arith.addi %mul3A_645, %add3A_935 : i32
      %mul3A_937 = arith.constant 128 : i32
      %mul3A_938 = arith.muli %add3A, %mul3A_937 : i32
      %mul3A_939 = arith.constant 8 : i32
      %mul3A_940 = arith.muli %add3A_936, %mul3A_939 : i32
      %add3A_941 = arith.addi %mul3A_938, %mul3A_940 : i32
      %dma_start3A_942 = arith.constant 0 : i32
      %dma_start3A_943 = arith.constant 0 : i32
      %dma_start3A_944 = arith.constant 0 : i32
      %dma_start3A_945 = tpu.memref_slice %arg7[%dma_start3A_942, %dma_start3A_943, %dma_start3A_944] : memref<2x8x80xi32, #tpu.memory_space<vmem>> -> memref<1x8x80xi32, #tpu.memory_space<vmem>>
      %dma_start3A_946 = tpu.memref_squeeze %dma_start3A_945 : memref<1x8x80xi32, #tpu.memory_space<vmem>> -> memref<8x80xi32, #tpu.memory_space<vmem>>
      %dma_start3A_947 = arith.constant 0 : i32
      %dma_start3A_948 = tpu.memref_slice %arg3[%add3A_941, %dma_start3A_947] : memref<4096x80xi32, #tpu.memory_space<hbm>> -> memref<8x80xi32, #tpu.memory_space<hbm>>
      %dma_start3A_949 = arith.constant 0 : i32
      %dma_start3A_950 = arith.constant 0 : i32
      %dma_start3A_951 = tpu.memref_slice %arg7[%dma_start3A_942, %dma_start3A_949, %dma_start3A_950] : memref<2x8x80xi32, #tpu.memory_space<vmem>> -> memref<1x8x80xi32, #tpu.memory_space<vmem>>
      %dma_start3A_952 = tpu.memref_squeeze %dma_start3A_951 : memref<1x8x80xi32, #tpu.memory_space<vmem>> -> memref<8x80xi32, #tpu.memory_space<vmem>>
      %dma_start3A_953 = arith.constant 0 : i32
      %dma_start3A_954 = tpu.memref_slice %arg3[%add3A_941, %dma_start3A_953] : memref<4096x80xi32, #tpu.memory_space<hbm>> -> memref<8x80xi32, #tpu.memory_space<hbm>>
      tpu.enqueue_dma source(%dma_start3A_954 : memref<8x80xi32, #tpu.memory_space<hbm>>) target(%dma_start3A_952 : memref<8x80xi32, #tpu.memory_space<vmem>>) target_semaphore(%arg21 : memref<!tpu.dma_semaphore, #tpu.memory_space<semaphore_mem>>)
      %dma_start3A_955 = arith.constant 0 : i32
      %dma_start3A_956 = arith.constant 0 : i32
      %dma_start3A_957 = arith.constant 0 : i32
      %dma_start3A_958 = tpu.memref_slice %arg8[%dma_start3A_955, %dma_start3A_956, %dma_start3A_957] : memref<2x8x80xi32, #tpu.memory_space<vmem>> -> memref<1x8x80xi32, #tpu.memory_space<vmem>>
      %dma_start3A_959 = tpu.memref_squeeze %dma_start3A_958 : memref<1x8x80xi32, #tpu.memory_space<vmem>> -> memref<8x80xi32, #tpu.memory_space<vmem>>
      %dma_start3A_960 = arith.constant 0 : i32
      %dma_start3A_961 = tpu.memref_slice %arg4[%add3A_941, %dma_start3A_960] : memref<4096x80xi32, #tpu.memory_space<hbm>> -> memref<8x80xi32, #tpu.memory_space<hbm>>
      %dma_start3A_962 = arith.constant 0 : i32
      %dma_start3A_963 = arith.constant 0 : i32
      %dma_start3A_964 = tpu.memref_slice %arg8[%dma_start3A_955, %dma_start3A_962, %dma_start3A_963] : memref<2x8x80xi32, #tpu.memory_space<vmem>> -> memref<1x8x80xi32, #tpu.memory_space<vmem>>
      %dma_start3A_965 = tpu.memref_squeeze %dma_start3A_964 : memref<1x8x80xi32, #tpu.memory_space<vmem>> -> memref<8x80xi32, #tpu.memory_space<vmem>>
      %dma_start3A_966 = arith.constant 0 : i32
      %dma_start3A_967 = tpu.memref_slice %arg4[%add3A_941, %dma_start3A_966] : memref<4096x80xi32, #tpu.memory_space<hbm>> -> memref<8x80xi32, #tpu.memory_space<hbm>>
      tpu.enqueue_dma source(%dma_start3A_967 : memref<8x80xi32, #tpu.memory_space<hbm>>) target(%dma_start3A_965 : memref<8x80xi32, #tpu.memory_space<vmem>>) target_semaphore(%arg21 : memref<!tpu.dma_semaphore, #tpu.memory_space<semaphore_mem>>)
      %dma_wait3A_968 = arith.constant 1 : i32
      %dma_wait3A_969 = arith.constant 0 : i32
      %dma_wait3A_970 = arith.constant 0 : i32
      %dma_wait3A_971 = tpu.memref_slice %arg7[%dma_wait3A_968, %dma_wait3A_969, %dma_wait3A_970] : memref<2x8x80xi32, #tpu.memory_space<vmem>> -> memref<1x1x80xi32, #tpu.memory_space<vmem>>
      %dma_wait3A_972 = tpu.memref_squeeze %dma_wait3A_971 : memref<1x1x80xi32, #tpu.memory_space<vmem>> -> memref<80xi32, #tpu.memory_space<vmem>>
      %dma_wait3A_973 = arith.constant 0 : i32
      %dma_wait3A_974 = arith.constant 0 : i32
      %dma_wait3A_975 = tpu.memref_slice %arg2[%dma_wait3A_973, %dma_wait3A_974] : memref<10000x128xf32, #tpu.memory_space<hbm>> -> memref<10000x128xf32, #tpu.memory_space<hbm>>
      tpu.wait_indirect_dma semaphore(%arg13 : memref<!tpu.dma_semaphore, #tpu.memory_space<semaphore_mem>>) src(%dma_wait3A_975 : memref<10000x128xf32, #tpu.memory_space<hbm>>) dst(%arg9 : memref<80x128xf32, #tpu.memory_space<vmem>>)
      %dma_start3A_976 = arith.constant 1 : i32
      %dma_start3A_977 = arith.constant 0 : i32
      %dma_start3A_978 = arith.constant 0 : i32
      %dma_start3A_979 = tpu.memref_slice %arg8[%dma_start3A_976, %dma_start3A_977, %dma_start3A_978] : memref<2x8x80xi32, #tpu.memory_space<vmem>> -> memref<1x1x80xi32, #tpu.memory_space<vmem>>
      %dma_start3A_980 = tpu.memref_squeeze %dma_start3A_979 : memref<1x1x80xi32, #tpu.memory_space<vmem>> -> memref<80xi32, #tpu.memory_space<vmem>>
      %dma_start3A_981 = arith.constant 0 : i32
      %dma_start3A_982 = arith.constant 0 : i32
      %dma_start3A_983 = tpu.memref_slice %arg23[%dma_start3A_981, %dma_start3A_982] : memref<10112x128xf32, #tpu.memory_space<vmem_shared>> -> memref<10112x128xf32, #tpu.memory_space<vmem_shared>>
      tpu.enqueue_indirect_dma source(%arg9 : memref<80x128xf32, #tpu.memory_space<vmem>>) target(%dma_start3A_983 : memref<10112x128xf32, #tpu.memory_space<vmem_shared>>) offsets(%dma_start3A_980 : memref<80xi32, #tpu.memory_space<vmem>>) semaphore(%arg17 : memref<!tpu.dma_semaphore, #tpu.memory_space<semaphore_mem>>) {add = true}
      %dma_wait3A_984 = arith.constant 1 : i32
      %dma_wait3A_985 = arith.constant 1 : i32
      %dma_wait3A_986 = arith.constant 0 : i32
      %dma_wait3A_987 = tpu.memref_slice %arg7[%dma_wait3A_984, %dma_wait3A_985, %dma_wait3A_986] : memref<2x8x80xi32, #tpu.memory_space<vmem>> -> memref<1x1x80xi32, #tpu.memory_space<vmem>>
      %dma_wait3A_988 = tpu.memref_squeeze %dma_wait3A_987 : memref<1x1x80xi32, #tpu.memory_space<vmem>> -> memref<80xi32, #tpu.memory_space<vmem>>
      %dma_wait3A_989 = arith.constant 0 : i32
      %dma_wait3A_990 = arith.constant 0 : i32
      %dma_wait3A_991 = tpu.memref_slice %arg2[%dma_wait3A_989, %dma_wait3A_990] : memref<10000x128xf32, #tpu.memory_space<hbm>> -> memref<10000x128xf32, #tpu.memory_space<hbm>>
      tpu.wait_indirect_dma semaphore(%arg14 : memref<!tpu.dma_semaphore, #tpu.memory_space<semaphore_mem>>) src(%dma_wait3A_991 : memref<10000x128xf32, #tpu.memory_space<hbm>>) dst(%arg10 : memref<80x128xf32, #tpu.memory_space<vmem>>)
      %dma_start3A_992 = arith.constant 1 : i32
      %dma_start3A_993 = arith.constant 1 : i32
      %dma_start3A_994 = arith.constant 0 : i32
      %dma_start3A_995 = tpu.memref_slice %arg8[%dma_start3A_992, %dma_start3A_993, %dma_start3A_994] : memref<2x8x80xi32, #tpu.memory_space<vmem>> -> memref<1x1x80xi32, #tpu.memory_space<vmem>>
      %dma_start3A_996 = tpu.memref_squeeze %dma_start3A_995 : memref<1x1x80xi32, #tpu.memory_space<vmem>> -> memref<80xi32, #tpu.memory_space<vmem>>
      %dma_start3A_997 = arith.constant 0 : i32
      %dma_start3A_998 = arith.constant 0 : i32
      %dma_start3A_999 = tpu.memref_slice %arg23[%dma_start3A_997, %dma_start3A_998] : memref<10112x128xf32, #tpu.memory_space<vmem_shared>> -> memref<10112x128xf32, #tpu.memory_space<vmem_shared>>
      tpu.enqueue_indirect_dma source(%arg10 : memref<80x128xf32, #tpu.memory_space<vmem>>) target(%dma_start3A_999 : memref<10112x128xf32, #tpu.memory_space<vmem_shared>>) offsets(%dma_start3A_996 : memref<80xi32, #tpu.memory_space<vmem>>) semaphore(%arg18 : memref<!tpu.dma_semaphore, #tpu.memory_space<semaphore_mem>>) {add = true}
      %dma_wait3A_1000 = arith.constant 1 : i32
      %dma_wait3A_1001 = arith.constant 2 : i32
      %dma_wait3A_1002 = arith.constant 0 : i32
      %dma_wait3A_1003 = tpu.memref_slice %arg7[%dma_wait3A_1000, %dma_wait3A_1001, %dma_wait3A_1002] : memref<2x8x80xi32, #tpu.memory_space<vmem>> -> memref<1x1x80xi32, #tpu.memory_space<vmem>>
      %dma_wait3A_1004 = tpu.memref_squeeze %dma_wait3A_1003 : memref<1x1x80xi32, #tpu.memory_space<vmem>> -> memref<80xi32, #tpu.memory_space<vmem>>
      %dma_wait3A_1005 = arith.constant 0 : i32
      %dma_wait3A_1006 = arith.constant 0 : i32
      %dma_wait3A_1007 = tpu.memref_slice %arg2[%dma_wait3A_1005, %dma_wait3A_1006] : memref<10000x128xf32, #tpu.memory_space<hbm>> -> memref<10000x128xf32, #tpu.memory_space<hbm>>
      tpu.wait_indirect_dma semaphore(%arg15 : memref<!tpu.dma_semaphore, #tpu.memory_space<semaphore_mem>>) src(%dma_wait3A_1007 : memref<10000x128xf32, #tpu.memory_space<hbm>>) dst(%arg11 : memref<80x128xf32, #tpu.memory_space<vmem>>)
      %dma_start3A_1008 = arith.constant 1 : i32
      %dma_start3A_1009 = arith.constant 2 : i32
      %dma_start3A_1010 = arith.constant 0 : i32
      %dma_start3A_1011 = tpu.memref_slice %arg8[%dma_start3A_1008, %dma_start3A_1009, %dma_start3A_1010] : memref<2x8x80xi32, #tpu.memory_space<vmem>> -> memref<1x1x80xi32, #tpu.memory_space<vmem>>
      %dma_start3A_1012 = tpu.memref_squeeze %dma_start3A_1011 : memref<1x1x80xi32, #tpu.memory_space<vmem>> -> memref<80xi32, #tpu.memory_space<vmem>>
      %dma_start3A_1013 = arith.constant 0 : i32
      %dma_start3A_1014 = arith.constant 0 : i32
      %dma_start3A_1015 = tpu.memref_slice %arg23[%dma_start3A_1013, %dma_start3A_1014] : memref<10112x128xf32, #tpu.memory_space<vmem_shared>> -> memref<10112x128xf32, #tpu.memory_space<vmem_shared>>
      tpu.enqueue_indirect_dma source(%arg11 : memref<80x128xf32, #tpu.memory_space<vmem>>) target(%dma_start3A_1015 : memref<10112x128xf32, #tpu.memory_space<vmem_shared>>) offsets(%dma_start3A_1012 : memref<80xi32, #tpu.memory_space<vmem>>) semaphore(%arg19 : memref<!tpu.dma_semaphore, #tpu.memory_space<semaphore_mem>>) {add = true}
      %dma_wait3A_1016 = arith.constant 1 : i32
      %dma_wait3A_1017 = arith.constant 3 : i32
      %dma_wait3A_1018 = arith.constant 0 : i32
      %dma_wait3A_1019 = tpu.memref_slice %arg7[%dma_wait3A_1016, %dma_wait3A_1017, %dma_wait3A_1018] : memref<2x8x80xi32, #tpu.memory_space<vmem>> -> memref<1x1x80xi32, #tpu.memory_space<vmem>>
      %dma_wait3A_1020 = tpu.memref_squeeze %dma_wait3A_1019 : memref<1x1x80xi32, #tpu.memory_space<vmem>> -> memref<80xi32, #tpu.memory_space<vmem>>
      %dma_wait3A_1021 = arith.constant 0 : i32
      %dma_wait3A_1022 = arith.constant 0 : i32
      %dma_wait3A_1023 = tpu.memref_slice %arg2[%dma_wait3A_1021, %dma_wait3A_1022] : memref<10000x128xf32, #tpu.memory_space<hbm>> -> memref<10000x128xf32, #tpu.memory_space<hbm>>
      tpu.wait_indirect_dma semaphore(%arg16 : memref<!tpu.dma_semaphore, #tpu.memory_space<semaphore_mem>>) src(%dma_wait3A_1023 : memref<10000x128xf32, #tpu.memory_space<hbm>>) dst(%arg12 : memref<80x128xf32, #tpu.memory_space<vmem>>)
      %dma_start3A_1024 = arith.constant 1 : i32
      %dma_start3A_1025 = arith.constant 3 : i32
      %dma_start3A_1026 = arith.constant 0 : i32
      %dma_start3A_1027 = tpu.memref_slice %arg8[%dma_start3A_1024, %dma_start3A_1025, %dma_start3A_1026] : memref<2x8x80xi32, #tpu.memory_space<vmem>> -> memref<1x1x80xi32, #tpu.memory_space<vmem>>
      %dma_start3A_1028 = tpu.memref_squeeze %dma_start3A_1027 : memref<1x1x80xi32, #tpu.memory_space<vmem>> -> memref<80xi32, #tpu.memory_space<vmem>>
      %dma_start3A_1029 = arith.constant 0 : i32
      %dma_start3A_1030 = arith.constant 0 : i32
      %dma_start3A_1031 = tpu.memref_slice %arg23[%dma_start3A_1029, %dma_start3A_1030] : memref<10112x128xf32, #tpu.memory_space<vmem_shared>> -> memref<10112x128xf32, #tpu.memory_space<vmem_shared>>
      tpu.enqueue_indirect_dma source(%arg12 : memref<80x128xf32, #tpu.memory_space<vmem>>) target(%dma_start3A_1031 : memref<10112x128xf32, #tpu.memory_space<vmem_shared>>) offsets(%dma_start3A_1028 : memref<80xi32, #tpu.memory_space<vmem>>) semaphore(%arg20 : memref<!tpu.dma_semaphore, #tpu.memory_space<semaphore_mem>>) {add = true}
      %dma_wait3A_1032 = arith.constant 1 : i32
      %dma_wait3A_1033 = arith.constant 0 : i32
      %dma_wait3A_1034 = arith.constant 0 : i32
      %dma_wait3A_1035 = tpu.memref_slice %arg8[%dma_wait3A_1032, %dma_wait3A_1033, %dma_wait3A_1034] : memref<2x8x80xi32, #tpu.memory_space<vmem>> -> memref<1x1x80xi32, #tpu.memory_space<vmem>>
      %dma_wait3A_1036 = tpu.memref_squeeze %dma_wait3A_1035 : memref<1x1x80xi32, #tpu.memory_space<vmem>> -> memref<80xi32, #tpu.memory_space<vmem>>
      %dma_wait3A_1037 = arith.constant 0 : i32
      %dma_wait3A_1038 = arith.constant 0 : i32
      %dma_wait3A_1039 = tpu.memref_slice %arg23[%dma_wait3A_1037, %dma_wait3A_1038] : memref<10112x128xf32, #tpu.memory_space<vmem_shared>> -> memref<10112x128xf32, #tpu.memory_space<vmem_shared>>
      tpu.wait_indirect_dma semaphore(%arg17 : memref<!tpu.dma_semaphore, #tpu.memory_space<semaphore_mem>>) src(%arg9 : memref<80x128xf32, #tpu.memory_space<vmem>>) dst(%dma_wait3A_1039 : memref<10112x128xf32, #tpu.memory_space<vmem_shared>>)
      %dma_start3A_1040 = arith.constant 1 : i32
      %dma_start3A_1041 = arith.constant 4 : i32
      %dma_start3A_1042 = arith.constant 0 : i32
      %dma_start3A_1043 = tpu.memref_slice %arg7[%dma_start3A_1040, %dma_start3A_1041, %dma_start3A_1042] : memref<2x8x80xi32, #tpu.memory_space<vmem>> -> memref<1x1x80xi32, #tpu.memory_space<vmem>>
      %dma_start3A_1044 = tpu.memref_squeeze %dma_start3A_1043 : memref<1x1x80xi32, #tpu.memory_space<vmem>> -> memref<80xi32, #tpu.memory_space<vmem>>
      %dma_start3A_1045 = arith.constant 0 : i32
      %dma_start3A_1046 = arith.constant 0 : i32
      %dma_start3A_1047 = tpu.memref_slice %arg2[%dma_start3A_1045, %dma_start3A_1046] : memref<10000x128xf32, #tpu.memory_space<hbm>> -> memref<10000x128xf32, #tpu.memory_space<hbm>>
      tpu.enqueue_indirect_dma source(%dma_start3A_1047 : memref<10000x128xf32, #tpu.memory_space<hbm>>) target(%arg9 : memref<80x128xf32, #tpu.memory_space<vmem>>) offsets(%dma_start3A_1044 : memref<80xi32, #tpu.memory_space<vmem>>) semaphore(%arg13 : memref<!tpu.dma_semaphore, #tpu.memory_space<semaphore_mem>>)
      %dma_wait3A_1048 = arith.constant 1 : i32
      %dma_wait3A_1049 = arith.constant 1 : i32
      %dma_wait3A_1050 = arith.constant 0 : i32
      %dma_wait3A_1051 = tpu.memref_slice %arg8[%dma_wait3A_1048, %dma_wait3A_1049, %dma_wait3A_1050] : memref<2x8x80xi32, #tpu.memory_space<vmem>> -> memref<1x1x80xi32, #tpu.memory_space<vmem>>
      %dma_wait3A_1052 = tpu.memref_squeeze %dma_wait3A_1051 : memref<1x1x80xi32, #tpu.memory_space<vmem>> -> memref<80xi32, #tpu.memory_space<vmem>>
      %dma_wait3A_1053 = arith.constant 0 : i32
      %dma_wait3A_1054 = arith.constant 0 : i32
      %dma_wait3A_1055 = tpu.memref_slice %arg23[%dma_wait3A_1053, %dma_wait3A_1054] : memref<10112x128xf32, #tpu.memory_space<vmem_shared>> -> memref<10112x128xf32, #tpu.memory_space<vmem_shared>>
      tpu.wait_indirect_dma semaphore(%arg18 : memref<!tpu.dma_semaphore, #tpu.memory_space<semaphore_mem>>) src(%arg10 : memref<80x128xf32, #tpu.memory_space<vmem>>) dst(%dma_wait3A_1055 : memref<10112x128xf32, #tpu.memory_space<vmem_shared>>)
      %dma_start3A_1056 = arith.constant 1 : i32
      %dma_start3A_1057 = arith.constant 5 : i32
      %dma_start3A_1058 = arith.constant 0 : i32
      %dma_start3A_1059 = tpu.memref_slice %arg7[%dma_start3A_1056, %dma_start3A_1057, %dma_start3A_1058] : memref<2x8x80xi32, #tpu.memory_space<vmem>> -> memref<1x1x80xi32, #tpu.memory_space<vmem>>
      %dma_start3A_1060 = tpu.memref_squeeze %dma_start3A_1059 : memref<1x1x80xi32, #tpu.memory_space<vmem>> -> memref<80xi32, #tpu.memory_space<vmem>>
      %dma_start3A_1061 = arith.constant 0 : i32
      %dma_start3A_1062 = arith.constant 0 : i32
      %dma_start3A_1063 = tpu.memref_slice %arg2[%dma_start3A_1061, %dma_start3A_1062] : memref<10000x128xf32, #tpu.memory_space<hbm>> -> memref<10000x128xf32, #tpu.memory_space<hbm>>
      tpu.enqueue_indirect_dma source(%dma_start3A_1063 : memref<10000x128xf32, #tpu.memory_space<hbm>>) target(%arg10 : memref<80x128xf32, #tpu.memory_space<vmem>>) offsets(%dma_start3A_1060 : memref<80xi32, #tpu.memory_space<vmem>>) semaphore(%arg14 : memref<!tpu.dma_semaphore, #tpu.memory_space<semaphore_mem>>)
      %dma_wait3A_1064 = arith.constant 1 : i32
      %dma_wait3A_1065 = arith.constant 2 : i32
      %dma_wait3A_1066 = arith.constant 0 : i32
      %dma_wait3A_1067 = tpu.memref_slice %arg8[%dma_wait3A_1064, %dma_wait3A_1065, %dma_wait3A_1066] : memref<2x8x80xi32, #tpu.memory_space<vmem>> -> memref<1x1x80xi32, #tpu.memory_space<vmem>>
      %dma_wait3A_1068 = tpu.memref_squeeze %dma_wait3A_1067 : memref<1x1x80xi32, #tpu.memory_space<vmem>> -> memref<80xi32, #tpu.memory_space<vmem>>
      %dma_wait3A_1069 = arith.constant 0 : i32
      %dma_wait3A_1070 = arith.constant 0 : i32
      %dma_wait3A_1071 = tpu.memref_slice %arg23[%dma_wait3A_1069, %dma_wait3A_1070] : memref<10112x128xf32, #tpu.memory_space<vmem_shared>> -> memref<10112x128xf32, #tpu.memory_space<vmem_shared>>
      tpu.wait_indirect_dma semaphore(%arg19 : memref<!tpu.dma_semaphore, #tpu.memory_space<semaphore_mem>>) src(%arg11 : memref<80x128xf32, #tpu.memory_space<vmem>>) dst(%dma_wait3A_1071 : memref<10112x128xf32, #tpu.memory_space<vmem_shared>>)
      %dma_start3A_1072 = arith.constant 1 : i32
      %dma_start3A_1073 = arith.constant 6 : i32
      %dma_start3A_1074 = arith.constant 0 : i32
      %dma_start3A_1075 = tpu.memref_slice %arg7[%dma_start3A_1072, %dma_start3A_1073, %dma_start3A_1074] : memref<2x8x80xi32, #tpu.memory_space<vmem>> -> memref<1x1x80xi32, #tpu.memory_space<vmem>>
      %dma_start3A_1076 = tpu.memref_squeeze %dma_start3A_1075 : memref<1x1x80xi32, #tpu.memory_space<vmem>> -> memref<80xi32, #tpu.memory_space<vmem>>
      %dma_start3A_1077 = arith.constant 0 : i32
      %dma_start3A_1078 = arith.constant 0 : i32
      %dma_start3A_1079 = tpu.memref_slice %arg2[%dma_start3A_1077, %dma_start3A_1078] : memref<10000x128xf32, #tpu.memory_space<hbm>> -> memref<10000x128xf32, #tpu.memory_space<hbm>>
      tpu.enqueue_indirect_dma source(%dma_start3A_1079 : memref<10000x128xf32, #tpu.memory_space<hbm>>) target(%arg11 : memref<80x128xf32, #tpu.memory_space<vmem>>) offsets(%dma_start3A_1076 : memref<80xi32, #tpu.memory_space<vmem>>) semaphore(%arg15 : memref<!tpu.dma_semaphore, #tpu.memory_space<semaphore_mem>>)
      %dma_wait3A_1080 = arith.constant 1 : i32
      %dma_wait3A_1081 = arith.constant 3 : i32
      %dma_wait3A_1082 = arith.constant 0 : i32
      %dma_wait3A_1083 = tpu.memref_slice %arg8[%dma_wait3A_1080, %dma_wait3A_1081, %dma_wait3A_1082] : memref<2x8x80xi32, #tpu.memory_space<vmem>> -> memref<1x1x80xi32, #tpu.memory_space<vmem>>
      %dma_wait3A_1084 = tpu.memref_squeeze %dma_wait3A_1083 : memref<1x1x80xi32, #tpu.memory_space<vmem>> -> memref<80xi32, #tpu.memory_space<vmem>>
      %dma_wait3A_1085 = arith.constant 0 : i32
      %dma_wait3A_1086 = arith.constant 0 : i32
      %dma_wait3A_1087 = tpu.memref_slice %arg23[%dma_wait3A_1085, %dma_wait3A_1086] : memref<10112x128xf32, #tpu.memory_space<vmem_shared>> -> memref<10112x128xf32, #tpu.memory_space<vmem_shared>>
      tpu.wait_indirect_dma semaphore(%arg20 : memref<!tpu.dma_semaphore, #tpu.memory_space<semaphore_mem>>) src(%arg12 : memref<80x128xf32, #tpu.memory_space<vmem>>) dst(%dma_wait3A_1087 : memref<10112x128xf32, #tpu.memory_space<vmem_shared>>)
      %dma_start3A_1088 = arith.constant 1 : i32
      %dma_start3A_1089 = arith.constant 7 : i32
      %dma_start3A_1090 = arith.constant 0 : i32
      %dma_start3A_1091 = tpu.memref_slice %arg7[%dma_start3A_1088, %dma_start3A_1089, %dma_start3A_1090] : memref<2x8x80xi32, #tpu.memory_space<vmem>> -> memref<1x1x80xi32, #tpu.memory_space<vmem>>
      %dma_start3A_1092 = tpu.memref_squeeze %dma_start3A_1091 : memref<1x1x80xi32, #tpu.memory_space<vmem>> -> memref<80xi32, #tpu.memory_space<vmem>>
      %dma_start3A_1093 = arith.constant 0 : i32
      %dma_start3A_1094 = arith.constant 0 : i32
      %dma_start3A_1095 = tpu.memref_slice %arg2[%dma_start3A_1093, %dma_start3A_1094] : memref<10000x128xf32, #tpu.memory_space<hbm>> -> memref<10000x128xf32, #tpu.memory_space<hbm>>
      tpu.enqueue_indirect_dma source(%dma_start3A_1095 : memref<10000x128xf32, #tpu.memory_space<hbm>>) target(%arg12 : memref<80x128xf32, #tpu.memory_space<vmem>>) offsets(%dma_start3A_1092 : memref<80xi32, #tpu.memory_space<vmem>>) semaphore(%arg16 : memref<!tpu.dma_semaphore, #tpu.memory_space<semaphore_mem>>)
      %dma_wait3A_1096 = arith.constant 1 : i32
      %dma_wait3A_1097 = arith.constant 4 : i32
      %dma_wait3A_1098 = arith.constant 0 : i32
      %dma_wait3A_1099 = tpu.memref_slice %arg7[%dma_wait3A_1096, %dma_wait3A_1097, %dma_wait3A_1098] : memref<2x8x80xi32, #tpu.memory_space<vmem>> -> memref<1x1x80xi32, #tpu.memory_space<vmem>>
      %dma_wait3A_1100 = tpu.memref_squeeze %dma_wait3A_1099 : memref<1x1x80xi32, #tpu.memory_space<vmem>> -> memref<80xi32, #tpu.memory_space<vmem>>
      %dma_wait3A_1101 = arith.constant 0 : i32
      %dma_wait3A_1102 = arith.constant 0 : i32
      %dma_wait3A_1103 = tpu.memref_slice %arg2[%dma_wait3A_1101, %dma_wait3A_1102] : memref<10000x128xf32, #tpu.memory_space<hbm>> -> memref<10000x128xf32, #tpu.memory_space<hbm>>
      tpu.wait_indirect_dma semaphore(%arg13 : memref<!tpu.dma_semaphore, #tpu.memory_space<semaphore_mem>>) src(%dma_wait3A_1103 : memref<10000x128xf32, #tpu.memory_space<hbm>>) dst(%arg9 : memref<80x128xf32, #tpu.memory_space<vmem>>)
      %dma_start3A_1104 = arith.constant 1 : i32
      %dma_start3A_1105 = arith.constant 4 : i32
      %dma_start3A_1106 = arith.constant 0 : i32
      %dma_start3A_1107 = tpu.memref_slice %arg8[%dma_start3A_1104, %dma_start3A_1105, %dma_start3A_1106] : memref<2x8x80xi32, #tpu.memory_space<vmem>> -> memref<1x1x80xi32, #tpu.memory_space<vmem>>
      %dma_start3A_1108 = tpu.memref_squeeze %dma_start3A_1107 : memref<1x1x80xi32, #tpu.memory_space<vmem>> -> memref<80xi32, #tpu.memory_space<vmem>>
      %dma_start3A_1109 = arith.constant 0 : i32
      %dma_start3A_1110 = arith.constant 0 : i32
      %dma_start3A_1111 = tpu.memref_slice %arg23[%dma_start3A_1109, %dma_start3A_1110] : memref<10112x128xf32, #tpu.memory_space<vmem_shared>> -> memref<10112x128xf32, #tpu.memory_space<vmem_shared>>
      tpu.enqueue_indirect_dma source(%arg9 : memref<80x128xf32, #tpu.memory_space<vmem>>) target(%dma_start3A_1111 : memref<10112x128xf32, #tpu.memory_space<vmem_shared>>) offsets(%dma_start3A_1108 : memref<80xi32, #tpu.memory_space<vmem>>) semaphore(%arg17 : memref<!tpu.dma_semaphore, #tpu.memory_space<semaphore_mem>>) {add = true}
      %dma_wait3A_1112 = arith.constant 1 : i32
      %dma_wait3A_1113 = arith.constant 5 : i32
      %dma_wait3A_1114 = arith.constant 0 : i32
      %dma_wait3A_1115 = tpu.memref_slice %arg7[%dma_wait3A_1112, %dma_wait3A_1113, %dma_wait3A_1114] : memref<2x8x80xi32, #tpu.memory_space<vmem>> -> memref<1x1x80xi32, #tpu.memory_space<vmem>>
      %dma_wait3A_1116 = tpu.memref_squeeze %dma_wait3A_1115 : memref<1x1x80xi32, #tpu.memory_space<vmem>> -> memref<80xi32, #tpu.memory_space<vmem>>
      %dma_wait3A_1117 = arith.constant 0 : i32
      %dma_wait3A_1118 = arith.constant 0 : i32
      %dma_wait3A_1119 = tpu.memref_slice %arg2[%dma_wait3A_1117, %dma_wait3A_1118] : memref<10000x128xf32, #tpu.memory_space<hbm>> -> memref<10000x128xf32, #tpu.memory_space<hbm>>
      tpu.wait_indirect_dma semaphore(%arg14 : memref<!tpu.dma_semaphore, #tpu.memory_space<semaphore_mem>>) src(%dma_wait3A_1119 : memref<10000x128xf32, #tpu.memory_space<hbm>>) dst(%arg10 : memref<80x128xf32, #tpu.memory_space<vmem>>)
      %dma_start3A_1120 = arith.constant 1 : i32
      %dma_start3A_1121 = arith.constant 5 : i32
      %dma_start3A_1122 = arith.constant 0 : i32
      %dma_start3A_1123 = tpu.memref_slice %arg8[%dma_start3A_1120, %dma_start3A_1121, %dma_start3A_1122] : memref<2x8x80xi32, #tpu.memory_space<vmem>> -> memref<1x1x80xi32, #tpu.memory_space<vmem>>
      %dma_start3A_1124 = tpu.memref_squeeze %dma_start3A_1123 : memref<1x1x80xi32, #tpu.memory_space<vmem>> -> memref<80xi32, #tpu.memory_space<vmem>>
      %dma_start3A_1125 = arith.constant 0 : i32
      %dma_start3A_1126 = arith.constant 0 : i32
      %dma_start3A_1127 = tpu.memref_slice %arg23[%dma_start3A_1125, %dma_start3A_1126] : memref<10112x128xf32, #tpu.memory_space<vmem_shared>> -> memref<10112x128xf32, #tpu.memory_space<vmem_shared>>
      tpu.enqueue_indirect_dma source(%arg10 : memref<80x128xf32, #tpu.memory_space<vmem>>) target(%dma_start3A_1127 : memref<10112x128xf32, #tpu.memory_space<vmem_shared>>) offsets(%dma_start3A_1124 : memref<80xi32, #tpu.memory_space<vmem>>) semaphore(%arg18 : memref<!tpu.dma_semaphore, #tpu.memory_space<semaphore_mem>>) {add = true}
      %dma_wait3A_1128 = arith.constant 1 : i32
      %dma_wait3A_1129 = arith.constant 6 : i32
      %dma_wait3A_1130 = arith.constant 0 : i32
      %dma_wait3A_1131 = tpu.memref_slice %arg7[%dma_wait3A_1128, %dma_wait3A_1129, %dma_wait3A_1130] : memref<2x8x80xi32, #tpu.memory_space<vmem>> -> memref<1x1x80xi32, #tpu.memory_space<vmem>>
      %dma_wait3A_1132 = tpu.memref_squeeze %dma_wait3A_1131 : memref<1x1x80xi32, #tpu.memory_space<vmem>> -> memref<80xi32, #tpu.memory_space<vmem>>
      %dma_wait3A_1133 = arith.constant 0 : i32
      %dma_wait3A_1134 = arith.constant 0 : i32
      %dma_wait3A_1135 = tpu.memref_slice %arg2[%dma_wait3A_1133, %dma_wait3A_1134] : memref<10000x128xf32, #tpu.memory_space<hbm>> -> memref<10000x128xf32, #tpu.memory_space<hbm>>
      tpu.wait_indirect_dma semaphore(%arg15 : memref<!tpu.dma_semaphore, #tpu.memory_space<semaphore_mem>>) src(%dma_wait3A_1135 : memref<10000x128xf32, #tpu.memory_space<hbm>>) dst(%arg11 : memref<80x128xf32, #tpu.memory_space<vmem>>)
      %dma_start3A_1136 = arith.constant 1 : i32
      %dma_start3A_1137 = arith.constant 6 : i32
      %dma_start3A_1138 = arith.constant 0 : i32
      %dma_start3A_1139 = tpu.memref_slice %arg8[%dma_start3A_1136, %dma_start3A_1137, %dma_start3A_1138] : memref<2x8x80xi32, #tpu.memory_space<vmem>> -> memref<1x1x80xi32, #tpu.memory_space<vmem>>
      %dma_start3A_1140 = tpu.memref_squeeze %dma_start3A_1139 : memref<1x1x80xi32, #tpu.memory_space<vmem>> -> memref<80xi32, #tpu.memory_space<vmem>>
      %dma_start3A_1141 = arith.constant 0 : i32
      %dma_start3A_1142 = arith.constant 0 : i32
      %dma_start3A_1143 = tpu.memref_slice %arg23[%dma_start3A_1141, %dma_start3A_1142] : memref<10112x128xf32, #tpu.memory_space<vmem_shared>> -> memref<10112x128xf32, #tpu.memory_space<vmem_shared>>
      tpu.enqueue_indirect_dma source(%arg11 : memref<80x128xf32, #tpu.memory_space<vmem>>) target(%dma_start3A_1143 : memref<10112x128xf32, #tpu.memory_space<vmem_shared>>) offsets(%dma_start3A_1140 : memref<80xi32, #tpu.memory_space<vmem>>) semaphore(%arg19 : memref<!tpu.dma_semaphore, #tpu.memory_space<semaphore_mem>>) {add = true}
      %dma_wait3A_1144 = arith.constant 1 : i32
      %dma_wait3A_1145 = arith.constant 7 : i32
      %dma_wait3A_1146 = arith.constant 0 : i32
      %dma_wait3A_1147 = tpu.memref_slice %arg7[%dma_wait3A_1144, %dma_wait3A_1145, %dma_wait3A_1146] : memref<2x8x80xi32, #tpu.memory_space<vmem>> -> memref<1x1x80xi32, #tpu.memory_space<vmem>>
      %dma_wait3A_1148 = tpu.memref_squeeze %dma_wait3A_1147 : memref<1x1x80xi32, #tpu.memory_space<vmem>> -> memref<80xi32, #tpu.memory_space<vmem>>
      %dma_wait3A_1149 = arith.constant 0 : i32
      %dma_wait3A_1150 = arith.constant 0 : i32
      %dma_wait3A_1151 = tpu.memref_slice %arg2[%dma_wait3A_1149, %dma_wait3A_1150] : memref<10000x128xf32, #tpu.memory_space<hbm>> -> memref<10000x128xf32, #tpu.memory_space<hbm>>
      tpu.wait_indirect_dma semaphore(%arg16 : memref<!tpu.dma_semaphore, #tpu.memory_space<semaphore_mem>>) src(%dma_wait3A_1151 : memref<10000x128xf32, #tpu.memory_space<hbm>>) dst(%arg12 : memref<80x128xf32, #tpu.memory_space<vmem>>)
      %dma_start3A_1152 = arith.constant 1 : i32
      %dma_start3A_1153 = arith.constant 7 : i32
      %dma_start3A_1154 = arith.constant 0 : i32
      %dma_start3A_1155 = tpu.memref_slice %arg8[%dma_start3A_1152, %dma_start3A_1153, %dma_start3A_1154] : memref<2x8x80xi32, #tpu.memory_space<vmem>> -> memref<1x1x80xi32, #tpu.memory_space<vmem>>
      %dma_start3A_1156 = tpu.memref_squeeze %dma_start3A_1155 : memref<1x1x80xi32, #tpu.memory_space<vmem>> -> memref<80xi32, #tpu.memory_space<vmem>>
      %dma_start3A_1157 = arith.constant 0 : i32
      %dma_start3A_1158 = arith.constant 0 : i32
      %dma_start3A_1159 = tpu.memref_slice %arg23[%dma_start3A_1157, %dma_start3A_1158] : memref<10112x128xf32, #tpu.memory_space<vmem_shared>> -> memref<10112x128xf32, #tpu.memory_space<vmem_shared>>
      tpu.enqueue_indirect_dma source(%arg12 : memref<80x128xf32, #tpu.memory_space<vmem>>) target(%dma_start3A_1159 : memref<10112x128xf32, #tpu.memory_space<vmem_shared>>) offsets(%dma_start3A_1156 : memref<80xi32, #tpu.memory_space<vmem>>) semaphore(%arg20 : memref<!tpu.dma_semaphore, #tpu.memory_space<semaphore_mem>>) {add = true}
      %add3A_1160 = arith.constant 2 : i32
      %add3A_1161 = arith.addi %mul3A_645, %add3A_1160 : i32
      %mul3A_1162 = arith.constant 128 : i32
      %mul3A_1163 = arith.muli %add3A, %mul3A_1162 : i32
      %mul3A_1164 = arith.constant 8 : i32
      %mul3A_1165 = arith.muli %add3A_1161, %mul3A_1164 : i32
      %add3A_1166 = arith.addi %mul3A_1163, %mul3A_1165 : i32
      %dma_wait3A_1167 = arith.constant 0 : i32
      %dma_wait3A_1168 = arith.constant 0 : i32
      %dma_wait3A_1169 = arith.constant 0 : i32
      %dma_wait3A_1170 = tpu.memref_slice %arg7[%dma_wait3A_1167, %dma_wait3A_1168, %dma_wait3A_1169] : memref<2x8x80xi32, #tpu.memory_space<vmem>> -> memref<1x8x80xi32, #tpu.memory_space<vmem>>
      %dma_wait3A_1171 = tpu.memref_squeeze %dma_wait3A_1170 : memref<1x8x80xi32, #tpu.memory_space<vmem>> -> memref<8x80xi32, #tpu.memory_space<vmem>>
      %dma_wait3A_1172 = arith.constant 0 : i32
      %dma_wait3A_1173 = tpu.memref_slice %arg3[%add3A_1166, %dma_wait3A_1172] : memref<4096x80xi32, #tpu.memory_space<hbm>> -> memref<8x80xi32, #tpu.memory_space<hbm>>
      %dma_wait3A_1174 = arith.constant 0 : i32
      %dma_wait3A_1175 = arith.constant 0 : i32
      %dma_wait3A_1176 = tpu.memref_slice %arg7[%dma_wait3A_1167, %dma_wait3A_1174, %dma_wait3A_1175] : memref<2x8x80xi32, #tpu.memory_space<vmem>> -> memref<1x8x80xi32, #tpu.memory_space<vmem>>
      %dma_wait3A_1177 = tpu.memref_squeeze %dma_wait3A_1176 : memref<1x8x80xi32, #tpu.memory_space<vmem>> -> memref<8x80xi32, #tpu.memory_space<vmem>>
      %dma_wait3A_1178 = arith.constant 0 : i32
      %dma_wait3A_1179 = tpu.memref_slice %arg3[%add3A_1166, %dma_wait3A_1178] : memref<4096x80xi32, #tpu.memory_space<hbm>> -> memref<8x80xi32, #tpu.memory_space<hbm>>
      tpu.wait_dma2 semaphore(%arg21 : memref<!tpu.dma_semaphore, #tpu.memory_space<semaphore_mem>>) src(%dma_wait3A_1179 : memref<8x80xi32, #tpu.memory_space<hbm>>) dst(%dma_wait3A_1177 : memref<8x80xi32, #tpu.memory_space<vmem>>)
      %dma_wait3A_1180 = arith.constant 0 : i32
      %dma_wait3A_1181 = arith.constant 0 : i32
      %dma_wait3A_1182 = arith.constant 0 : i32
      %dma_wait3A_1183 = tpu.memref_slice %arg8[%dma_wait3A_1180, %dma_wait3A_1181, %dma_wait3A_1182] : memref<2x8x80xi32, #tpu.memory_space<vmem>> -> memref<1x8x80xi32, #tpu.memory_space<vmem>>
      %dma_wait3A_1184 = tpu.memref_squeeze %dma_wait3A_1183 : memref<1x8x80xi32, #tpu.memory_space<vmem>> -> memref<8x80xi32, #tpu.memory_space<vmem>>
      %dma_wait3A_1185 = arith.constant 0 : i32
      %dma_wait3A_1186 = tpu.memref_slice %arg4[%add3A_1166, %dma_wait3A_1185] : memref<4096x80xi32, #tpu.memory_space<hbm>> -> memref<8x80xi32, #tpu.memory_space<hbm>>
      %dma_wait3A_1187 = arith.constant 0 : i32
      %dma_wait3A_1188 = arith.constant 0 : i32
      %dma_wait3A_1189 = tpu.memref_slice %arg8[%dma_wait3A_1180, %dma_wait3A_1187, %dma_wait3A_1188] : memref<2x8x80xi32, #tpu.memory_space<vmem>> -> memref<1x8x80xi32, #tpu.memory_space<vmem>>
      %dma_wait3A_1190 = tpu.memref_squeeze %dma_wait3A_1189 : memref<1x8x80xi32, #tpu.memory_space<vmem>> -> memref<8x80xi32, #tpu.memory_space<vmem>>
      %dma_wait3A_1191 = arith.constant 0 : i32
      %dma_wait3A_1192 = tpu.memref_slice %arg4[%add3A_1166, %dma_wait3A_1191] : memref<4096x80xi32, #tpu.memory_space<hbm>> -> memref<8x80xi32, #tpu.memory_space<hbm>>
      tpu.wait_dma2 semaphore(%arg21 : memref<!tpu.dma_semaphore, #tpu.memory_space<semaphore_mem>>) src(%dma_wait3A_1192 : memref<8x80xi32, #tpu.memory_space<hbm>>) dst(%dma_wait3A_1190 : memref<8x80xi32, #tpu.memory_space<vmem>>)
      %dma_wait3A_1193 = arith.constant 1 : i32
      %dma_wait3A_1194 = arith.constant 4 : i32
      %dma_wait3A_1195 = arith.constant 0 : i32
      %dma_wait3A_1196 = tpu.memref_slice %arg8[%dma_wait3A_1193, %dma_wait3A_1194, %dma_wait3A_1195] : memref<2x8x80xi32, #tpu.memory_space<vmem>> -> memref<1x1x80xi32, #tpu.memory_space<vmem>>
      %dma_wait3A_1197 = tpu.memref_squeeze %dma_wait3A_1196 : memref<1x1x80xi32, #tpu.memory_space<vmem>> -> memref<80xi32, #tpu.memory_space<vmem>>
      %dma_wait3A_1198 = arith.constant 0 : i32
      %dma_wait3A_1199 = arith.constant 0 : i32
      %dma_wait3A_1200 = tpu.memref_slice %arg23[%dma_wait3A_1198, %dma_wait3A_1199] : memref<10112x128xf32, #tpu.memory_space<vmem_shared>> -> memref<10112x128xf32, #tpu.memory_space<vmem_shared>>
      tpu.wait_indirect_dma semaphore(%arg17 : memref<!tpu.dma_semaphore, #tpu.memory_space<semaphore_mem>>) src(%arg9 : memref<80x128xf32, #tpu.memory_space<vmem>>) dst(%dma_wait3A_1200 : memref<10112x128xf32, #tpu.memory_space<vmem_shared>>)
      %dma_start3A_1201 = arith.constant 0 : i32
      %dma_start3A_1202 = arith.constant 0 : i32
      %dma_start3A_1203 = arith.constant 0 : i32
      %dma_start3A_1204 = tpu.memref_slice %arg7[%dma_start3A_1201, %dma_start3A_1202, %dma_start3A_1203] : memref<2x8x80xi32, #tpu.memory_space<vmem>> -> memref<1x1x80xi32, #tpu.memory_space<vmem>>
      %dma_start3A_1205 = tpu.memref_squeeze %dma_start3A_1204 : memref<1x1x80xi32, #tpu.memory_space<vmem>> -> memref<80xi32, #tpu.memory_space<vmem>>
      %dma_start3A_1206 = arith.constant 0 : i32
      %dma_start3A_1207 = arith.constant 0 : i32
      %dma_start3A_1208 = tpu.memref_slice %arg2[%dma_start3A_1206, %dma_start3A_1207] : memref<10000x128xf32, #tpu.memory_space<hbm>> -> memref<10000x128xf32, #tpu.memory_space<hbm>>
      tpu.enqueue_indirect_dma source(%dma_start3A_1208 : memref<10000x128xf32, #tpu.memory_space<hbm>>) target(%arg9 : memref<80x128xf32, #tpu.memory_space<vmem>>) offsets(%dma_start3A_1205 : memref<80xi32, #tpu.memory_space<vmem>>) semaphore(%arg13 : memref<!tpu.dma_semaphore, #tpu.memory_space<semaphore_mem>>)
      %dma_wait3A_1209 = arith.constant 1 : i32
      %dma_wait3A_1210 = arith.constant 5 : i32
      %dma_wait3A_1211 = arith.constant 0 : i32
      %dma_wait3A_1212 = tpu.memref_slice %arg8[%dma_wait3A_1209, %dma_wait3A_1210, %dma_wait3A_1211] : memref<2x8x80xi32, #tpu.memory_space<vmem>> -> memref<1x1x80xi32, #tpu.memory_space<vmem>>
      %dma_wait3A_1213 = tpu.memref_squeeze %dma_wait3A_1212 : memref<1x1x80xi32, #tpu.memory_space<vmem>> -> memref<80xi32, #tpu.memory_space<vmem>>
      %dma_wait3A_1214 = arith.constant 0 : i32
      %dma_wait3A_1215 = arith.constant 0 : i32
      %dma_wait3A_1216 = tpu.memref_slice %arg23[%dma_wait3A_1214, %dma_wait3A_1215] : memref<10112x128xf32, #tpu.memory_space<vmem_shared>> -> memref<10112x128xf32, #tpu.memory_space<vmem_shared>>
      tpu.wait_indirect_dma semaphore(%arg18 : memref<!tpu.dma_semaphore, #tpu.memory_space<semaphore_mem>>) src(%arg10 : memref<80x128xf32, #tpu.memory_space<vmem>>) dst(%dma_wait3A_1216 : memref<10112x128xf32, #tpu.memory_space<vmem_shared>>)
      %dma_start3A_1217 = arith.constant 0 : i32
      %dma_start3A_1218 = arith.constant 1 : i32
      %dma_start3A_1219 = arith.constant 0 : i32
      %dma_start3A_1220 = tpu.memref_slice %arg7[%dma_start3A_1217, %dma_start3A_1218, %dma_start3A_1219] : memref<2x8x80xi32, #tpu.memory_space<vmem>> -> memref<1x1x80xi32, #tpu.memory_space<vmem>>
      %dma_start3A_1221 = tpu.memref_squeeze %dma_start3A_1220 : memref<1x1x80xi32, #tpu.memory_space<vmem>> -> memref<80xi32, #tpu.memory_space<vmem>>
      %dma_start3A_1222 = arith.constant 0 : i32
      %dma_start3A_1223 = arith.constant 0 : i32
      %dma_start3A_1224 = tpu.memref_slice %arg2[%dma_start3A_1222, %dma_start3A_1223] : memref<10000x128xf32, #tpu.memory_space<hbm>> -> memref<10000x128xf32, #tpu.memory_space<hbm>>
      tpu.enqueue_indirect_dma source(%dma_start3A_1224 : memref<10000x128xf32, #tpu.memory_space<hbm>>) target(%arg10 : memref<80x128xf32, #tpu.memory_space<vmem>>) offsets(%dma_start3A_1221 : memref<80xi32, #tpu.memory_space<vmem>>) semaphore(%arg14 : memref<!tpu.dma_semaphore, #tpu.memory_space<semaphore_mem>>)
      %dma_wait3A_1225 = arith.constant 1 : i32
      %dma_wait3A_1226 = arith.constant 6 : i32
      %dma_wait3A_1227 = arith.constant 0 : i32
      %dma_wait3A_1228 = tpu.memref_slice %arg8[%dma_wait3A_1225, %dma_wait3A_1226, %dma_wait3A_1227] : memref<2x8x80xi32, #tpu.memory_space<vmem>> -> memref<1x1x80xi32, #tpu.memory_space<vmem>>
      %dma_wait3A_1229 = tpu.memref_squeeze %dma_wait3A_1228 : memref<1x1x80xi32, #tpu.memory_space<vmem>> -> memref<80xi32, #tpu.memory_space<vmem>>
      %dma_wait3A_1230 = arith.constant 0 : i32
      %dma_wait3A_1231 = arith.constant 0 : i32
      %dma_wait3A_1232 = tpu.memref_slice %arg23[%dma_wait3A_1230, %dma_wait3A_1231] : memref<10112x128xf32, #tpu.memory_space<vmem_shared>> -> memref<10112x128xf32, #tpu.memory_space<vmem_shared>>
      tpu.wait_indirect_dma semaphore(%arg19 : memref<!tpu.dma_semaphore, #tpu.memory_space<semaphore_mem>>) src(%arg11 : memref<80x128xf32, #tpu.memory_space<vmem>>) dst(%dma_wait3A_1232 : memref<10112x128xf32, #tpu.memory_space<vmem_shared>>)
      %dma_start3A_1233 = arith.constant 0 : i32
      %dma_start3A_1234 = arith.constant 2 : i32
      %dma_start3A_1235 = arith.constant 0 : i32
      %dma_start3A_1236 = tpu.memref_slice %arg7[%dma_start3A_1233, %dma_start3A_1234, %dma_start3A_1235] : memref<2x8x80xi32, #tpu.memory_space<vmem>> -> memref<1x1x80xi32, #tpu.memory_space<vmem>>
      %dma_start3A_1237 = tpu.memref_squeeze %dma_start3A_1236 : memref<1x1x80xi32, #tpu.memory_space<vmem>> -> memref<80xi32, #tpu.memory_space<vmem>>
      %dma_start3A_1238 = arith.constant 0 : i32
      %dma_start3A_1239 = arith.constant 0 : i32
      %dma_start3A_1240 = tpu.memref_slice %arg2[%dma_start3A_1238, %dma_start3A_1239] : memref<10000x128xf32, #tpu.memory_space<hbm>> -> memref<10000x128xf32, #tpu.memory_space<hbm>>
      tpu.enqueue_indirect_dma source(%dma_start3A_1240 : memref<10000x128xf32, #tpu.memory_space<hbm>>) target(%arg11 : memref<80x128xf32, #tpu.memory_space<vmem>>) offsets(%dma_start3A_1237 : memref<80xi32, #tpu.memory_space<vmem>>) semaphore(%arg15 : memref<!tpu.dma_semaphore, #tpu.memory_space<semaphore_mem>>)
      %dma_wait3A_1241 = arith.constant 1 : i32
      %dma_wait3A_1242 = arith.constant 7 : i32
      %dma_wait3A_1243 = arith.constant 0 : i32
      %dma_wait3A_1244 = tpu.memref_slice %arg8[%dma_wait3A_1241, %dma_wait3A_1242, %dma_wait3A_1243] : memref<2x8x80xi32, #tpu.memory_space<vmem>> -> memref<1x1x80xi32, #tpu.memory_space<vmem>>
      %dma_wait3A_1245 = tpu.memref_squeeze %dma_wait3A_1244 : memref<1x1x80xi32, #tpu.memory_space<vmem>> -> memref<80xi32, #tpu.memory_space<vmem>>
      %dma_wait3A_1246 = arith.constant 0 : i32
      %dma_wait3A_1247 = arith.constant 0 : i32
      %dma_wait3A_1248 = tpu.memref_slice %arg23[%dma_wait3A_1246, %dma_wait3A_1247] : memref<10112x128xf32, #tpu.memory_space<vmem_shared>> -> memref<10112x128xf32, #tpu.memory_space<vmem_shared>>
      tpu.wait_indirect_dma semaphore(%arg20 : memref<!tpu.dma_semaphore, #tpu.memory_space<semaphore_mem>>) src(%arg12 : memref<80x128xf32, #tpu.memory_space<vmem>>) dst(%dma_wait3A_1248 : memref<10112x128xf32, #tpu.memory_space<vmem_shared>>)
      %dma_start3A_1249 = arith.constant 0 : i32
      %dma_start3A_1250 = arith.constant 3 : i32
      %dma_start3A_1251 = arith.constant 0 : i32
      %dma_start3A_1252 = tpu.memref_slice %arg7[%dma_start3A_1249, %dma_start3A_1250, %dma_start3A_1251] : memref<2x8x80xi32, #tpu.memory_space<vmem>> -> memref<1x1x80xi32, #tpu.memory_space<vmem>>
      %dma_start3A_1253 = tpu.memref_squeeze %dma_start3A_1252 : memref<1x1x80xi32, #tpu.memory_space<vmem>> -> memref<80xi32, #tpu.memory_space<vmem>>
      %dma_start3A_1254 = arith.constant 0 : i32
      %dma_start3A_1255 = arith.constant 0 : i32
      %dma_start3A_1256 = tpu.memref_slice %arg2[%dma_start3A_1254, %dma_start3A_1255] : memref<10000x128xf32, #tpu.memory_space<hbm>> -> memref<10000x128xf32, #tpu.memory_space<hbm>>
      tpu.enqueue_indirect_dma source(%dma_start3A_1256 : memref<10000x128xf32, #tpu.memory_space<hbm>>) target(%arg12 : memref<80x128xf32, #tpu.memory_space<vmem>>) offsets(%dma_start3A_1253 : memref<80xi32, #tpu.memory_space<vmem>>) semaphore(%arg16 : memref<!tpu.dma_semaphore, #tpu.memory_space<semaphore_mem>>)
      %add3A_1257 = arith.constant 3 : i32
      %add3A_1258 = arith.addi %mul3A_645, %add3A_1257 : i32
      %mul3A_1259 = arith.constant 128 : i32
      %mul3A_1260 = arith.muli %add3A, %mul3A_1259 : i32
      %mul3A_1261 = arith.constant 8 : i32
      %mul3A_1262 = arith.muli %add3A_1258, %mul3A_1261 : i32
      %add3A_1263 = arith.addi %mul3A_1260, %mul3A_1262 : i32
      %dma_start3A_1264 = arith.constant 1 : i32
      %dma_start3A_1265 = arith.constant 0 : i32
      %dma_start3A_1266 = arith.constant 0 : i32
      %dma_start3A_1267 = tpu.memref_slice %arg7[%dma_start3A_1264, %dma_start3A_1265, %dma_start3A_1266] : memref<2x8x80xi32, #tpu.memory_space<vmem>> -> memref<1x8x80xi32, #tpu.memory_space<vmem>>
      %dma_start3A_1268 = tpu.memref_squeeze %dma_start3A_1267 : memref<1x8x80xi32, #tpu.memory_space<vmem>> -> memref<8x80xi32, #tpu.memory_space<vmem>>
      %dma_start3A_1269 = arith.constant 0 : i32
      %dma_start3A_1270 = tpu.memref_slice %arg3[%add3A_1263, %dma_start3A_1269] : memref<4096x80xi32, #tpu.memory_space<hbm>> -> memref<8x80xi32, #tpu.memory_space<hbm>>
      %dma_start3A_1271 = arith.constant 0 : i32
      %dma_start3A_1272 = arith.constant 0 : i32
      %dma_start3A_1273 = tpu.memref_slice %arg7[%dma_start3A_1264, %dma_start3A_1271, %dma_start3A_1272] : memref<2x8x80xi32, #tpu.memory_space<vmem>> -> memref<1x8x80xi32, #tpu.memory_space<vmem>>
      %dma_start3A_1274 = tpu.memref_squeeze %dma_start3A_1273 : memref<1x8x80xi32, #tpu.memory_space<vmem>> -> memref<8x80xi32, #tpu.memory_space<vmem>>
      %dma_start3A_1275 = arith.constant 0 : i32
      %dma_start3A_1276 = tpu.memref_slice %arg3[%add3A_1263, %dma_start3A_1275] : memref<4096x80xi32, #tpu.memory_space<hbm>> -> memref<8x80xi32, #tpu.memory_space<hbm>>
      tpu.enqueue_dma source(%dma_start3A_1276 : memref<8x80xi32, #tpu.memory_space<hbm>>) target(%dma_start3A_1274 : memref<8x80xi32, #tpu.memory_space<vmem>>) target_semaphore(%arg22 : memref<!tpu.dma_semaphore, #tpu.memory_space<semaphore_mem>>)
      %dma_start3A_1277 = arith.constant 1 : i32
      %dma_start3A_1278 = arith.constant 0 : i32
      %dma_start3A_1279 = arith.constant 0 : i32
      %dma_start3A_1280 = tpu.memref_slice %arg8[%dma_start3A_1277, %dma_start3A_1278, %dma_start3A_1279] : memref<2x8x80xi32, #tpu.memory_space<vmem>> -> memref<1x8x80xi32, #tpu.memory_space<vmem>>
      %dma_start3A_1281 = tpu.memref_squeeze %dma_start3A_1280 : memref<1x8x80xi32, #tpu.memory_space<vmem>> -> memref<8x80xi32, #tpu.memory_space<vmem>>
      %dma_start3A_1282 = arith.constant 0 : i32
      %dma_start3A_1283 = tpu.memref_slice %arg4[%add3A_1263, %dma_start3A_1282] : memref<4096x80xi32, #tpu.memory_space<hbm>> -> memref<8x80xi32, #tpu.memory_space<hbm>>
      %dma_start3A_1284 = arith.constant 0 : i32
      %dma_start3A_1285 = arith.constant 0 : i32
      %dma_start3A_1286 = tpu.memref_slice %arg8[%dma_start3A_1277, %dma_start3A_1284, %dma_start3A_1285] : memref<2x8x80xi32, #tpu.memory_space<vmem>> -> memref<1x8x80xi32, #tpu.memory_space<vmem>>
      %dma_start3A_1287 = tpu.memref_squeeze %dma_start3A_1286 : memref<1x8x80xi32, #tpu.memory_space<vmem>> -> memref<8x80xi32, #tpu.memory_space<vmem>>
      %dma_start3A_1288 = arith.constant 0 : i32
      %dma_start3A_1289 = tpu.memref_slice %arg4[%add3A_1263, %dma_start3A_1288] : memref<4096x80xi32, #tpu.memory_space<hbm>> -> memref<8x80xi32, #tpu.memory_space<hbm>>
      tpu.enqueue_dma source(%dma_start3A_1289 : memref<8x80xi32, #tpu.memory_space<hbm>>) target(%dma_start3A_1287 : memref<8x80xi32, #tpu.memory_space<vmem>>) target_semaphore(%arg22 : memref<!tpu.dma_semaphore, #tpu.memory_space<semaphore_mem>>)
    }
    %scan3A_127 = arith.constant 7 : i32
    %dma_wait3A_128 = arith.constant 0 : i32
    %dma_wait3A_129 = arith.constant 0 : i32
    %dma_wait3A_130 = arith.constant 0 : i32
    %dma_wait3A_131 = tpu.memref_slice %arg7[%dma_wait3A_128, %dma_wait3A_129, %dma_wait3A_130] : memref<2x8x80xi32, #tpu.memory_space<vmem>> -> memref<1x1x80xi32, #tpu.memory_space<vmem>>
    %dma_wait3A_132 = tpu.memref_squeeze %dma_wait3A_131 : memref<1x1x80xi32, #tpu.memory_space<vmem>> -> memref<80xi32, #tpu.memory_space<vmem>>
    %dma_wait3A_133 = arith.constant 0 : i32
    %dma_wait3A_134 = arith.constant 0 : i32
    %dma_wait3A_135 = tpu.memref_slice %arg2[%dma_wait3A_133, %dma_wait3A_134] : memref<10000x128xf32, #tpu.memory_space<hbm>> -> memref<10000x128xf32, #tpu.memory_space<hbm>>
    tpu.wait_indirect_dma semaphore(%arg13 : memref<!tpu.dma_semaphore, #tpu.memory_space<semaphore_mem>>) src(%dma_wait3A_135 : memref<10000x128xf32, #tpu.memory_space<hbm>>) dst(%arg9 : memref<80x128xf32, #tpu.memory_space<vmem>>)
    %dma_start3A_136 = arith.constant 0 : i32
    %dma_start3A_137 = arith.constant 0 : i32
    %dma_start3A_138 = arith.constant 0 : i32
    %dma_start3A_139 = tpu.memref_slice %arg8[%dma_start3A_136, %dma_start3A_137, %dma_start3A_138] : memref<2x8x80xi32, #tpu.memory_space<vmem>> -> memref<1x1x80xi32, #tpu.memory_space<vmem>>
    %dma_start3A_140 = tpu.memref_squeeze %dma_start3A_139 : memref<1x1x80xi32, #tpu.memory_space<vmem>> -> memref<80xi32, #tpu.memory_space<vmem>>
    %dma_start3A_141 = arith.constant 0 : i32
    %dma_start3A_142 = arith.constant 0 : i32
    %dma_start3A_143 = tpu.memref_slice %arg23[%dma_start3A_141, %dma_start3A_142] : memref<10112x128xf32, #tpu.memory_space<vmem_shared>> -> memref<10112x128xf32, #tpu.memory_space<vmem_shared>>
    tpu.enqueue_indirect_dma source(%arg9 : memref<80x128xf32, #tpu.memory_space<vmem>>) target(%dma_start3A_143 : memref<10112x128xf32, #tpu.memory_space<vmem_shared>>) offsets(%dma_start3A_140 : memref<80xi32, #tpu.memory_space<vmem>>) semaphore(%arg17 : memref<!tpu.dma_semaphore, #tpu.memory_space<semaphore_mem>>) {add = true}
    %dma_wait3A_144 = arith.constant 0 : i32
    %dma_wait3A_145 = arith.constant 1 : i32
    %dma_wait3A_146 = arith.constant 0 : i32
    %dma_wait3A_147 = tpu.memref_slice %arg7[%dma_wait3A_144, %dma_wait3A_145, %dma_wait3A_146] : memref<2x8x80xi32, #tpu.memory_space<vmem>> -> memref<1x1x80xi32, #tpu.memory_space<vmem>>
    %dma_wait3A_148 = tpu.memref_squeeze %dma_wait3A_147 : memref<1x1x80xi32, #tpu.memory_space<vmem>> -> memref<80xi32, #tpu.memory_space<vmem>>
    %dma_wait3A_149 = arith.constant 0 : i32
    %dma_wait3A_150 = arith.constant 0 : i32
    %dma_wait3A_151 = tpu.memref_slice %arg2[%dma_wait3A_149, %dma_wait3A_150] : memref<10000x128xf32, #tpu.memory_space<hbm>> -> memref<10000x128xf32, #tpu.memory_space<hbm>>
    tpu.wait_indirect_dma semaphore(%arg14 : memref<!tpu.dma_semaphore, #tpu.memory_space<semaphore_mem>>) src(%dma_wait3A_151 : memref<10000x128xf32, #tpu.memory_space<hbm>>) dst(%arg10 : memref<80x128xf32, #tpu.memory_space<vmem>>)
    %dma_start3A_152 = arith.constant 0 : i32
    %dma_start3A_153 = arith.constant 1 : i32
    %dma_start3A_154 = arith.constant 0 : i32
    %dma_start3A_155 = tpu.memref_slice %arg8[%dma_start3A_152, %dma_start3A_153, %dma_start3A_154] : memref<2x8x80xi32, #tpu.memory_space<vmem>> -> memref<1x1x80xi32, #tpu.memory_space<vmem>>
    %dma_start3A_156 = tpu.memref_squeeze %dma_start3A_155 : memref<1x1x80xi32, #tpu.memory_space<vmem>> -> memref<80xi32, #tpu.memory_space<vmem>>
    %dma_start3A_157 = arith.constant 0 : i32
    %dma_start3A_158 = arith.constant 0 : i32
    %dma_start3A_159 = tpu.memref_slice %arg23[%dma_start3A_157, %dma_start3A_158] : memref<10112x128xf32, #tpu.memory_space<vmem_shared>> -> memref<10112x128xf32, #tpu.memory_space<vmem_shared>>
    tpu.enqueue_indirect_dma source(%arg10 : memref<80x128xf32, #tpu.memory_space<vmem>>) target(%dma_start3A_159 : memref<10112x128xf32, #tpu.memory_space<vmem_shared>>) offsets(%dma_start3A_156 : memref<80xi32, #tpu.memory_space<vmem>>) semaphore(%arg18 : memref<!tpu.dma_semaphore, #tpu.memory_space<semaphore_mem>>) {add = true}
    %dma_wait3A_160 = arith.constant 0 : i32
    %dma_wait3A_161 = arith.constant 2 : i32
    %dma_wait3A_162 = arith.constant 0 : i32
    %dma_wait3A_163 = tpu.memref_slice %arg7[%dma_wait3A_160, %dma_wait3A_161, %dma_wait3A_162] : memref<2x8x80xi32, #tpu.memory_space<vmem>> -> memref<1x1x80xi32, #tpu.memory_space<vmem>>
    %dma_wait3A_164 = tpu.memref_squeeze %dma_wait3A_163 : memref<1x1x80xi32, #tpu.memory_space<vmem>> -> memref<80xi32, #tpu.memory_space<vmem>>
    %dma_wait3A_165 = arith.constant 0 : i32
    %dma_wait3A_166 = arith.constant 0 : i32
    %dma_wait3A_167 = tpu.memref_slice %arg2[%dma_wait3A_165, %dma_wait3A_166] : memref<10000x128xf32, #tpu.memory_space<hbm>> -> memref<10000x128xf32, #tpu.memory_space<hbm>>
    tpu.wait_indirect_dma semaphore(%arg15 : memref<!tpu.dma_semaphore, #tpu.memory_space<semaphore_mem>>) src(%dma_wait3A_167 : memref<10000x128xf32, #tpu.memory_space<hbm>>) dst(%arg11 : memref<80x128xf32, #tpu.memory_space<vmem>>)
    %dma_start3A_168 = arith.constant 0 : i32
    %dma_start3A_169 = arith.constant 2 : i32
    %dma_start3A_170 = arith.constant 0 : i32
    %dma_start3A_171 = tpu.memref_slice %arg8[%dma_start3A_168, %dma_start3A_169, %dma_start3A_170] : memref<2x8x80xi32, #tpu.memory_space<vmem>> -> memref<1x1x80xi32, #tpu.memory_space<vmem>>
    %dma_start3A_172 = tpu.memref_squeeze %dma_start3A_171 : memref<1x1x80xi32, #tpu.memory_space<vmem>> -> memref<80xi32, #tpu.memory_space<vmem>>
    %dma_start3A_173 = arith.constant 0 : i32
    %dma_start3A_174 = arith.constant 0 : i32
    %dma_start3A_175 = tpu.memref_slice %arg23[%dma_start3A_173, %dma_start3A_174] : memref<10112x128xf32, #tpu.memory_space<vmem_shared>> -> memref<10112x128xf32, #tpu.memory_space<vmem_shared>>
    tpu.enqueue_indirect_dma source(%arg11 : memref<80x128xf32, #tpu.memory_space<vmem>>) target(%dma_start3A_175 : memref<10112x128xf32, #tpu.memory_space<vmem_shared>>) offsets(%dma_start3A_172 : memref<80xi32, #tpu.memory_space<vmem>>) semaphore(%arg19 : memref<!tpu.dma_semaphore, #tpu.memory_space<semaphore_mem>>) {add = true}
    %dma_wait3A_176 = arith.constant 0 : i32
    %dma_wait3A_177 = arith.constant 3 : i32
    %dma_wait3A_178 = arith.constant 0 : i32
    %dma_wait3A_179 = tpu.memref_slice %arg7[%dma_wait3A_176, %dma_wait3A_177, %dma_wait3A_178] : memref<2x8x80xi32, #tpu.memory_space<vmem>> -> memref<1x1x80xi32, #tpu.memory_space<vmem>>
    %dma_wait3A_180 = tpu.memref_squeeze %dma_wait3A_179 : memref<1x1x80xi32, #tpu.memory_space<vmem>> -> memref<80xi32, #tpu.memory_space<vmem>>
    %dma_wait3A_181 = arith.constant 0 : i32
    %dma_wait3A_182 = arith.constant 0 : i32
    %dma_wait3A_183 = tpu.memref_slice %arg2[%dma_wait3A_181, %dma_wait3A_182] : memref<10000x128xf32, #tpu.memory_space<hbm>> -> memref<10000x128xf32, #tpu.memory_space<hbm>>
    tpu.wait_indirect_dma semaphore(%arg16 : memref<!tpu.dma_semaphore, #tpu.memory_space<semaphore_mem>>) src(%dma_wait3A_183 : memref<10000x128xf32, #tpu.memory_space<hbm>>) dst(%arg12 : memref<80x128xf32, #tpu.memory_space<vmem>>)
    %dma_start3A_184 = arith.constant 0 : i32
    %dma_start3A_185 = arith.constant 3 : i32
    %dma_start3A_186 = arith.constant 0 : i32
    %dma_start3A_187 = tpu.memref_slice %arg8[%dma_start3A_184, %dma_start3A_185, %dma_start3A_186] : memref<2x8x80xi32, #tpu.memory_space<vmem>> -> memref<1x1x80xi32, #tpu.memory_space<vmem>>
    %dma_start3A_188 = tpu.memref_squeeze %dma_start3A_187 : memref<1x1x80xi32, #tpu.memory_space<vmem>> -> memref<80xi32, #tpu.memory_space<vmem>>
    %dma_start3A_189 = arith.constant 0 : i32
    %dma_start3A_190 = arith.constant 0 : i32
    %dma_start3A_191 = tpu.memref_slice %arg23[%dma_start3A_189, %dma_start3A_190] : memref<10112x128xf32, #tpu.memory_space<vmem_shared>> -> memref<10112x128xf32, #tpu.memory_space<vmem_shared>>
    tpu.enqueue_indirect_dma source(%arg12 : memref<80x128xf32, #tpu.memory_space<vmem>>) target(%dma_start3A_191 : memref<10112x128xf32, #tpu.memory_space<vmem_shared>>) offsets(%dma_start3A_188 : memref<80xi32, #tpu.memory_space<vmem>>) semaphore(%arg20 : memref<!tpu.dma_semaphore, #tpu.memory_space<semaphore_mem>>) {add = true}
    %dma_wait3A_192 = arith.constant 0 : i32
    %dma_wait3A_193 = arith.constant 0 : i32
    %dma_wait3A_194 = arith.constant 0 : i32
    %dma_wait3A_195 = tpu.memref_slice %arg8[%dma_wait3A_192, %dma_wait3A_193, %dma_wait3A_194] : memref<2x8x80xi32, #tpu.memory_space<vmem>> -> memref<1x1x80xi32, #tpu.memory_space<vmem>>
    %dma_wait3A_196 = tpu.memref_squeeze %dma_wait3A_195 : memref<1x1x80xi32, #tpu.memory_space<vmem>> -> memref<80xi32, #tpu.memory_space<vmem>>
    %dma_wait3A_197 = arith.constant 0 : i32
    %dma_wait3A_198 = arith.constant 0 : i32
    %dma_wait3A_199 = tpu.memref_slice %arg23[%dma_wait3A_197, %dma_wait3A_198] : memref<10112x128xf32, #tpu.memory_space<vmem_shared>> -> memref<10112x128xf32, #tpu.memory_space<vmem_shared>>
    tpu.wait_indirect_dma semaphore(%arg17 : memref<!tpu.dma_semaphore, #tpu.memory_space<semaphore_mem>>) src(%arg9 : memref<80x128xf32, #tpu.memory_space<vmem>>) dst(%dma_wait3A_199 : memref<10112x128xf32, #tpu.memory_space<vmem_shared>>)
    %dma_start3A_200 = arith.constant 0 : i32
    %dma_start3A_201 = arith.constant 4 : i32
    %dma_start3A_202 = arith.constant 0 : i32
    %dma_start3A_203 = tpu.memref_slice %arg7[%dma_start3A_200, %dma_start3A_201, %dma_start3A_202] : memref<2x8x80xi32, #tpu.memory_space<vmem>> -> memref<1x1x80xi32, #tpu.memory_space<vmem>>
    %dma_start3A_204 = tpu.memref_squeeze %dma_start3A_203 : memref<1x1x80xi32, #tpu.memory_space<vmem>> -> memref<80xi32, #tpu.memory_space<vmem>>
    %dma_start3A_205 = arith.constant 0 : i32
    %dma_start3A_206 = arith.constant 0 : i32
    %dma_start3A_207 = tpu.memref_slice %arg2[%dma_start3A_205, %dma_start3A_206] : memref<10000x128xf32, #tpu.memory_space<hbm>> -> memref<10000x128xf32, #tpu.memory_space<hbm>>
    tpu.enqueue_indirect_dma source(%dma_start3A_207 : memref<10000x128xf32, #tpu.memory_space<hbm>>) target(%arg9 : memref<80x128xf32, #tpu.memory_space<vmem>>) offsets(%dma_start3A_204 : memref<80xi32, #tpu.memory_space<vmem>>) semaphore(%arg13 : memref<!tpu.dma_semaphore, #tpu.memory_space<semaphore_mem>>)
    %dma_wait3A_208 = arith.constant 0 : i32
    %dma_wait3A_209 = arith.constant 1 : i32
    %dma_wait3A_210 = arith.constant 0 : i32
    %dma_wait3A_211 = tpu.memref_slice %arg8[%dma_wait3A_208, %dma_wait3A_209, %dma_wait3A_210] : memref<2x8x80xi32, #tpu.memory_space<vmem>> -> memref<1x1x80xi32, #tpu.memory_space<vmem>>
    %dma_wait3A_212 = tpu.memref_squeeze %dma_wait3A_211 : memref<1x1x80xi32, #tpu.memory_space<vmem>> -> memref<80xi32, #tpu.memory_space<vmem>>
    %dma_wait3A_213 = arith.constant 0 : i32
    %dma_wait3A_214 = arith.constant 0 : i32
    %dma_wait3A_215 = tpu.memref_slice %arg23[%dma_wait3A_213, %dma_wait3A_214] : memref<10112x128xf32, #tpu.memory_space<vmem_shared>> -> memref<10112x128xf32, #tpu.memory_space<vmem_shared>>
    tpu.wait_indirect_dma semaphore(%arg18 : memref<!tpu.dma_semaphore, #tpu.memory_space<semaphore_mem>>) src(%arg10 : memref<80x128xf32, #tpu.memory_space<vmem>>) dst(%dma_wait3A_215 : memref<10112x128xf32, #tpu.memory_space<vmem_shared>>)
    %dma_start3A_216 = arith.constant 0 : i32
    %dma_start3A_217 = arith.constant 5 : i32
    %dma_start3A_218 = arith.constant 0 : i32
    %dma_start3A_219 = tpu.memref_slice %arg7[%dma_start3A_216, %dma_start3A_217, %dma_start3A_218] : memref<2x8x80xi32, #tpu.memory_space<vmem>> -> memref<1x1x80xi32, #tpu.memory_space<vmem>>
    %dma_start3A_220 = tpu.memref_squeeze %dma_start3A_219 : memref<1x1x80xi32, #tpu.memory_space<vmem>> -> memref<80xi32, #tpu.memory_space<vmem>>
    %dma_start3A_221 = arith.constant 0 : i32
    %dma_start3A_222 = arith.constant 0 : i32
    %dma_start3A_223 = tpu.memref_slice %arg2[%dma_start3A_221, %dma_start3A_222] : memref<10000x128xf32, #tpu.memory_space<hbm>> -> memref<10000x128xf32, #tpu.memory_space<hbm>>
    tpu.enqueue_indirect_dma source(%dma_start3A_223 : memref<10000x128xf32, #tpu.memory_space<hbm>>) target(%arg10 : memref<80x128xf32, #tpu.memory_space<vmem>>) offsets(%dma_start3A_220 : memref<80xi32, #tpu.memory_space<vmem>>) semaphore(%arg14 : memref<!tpu.dma_semaphore, #tpu.memory_space<semaphore_mem>>)
    %dma_wait3A_224 = arith.constant 0 : i32
    %dma_wait3A_225 = arith.constant 2 : i32
    %dma_wait3A_226 = arith.constant 0 : i32
    %dma_wait3A_227 = tpu.memref_slice %arg8[%dma_wait3A_224, %dma_wait3A_225, %dma_wait3A_226] : memref<2x8x80xi32, #tpu.memory_space<vmem>> -> memref<1x1x80xi32, #tpu.memory_space<vmem>>
    %dma_wait3A_228 = tpu.memref_squeeze %dma_wait3A_227 : memref<1x1x80xi32, #tpu.memory_space<vmem>> -> memref<80xi32, #tpu.memory_space<vmem>>
    %dma_wait3A_229 = arith.constant 0 : i32
    %dma_wait3A_230 = arith.constant 0 : i32
    %dma_wait3A_231 = tpu.memref_slice %arg23[%dma_wait3A_229, %dma_wait3A_230] : memref<10112x128xf32, #tpu.memory_space<vmem_shared>> -> memref<10112x128xf32, #tpu.memory_space<vmem_shared>>
    tpu.wait_indirect_dma semaphore(%arg19 : memref<!tpu.dma_semaphore, #tpu.memory_space<semaphore_mem>>) src(%arg11 : memref<80x128xf32, #tpu.memory_space<vmem>>) dst(%dma_wait3A_231 : memref<10112x128xf32, #tpu.memory_space<vmem_shared>>)
    %dma_start3A_232 = arith.constant 0 : i32
    %dma_start3A_233 = arith.constant 6 : i32
    %dma_start3A_234 = arith.constant 0 : i32
    %dma_start3A_235 = tpu.memref_slice %arg7[%dma_start3A_232, %dma_start3A_233, %dma_start3A_234] : memref<2x8x80xi32, #tpu.memory_space<vmem>> -> memref<1x1x80xi32, #tpu.memory_space<vmem>>
    %dma_start3A_236 = tpu.memref_squeeze %dma_start3A_235 : memref<1x1x80xi32, #tpu.memory_space<vmem>> -> memref<80xi32, #tpu.memory_space<vmem>>
    %dma_start3A_237 = arith.constant 0 : i32
    %dma_start3A_238 = arith.constant 0 : i32
    %dma_start3A_239 = tpu.memref_slice %arg2[%dma_start3A_237, %dma_start3A_238] : memref<10000x128xf32, #tpu.memory_space<hbm>> -> memref<10000x128xf32, #tpu.memory_space<hbm>>
    tpu.enqueue_indirect_dma source(%dma_start3A_239 : memref<10000x128xf32, #tpu.memory_space<hbm>>) target(%arg11 : memref<80x128xf32, #tpu.memory_space<vmem>>) offsets(%dma_start3A_236 : memref<80xi32, #tpu.memory_space<vmem>>) semaphore(%arg15 : memref<!tpu.dma_semaphore, #tpu.memory_space<semaphore_mem>>)
    %dma_wait3A_240 = arith.constant 0 : i32
    %dma_wait3A_241 = arith.constant 3 : i32
    %dma_wait3A_242 = arith.constant 0 : i32
    %dma_wait3A_243 = tpu.memref_slice %arg8[%dma_wait3A_240, %dma_wait3A_241, %dma_wait3A_242] : memref<2x8x80xi32, #tpu.memory_space<vmem>> -> memref<1x1x80xi32, #tpu.memory_space<vmem>>
    %dma_wait3A_244 = tpu.memref_squeeze %dma_wait3A_243 : memref<1x1x80xi32, #tpu.memory_space<vmem>> -> memref<80xi32, #tpu.memory_space<vmem>>
    %dma_wait3A_245 = arith.constant 0 : i32
    %dma_wait3A_246 = arith.constant 0 : i32
    %dma_wait3A_247 = tpu.memref_slice %arg23[%dma_wait3A_245, %dma_wait3A_246] : memref<10112x128xf32, #tpu.memory_space<vmem_shared>> -> memref<10112x128xf32, #tpu.memory_space<vmem_shared>>
    tpu.wait_indirect_dma semaphore(%arg20 : memref<!tpu.dma_semaphore, #tpu.memory_space<semaphore_mem>>) src(%arg12 : memref<80x128xf32, #tpu.memory_space<vmem>>) dst(%dma_wait3A_247 : memref<10112x128xf32, #tpu.memory_space<vmem_shared>>)
    %dma_start3A_248 = arith.constant 0 : i32
    %dma_start3A_249 = arith.constant 7 : i32
    %dma_start3A_250 = arith.constant 0 : i32
    %dma_start3A_251 = tpu.memref_slice %arg7[%dma_start3A_248, %dma_start3A_249, %dma_start3A_250] : memref<2x8x80xi32, #tpu.memory_space<vmem>> -> memref<1x1x80xi32, #tpu.memory_space<vmem>>
    %dma_start3A_252 = tpu.memref_squeeze %dma_start3A_251 : memref<1x1x80xi32, #tpu.memory_space<vmem>> -> memref<80xi32, #tpu.memory_space<vmem>>
    %dma_start3A_253 = arith.constant 0 : i32
    %dma_start3A_254 = arith.constant 0 : i32
    %dma_start3A_255 = tpu.memref_slice %arg2[%dma_start3A_253, %dma_start3A_254] : memref<10000x128xf32, #tpu.memory_space<hbm>> -> memref<10000x128xf32, #tpu.memory_space<hbm>>
    tpu.enqueue_indirect_dma source(%dma_start3A_255 : memref<10000x128xf32, #tpu.memory_space<hbm>>) target(%arg12 : memref<80x128xf32, #tpu.memory_space<vmem>>) offsets(%dma_start3A_252 : memref<80xi32, #tpu.memory_space<vmem>>) semaphore(%arg16 : memref<!tpu.dma_semaphore, #tpu.memory_space<semaphore_mem>>)
    %dma_wait3A_256 = arith.constant 0 : i32
    %dma_wait3A_257 = arith.constant 4 : i32
    %dma_wait3A_258 = arith.constant 0 : i32
    %dma_wait3A_259 = tpu.memref_slice %arg7[%dma_wait3A_256, %dma_wait3A_257, %dma_wait3A_258] : memref<2x8x80xi32, #tpu.memory_space<vmem>> -> memref<1x1x80xi32, #tpu.memory_space<vmem>>
    %dma_wait3A_260 = tpu.memref_squeeze %dma_wait3A_259 : memref<1x1x80xi32, #tpu.memory_space<vmem>> -> memref<80xi32, #tpu.memory_space<vmem>>
    %dma_wait3A_261 = arith.constant 0 : i32
    %dma_wait3A_262 = arith.constant 0 : i32
    %dma_wait3A_263 = tpu.memref_slice %arg2[%dma_wait3A_261, %dma_wait3A_262] : memref<10000x128xf32, #tpu.memory_space<hbm>> -> memref<10000x128xf32, #tpu.memory_space<hbm>>
    tpu.wait_indirect_dma semaphore(%arg13 : memref<!tpu.dma_semaphore, #tpu.memory_space<semaphore_mem>>) src(%dma_wait3A_263 : memref<10000x128xf32, #tpu.memory_space<hbm>>) dst(%arg9 : memref<80x128xf32, #tpu.memory_space<vmem>>)
    %dma_start3A_264 = arith.constant 0 : i32
    %dma_start3A_265 = arith.constant 4 : i32
    %dma_start3A_266 = arith.constant 0 : i32
    %dma_start3A_267 = tpu.memref_slice %arg8[%dma_start3A_264, %dma_start3A_265, %dma_start3A_266] : memref<2x8x80xi32, #tpu.memory_space<vmem>> -> memref<1x1x80xi32, #tpu.memory_space<vmem>>
    %dma_start3A_268 = tpu.memref_squeeze %dma_start3A_267 : memref<1x1x80xi32, #tpu.memory_space<vmem>> -> memref<80xi32, #tpu.memory_space<vmem>>
    %dma_start3A_269 = arith.constant 0 : i32
    %dma_start3A_270 = arith.constant 0 : i32
    %dma_start3A_271 = tpu.memref_slice %arg23[%dma_start3A_269, %dma_start3A_270] : memref<10112x128xf32, #tpu.memory_space<vmem_shared>> -> memref<10112x128xf32, #tpu.memory_space<vmem_shared>>
    tpu.enqueue_indirect_dma source(%arg9 : memref<80x128xf32, #tpu.memory_space<vmem>>) target(%dma_start3A_271 : memref<10112x128xf32, #tpu.memory_space<vmem_shared>>) offsets(%dma_start3A_268 : memref<80xi32, #tpu.memory_space<vmem>>) semaphore(%arg17 : memref<!tpu.dma_semaphore, #tpu.memory_space<semaphore_mem>>) {add = true}
    %dma_wait3A_272 = arith.constant 0 : i32
    %dma_wait3A_273 = arith.constant 5 : i32
    %dma_wait3A_274 = arith.constant 0 : i32
    %dma_wait3A_275 = tpu.memref_slice %arg7[%dma_wait3A_272, %dma_wait3A_273, %dma_wait3A_274] : memref<2x8x80xi32, #tpu.memory_space<vmem>> -> memref<1x1x80xi32, #tpu.memory_space<vmem>>
    %dma_wait3A_276 = tpu.memref_squeeze %dma_wait3A_275 : memref<1x1x80xi32, #tpu.memory_space<vmem>> -> memref<80xi32, #tpu.memory_space<vmem>>
    %dma_wait3A_277 = arith.constant 0 : i32
    %dma_wait3A_278 = arith.constant 0 : i32
    %dma_wait3A_279 = tpu.memref_slice %arg2[%dma_wait3A_277, %dma_wait3A_278] : memref<10000x128xf32, #tpu.memory_space<hbm>> -> memref<10000x128xf32, #tpu.memory_space<hbm>>
    tpu.wait_indirect_dma semaphore(%arg14 : memref<!tpu.dma_semaphore, #tpu.memory_space<semaphore_mem>>) src(%dma_wait3A_279 : memref<10000x128xf32, #tpu.memory_space<hbm>>) dst(%arg10 : memref<80x128xf32, #tpu.memory_space<vmem>>)
    %dma_start3A_280 = arith.constant 0 : i32
    %dma_start3A_281 = arith.constant 5 : i32
    %dma_start3A_282 = arith.constant 0 : i32
    %dma_start3A_283 = tpu.memref_slice %arg8[%dma_start3A_280, %dma_start3A_281, %dma_start3A_282] : memref<2x8x80xi32, #tpu.memory_space<vmem>> -> memref<1x1x80xi32, #tpu.memory_space<vmem>>
    %dma_start3A_284 = tpu.memref_squeeze %dma_start3A_283 : memref<1x1x80xi32, #tpu.memory_space<vmem>> -> memref<80xi32, #tpu.memory_space<vmem>>
    %dma_start3A_285 = arith.constant 0 : i32
    %dma_start3A_286 = arith.constant 0 : i32
    %dma_start3A_287 = tpu.memref_slice %arg23[%dma_start3A_285, %dma_start3A_286] : memref<10112x128xf32, #tpu.memory_space<vmem_shared>> -> memref<10112x128xf32, #tpu.memory_space<vmem_shared>>
    tpu.enqueue_indirect_dma source(%arg10 : memref<80x128xf32, #tpu.memory_space<vmem>>) target(%dma_start3A_287 : memref<10112x128xf32, #tpu.memory_space<vmem_shared>>) offsets(%dma_start3A_284 : memref<80xi32, #tpu.memory_space<vmem>>) semaphore(%arg18 : memref<!tpu.dma_semaphore, #tpu.memory_space<semaphore_mem>>) {add = true}
    %dma_wait3A_288 = arith.constant 0 : i32
    %dma_wait3A_289 = arith.constant 6 : i32
    %dma_wait3A_290 = arith.constant 0 : i32
    %dma_wait3A_291 = tpu.memref_slice %arg7[%dma_wait3A_288, %dma_wait3A_289, %dma_wait3A_290] : memref<2x8x80xi32, #tpu.memory_space<vmem>> -> memref<1x1x80xi32, #tpu.memory_space<vmem>>
    %dma_wait3A_292 = tpu.memref_squeeze %dma_wait3A_291 : memref<1x1x80xi32, #tpu.memory_space<vmem>> -> memref<80xi32, #tpu.memory_space<vmem>>
    %dma_wait3A_293 = arith.constant 0 : i32
    %dma_wait3A_294 = arith.constant 0 : i32
    %dma_wait3A_295 = tpu.memref_slice %arg2[%dma_wait3A_293, %dma_wait3A_294] : memref<10000x128xf32, #tpu.memory_space<hbm>> -> memref<10000x128xf32, #tpu.memory_space<hbm>>
    tpu.wait_indirect_dma semaphore(%arg15 : memref<!tpu.dma_semaphore, #tpu.memory_space<semaphore_mem>>) src(%dma_wait3A_295 : memref<10000x128xf32, #tpu.memory_space<hbm>>) dst(%arg11 : memref<80x128xf32, #tpu.memory_space<vmem>>)
    %dma_start3A_296 = arith.constant 0 : i32
    %dma_start3A_297 = arith.constant 6 : i32
    %dma_start3A_298 = arith.constant 0 : i32
    %dma_start3A_299 = tpu.memref_slice %arg8[%dma_start3A_296, %dma_start3A_297, %dma_start3A_298] : memref<2x8x80xi32, #tpu.memory_space<vmem>> -> memref<1x1x80xi32, #tpu.memory_space<vmem>>
    %dma_start3A_300 = tpu.memref_squeeze %dma_start3A_299 : memref<1x1x80xi32, #tpu.memory_space<vmem>> -> memref<80xi32, #tpu.memory_space<vmem>>
    %dma_start3A_301 = arith.constant 0 : i32
    %dma_start3A_302 = arith.constant 0 : i32
    %dma_start3A_303 = tpu.memref_slice %arg23[%dma_start3A_301, %dma_start3A_302] : memref<10112x128xf32, #tpu.memory_space<vmem_shared>> -> memref<10112x128xf32, #tpu.memory_space<vmem_shared>>
    tpu.enqueue_indirect_dma source(%arg11 : memref<80x128xf32, #tpu.memory_space<vmem>>) target(%dma_start3A_303 : memref<10112x128xf32, #tpu.memory_space<vmem_shared>>) offsets(%dma_start3A_300 : memref<80xi32, #tpu.memory_space<vmem>>) semaphore(%arg19 : memref<!tpu.dma_semaphore, #tpu.memory_space<semaphore_mem>>) {add = true}
    %dma_wait3A_304 = arith.constant 0 : i32
    %dma_wait3A_305 = arith.constant 7 : i32
    %dma_wait3A_306 = arith.constant 0 : i32
    %dma_wait3A_307 = tpu.memref_slice %arg7[%dma_wait3A_304, %dma_wait3A_305, %dma_wait3A_306] : memref<2x8x80xi32, #tpu.memory_space<vmem>> -> memref<1x1x80xi32, #tpu.memory_space<vmem>>
    %dma_wait3A_308 = tpu.memref_squeeze %dma_wait3A_307 : memref<1x1x80xi32, #tpu.memory_space<vmem>> -> memref<80xi32, #tpu.memory_space<vmem>>
    %dma_wait3A_309 = arith.constant 0 : i32
    %dma_wait3A_310 = arith.constant 0 : i32
    %dma_wait3A_311 = tpu.memref_slice %arg2[%dma_wait3A_309, %dma_wait3A_310] : memref<10000x128xf32, #tpu.memory_space<hbm>> -> memref<10000x128xf32, #tpu.memory_space<hbm>>
    tpu.wait_indirect_dma semaphore(%arg16 : memref<!tpu.dma_semaphore, #tpu.memory_space<semaphore_mem>>) src(%dma_wait3A_311 : memref<10000x128xf32, #tpu.memory_space<hbm>>) dst(%arg12 : memref<80x128xf32, #tpu.memory_space<vmem>>)
    %dma_start3A_312 = arith.constant 0 : i32
    %dma_start3A_313 = arith.constant 7 : i32
    %dma_start3A_314 = arith.constant 0 : i32
    %dma_start3A_315 = tpu.memref_slice %arg8[%dma_start3A_312, %dma_start3A_313, %dma_start3A_314] : memref<2x8x80xi32, #tpu.memory_space<vmem>> -> memref<1x1x80xi32, #tpu.memory_space<vmem>>
    %dma_start3A_316 = tpu.memref_squeeze %dma_start3A_315 : memref<1x1x80xi32, #tpu.memory_space<vmem>> -> memref<80xi32, #tpu.memory_space<vmem>>
    %dma_start3A_317 = arith.constant 0 : i32
    %dma_start3A_318 = arith.constant 0 : i32
    %dma_start3A_319 = tpu.memref_slice %arg23[%dma_start3A_317, %dma_start3A_318] : memref<10112x128xf32, #tpu.memory_space<vmem_shared>> -> memref<10112x128xf32, #tpu.memory_space<vmem_shared>>
    tpu.enqueue_indirect_dma source(%arg12 : memref<80x128xf32, #tpu.memory_space<vmem>>) target(%dma_start3A_319 : memref<10112x128xf32, #tpu.memory_space<vmem_shared>>) offsets(%dma_start3A_316 : memref<80xi32, #tpu.memory_space<vmem>>) semaphore(%arg20 : memref<!tpu.dma_semaphore, #tpu.memory_space<semaphore_mem>>) {add = true}
    %mul3A_320 = arith.constant 128 : i32
    %mul3A_321 = arith.muli %add3A, %mul3A_320 : i32
    %add3A_322 = arith.constant 120 : i32
    %add3A_323 = arith.addi %mul3A_321, %add3A_322 : i32
    %dma_wait3A_324 = arith.constant 1 : i32
    %dma_wait3A_325 = arith.constant 0 : i32
    %dma_wait3A_326 = arith.constant 0 : i32
    %dma_wait3A_327 = tpu.memref_slice %arg7[%dma_wait3A_324, %dma_wait3A_325, %dma_wait3A_326] : memref<2x8x80xi32, #tpu.memory_space<vmem>> -> memref<1x8x80xi32, #tpu.memory_space<vmem>>
    %dma_wait3A_328 = tpu.memref_squeeze %dma_wait3A_327 : memref<1x8x80xi32, #tpu.memory_space<vmem>> -> memref<8x80xi32, #tpu.memory_space<vmem>>
    %dma_wait3A_329 = arith.constant 0 : i32
    %dma_wait3A_330 = tpu.memref_slice %arg3[%add3A_323, %dma_wait3A_329] : memref<4096x80xi32, #tpu.memory_space<hbm>> -> memref<8x80xi32, #tpu.memory_space<hbm>>
    %dma_wait3A_331 = arith.constant 0 : i32
    %dma_wait3A_332 = arith.constant 0 : i32
    %dma_wait3A_333 = tpu.memref_slice %arg7[%dma_wait3A_324, %dma_wait3A_331, %dma_wait3A_332] : memref<2x8x80xi32, #tpu.memory_space<vmem>> -> memref<1x8x80xi32, #tpu.memory_space<vmem>>
    %dma_wait3A_334 = tpu.memref_squeeze %dma_wait3A_333 : memref<1x8x80xi32, #tpu.memory_space<vmem>> -> memref<8x80xi32, #tpu.memory_space<vmem>>
    %dma_wait3A_335 = arith.constant 0 : i32
    %dma_wait3A_336 = tpu.memref_slice %arg3[%add3A_323, %dma_wait3A_335] : memref<4096x80xi32, #tpu.memory_space<hbm>> -> memref<8x80xi32, #tpu.memory_space<hbm>>
    tpu.wait_dma2 semaphore(%arg22 : memref<!tpu.dma_semaphore, #tpu.memory_space<semaphore_mem>>) src(%dma_wait3A_336 : memref<8x80xi32, #tpu.memory_space<hbm>>) dst(%dma_wait3A_334 : memref<8x80xi32, #tpu.memory_space<vmem>>)
    %dma_wait3A_337 = arith.constant 1 : i32
    %dma_wait3A_338 = arith.constant 0 : i32
    %dma_wait3A_339 = arith.constant 0 : i32
    %dma_wait3A_340 = tpu.memref_slice %arg8[%dma_wait3A_337, %dma_wait3A_338, %dma_wait3A_339] : memref<2x8x80xi32, #tpu.memory_space<vmem>> -> memref<1x8x80xi32, #tpu.memory_space<vmem>>
    %dma_wait3A_341 = tpu.memref_squeeze %dma_wait3A_340 : memref<1x8x80xi32, #tpu.memory_space<vmem>> -> memref<8x80xi32, #tpu.memory_space<vmem>>
    %dma_wait3A_342 = arith.constant 0 : i32
    %dma_wait3A_343 = tpu.memref_slice %arg4[%add3A_323, %dma_wait3A_342] : memref<4096x80xi32, #tpu.memory_space<hbm>> -> memref<8x80xi32, #tpu.memory_space<hbm>>
    %dma_wait3A_344 = arith.constant 0 : i32
    %dma_wait3A_345 = arith.constant 0 : i32
    %dma_wait3A_346 = tpu.memref_slice %arg8[%dma_wait3A_337, %dma_wait3A_344, %dma_wait3A_345] : memref<2x8x80xi32, #tpu.memory_space<vmem>> -> memref<1x8x80xi32, #tpu.memory_space<vmem>>
    %dma_wait3A_347 = tpu.memref_squeeze %dma_wait3A_346 : memref<1x8x80xi32, #tpu.memory_space<vmem>> -> memref<8x80xi32, #tpu.memory_space<vmem>>
    %dma_wait3A_348 = arith.constant 0 : i32
    %dma_wait3A_349 = tpu.memref_slice %arg4[%add3A_323, %dma_wait3A_348] : memref<4096x80xi32, #tpu.memory_space<hbm>> -> memref<8x80xi32, #tpu.memory_space<hbm>>
    tpu.wait_dma2 semaphore(%arg22 : memref<!tpu.dma_semaphore, #tpu.memory_space<semaphore_mem>>) src(%dma_wait3A_349 : memref<8x80xi32, #tpu.memory_space<hbm>>) dst(%dma_wait3A_347 : memref<8x80xi32, #tpu.memory_space<vmem>>)
    %dma_wait3A_350 = arith.constant 0 : i32
    %dma_wait3A_351 = arith.constant 4 : i32
    %dma_wait3A_352 = arith.constant 0 : i32
    %dma_wait3A_353 = tpu.memref_slice %arg8[%dma_wait3A_350, %dma_wait3A_351, %dma_wait3A_352] : memref<2x8x80xi32, #tpu.memory_space<vmem>> -> memref<1x1x80xi32, #tpu.memory_space<vmem>>
    %dma_wait3A_354 = tpu.memref_squeeze %dma_wait3A_353 : memref<1x1x80xi32, #tpu.memory_space<vmem>> -> memref<80xi32, #tpu.memory_space<vmem>>
    %dma_wait3A_355 = arith.constant 0 : i32
    %dma_wait3A_356 = arith.constant 0 : i32
    %dma_wait3A_357 = tpu.memref_slice %arg23[%dma_wait3A_355, %dma_wait3A_356] : memref<10112x128xf32, #tpu.memory_space<vmem_shared>> -> memref<10112x128xf32, #tpu.memory_space<vmem_shared>>
    tpu.wait_indirect_dma semaphore(%arg17 : memref<!tpu.dma_semaphore, #tpu.memory_space<semaphore_mem>>) src(%arg9 : memref<80x128xf32, #tpu.memory_space<vmem>>) dst(%dma_wait3A_357 : memref<10112x128xf32, #tpu.memory_space<vmem_shared>>)
    %dma_start3A_358 = arith.constant 1 : i32
    %dma_start3A_359 = arith.constant 0 : i32
    %dma_start3A_360 = arith.constant 0 : i32
    %dma_start3A_361 = tpu.memref_slice %arg7[%dma_start3A_358, %dma_start3A_359, %dma_start3A_360] : memref<2x8x80xi32, #tpu.memory_space<vmem>> -> memref<1x1x80xi32, #tpu.memory_space<vmem>>
    %dma_start3A_362 = tpu.memref_squeeze %dma_start3A_361 : memref<1x1x80xi32, #tpu.memory_space<vmem>> -> memref<80xi32, #tpu.memory_space<vmem>>
    %dma_start3A_363 = arith.constant 0 : i32
    %dma_start3A_364 = arith.constant 0 : i32
    %dma_start3A_365 = tpu.memref_slice %arg2[%dma_start3A_363, %dma_start3A_364] : memref<10000x128xf32, #tpu.memory_space<hbm>> -> memref<10000x128xf32, #tpu.memory_space<hbm>>
    tpu.enqueue_indirect_dma source(%dma_start3A_365 : memref<10000x128xf32, #tpu.memory_space<hbm>>) target(%arg9 : memref<80x128xf32, #tpu.memory_space<vmem>>) offsets(%dma_start3A_362 : memref<80xi32, #tpu.memory_space<vmem>>) semaphore(%arg13 : memref<!tpu.dma_semaphore, #tpu.memory_space<semaphore_mem>>)
    %dma_wait3A_366 = arith.constant 0 : i32
    %dma_wait3A_367 = arith.constant 5 : i32
    %dma_wait3A_368 = arith.constant 0 : i32
    %dma_wait3A_369 = tpu.memref_slice %arg8[%dma_wait3A_366, %dma_wait3A_367, %dma_wait3A_368] : memref<2x8x80xi32, #tpu.memory_space<vmem>> -> memref<1x1x80xi32, #tpu.memory_space<vmem>>
    %dma_wait3A_370 = tpu.memref_squeeze %dma_wait3A_369 : memref<1x1x80xi32, #tpu.memory_space<vmem>> -> memref<80xi32, #tpu.memory_space<vmem>>
    %dma_wait3A_371 = arith.constant 0 : i32
    %dma_wait3A_372 = arith.constant 0 : i32
    %dma_wait3A_373 = tpu.memref_slice %arg23[%dma_wait3A_371, %dma_wait3A_372] : memref<10112x128xf32, #tpu.memory_space<vmem_shared>> -> memref<10112x128xf32, #tpu.memory_space<vmem_shared>>
    tpu.wait_indirect_dma semaphore(%arg18 : memref<!tpu.dma_semaphore, #tpu.memory_space<semaphore_mem>>) src(%arg10 : memref<80x128xf32, #tpu.memory_space<vmem>>) dst(%dma_wait3A_373 : memref<10112x128xf32, #tpu.memory_space<vmem_shared>>)
    %dma_start3A_374 = arith.constant 1 : i32
    %dma_start3A_375 = arith.constant 1 : i32
    %dma_start3A_376 = arith.constant 0 : i32
    %dma_start3A_377 = tpu.memref_slice %arg7[%dma_start3A_374, %dma_start3A_375, %dma_start3A_376] : memref<2x8x80xi32, #tpu.memory_space<vmem>> -> memref<1x1x80xi32, #tpu.memory_space<vmem>>
    %dma_start3A_378 = tpu.memref_squeeze %dma_start3A_377 : memref<1x1x80xi32, #tpu.memory_space<vmem>> -> memref<80xi32, #tpu.memory_space<vmem>>
    %dma_start3A_379 = arith.constant 0 : i32
    %dma_start3A_380 = arith.constant 0 : i32
    %dma_start3A_381 = tpu.memref_slice %arg2[%dma_start3A_379, %dma_start3A_380] : memref<10000x128xf32, #tpu.memory_space<hbm>> -> memref<10000x128xf32, #tpu.memory_space<hbm>>
    tpu.enqueue_indirect_dma source(%dma_start3A_381 : memref<10000x128xf32, #tpu.memory_space<hbm>>) target(%arg10 : memref<80x128xf32, #tpu.memory_space<vmem>>) offsets(%dma_start3A_378 : memref<80xi32, #tpu.memory_space<vmem>>) semaphore(%arg14 : memref<!tpu.dma_semaphore, #tpu.memory_space<semaphore_mem>>)
    %dma_wait3A_382 = arith.constant 0 : i32
    %dma_wait3A_383 = arith.constant 6 : i32
    %dma_wait3A_384 = arith.constant 0 : i32
    %dma_wait3A_385 = tpu.memref_slice %arg8[%dma_wait3A_382, %dma_wait3A_383, %dma_wait3A_384] : memref<2x8x80xi32, #tpu.memory_space<vmem>> -> memref<1x1x80xi32, #tpu.memory_space<vmem>>
    %dma_wait3A_386 = tpu.memref_squeeze %dma_wait3A_385 : memref<1x1x80xi32, #tpu.memory_space<vmem>> -> memref<80xi32, #tpu.memory_space<vmem>>
    %dma_wait3A_387 = arith.constant 0 : i32
    %dma_wait3A_388 = arith.constant 0 : i32
    %dma_wait3A_389 = tpu.memref_slice %arg23[%dma_wait3A_387, %dma_wait3A_388] : memref<10112x128xf32, #tpu.memory_space<vmem_shared>> -> memref<10112x128xf32, #tpu.memory_space<vmem_shared>>
    tpu.wait_indirect_dma semaphore(%arg19 : memref<!tpu.dma_semaphore, #tpu.memory_space<semaphore_mem>>) src(%arg11 : memref<80x128xf32, #tpu.memory_space<vmem>>) dst(%dma_wait3A_389 : memref<10112x128xf32, #tpu.memory_space<vmem_shared>>)
    %dma_start3A_390 = arith.constant 1 : i32
    %dma_start3A_391 = arith.constant 2 : i32
    %dma_start3A_392 = arith.constant 0 : i32
    %dma_start3A_393 = tpu.memref_slice %arg7[%dma_start3A_390, %dma_start3A_391, %dma_start3A_392] : memref<2x8x80xi32, #tpu.memory_space<vmem>> -> memref<1x1x80xi32, #tpu.memory_space<vmem>>
    %dma_start3A_394 = tpu.memref_squeeze %dma_start3A_393 : memref<1x1x80xi32, #tpu.memory_space<vmem>> -> memref<80xi32, #tpu.memory_space<vmem>>
    %dma_start3A_395 = arith.constant 0 : i32
    %dma_start3A_396 = arith.constant 0 : i32
    %dma_start3A_397 = tpu.memref_slice %arg2[%dma_start3A_395, %dma_start3A_396] : memref<10000x128xf32, #tpu.memory_space<hbm>> -> memref<10000x128xf32, #tpu.memory_space<hbm>>
    tpu.enqueue_indirect_dma source(%dma_start3A_397 : memref<10000x128xf32, #tpu.memory_space<hbm>>) target(%arg11 : memref<80x128xf32, #tpu.memory_space<vmem>>) offsets(%dma_start3A_394 : memref<80xi32, #tpu.memory_space<vmem>>) semaphore(%arg15 : memref<!tpu.dma_semaphore, #tpu.memory_space<semaphore_mem>>)
    %dma_wait3A_398 = arith.constant 0 : i32
    %dma_wait3A_399 = arith.constant 7 : i32
    %dma_wait3A_400 = arith.constant 0 : i32
    %dma_wait3A_401 = tpu.memref_slice %arg8[%dma_wait3A_398, %dma_wait3A_399, %dma_wait3A_400] : memref<2x8x80xi32, #tpu.memory_space<vmem>> -> memref<1x1x80xi32, #tpu.memory_space<vmem>>
    %dma_wait3A_402 = tpu.memref_squeeze %dma_wait3A_401 : memref<1x1x80xi32, #tpu.memory_space<vmem>> -> memref<80xi32, #tpu.memory_space<vmem>>
    %dma_wait3A_403 = arith.constant 0 : i32
    %dma_wait3A_404 = arith.constant 0 : i32
    %dma_wait3A_405 = tpu.memref_slice %arg23[%dma_wait3A_403, %dma_wait3A_404] : memref<10112x128xf32, #tpu.memory_space<vmem_shared>> -> memref<10112x128xf32, #tpu.memory_space<vmem_shared>>
    tpu.wait_indirect_dma semaphore(%arg20 : memref<!tpu.dma_semaphore, #tpu.memory_space<semaphore_mem>>) src(%arg12 : memref<80x128xf32, #tpu.memory_space<vmem>>) dst(%dma_wait3A_405 : memref<10112x128xf32, #tpu.memory_space<vmem_shared>>)
    %dma_start3A_406 = arith.constant 1 : i32
    %dma_start3A_407 = arith.constant 3 : i32
    %dma_start3A_408 = arith.constant 0 : i32
    %dma_start3A_409 = tpu.memref_slice %arg7[%dma_start3A_406, %dma_start3A_407, %dma_start3A_408] : memref<2x8x80xi32, #tpu.memory_space<vmem>> -> memref<1x1x80xi32, #tpu.memory_space<vmem>>
    %dma_start3A_410 = tpu.memref_squeeze %dma_start3A_409 : memref<1x1x80xi32, #tpu.memory_space<vmem>> -> memref<80xi32, #tpu.memory_space<vmem>>
    %dma_start3A_411 = arith.constant 0 : i32
    %dma_start3A_412 = arith.constant 0 : i32
    %dma_start3A_413 = tpu.memref_slice %arg2[%dma_start3A_411, %dma_start3A_412] : memref<10000x128xf32, #tpu.memory_space<hbm>> -> memref<10000x128xf32, #tpu.memory_space<hbm>>
    tpu.enqueue_indirect_dma source(%dma_start3A_413 : memref<10000x128xf32, #tpu.memory_space<hbm>>) target(%arg12 : memref<80x128xf32, #tpu.memory_space<vmem>>) offsets(%dma_start3A_410 : memref<80xi32, #tpu.memory_space<vmem>>) semaphore(%arg16 : memref<!tpu.dma_semaphore, #tpu.memory_space<semaphore_mem>>)
    %dma_wait3A_414 = arith.constant 1 : i32
    %dma_wait3A_415 = arith.constant 0 : i32
    %dma_wait3A_416 = arith.constant 0 : i32
    %dma_wait3A_417 = tpu.memref_slice %arg7[%dma_wait3A_414, %dma_wait3A_415, %dma_wait3A_416] : memref<2x8x80xi32, #tpu.memory_space<vmem>> -> memref<1x1x80xi32, #tpu.memory_space<vmem>>
    %dma_wait3A_418 = tpu.memref_squeeze %dma_wait3A_417 : memref<1x1x80xi32, #tpu.memory_space<vmem>> -> memref<80xi32, #tpu.memory_space<vmem>>
    %dma_wait3A_419 = arith.constant 0 : i32
    %dma_wait3A_420 = arith.constant 0 : i32
    %dma_wait3A_421 = tpu.memref_slice %arg2[%dma_wait3A_419, %dma_wait3A_420] : memref<10000x128xf32, #tpu.memory_space<hbm>> -> memref<10000x128xf32, #tpu.memory_space<hbm>>
    tpu.wait_indirect_dma semaphore(%arg13 : memref<!tpu.dma_semaphore, #tpu.memory_space<semaphore_mem>>) src(%dma_wait3A_421 : memref<10000x128xf32, #tpu.memory_space<hbm>>) dst(%arg9 : memref<80x128xf32, #tpu.memory_space<vmem>>)
    %dma_start3A_422 = arith.constant 1 : i32
    %dma_start3A_423 = arith.constant 0 : i32
    %dma_start3A_424 = arith.constant 0 : i32
    %dma_start3A_425 = tpu.memref_slice %arg8[%dma_start3A_422, %dma_start3A_423, %dma_start3A_424] : memref<2x8x80xi32, #tpu.memory_space<vmem>> -> memref<1x1x80xi32, #tpu.memory_space<vmem>>
    %dma_start3A_426 = tpu.memref_squeeze %dma_start3A_425 : memref<1x1x80xi32, #tpu.memory_space<vmem>> -> memref<80xi32, #tpu.memory_space<vmem>>
    %dma_start3A_427 = arith.constant 0 : i32
    %dma_start3A_428 = arith.constant 0 : i32
    %dma_start3A_429 = tpu.memref_slice %arg23[%dma_start3A_427, %dma_start3A_428] : memref<10112x128xf32, #tpu.memory_space<vmem_shared>> -> memref<10112x128xf32, #tpu.memory_space<vmem_shared>>
    tpu.enqueue_indirect_dma source(%arg9 : memref<80x128xf32, #tpu.memory_space<vmem>>) target(%dma_start3A_429 : memref<10112x128xf32, #tpu.memory_space<vmem_shared>>) offsets(%dma_start3A_426 : memref<80xi32, #tpu.memory_space<vmem>>) semaphore(%arg17 : memref<!tpu.dma_semaphore, #tpu.memory_space<semaphore_mem>>) {add = true}
    %dma_wait3A_430 = arith.constant 1 : i32
    %dma_wait3A_431 = arith.constant 1 : i32
    %dma_wait3A_432 = arith.constant 0 : i32
    %dma_wait3A_433 = tpu.memref_slice %arg7[%dma_wait3A_430, %dma_wait3A_431, %dma_wait3A_432] : memref<2x8x80xi32, #tpu.memory_space<vmem>> -> memref<1x1x80xi32, #tpu.memory_space<vmem>>
    %dma_wait3A_434 = tpu.memref_squeeze %dma_wait3A_433 : memref<1x1x80xi32, #tpu.memory_space<vmem>> -> memref<80xi32, #tpu.memory_space<vmem>>
    %dma_wait3A_435 = arith.constant 0 : i32
    %dma_wait3A_436 = arith.constant 0 : i32
    %dma_wait3A_437 = tpu.memref_slice %arg2[%dma_wait3A_435, %dma_wait3A_436] : memref<10000x128xf32, #tpu.memory_space<hbm>> -> memref<10000x128xf32, #tpu.memory_space<hbm>>
    tpu.wait_indirect_dma semaphore(%arg14 : memref<!tpu.dma_semaphore, #tpu.memory_space<semaphore_mem>>) src(%dma_wait3A_437 : memref<10000x128xf32, #tpu.memory_space<hbm>>) dst(%arg10 : memref<80x128xf32, #tpu.memory_space<vmem>>)
    %dma_start3A_438 = arith.constant 1 : i32
    %dma_start3A_439 = arith.constant 1 : i32
    %dma_start3A_440 = arith.constant 0 : i32
    %dma_start3A_441 = tpu.memref_slice %arg8[%dma_start3A_438, %dma_start3A_439, %dma_start3A_440] : memref<2x8x80xi32, #tpu.memory_space<vmem>> -> memref<1x1x80xi32, #tpu.memory_space<vmem>>
    %dma_start3A_442 = tpu.memref_squeeze %dma_start3A_441 : memref<1x1x80xi32, #tpu.memory_space<vmem>> -> memref<80xi32, #tpu.memory_space<vmem>>
    %dma_start3A_443 = arith.constant 0 : i32
    %dma_start3A_444 = arith.constant 0 : i32
    %dma_start3A_445 = tpu.memref_slice %arg23[%dma_start3A_443, %dma_start3A_444] : memref<10112x128xf32, #tpu.memory_space<vmem_shared>> -> memref<10112x128xf32, #tpu.memory_space<vmem_shared>>
    tpu.enqueue_indirect_dma source(%arg10 : memref<80x128xf32, #tpu.memory_space<vmem>>) target(%dma_start3A_445 : memref<10112x128xf32, #tpu.memory_space<vmem_shared>>) offsets(%dma_start3A_442 : memref<80xi32, #tpu.memory_space<vmem>>) semaphore(%arg18 : memref<!tpu.dma_semaphore, #tpu.memory_space<semaphore_mem>>) {add = true}
    %dma_wait3A_446 = arith.constant 1 : i32
    %dma_wait3A_447 = arith.constant 2 : i32
    %dma_wait3A_448 = arith.constant 0 : i32
    %dma_wait3A_449 = tpu.memref_slice %arg7[%dma_wait3A_446, %dma_wait3A_447, %dma_wait3A_448] : memref<2x8x80xi32, #tpu.memory_space<vmem>> -> memref<1x1x80xi32, #tpu.memory_space<vmem>>
    %dma_wait3A_450 = tpu.memref_squeeze %dma_wait3A_449 : memref<1x1x80xi32, #tpu.memory_space<vmem>> -> memref<80xi32, #tpu.memory_space<vmem>>
    %dma_wait3A_451 = arith.constant 0 : i32
    %dma_wait3A_452 = arith.constant 0 : i32
    %dma_wait3A_453 = tpu.memref_slice %arg2[%dma_wait3A_451, %dma_wait3A_452] : memref<10000x128xf32, #tpu.memory_space<hbm>> -> memref<10000x128xf32, #tpu.memory_space<hbm>>
    tpu.wait_indirect_dma semaphore(%arg15 : memref<!tpu.dma_semaphore, #tpu.memory_space<semaphore_mem>>) src(%dma_wait3A_453 : memref<10000x128xf32, #tpu.memory_space<hbm>>) dst(%arg11 : memref<80x128xf32, #tpu.memory_space<vmem>>)
    %dma_start3A_454 = arith.constant 1 : i32
    %dma_start3A_455 = arith.constant 2 : i32
    %dma_start3A_456 = arith.constant 0 : i32
    %dma_start3A_457 = tpu.memref_slice %arg8[%dma_start3A_454, %dma_start3A_455, %dma_start3A_456] : memref<2x8x80xi32, #tpu.memory_space<vmem>> -> memref<1x1x80xi32, #tpu.memory_space<vmem>>
    %dma_start3A_458 = tpu.memref_squeeze %dma_start3A_457 : memref<1x1x80xi32, #tpu.memory_space<vmem>> -> memref<80xi32, #tpu.memory_space<vmem>>
    %dma_start3A_459 = arith.constant 0 : i32
    %dma_start3A_460 = arith.constant 0 : i32
    %dma_start3A_461 = tpu.memref_slice %arg23[%dma_start3A_459, %dma_start3A_460] : memref<10112x128xf32, #tpu.memory_space<vmem_shared>> -> memref<10112x128xf32, #tpu.memory_space<vmem_shared>>
    tpu.enqueue_indirect_dma source(%arg11 : memref<80x128xf32, #tpu.memory_space<vmem>>) target(%dma_start3A_461 : memref<10112x128xf32, #tpu.memory_space<vmem_shared>>) offsets(%dma_start3A_458 : memref<80xi32, #tpu.memory_space<vmem>>) semaphore(%arg19 : memref<!tpu.dma_semaphore, #tpu.memory_space<semaphore_mem>>) {add = true}
    %dma_wait3A_462 = arith.constant 1 : i32
    %dma_wait3A_463 = arith.constant 3 : i32
    %dma_wait3A_464 = arith.constant 0 : i32
    %dma_wait3A_465 = tpu.memref_slice %arg7[%dma_wait3A_462, %dma_wait3A_463, %dma_wait3A_464] : memref<2x8x80xi32, #tpu.memory_space<vmem>> -> memref<1x1x80xi32, #tpu.memory_space<vmem>>
    %dma_wait3A_466 = tpu.memref_squeeze %dma_wait3A_465 : memref<1x1x80xi32, #tpu.memory_space<vmem>> -> memref<80xi32, #tpu.memory_space<vmem>>
    %dma_wait3A_467 = arith.constant 0 : i32
    %dma_wait3A_468 = arith.constant 0 : i32
    %dma_wait3A_469 = tpu.memref_slice %arg2[%dma_wait3A_467, %dma_wait3A_468] : memref<10000x128xf32, #tpu.memory_space<hbm>> -> memref<10000x128xf32, #tpu.memory_space<hbm>>
    tpu.wait_indirect_dma semaphore(%arg16 : memref<!tpu.dma_semaphore, #tpu.memory_space<semaphore_mem>>) src(%dma_wait3A_469 : memref<10000x128xf32, #tpu.memory_space<hbm>>) dst(%arg12 : memref<80x128xf32, #tpu.memory_space<vmem>>)
    %dma_start3A_470 = arith.constant 1 : i32
    %dma_start3A_471 = arith.constant 3 : i32
    %dma_start3A_472 = arith.constant 0 : i32
    %dma_start3A_473 = tpu.memref_slice %arg8[%dma_start3A_470, %dma_start3A_471, %dma_start3A_472] : memref<2x8x80xi32, #tpu.memory_space<vmem>> -> memref<1x1x80xi32, #tpu.memory_space<vmem>>
    %dma_start3A_474 = tpu.memref_squeeze %dma_start3A_473 : memref<1x1x80xi32, #tpu.memory_space<vmem>> -> memref<80xi32, #tpu.memory_space<vmem>>
    %dma_start3A_475 = arith.constant 0 : i32
    %dma_start3A_476 = arith.constant 0 : i32
    %dma_start3A_477 = tpu.memref_slice %arg23[%dma_start3A_475, %dma_start3A_476] : memref<10112x128xf32, #tpu.memory_space<vmem_shared>> -> memref<10112x128xf32, #tpu.memory_space<vmem_shared>>
    tpu.enqueue_indirect_dma source(%arg12 : memref<80x128xf32, #tpu.memory_space<vmem>>) target(%dma_start3A_477 : memref<10112x128xf32, #tpu.memory_space<vmem_shared>>) offsets(%dma_start3A_474 : memref<80xi32, #tpu.memory_space<vmem>>) semaphore(%arg20 : memref<!tpu.dma_semaphore, #tpu.memory_space<semaphore_mem>>) {add = true}
    %dma_wait3A_478 = arith.constant 1 : i32
    %dma_wait3A_479 = arith.constant 0 : i32
    %dma_wait3A_480 = arith.constant 0 : i32
    %dma_wait3A_481 = tpu.memref_slice %arg8[%dma_wait3A_478, %dma_wait3A_479, %dma_wait3A_480] : memref<2x8x80xi32, #tpu.memory_space<vmem>> -> memref<1x1x80xi32, #tpu.memory_space<vmem>>
    %dma_wait3A_482 = tpu.memref_squeeze %dma_wait3A_481 : memref<1x1x80xi32, #tpu.memory_space<vmem>> -> memref<80xi32, #tpu.memory_space<vmem>>
    %dma_wait3A_483 = arith.constant 0 : i32
    %dma_wait3A_484 = arith.constant 0 : i32
    %dma_wait3A_485 = tpu.memref_slice %arg23[%dma_wait3A_483, %dma_wait3A_484] : memref<10112x128xf32, #tpu.memory_space<vmem_shared>> -> memref<10112x128xf32, #tpu.memory_space<vmem_shared>>
    tpu.wait_indirect_dma semaphore(%arg17 : memref<!tpu.dma_semaphore, #tpu.memory_space<semaphore_mem>>) src(%arg9 : memref<80x128xf32, #tpu.memory_space<vmem>>) dst(%dma_wait3A_485 : memref<10112x128xf32, #tpu.memory_space<vmem_shared>>)
    %dma_start3A_486 = arith.constant 1 : i32
    %dma_start3A_487 = arith.constant 4 : i32
    %dma_start3A_488 = arith.constant 0 : i32
    %dma_start3A_489 = tpu.memref_slice %arg7[%dma_start3A_486, %dma_start3A_487, %dma_start3A_488] : memref<2x8x80xi32, #tpu.memory_space<vmem>> -> memref<1x1x80xi32, #tpu.memory_space<vmem>>
    %dma_start3A_490 = tpu.memref_squeeze %dma_start3A_489 : memref<1x1x80xi32, #tpu.memory_space<vmem>> -> memref<80xi32, #tpu.memory_space<vmem>>
    %dma_start3A_491 = arith.constant 0 : i32
    %dma_start3A_492 = arith.constant 0 : i32
    %dma_start3A_493 = tpu.memref_slice %arg2[%dma_start3A_491, %dma_start3A_492] : memref<10000x128xf32, #tpu.memory_space<hbm>> -> memref<10000x128xf32, #tpu.memory_space<hbm>>
    tpu.enqueue_indirect_dma source(%dma_start3A_493 : memref<10000x128xf32, #tpu.memory_space<hbm>>) target(%arg9 : memref<80x128xf32, #tpu.memory_space<vmem>>) offsets(%dma_start3A_490 : memref<80xi32, #tpu.memory_space<vmem>>) semaphore(%arg13 : memref<!tpu.dma_semaphore, #tpu.memory_space<semaphore_mem>>)
    %dma_wait3A_494 = arith.constant 1 : i32
    %dma_wait3A_495 = arith.constant 1 : i32
    %dma_wait3A_496 = arith.constant 0 : i32
    %dma_wait3A_497 = tpu.memref_slice %arg8[%dma_wait3A_494, %dma_wait3A_495, %dma_wait3A_496] : memref<2x8x80xi32, #tpu.memory_space<vmem>> -> memref<1x1x80xi32, #tpu.memory_space<vmem>>
    %dma_wait3A_498 = tpu.memref_squeeze %dma_wait3A_497 : memref<1x1x80xi32, #tpu.memory_space<vmem>> -> memref<80xi32, #tpu.memory_space<vmem>>
    %dma_wait3A_499 = arith.constant 0 : i32
    %dma_wait3A_500 = arith.constant 0 : i32
    %dma_wait3A_501 = tpu.memref_slice %arg23[%dma_wait3A_499, %dma_wait3A_500] : memref<10112x128xf32, #tpu.memory_space<vmem_shared>> -> memref<10112x128xf32, #tpu.memory_space<vmem_shared>>
    tpu.wait_indirect_dma semaphore(%arg18 : memref<!tpu.dma_semaphore, #tpu.memory_space<semaphore_mem>>) src(%arg10 : memref<80x128xf32, #tpu.memory_space<vmem>>) dst(%dma_wait3A_501 : memref<10112x128xf32, #tpu.memory_space<vmem_shared>>)
    %dma_start3A_502 = arith.constant 1 : i32
    %dma_start3A_503 = arith.constant 5 : i32
    %dma_start3A_504 = arith.constant 0 : i32
    %dma_start3A_505 = tpu.memref_slice %arg7[%dma_start3A_502, %dma_start3A_503, %dma_start3A_504] : memref<2x8x80xi32, #tpu.memory_space<vmem>> -> memref<1x1x80xi32, #tpu.memory_space<vmem>>
    %dma_start3A_506 = tpu.memref_squeeze %dma_start3A_505 : memref<1x1x80xi32, #tpu.memory_space<vmem>> -> memref<80xi32, #tpu.memory_space<vmem>>
    %dma_start3A_507 = arith.constant 0 : i32
    %dma_start3A_508 = arith.constant 0 : i32
    %dma_start3A_509 = tpu.memref_slice %arg2[%dma_start3A_507, %dma_start3A_508] : memref<10000x128xf32, #tpu.memory_space<hbm>> -> memref<10000x128xf32, #tpu.memory_space<hbm>>
    tpu.enqueue_indirect_dma source(%dma_start3A_509 : memref<10000x128xf32, #tpu.memory_space<hbm>>) target(%arg10 : memref<80x128xf32, #tpu.memory_space<vmem>>) offsets(%dma_start3A_506 : memref<80xi32, #tpu.memory_space<vmem>>) semaphore(%arg14 : memref<!tpu.dma_semaphore, #tpu.memory_space<semaphore_mem>>)
    %dma_wait3A_510 = arith.constant 1 : i32
    %dma_wait3A_511 = arith.constant 2 : i32
    %dma_wait3A_512 = arith.constant 0 : i32
    %dma_wait3A_513 = tpu.memref_slice %arg8[%dma_wait3A_510, %dma_wait3A_511, %dma_wait3A_512] : memref<2x8x80xi32, #tpu.memory_space<vmem>> -> memref<1x1x80xi32, #tpu.memory_space<vmem>>
    %dma_wait3A_514 = tpu.memref_squeeze %dma_wait3A_513 : memref<1x1x80xi32, #tpu.memory_space<vmem>> -> memref<80xi32, #tpu.memory_space<vmem>>
    %dma_wait3A_515 = arith.constant 0 : i32
    %dma_wait3A_516 = arith.constant 0 : i32
    %dma_wait3A_517 = tpu.memref_slice %arg23[%dma_wait3A_515, %dma_wait3A_516] : memref<10112x128xf32, #tpu.memory_space<vmem_shared>> -> memref<10112x128xf32, #tpu.memory_space<vmem_shared>>
    tpu.wait_indirect_dma semaphore(%arg19 : memref<!tpu.dma_semaphore, #tpu.memory_space<semaphore_mem>>) src(%arg11 : memref<80x128xf32, #tpu.memory_space<vmem>>) dst(%dma_wait3A_517 : memref<10112x128xf32, #tpu.memory_space<vmem_shared>>)
    %dma_start3A_518 = arith.constant 1 : i32
    %dma_start3A_519 = arith.constant 6 : i32
    %dma_start3A_520 = arith.constant 0 : i32
    %dma_start3A_521 = tpu.memref_slice %arg7[%dma_start3A_518, %dma_start3A_519, %dma_start3A_520] : memref<2x8x80xi32, #tpu.memory_space<vmem>> -> memref<1x1x80xi32, #tpu.memory_space<vmem>>
    %dma_start3A_522 = tpu.memref_squeeze %dma_start3A_521 : memref<1x1x80xi32, #tpu.memory_space<vmem>> -> memref<80xi32, #tpu.memory_space<vmem>>
    %dma_start3A_523 = arith.constant 0 : i32
    %dma_start3A_524 = arith.constant 0 : i32
    %dma_start3A_525 = tpu.memref_slice %arg2[%dma_start3A_523, %dma_start3A_524] : memref<10000x128xf32, #tpu.memory_space<hbm>> -> memref<10000x128xf32, #tpu.memory_space<hbm>>
    tpu.enqueue_indirect_dma source(%dma_start3A_525 : memref<10000x128xf32, #tpu.memory_space<hbm>>) target(%arg11 : memref<80x128xf32, #tpu.memory_space<vmem>>) offsets(%dma_start3A_522 : memref<80xi32, #tpu.memory_space<vmem>>) semaphore(%arg15 : memref<!tpu.dma_semaphore, #tpu.memory_space<semaphore_mem>>)
    %dma_wait3A_526 = arith.constant 1 : i32
    %dma_wait3A_527 = arith.constant 3 : i32
    %dma_wait3A_528 = arith.constant 0 : i32
    %dma_wait3A_529 = tpu.memref_slice %arg8[%dma_wait3A_526, %dma_wait3A_527, %dma_wait3A_528] : memref<2x8x80xi32, #tpu.memory_space<vmem>> -> memref<1x1x80xi32, #tpu.memory_space<vmem>>
    %dma_wait3A_530 = tpu.memref_squeeze %dma_wait3A_529 : memref<1x1x80xi32, #tpu.memory_space<vmem>> -> memref<80xi32, #tpu.memory_space<vmem>>
    %dma_wait3A_531 = arith.constant 0 : i32
    %dma_wait3A_532 = arith.constant 0 : i32
    %dma_wait3A_533 = tpu.memref_slice %arg23[%dma_wait3A_531, %dma_wait3A_532] : memref<10112x128xf32, #tpu.memory_space<vmem_shared>> -> memref<10112x128xf32, #tpu.memory_space<vmem_shared>>
    tpu.wait_indirect_dma semaphore(%arg20 : memref<!tpu.dma_semaphore, #tpu.memory_space<semaphore_mem>>) src(%arg12 : memref<80x128xf32, #tpu.memory_space<vmem>>) dst(%dma_wait3A_533 : memref<10112x128xf32, #tpu.memory_space<vmem_shared>>)
    %dma_start3A_534 = arith.constant 1 : i32
    %dma_start3A_535 = arith.constant 7 : i32
    %dma_start3A_536 = arith.constant 0 : i32
    %dma_start3A_537 = tpu.memref_slice %arg7[%dma_start3A_534, %dma_start3A_535, %dma_start3A_536] : memref<2x8x80xi32, #tpu.memory_space<vmem>> -> memref<1x1x80xi32, #tpu.memory_space<vmem>>
    %dma_start3A_538 = tpu.memref_squeeze %dma_start3A_537 : memref<1x1x80xi32, #tpu.memory_space<vmem>> -> memref<80xi32, #tpu.memory_space<vmem>>
    %dma_start3A_539 = arith.constant 0 : i32
    %dma_start3A_540 = arith.constant 0 : i32
    %dma_start3A_541 = tpu.memref_slice %arg2[%dma_start3A_539, %dma_start3A_540] : memref<10000x128xf32, #tpu.memory_space<hbm>> -> memref<10000x128xf32, #tpu.memory_space<hbm>>
    tpu.enqueue_indirect_dma source(%dma_start3A_541 : memref<10000x128xf32, #tpu.memory_space<hbm>>) target(%arg12 : memref<80x128xf32, #tpu.memory_space<vmem>>) offsets(%dma_start3A_538 : memref<80xi32, #tpu.memory_space<vmem>>) semaphore(%arg16 : memref<!tpu.dma_semaphore, #tpu.memory_space<semaphore_mem>>)
    %dma_wait3A_542 = arith.constant 1 : i32
    %dma_wait3A_543 = arith.constant 4 : i32
    %dma_wait3A_544 = arith.constant 0 : i32
    %dma_wait3A_545 = tpu.memref_slice %arg7[%dma_wait3A_542, %dma_wait3A_543, %dma_wait3A_544] : memref<2x8x80xi32, #tpu.memory_space<vmem>> -> memref<1x1x80xi32, #tpu.memory_space<vmem>>
    %dma_wait3A_546 = tpu.memref_squeeze %dma_wait3A_545 : memref<1x1x80xi32, #tpu.memory_space<vmem>> -> memref<80xi32, #tpu.memory_space<vmem>>
    %dma_wait3A_547 = arith.constant 0 : i32
    %dma_wait3A_548 = arith.constant 0 : i32
    %dma_wait3A_549 = tpu.memref_slice %arg2[%dma_wait3A_547, %dma_wait3A_548] : memref<10000x128xf32, #tpu.memory_space<hbm>> -> memref<10000x128xf32, #tpu.memory_space<hbm>>
    tpu.wait_indirect_dma semaphore(%arg13 : memref<!tpu.dma_semaphore, #tpu.memory_space<semaphore_mem>>) src(%dma_wait3A_549 : memref<10000x128xf32, #tpu.memory_space<hbm>>) dst(%arg9 : memref<80x128xf32, #tpu.memory_space<vmem>>)
    %dma_start3A_550 = arith.constant 1 : i32
    %dma_start3A_551 = arith.constant 4 : i32
    %dma_start3A_552 = arith.constant 0 : i32
    %dma_start3A_553 = tpu.memref_slice %arg8[%dma_start3A_550, %dma_start3A_551, %dma_start3A_552] : memref<2x8x80xi32, #tpu.memory_space<vmem>> -> memref<1x1x80xi32, #tpu.memory_space<vmem>>
    %dma_start3A_554 = tpu.memref_squeeze %dma_start3A_553 : memref<1x1x80xi32, #tpu.memory_space<vmem>> -> memref<80xi32, #tpu.memory_space<vmem>>
    %dma_start3A_555 = arith.constant 0 : i32
    %dma_start3A_556 = arith.constant 0 : i32
    %dma_start3A_557 = tpu.memref_slice %arg23[%dma_start3A_555, %dma_start3A_556] : memref<10112x128xf32, #tpu.memory_space<vmem_shared>> -> memref<10112x128xf32, #tpu.memory_space<vmem_shared>>
    tpu.enqueue_indirect_dma source(%arg9 : memref<80x128xf32, #tpu.memory_space<vmem>>) target(%dma_start3A_557 : memref<10112x128xf32, #tpu.memory_space<vmem_shared>>) offsets(%dma_start3A_554 : memref<80xi32, #tpu.memory_space<vmem>>) semaphore(%arg17 : memref<!tpu.dma_semaphore, #tpu.memory_space<semaphore_mem>>) {add = true}
    %dma_wait3A_558 = arith.constant 1 : i32
    %dma_wait3A_559 = arith.constant 5 : i32
    %dma_wait3A_560 = arith.constant 0 : i32
    %dma_wait3A_561 = tpu.memref_slice %arg7[%dma_wait3A_558, %dma_wait3A_559, %dma_wait3A_560] : memref<2x8x80xi32, #tpu.memory_space<vmem>> -> memref<1x1x80xi32, #tpu.memory_space<vmem>>
    %dma_wait3A_562 = tpu.memref_squeeze %dma_wait3A_561 : memref<1x1x80xi32, #tpu.memory_space<vmem>> -> memref<80xi32, #tpu.memory_space<vmem>>
    %dma_wait3A_563 = arith.constant 0 : i32
    %dma_wait3A_564 = arith.constant 0 : i32
    %dma_wait3A_565 = tpu.memref_slice %arg2[%dma_wait3A_563, %dma_wait3A_564] : memref<10000x128xf32, #tpu.memory_space<hbm>> -> memref<10000x128xf32, #tpu.memory_space<hbm>>
    tpu.wait_indirect_dma semaphore(%arg14 : memref<!tpu.dma_semaphore, #tpu.memory_space<semaphore_mem>>) src(%dma_wait3A_565 : memref<10000x128xf32, #tpu.memory_space<hbm>>) dst(%arg10 : memref<80x128xf32, #tpu.memory_space<vmem>>)
    %dma_start3A_566 = arith.constant 1 : i32
    %dma_start3A_567 = arith.constant 5 : i32
    %dma_start3A_568 = arith.constant 0 : i32
    %dma_start3A_569 = tpu.memref_slice %arg8[%dma_start3A_566, %dma_start3A_567, %dma_start3A_568] : memref<2x8x80xi32, #tpu.memory_space<vmem>> -> memref<1x1x80xi32, #tpu.memory_space<vmem>>
    %dma_start3A_570 = tpu.memref_squeeze %dma_start3A_569 : memref<1x1x80xi32, #tpu.memory_space<vmem>> -> memref<80xi32, #tpu.memory_space<vmem>>
    %dma_start3A_571 = arith.constant 0 : i32
    %dma_start3A_572 = arith.constant 0 : i32
    %dma_start3A_573 = tpu.memref_slice %arg23[%dma_start3A_571, %dma_start3A_572] : memref<10112x128xf32, #tpu.memory_space<vmem_shared>> -> memref<10112x128xf32, #tpu.memory_space<vmem_shared>>
    tpu.enqueue_indirect_dma source(%arg10 : memref<80x128xf32, #tpu.memory_space<vmem>>) target(%dma_start3A_573 : memref<10112x128xf32, #tpu.memory_space<vmem_shared>>) offsets(%dma_start3A_570 : memref<80xi32, #tpu.memory_space<vmem>>) semaphore(%arg18 : memref<!tpu.dma_semaphore, #tpu.memory_space<semaphore_mem>>) {add = true}
    %dma_wait3A_574 = arith.constant 1 : i32
    %dma_wait3A_575 = arith.constant 6 : i32
    %dma_wait3A_576 = arith.constant 0 : i32
    %dma_wait3A_577 = tpu.memref_slice %arg7[%dma_wait3A_574, %dma_wait3A_575, %dma_wait3A_576] : memref<2x8x80xi32, #tpu.memory_space<vmem>> -> memref<1x1x80xi32, #tpu.memory_space<vmem>>
    %dma_wait3A_578 = tpu.memref_squeeze %dma_wait3A_577 : memref<1x1x80xi32, #tpu.memory_space<vmem>> -> memref<80xi32, #tpu.memory_space<vmem>>
    %dma_wait3A_579 = arith.constant 0 : i32
    %dma_wait3A_580 = arith.constant 0 : i32
    %dma_wait3A_581 = tpu.memref_slice %arg2[%dma_wait3A_579, %dma_wait3A_580] : memref<10000x128xf32, #tpu.memory_space<hbm>> -> memref<10000x128xf32, #tpu.memory_space<hbm>>
    tpu.wait_indirect_dma semaphore(%arg15 : memref<!tpu.dma_semaphore, #tpu.memory_space<semaphore_mem>>) src(%dma_wait3A_581 : memref<10000x128xf32, #tpu.memory_space<hbm>>) dst(%arg11 : memref<80x128xf32, #tpu.memory_space<vmem>>)
    %dma_start3A_582 = arith.constant 1 : i32
    %dma_start3A_583 = arith.constant 6 : i32
    %dma_start3A_584 = arith.constant 0 : i32
    %dma_start3A_585 = tpu.memref_slice %arg8[%dma_start3A_582, %dma_start3A_583, %dma_start3A_584] : memref<2x8x80xi32, #tpu.memory_space<vmem>> -> memref<1x1x80xi32, #tpu.memory_space<vmem>>
    %dma_start3A_586 = tpu.memref_squeeze %dma_start3A_585 : memref<1x1x80xi32, #tpu.memory_space<vmem>> -> memref<80xi32, #tpu.memory_space<vmem>>
    %dma_start3A_587 = arith.constant 0 : i32
    %dma_start3A_588 = arith.constant 0 : i32
    %dma_start3A_589 = tpu.memref_slice %arg23[%dma_start3A_587, %dma_start3A_588] : memref<10112x128xf32, #tpu.memory_space<vmem_shared>> -> memref<10112x128xf32, #tpu.memory_space<vmem_shared>>
    tpu.enqueue_indirect_dma source(%arg11 : memref<80x128xf32, #tpu.memory_space<vmem>>) target(%dma_start3A_589 : memref<10112x128xf32, #tpu.memory_space<vmem_shared>>) offsets(%dma_start3A_586 : memref<80xi32, #tpu.memory_space<vmem>>) semaphore(%arg19 : memref<!tpu.dma_semaphore, #tpu.memory_space<semaphore_mem>>) {add = true}
    %dma_wait3A_590 = arith.constant 1 : i32
    %dma_wait3A_591 = arith.constant 7 : i32
    %dma_wait3A_592 = arith.constant 0 : i32
    %dma_wait3A_593 = tpu.memref_slice %arg7[%dma_wait3A_590, %dma_wait3A_591, %dma_wait3A_592] : memref<2x8x80xi32, #tpu.memory_space<vmem>> -> memref<1x1x80xi32, #tpu.memory_space<vmem>>
    %dma_wait3A_594 = tpu.memref_squeeze %dma_wait3A_593 : memref<1x1x80xi32, #tpu.memory_space<vmem>> -> memref<80xi32, #tpu.memory_space<vmem>>
    %dma_wait3A_595 = arith.constant 0 : i32
    %dma_wait3A_596 = arith.constant 0 : i32
    %dma_wait3A_597 = tpu.memref_slice %arg2[%dma_wait3A_595, %dma_wait3A_596] : memref<10000x128xf32, #tpu.memory_space<hbm>> -> memref<10000x128xf32, #tpu.memory_space<hbm>>
    tpu.wait_indirect_dma semaphore(%arg16 : memref<!tpu.dma_semaphore, #tpu.memory_space<semaphore_mem>>) src(%dma_wait3A_597 : memref<10000x128xf32, #tpu.memory_space<hbm>>) dst(%arg12 : memref<80x128xf32, #tpu.memory_space<vmem>>)
    %dma_start3A_598 = arith.constant 1 : i32
    %dma_start3A_599 = arith.constant 7 : i32
    %dma_start3A_600 = arith.constant 0 : i32
    %dma_start3A_601 = tpu.memref_slice %arg8[%dma_start3A_598, %dma_start3A_599, %dma_start3A_600] : memref<2x8x80xi32, #tpu.memory_space<vmem>> -> memref<1x1x80xi32, #tpu.memory_space<vmem>>
    %dma_start3A_602 = tpu.memref_squeeze %dma_start3A_601 : memref<1x1x80xi32, #tpu.memory_space<vmem>> -> memref<80xi32, #tpu.memory_space<vmem>>
    %dma_start3A_603 = arith.constant 0 : i32
    %dma_start3A_604 = arith.constant 0 : i32
    %dma_start3A_605 = tpu.memref_slice %arg23[%dma_start3A_603, %dma_start3A_604] : memref<10112x128xf32, #tpu.memory_space<vmem_shared>> -> memref<10112x128xf32, #tpu.memory_space<vmem_shared>>
    tpu.enqueue_indirect_dma source(%arg12 : memref<80x128xf32, #tpu.memory_space<vmem>>) target(%dma_start3A_605 : memref<10112x128xf32, #tpu.memory_space<vmem_shared>>) offsets(%dma_start3A_602 : memref<80xi32, #tpu.memory_space<vmem>>) semaphore(%arg20 : memref<!tpu.dma_semaphore, #tpu.memory_space<semaphore_mem>>) {add = true}
    %dma_wait3A_606 = arith.constant 1 : i32
    %dma_wait3A_607 = arith.constant 4 : i32
    %dma_wait3A_608 = arith.constant 0 : i32
    %dma_wait3A_609 = tpu.memref_slice %arg8[%dma_wait3A_606, %dma_wait3A_607, %dma_wait3A_608] : memref<2x8x80xi32, #tpu.memory_space<vmem>> -> memref<1x1x80xi32, #tpu.memory_space<vmem>>
    %dma_wait3A_610 = tpu.memref_squeeze %dma_wait3A_609 : memref<1x1x80xi32, #tpu.memory_space<vmem>> -> memref<80xi32, #tpu.memory_space<vmem>>
    %dma_wait3A_611 = arith.constant 0 : i32
    %dma_wait3A_612 = arith.constant 0 : i32
    %dma_wait3A_613 = tpu.memref_slice %arg23[%dma_wait3A_611, %dma_wait3A_612] : memref<10112x128xf32, #tpu.memory_space<vmem_shared>> -> memref<10112x128xf32, #tpu.memory_space<vmem_shared>>
    tpu.wait_indirect_dma semaphore(%arg17 : memref<!tpu.dma_semaphore, #tpu.memory_space<semaphore_mem>>) src(%arg9 : memref<80x128xf32, #tpu.memory_space<vmem>>) dst(%dma_wait3A_613 : memref<10112x128xf32, #tpu.memory_space<vmem_shared>>)
    %dma_wait3A_614 = arith.constant 1 : i32
    %dma_wait3A_615 = arith.constant 5 : i32
    %dma_wait3A_616 = arith.constant 0 : i32
    %dma_wait3A_617 = tpu.memref_slice %arg8[%dma_wait3A_614, %dma_wait3A_615, %dma_wait3A_616] : memref<2x8x80xi32, #tpu.memory_space<vmem>> -> memref<1x1x80xi32, #tpu.memory_space<vmem>>
    %dma_wait3A_618 = tpu.memref_squeeze %dma_wait3A_617 : memref<1x1x80xi32, #tpu.memory_space<vmem>> -> memref<80xi32, #tpu.memory_space<vmem>>
    %dma_wait3A_619 = arith.constant 0 : i32
    %dma_wait3A_620 = arith.constant 0 : i32
    %dma_wait3A_621 = tpu.memref_slice %arg23[%dma_wait3A_619, %dma_wait3A_620] : memref<10112x128xf32, #tpu.memory_space<vmem_shared>> -> memref<10112x128xf32, #tpu.memory_space<vmem_shared>>
    tpu.wait_indirect_dma semaphore(%arg18 : memref<!tpu.dma_semaphore, #tpu.memory_space<semaphore_mem>>) src(%arg10 : memref<80x128xf32, #tpu.memory_space<vmem>>) dst(%dma_wait3A_621 : memref<10112x128xf32, #tpu.memory_space<vmem_shared>>)
    %dma_wait3A_622 = arith.constant 1 : i32
    %dma_wait3A_623 = arith.constant 6 : i32
    %dma_wait3A_624 = arith.constant 0 : i32
    %dma_wait3A_625 = tpu.memref_slice %arg8[%dma_wait3A_622, %dma_wait3A_623, %dma_wait3A_624] : memref<2x8x80xi32, #tpu.memory_space<vmem>> -> memref<1x1x80xi32, #tpu.memory_space<vmem>>
    %dma_wait3A_626 = tpu.memref_squeeze %dma_wait3A_625 : memref<1x1x80xi32, #tpu.memory_space<vmem>> -> memref<80xi32, #tpu.memory_space<vmem>>
    %dma_wait3A_627 = arith.constant 0 : i32
    %dma_wait3A_628 = arith.constant 0 : i32
    %dma_wait3A_629 = tpu.memref_slice %arg23[%dma_wait3A_627, %dma_wait3A_628] : memref<10112x128xf32, #tpu.memory_space<vmem_shared>> -> memref<10112x128xf32, #tpu.memory_space<vmem_shared>>
    tpu.wait_indirect_dma semaphore(%arg19 : memref<!tpu.dma_semaphore, #tpu.memory_space<semaphore_mem>>) src(%arg11 : memref<80x128xf32, #tpu.memory_space<vmem>>) dst(%dma_wait3A_629 : memref<10112x128xf32, #tpu.memory_space<vmem_shared>>)
    %dma_wait3A_630 = arith.constant 1 : i32
    %dma_wait3A_631 = arith.constant 7 : i32
    %dma_wait3A_632 = arith.constant 0 : i32
    %dma_wait3A_633 = tpu.memref_slice %arg8[%dma_wait3A_630, %dma_wait3A_631, %dma_wait3A_632] : memref<2x8x80xi32, #tpu.memory_space<vmem>> -> memref<1x1x80xi32, #tpu.memory_space<vmem>>
    %dma_wait3A_634 = tpu.memref_squeeze %dma_wait3A_633 : memref<1x1x80xi32, #tpu.memory_space<vmem>> -> memref<80xi32, #tpu.memory_space<vmem>>
    %dma_wait3A_635 = arith.constant 0 : i32
    %dma_wait3A_636 = arith.constant 0 : i32
    %dma_wait3A_637 = tpu.memref_slice %arg23[%dma_wait3A_635, %dma_wait3A_636] : memref<10112x128xf32, #tpu.memory_space<vmem_shared>> -> memref<10112x128xf32, #tpu.memory_space<vmem_shared>>
    tpu.wait_indirect_dma semaphore(%arg20 : memref<!tpu.dma_semaphore, #tpu.memory_space<semaphore_mem>>) src(%arg12 : memref<80x128xf32, #tpu.memory_space<vmem>>) dst(%dma_wait3A_637 : memref<10112x128xf32, #tpu.memory_space<vmem_shared>>)
    %barrier3A_638 = arith.constant 0 : index
    tpu.barrier barrier_id(%barrier3A_638)
    %mul3A_639 = arith.constant 632 : i32
    %mul3A_640 = arith.muli %arg1, %mul3A_639 : i32
    %mul3A_641 = arith.constant 632 : i32
    %mul3A_642 = arith.muli %arg1, %mul3A_641 : i32
    "tpu.region"() ({
      %run_scoped3A = tpu.sem_alloc : memref<!tpu.dma_semaphore, #tpu.memory_space<semaphore_mem>>
      %dma_start3A_643 = arith.constant 0 : i32
      %dma_start3A_644 = tpu.memref_slice %arg6[%arg0, %mul3A_642, %dma_start3A_643] : memref<2x10112x128xf32, #tpu.memory_space<hbm>> -> memref<1x632x128xf32, #tpu.memory_space<hbm>>
      %dma_start3A_645 = tpu.memref_squeeze %dma_start3A_644 : memref<1x632x128xf32, #tpu.memory_space<hbm>> -> memref<632x128xf32, #tpu.memory_space<hbm>>
      %dma_start3A_646 = arith.constant 0 : i32
      %dma_start3A_647 = tpu.memref_slice %arg23[%mul3A_640, %dma_start3A_646] : memref<10112x128xf32, #tpu.memory_space<vmem_shared>> -> memref<632x128xf32, #tpu.memory_space<vmem_shared>>
      tpu.enqueue_dma source(%dma_start3A_647 : memref<632x128xf32, #tpu.memory_space<vmem_shared>>) target(%dma_start3A_645 : memref<632x128xf32, #tpu.memory_space<hbm>>) target_semaphore(%run_scoped3A : memref<!tpu.dma_semaphore, #tpu.memory_space<semaphore_mem>>)
      %dma_wait3A_648 = arith.constant 0 : i32
      %dma_wait3A_649 = tpu.memref_slice %arg6[%arg0, %mul3A_642, %dma_wait3A_648] : memref<2x10112x128xf32, #tpu.memory_space<hbm>> -> memref<1x632x128xf32, #tpu.memory_space<hbm>>
      %dma_wait3A_650 = tpu.memref_squeeze %dma_wait3A_649 : memref<1x632x128xf32, #tpu.memory_space<hbm>> -> memref<632x128xf32, #tpu.memory_space<hbm>>
      %dma_wait3A_651 = arith.constant 0 : i32
      %dma_wait3A_652 = tpu.memref_slice %arg23[%mul3A_640, %dma_wait3A_651] : memref<10112x128xf32, #tpu.memory_space<vmem_shared>> -> memref<632x128xf32, #tpu.memory_space<vmem_shared>>
      tpu.wait_dma2 semaphore(%run_scoped3A : memref<!tpu.dma_semaphore, #tpu.memory_space<semaphore_mem>>) src(%dma_wait3A_652 : memref<632x128xf32, #tpu.memory_space<vmem_shared>>) dst(%dma_wait3A_650 : memref<632x128xf32, #tpu.memory_space<hbm>>)
      tpu.yield
    }) : () -> ()
    return
  }
}

#map = affine_map<(d0, d1) -> (0, 0)>
#map1 = affine_map<(d0, d1) -> (0, 0, 0)>
module attributes {stable_mosaic.version = 14 : i64} {
  func.func @_sc_segsum_body(%arg0: i32, %arg1: i32, %arg2: memref<10000x128xf32, #tpu.memory_space<hbm>>, %arg3: memref<4096x80xi32, #tpu.memory_space<hbm>>, %arg4: memref<4096x80xi32, #tpu.memory_space<hbm>>, %arg5: memref<632x128xf32, #tpu.memory_space<hbm>>, %arg6: memref<2x10112x128xf32, #tpu.memory_space<hbm>>, %arg7: memref<2x8x80xi32, #tpu.memory_space<vmem>>, %arg8: memref<2x8x80xi32, #tpu.memory_space<vmem>>, %arg9: memref<80x128xf32, #tpu.memory_space<vmem>>, %arg10: memref<80x128xf32, #tpu.memory_space<vmem>>, %arg11: memref<80x128xf32, #tpu.memory_space<vmem>>, %arg12: memref<80x128xf32, #tpu.memory_space<vmem>>, %arg13: memref<!tpu.dma_semaphore, #tpu.memory_space<semaphore_mem>>, %arg14: memref<!tpu.dma_semaphore, #tpu.memory_space<semaphore_mem>>, %arg15: memref<!tpu.dma_semaphore, #tpu.memory_space<semaphore_mem>>, %arg16: memref<!tpu.dma_semaphore, #tpu.memory_space<semaphore_mem>>, %arg17: memref<!tpu.dma_semaphore, #tpu.memory_space<semaphore_mem>>, %arg18: memref<!tpu.dma_semaphore, #tpu.memory_space<semaphore_mem>>, %arg19: memref<!tpu.dma_semaphore, #tpu.memory_space<semaphore_mem>>, %arg20: memref<!tpu.dma_semaphore, #tpu.memory_space<semaphore_mem>>, %arg21: memref<!tpu.dma_semaphore, #tpu.memory_space<semaphore_mem>>, %arg22: memref<!tpu.dma_semaphore, #tpu.memory_space<semaphore_mem>>, %arg23: memref<10112x128xf32, #tpu.memory_space<vmem_shared>>) attributes {dimension_semantics = [#tpu.dimension_semantics<core_parallel>, #tpu.dimension_semantics<subcore_parallel>], iteration_bounds = array<i64: 2, 16>, scalar_prefetch = 0 : i64, scratch_operands = 17 : i64, tpu.core_type = #tpu.core_type<sc_vector_subcore>, window_params = [{transform_indices = #map}, {transform_indices = #map}, {transform_indices = #map}, {transform_indices = #map}, {transform_indices = #map1}]} {
    %mul3A = arith.constant 2 : i32
    %mul3A_0 = arith.muli %arg1, %mul3A : i32
    %add3A = arith.addi %mul3A_0, %arg0 : i32
    %mul3A_1 = arith.constant 632 : i32
    %mul3A_2 = arith.muli %arg1, %mul3A_1 : i32
    "tpu.region"() ({
      %run_scoped3A = tpu.sem_alloc : memref<!tpu.dma_semaphore, #tpu.memory_space<semaphore_mem>>
      %dma_start3A_643 = arith.constant 0 : i32
      %dma_start3A_644 = tpu.memref_slice %arg23[%mul3A_2, %dma_start3A_643] : memref<10112x128xf32, #tpu.memory_space<vmem_shared>> -> memref<632x128xf32, #tpu.memory_space<vmem_shared>>
      tpu.enqueue_dma source(%arg5 : memref<632x128xf32, #tpu.memory_space<hbm>>) target(%dma_start3A_644 : memref<632x128xf32, #tpu.memory_space<vmem_shared>>) target_semaphore(%run_scoped3A : memref<!tpu.dma_semaphore, #tpu.memory_space<semaphore_mem>>)
      %dma_wait3A_645 = arith.constant 0 : i32
      %dma_wait3A_646 = tpu.memref_slice %arg23[%mul3A_2, %dma_wait3A_645] : memref<10112x128xf32, #tpu.memory_space<vmem_shared>> -> memref<632x128xf32, #tpu.memory_space<vmem_shared>>
      tpu.wait_dma2 semaphore(%run_scoped3A : memref<!tpu.dma_semaphore, #tpu.memory_space<semaphore_mem>>) src(%arg5 : memref<632x128xf32, #tpu.memory_space<hbm>>) dst(%dma_wait3A_646 : memref<632x128xf32, #tpu.memory_space<vmem_shared>>)
      tpu.yield
    }) : () -> ()
    %barrier3A = arith.constant 0 : index
    tpu.barrier barrier_id(%barrier3A)
    %mul3A_3 = arith.constant 128 : i32
    %mul3A_4 = arith.muli %add3A, %mul3A_3 : i32
    %add3A_5 = arith.constant 0 : i32
    %add3A_6 = arith.addi %mul3A_4, %add3A_5 : i32
    %dma_start3A = arith.constant 0 : i32
    %dma_start3A_7 = arith.constant 0 : i32
    %dma_start3A_8 = arith.constant 0 : i32
    %dma_start3A_9 = tpu.memref_slice %arg7[%dma_start3A, %dma_start3A_7, %dma_start3A_8] : memref<2x8x80xi32, #tpu.memory_space<vmem>> -> memref<1x8x80xi32, #tpu.memory_space<vmem>>
    %dma_start3A_10 = tpu.memref_squeeze %dma_start3A_9 : memref<1x8x80xi32, #tpu.memory_space<vmem>> -> memref<8x80xi32, #tpu.memory_space<vmem>>
    %dma_start3A_11 = arith.constant 0 : i32
    %dma_start3A_12 = tpu.memref_slice %arg3[%add3A_6, %dma_start3A_11] : memref<4096x80xi32, #tpu.memory_space<hbm>> -> memref<8x80xi32, #tpu.memory_space<hbm>>
    %dma_start3A_13 = arith.constant 0 : i32
    %dma_start3A_14 = arith.constant 0 : i32
    %dma_start3A_15 = tpu.memref_slice %arg7[%dma_start3A, %dma_start3A_13, %dma_start3A_14] : memref<2x8x80xi32, #tpu.memory_space<vmem>> -> memref<1x8x80xi32, #tpu.memory_space<vmem>>
    %dma_start3A_16 = tpu.memref_squeeze %dma_start3A_15 : memref<1x8x80xi32, #tpu.memory_space<vmem>> -> memref<8x80xi32, #tpu.memory_space<vmem>>
    %dma_start3A_17 = arith.constant 0 : i32
    %dma_start3A_18 = tpu.memref_slice %arg3[%add3A_6, %dma_start3A_17] : memref<4096x80xi32, #tpu.memory_space<hbm>> -> memref<8x80xi32, #tpu.memory_space<hbm>>
    tpu.enqueue_dma source(%dma_start3A_18 : memref<8x80xi32, #tpu.memory_space<hbm>>) target(%dma_start3A_16 : memref<8x80xi32, #tpu.memory_space<vmem>>) target_semaphore(%arg21 : memref<!tpu.dma_semaphore, #tpu.memory_space<semaphore_mem>>)
    %dma_start3A_19 = arith.constant 0 : i32
    %dma_start3A_20 = arith.constant 0 : i32
    %dma_start3A_21 = arith.constant 0 : i32
    %dma_start3A_22 = tpu.memref_slice %arg8[%dma_start3A_19, %dma_start3A_20, %dma_start3A_21] : memref<2x8x80xi32, #tpu.memory_space<vmem>> -> memref<1x8x80xi32, #tpu.memory_space<vmem>>
    %dma_start3A_23 = tpu.memref_squeeze %dma_start3A_22 : memref<1x8x80xi32, #tpu.memory_space<vmem>> -> memref<8x80xi32, #tpu.memory_space<vmem>>
    %dma_start3A_24 = arith.constant 0 : i32
    %dma_start3A_25 = tpu.memref_slice %arg4[%add3A_6, %dma_start3A_24] : memref<4096x80xi32, #tpu.memory_space<hbm>> -> memref<8x80xi32, #tpu.memory_space<hbm>>
    %dma_start3A_26 = arith.constant 0 : i32
    %dma_start3A_27 = arith.constant 0 : i32
    %dma_start3A_28 = tpu.memref_slice %arg8[%dma_start3A_19, %dma_start3A_26, %dma_start3A_27] : memref<2x8x80xi32, #tpu.memory_space<vmem>> -> memref<1x8x80xi32, #tpu.memory_space<vmem>>
    %dma_start3A_29 = tpu.memref_squeeze %dma_start3A_28 : memref<1x8x80xi32, #tpu.memory_space<vmem>> -> memref<8x80xi32, #tpu.memory_space<vmem>>
    %dma_start3A_30 = arith.constant 0 : i32
    %dma_start3A_31 = tpu.memref_slice %arg4[%add3A_6, %dma_start3A_30] : memref<4096x80xi32, #tpu.memory_space<hbm>> -> memref<8x80xi32, #tpu.memory_space<hbm>>
    tpu.enqueue_dma source(%dma_start3A_31 : memref<8x80xi32, #tpu.memory_space<hbm>>) target(%dma_start3A_29 : memref<8x80xi32, #tpu.memory_space<vmem>>) target_semaphore(%arg21 : memref<!tpu.dma_semaphore, #tpu.memory_space<semaphore_mem>>)
    %mul3A_32 = arith.constant 128 : i32
    %mul3A_33 = arith.muli %add3A, %mul3A_32 : i32
    %add3A_34 = arith.constant 8 : i32
    %add3A_35 = arith.addi %mul3A_33, %add3A_34 : i32
    %dma_start3A_36 = arith.constant 1 : i32
    %dma_start3A_37 = arith.constant 0 : i32
    %dma_start3A_38 = arith.constant 0 : i32
    %dma_start3A_39 = tpu.memref_slice %arg7[%dma_start3A_36, %dma_start3A_37, %dma_start3A_38] : memref<2x8x80xi32, #tpu.memory_space<vmem>> -> memref<1x8x80xi32, #tpu.memory_space<vmem>>
    %dma_start3A_40 = tpu.memref_squeeze %dma_start3A_39 : memref<1x8x80xi32, #tpu.memory_space<vmem>> -> memref<8x80xi32, #tpu.memory_space<vmem>>
    %dma_start3A_41 = arith.constant 0 : i32
    %dma_start3A_42 = tpu.memref_slice %arg3[%add3A_35, %dma_start3A_41] : memref<4096x80xi32, #tpu.memory_space<hbm>> -> memref<8x80xi32, #tpu.memory_space<hbm>>
    %dma_start3A_43 = arith.constant 0 : i32
    %dma_start3A_44 = arith.constant 0 : i32
    %dma_start3A_45 = tpu.memref_slice %arg7[%dma_start3A_36, %dma_start3A_43, %dma_start3A_44] : memref<2x8x80xi32, #tpu.memory_space<vmem>> -> memref<1x8x80xi32, #tpu.memory_space<vmem>>
    %dma_start3A_46 = tpu.memref_squeeze %dma_start3A_45 : memref<1x8x80xi32, #tpu.memory_space<vmem>> -> memref<8x80xi32, #tpu.memory_space<vmem>>
    %dma_start3A_47 = arith.constant 0 : i32
    %dma_start3A_48 = tpu.memref_slice %arg3[%add3A_35, %dma_start3A_47] : memref<4096x80xi32, #tpu.memory_space<hbm>> -> memref<8x80xi32, #tpu.memory_space<hbm>>
    tpu.enqueue_dma source(%dma_start3A_48 : memref<8x80xi32, #tpu.memory_space<hbm>>) target(%dma_start3A_46 : memref<8x80xi32, #tpu.memory_space<vmem>>) target_semaphore(%arg22 : memref<!tpu.dma_semaphore, #tpu.memory_space<semaphore_mem>>)
    %dma_start3A_49 = arith.constant 1 : i32
    %dma_start3A_50 = arith.constant 0 : i32
    %dma_start3A_51 = arith.constant 0 : i32
    %dma_start3A_52 = tpu.memref_slice %arg8[%dma_start3A_49, %dma_start3A_50, %dma_start3A_51] : memref<2x8x80xi32, #tpu.memory_space<vmem>> -> memref<1x8x80xi32, #tpu.memory_space<vmem>>
    %dma_start3A_53 = tpu.memref_squeeze %dma_start3A_52 : memref<1x8x80xi32, #tpu.memory_space<vmem>> -> memref<8x80xi32, #tpu.memory_space<vmem>>
    %dma_start3A_54 = arith.constant 0 : i32
    %dma_start3A_55 = tpu.memref_slice %arg4[%add3A_35, %dma_start3A_54] : memref<4096x80xi32, #tpu.memory_space<hbm>> -> memref<8x80xi32, #tpu.memory_space<hbm>>
    %dma_start3A_56 = arith.constant 0 : i32
    %dma_start3A_57 = arith.constant 0 : i32
    %dma_start3A_58 = tpu.memref_slice %arg8[%dma_start3A_49, %dma_start3A_56, %dma_start3A_57] : memref<2x8x80xi32, #tpu.memory_space<vmem>> -> memref<1x8x80xi32, #tpu.memory_space<vmem>>
    %dma_start3A_59 = tpu.memref_squeeze %dma_start3A_58 : memref<1x8x80xi32, #tpu.memory_space<vmem>> -> memref<8x80xi32, #tpu.memory_space<vmem>>
    %dma_start3A_60 = arith.constant 0 : i32
    %dma_start3A_61 = tpu.memref_slice %arg4[%add3A_35, %dma_start3A_60] : memref<4096x80xi32, #tpu.memory_space<hbm>> -> memref<8x80xi32, #tpu.memory_space<hbm>>
    tpu.enqueue_dma source(%dma_start3A_61 : memref<8x80xi32, #tpu.memory_space<hbm>>) target(%dma_start3A_59 : memref<8x80xi32, #tpu.memory_space<vmem>>) target_semaphore(%arg22 : memref<!tpu.dma_semaphore, #tpu.memory_space<semaphore_mem>>)
    %mul3A_62 = arith.constant 128 : i32
    %mul3A_63 = arith.muli %add3A, %mul3A_62 : i32
    %add3A_64 = arith.constant 0 : i32
    %add3A_65 = arith.addi %mul3A_63, %add3A_64 : i32
    %dma_wait3A = arith.constant 0 : i32
    %dma_wait3A_66 = arith.constant 0 : i32
    %dma_wait3A_67 = arith.constant 0 : i32
    %dma_wait3A_68 = tpu.memref_slice %arg7[%dma_wait3A, %dma_wait3A_66, %dma_wait3A_67] : memref<2x8x80xi32, #tpu.memory_space<vmem>> -> memref<1x8x80xi32, #tpu.memory_space<vmem>>
    %dma_wait3A_69 = tpu.memref_squeeze %dma_wait3A_68 : memref<1x8x80xi32, #tpu.memory_space<vmem>> -> memref<8x80xi32, #tpu.memory_space<vmem>>
    %dma_wait3A_70 = arith.constant 0 : i32
    %dma_wait3A_71 = tpu.memref_slice %arg3[%add3A_65, %dma_wait3A_70] : memref<4096x80xi32, #tpu.memory_space<hbm>> -> memref<8x80xi32, #tpu.memory_space<hbm>>
    %dma_wait3A_72 = arith.constant 0 : i32
    %dma_wait3A_73 = arith.constant 0 : i32
    %dma_wait3A_74 = tpu.memref_slice %arg7[%dma_wait3A, %dma_wait3A_72, %dma_wait3A_73] : memref<2x8x80xi32, #tpu.memory_space<vmem>> -> memref<1x8x80xi32, #tpu.memory_space<vmem>>
    %dma_wait3A_75 = tpu.memref_squeeze %dma_wait3A_74 : memref<1x8x80xi32, #tpu.memory_space<vmem>> -> memref<8x80xi32, #tpu.memory_space<vmem>>
    %dma_wait3A_76 = arith.constant 0 : i32
    %dma_wait3A_77 = tpu.memref_slice %arg3[%add3A_65, %dma_wait3A_76] : memref<4096x80xi32, #tpu.memory_space<hbm>> -> memref<8x80xi32, #tpu.memory_space<hbm>>
    tpu.wait_dma2 semaphore(%arg21 : memref<!tpu.dma_semaphore, #tpu.memory_space<semaphore_mem>>) src(%dma_wait3A_77 : memref<8x80xi32, #tpu.memory_space<hbm>>) dst(%dma_wait3A_75 : memref<8x80xi32, #tpu.memory_space<vmem>>)
    %dma_wait3A_78 = arith.constant 0 : i32
    %dma_wait3A_79 = arith.constant 0 : i32
    %dma_wait3A_80 = arith.constant 0 : i32
    %dma_wait3A_81 = tpu.memref_slice %arg8[%dma_wait3A_78, %dma_wait3A_79, %dma_wait3A_80] : memref<2x8x80xi32, #tpu.memory_space<vmem>> -> memref<1x8x80xi32, #tpu.memory_space<vmem>>
    %dma_wait3A_82 = tpu.memref_squeeze %dma_wait3A_81 : memref<1x8x80xi32, #tpu.memory_space<vmem>> -> memref<8x80xi32, #tpu.memory_space<vmem>>
    %dma_wait3A_83 = arith.constant 0 : i32
    %dma_wait3A_84 = tpu.memref_slice %arg4[%add3A_65, %dma_wait3A_83] : memref<4096x80xi32, #tpu.memory_space<hbm>> -> memref<8x80xi32, #tpu.memory_space<hbm>>
    %dma_wait3A_85 = arith.constant 0 : i32
    %dma_wait3A_86 = arith.constant 0 : i32
    %dma_wait3A_87 = tpu.memref_slice %arg8[%dma_wait3A_78, %dma_wait3A_85, %dma_wait3A_86] : memref<2x8x80xi32, #tpu.memory_space<vmem>> -> memref<1x8x80xi32, #tpu.memory_space<vmem>>
    %dma_wait3A_88 = tpu.memref_squeeze %dma_wait3A_87 : memref<1x8x80xi32, #tpu.memory_space<vmem>> -> memref<8x80xi32, #tpu.memory_space<vmem>>
    %dma_wait3A_89 = arith.constant 0 : i32
    %dma_wait3A_90 = tpu.memref_slice %arg4[%add3A_65, %dma_wait3A_89] : memref<4096x80xi32, #tpu.memory_space<hbm>> -> memref<8x80xi32, #tpu.memory_space<hbm>>
    tpu.wait_dma2 semaphore(%arg21 : memref<!tpu.dma_semaphore, #tpu.memory_space<semaphore_mem>>) src(%dma_wait3A_90 : memref<8x80xi32, #tpu.memory_space<hbm>>) dst(%dma_wait3A_88 : memref<8x80xi32, #tpu.memory_space<vmem>>)
    %dma_start3A_91 = arith.constant 0 : i32
    %dma_start3A_92 = arith.constant 0 : i32
    %dma_start3A_93 = arith.constant 0 : i32
    %dma_start3A_94 = tpu.memref_slice %arg7[%dma_start3A_91, %dma_start3A_92, %dma_start3A_93] : memref<2x8x80xi32, #tpu.memory_space<vmem>> -> memref<1x1x80xi32, #tpu.memory_space<vmem>>
    %dma_start3A_95 = tpu.memref_squeeze %dma_start3A_94 : memref<1x1x80xi32, #tpu.memory_space<vmem>> -> memref<80xi32, #tpu.memory_space<vmem>>
    %dma_start3A_96 = arith.constant 0 : i32
    %dma_start3A_97 = arith.constant 0 : i32
    %dma_start3A_98 = tpu.memref_slice %arg2[%dma_start3A_96, %dma_start3A_97] : memref<10000x128xf32, #tpu.memory_space<hbm>> -> memref<10000x128xf32, #tpu.memory_space<hbm>>
    tpu.enqueue_indirect_dma source(%dma_start3A_98 : memref<10000x128xf32, #tpu.memory_space<hbm>>) target(%arg9 : memref<80x128xf32, #tpu.memory_space<vmem>>) offsets(%dma_start3A_95 : memref<80xi32, #tpu.memory_space<vmem>>) semaphore(%arg13 : memref<!tpu.dma_semaphore, #tpu.memory_space<semaphore_mem>>)
    %dma_start3A_99 = arith.constant 0 : i32
    %dma_start3A_100 = arith.constant 1 : i32
    %dma_start3A_101 = arith.constant 0 : i32
    %dma_start3A_102 = tpu.memref_slice %arg7[%dma_start3A_99, %dma_start3A_100, %dma_start3A_101] : memref<2x8x80xi32, #tpu.memory_space<vmem>> -> memref<1x1x80xi32, #tpu.memory_space<vmem>>
    %dma_start3A_103 = tpu.memref_squeeze %dma_start3A_102 : memref<1x1x80xi32, #tpu.memory_space<vmem>> -> memref<80xi32, #tpu.memory_space<vmem>>
    %dma_start3A_104 = arith.constant 0 : i32
    %dma_start3A_105 = arith.constant 0 : i32
    %dma_start3A_106 = tpu.memref_slice %arg2[%dma_start3A_104, %dma_start3A_105] : memref<10000x128xf32, #tpu.memory_space<hbm>> -> memref<10000x128xf32, #tpu.memory_space<hbm>>
    tpu.enqueue_indirect_dma source(%dma_start3A_106 : memref<10000x128xf32, #tpu.memory_space<hbm>>) target(%arg10 : memref<80x128xf32, #tpu.memory_space<vmem>>) offsets(%dma_start3A_103 : memref<80xi32, #tpu.memory_space<vmem>>) semaphore(%arg14 : memref<!tpu.dma_semaphore, #tpu.memory_space<semaphore_mem>>)
    %dma_start3A_107 = arith.constant 0 : i32
    %dma_start3A_108 = arith.constant 2 : i32
    %dma_start3A_109 = arith.constant 0 : i32
    %dma_start3A_110 = tpu.memref_slice %arg7[%dma_start3A_107, %dma_start3A_108, %dma_start3A_109] : memref<2x8x80xi32, #tpu.memory_space<vmem>> -> memref<1x1x80xi32, #tpu.memory_space<vmem>>
    %dma_start3A_111 = tpu.memref_squeeze %dma_start3A_110 : memref<1x1x80xi32, #tpu.memory_space<vmem>> -> memref<80xi32, #tpu.memory_space<vmem>>
    %dma_start3A_112 = arith.constant 0 : i32
    %dma_start3A_113 = arith.constant 0 : i32
    %dma_start3A_114 = tpu.memref_slice %arg2[%dma_start3A_112, %dma_start3A_113] : memref<10000x128xf32, #tpu.memory_space<hbm>> -> memref<10000x128xf32, #tpu.memory_space<hbm>>
    tpu.enqueue_indirect_dma source(%dma_start3A_114 : memref<10000x128xf32, #tpu.memory_space<hbm>>) target(%arg11 : memref<80x128xf32, #tpu.memory_space<vmem>>) offsets(%dma_start3A_111 : memref<80xi32, #tpu.memory_space<vmem>>) semaphore(%arg15 : memref<!tpu.dma_semaphore, #tpu.memory_space<semaphore_mem>>)
    %dma_start3A_115 = arith.constant 0 : i32
    %dma_start3A_116 = arith.constant 3 : i32
    %dma_start3A_117 = arith.constant 0 : i32
    %dma_start3A_118 = tpu.memref_slice %arg7[%dma_start3A_115, %dma_start3A_116, %dma_start3A_117] : memref<2x8x80xi32, #tpu.memory_space<vmem>> -> memref<1x1x80xi32, #tpu.memory_space<vmem>>
    %dma_start3A_119 = tpu.memref_squeeze %dma_start3A_118 : memref<1x1x80xi32, #tpu.memory_space<vmem>> -> memref<80xi32, #tpu.memory_space<vmem>>
    %dma_start3A_120 = arith.constant 0 : i32
    %dma_start3A_121 = arith.constant 0 : i32
    %dma_start3A_122 = tpu.memref_slice %arg2[%dma_start3A_120, %dma_start3A_121] : memref<10000x128xf32, #tpu.memory_space<hbm>> -> memref<10000x128xf32, #tpu.memory_space<hbm>>
    tpu.enqueue_indirect_dma source(%dma_start3A_122 : memref<10000x128xf32, #tpu.memory_space<hbm>>) target(%arg12 : memref<80x128xf32, #tpu.memory_space<vmem>>) offsets(%dma_start3A_119 : memref<80xi32, #tpu.memory_space<vmem>>) semaphore(%arg16 : memref<!tpu.dma_semaphore, #tpu.memory_space<semaphore_mem>>)
    %scan3A = arith.constant 0 : i32
    %scan3A_123 = arith.constant 0 : i32
    %scan3A_124 = arith.constant 7 : i32
    %scan3A_125 = arith.addi %scan3A_123, %scan3A_124 : i32
    %scan3A_126 = arith.constant 1 : i32
    scf.for %scan3A_643 = %scan3A_123 to %scan3A_125 step %scan3A_126  : i32 {
      %mul3A_644 = arith.constant 2 : i32
      %mul3A_645 = arith.muli %mul3A_644, %scan3A_643 : i32
      %dma_wait3A_646 = arith.constant 0 : i32
      %dma_wait3A_647 = arith.constant 0 : i32
      %dma_wait3A_648 = arith.constant 0 : i32
      %dma_wait3A_649 = tpu.memref_slice %arg7[%dma_wait3A_646, %dma_wait3A_647, %dma_wait3A_648] : memref<2x8x80xi32, #tpu.memory_space<vmem>> -> memref<1x1x80xi32, #tpu.memory_space<vmem>>
      %dma_wait3A_650 = tpu.memref_squeeze %dma_wait3A_649 : memref<1x1x80xi32, #tpu.memory_space<vmem>> -> memref<80xi32, #tpu.memory_space<vmem>>
      %dma_wait3A_651 = arith.constant 0 : i32
      %dma_wait3A_652 = arith.constant 0 : i32
      %dma_wait3A_653 = tpu.memref_slice %arg2[%dma_wait3A_651, %dma_wait3A_652] : memref<10000x128xf32, #tpu.memory_space<hbm>> -> memref<10000x128xf32, #tpu.memory_space<hbm>>
      tpu.wait_indirect_dma semaphore(%arg13 : memref<!tpu.dma_semaphore, #tpu.memory_space<semaphore_mem>>) src(%dma_wait3A_653 : memref<10000x128xf32, #tpu.memory_space<hbm>>) dst(%arg9 : memref<80x128xf32, #tpu.memory_space<vmem>>)
      %dma_start3A_654 = arith.constant 0 : i32
      %dma_start3A_655 = arith.constant 0 : i32
      %dma_start3A_656 = arith.constant 0 : i32
      %dma_start3A_657 = tpu.memref_slice %arg8[%dma_start3A_654, %dma_start3A_655, %dma_start3A_656] : memref<2x8x80xi32, #tpu.memory_space<vmem>> -> memref<1x1x80xi32, #tpu.memory_space<vmem>>
      %dma_start3A_658 = tpu.memref_squeeze %dma_start3A_657 : memref<1x1x80xi32, #tpu.memory_space<vmem>> -> memref<80xi32, #tpu.memory_space<vmem>>
      %dma_start3A_659 = arith.constant 0 : i32
      %dma_start3A_660 = arith.constant 0 : i32
      %dma_start3A_661 = tpu.memref_slice %arg23[%dma_start3A_659, %dma_start3A_660] : memref<10112x128xf32, #tpu.memory_space<vmem_shared>> -> memref<10112x128xf32, #tpu.memory_space<vmem_shared>>
      tpu.enqueue_indirect_dma source(%arg9 : memref<80x128xf32, #tpu.memory_space<vmem>>) target(%dma_start3A_661 : memref<10112x128xf32, #tpu.memory_space<vmem_shared>>) offsets(%dma_start3A_658 : memref<80xi32, #tpu.memory_space<vmem>>) semaphore(%arg17 : memref<!tpu.dma_semaphore, #tpu.memory_space<semaphore_mem>>) {add = true}
      %dma_wait3A_662 = arith.constant 0 : i32
      %dma_wait3A_663 = arith.constant 1 : i32
      %dma_wait3A_664 = arith.constant 0 : i32
      %dma_wait3A_665 = tpu.memref_slice %arg7[%dma_wait3A_662, %dma_wait3A_663, %dma_wait3A_664] : memref<2x8x80xi32, #tpu.memory_space<vmem>> -> memref<1x1x80xi32, #tpu.memory_space<vmem>>
      %dma_wait3A_666 = tpu.memref_squeeze %dma_wait3A_665 : memref<1x1x80xi32, #tpu.memory_space<vmem>> -> memref<80xi32, #tpu.memory_space<vmem>>
      %dma_wait3A_667 = arith.constant 0 : i32
      %dma_wait3A_668 = arith.constant 0 : i32
      %dma_wait3A_669 = tpu.memref_slice %arg2[%dma_wait3A_667, %dma_wait3A_668] : memref<10000x128xf32, #tpu.memory_space<hbm>> -> memref<10000x128xf32, #tpu.memory_space<hbm>>
      tpu.wait_indirect_dma semaphore(%arg14 : memref<!tpu.dma_semaphore, #tpu.memory_space<semaphore_mem>>) src(%dma_wait3A_669 : memref<10000x128xf32, #tpu.memory_space<hbm>>) dst(%arg10 : memref<80x128xf32, #tpu.memory_space<vmem>>)
      %dma_start3A_670 = arith.constant 0 : i32
      %dma_start3A_671 = arith.constant 1 : i32
      %dma_start3A_672 = arith.constant 0 : i32
      %dma_start3A_673 = tpu.memref_slice %arg8[%dma_start3A_670, %dma_start3A_671, %dma_start3A_672] : memref<2x8x80xi32, #tpu.memory_space<vmem>> -> memref<1x1x80xi32, #tpu.memory_space<vmem>>
      %dma_start3A_674 = tpu.memref_squeeze %dma_start3A_673 : memref<1x1x80xi32, #tpu.memory_space<vmem>> -> memref<80xi32, #tpu.memory_space<vmem>>
      %dma_start3A_675 = arith.constant 0 : i32
      %dma_start3A_676 = arith.constant 0 : i32
      %dma_start3A_677 = tpu.memref_slice %arg23[%dma_start3A_675, %dma_start3A_676] : memref<10112x128xf32, #tpu.memory_space<vmem_shared>> -> memref<10112x128xf32, #tpu.memory_space<vmem_shared>>
      tpu.enqueue_indirect_dma source(%arg10 : memref<80x128xf32, #tpu.memory_space<vmem>>) target(%dma_start3A_677 : memref<10112x128xf32, #tpu.memory_space<vmem_shared>>) offsets(%dma_start3A_674 : memref<80xi32, #tpu.memory_space<vmem>>) semaphore(%arg18 : memref<!tpu.dma_semaphore, #tpu.memory_space<semaphore_mem>>) {add = true}
      %dma_wait3A_678 = arith.constant 0 : i32
      %dma_wait3A_679 = arith.constant 2 : i32
      %dma_wait3A_680 = arith.constant 0 : i32
      %dma_wait3A_681 = tpu.memref_slice %arg7[%dma_wait3A_678, %dma_wait3A_679, %dma_wait3A_680] : memref<2x8x80xi32, #tpu.memory_space<vmem>> -> memref<1x1x80xi32, #tpu.memory_space<vmem>>
      %dma_wait3A_682 = tpu.memref_squeeze %dma_wait3A_681 : memref<1x1x80xi32, #tpu.memory_space<vmem>> -> memref<80xi32, #tpu.memory_space<vmem>>
      %dma_wait3A_683 = arith.constant 0 : i32
      %dma_wait3A_684 = arith.constant 0 : i32
      %dma_wait3A_685 = tpu.memref_slice %arg2[%dma_wait3A_683, %dma_wait3A_684] : memref<10000x128xf32, #tpu.memory_space<hbm>> -> memref<10000x128xf32, #tpu.memory_space<hbm>>
      tpu.wait_indirect_dma semaphore(%arg15 : memref<!tpu.dma_semaphore, #tpu.memory_space<semaphore_mem>>) src(%dma_wait3A_685 : memref<10000x128xf32, #tpu.memory_space<hbm>>) dst(%arg11 : memref<80x128xf32, #tpu.memory_space<vmem>>)
      %dma_start3A_686 = arith.constant 0 : i32
      %dma_start3A_687 = arith.constant 2 : i32
      %dma_start3A_688 = arith.constant 0 : i32
      %dma_start3A_689 = tpu.memref_slice %arg8[%dma_start3A_686, %dma_start3A_687, %dma_start3A_688] : memref<2x8x80xi32, #tpu.memory_space<vmem>> -> memref<1x1x80xi32, #tpu.memory_space<vmem>>
      %dma_start3A_690 = tpu.memref_squeeze %dma_start3A_689 : memref<1x1x80xi32, #tpu.memory_space<vmem>> -> memref<80xi32, #tpu.memory_space<vmem>>
      %dma_start3A_691 = arith.constant 0 : i32
      %dma_start3A_692 = arith.constant 0 : i32
      %dma_start3A_693 = tpu.memref_slice %arg23[%dma_start3A_691, %dma_start3A_692] : memref<10112x128xf32, #tpu.memory_space<vmem_shared>> -> memref<10112x128xf32, #tpu.memory_space<vmem_shared>>
      tpu.enqueue_indirect_dma source(%arg11 : memref<80x128xf32, #tpu.memory_space<vmem>>) target(%dma_start3A_693 : memref<10112x128xf32, #tpu.memory_space<vmem_shared>>) offsets(%dma_start3A_690 : memref<80xi32, #tpu.memory_space<vmem>>) semaphore(%arg19 : memref<!tpu.dma_semaphore, #tpu.memory_space<semaphore_mem>>) {add = true}
      %dma_wait3A_694 = arith.constant 0 : i32
      %dma_wait3A_695 = arith.constant 3 : i32
      %dma_wait3A_696 = arith.constant 0 : i32
      %dma_wait3A_697 = tpu.memref_slice %arg7[%dma_wait3A_694, %dma_wait3A_695, %dma_wait3A_696] : memref<2x8x80xi32, #tpu.memory_space<vmem>> -> memref<1x1x80xi32, #tpu.memory_space<vmem>>
      %dma_wait3A_698 = tpu.memref_squeeze %dma_wait3A_697 : memref<1x1x80xi32, #tpu.memory_space<vmem>> -> memref<80xi32, #tpu.memory_space<vmem>>
      %dma_wait3A_699 = arith.constant 0 : i32
      %dma_wait3A_700 = arith.constant 0 : i32
      %dma_wait3A_701 = tpu.memref_slice %arg2[%dma_wait3A_699, %dma_wait3A_700] : memref<10000x128xf32, #tpu.memory_space<hbm>> -> memref<10000x128xf32, #tpu.memory_space<hbm>>
      tpu.wait_indirect_dma semaphore(%arg16 : memref<!tpu.dma_semaphore, #tpu.memory_space<semaphore_mem>>) src(%dma_wait3A_701 : memref<10000x128xf32, #tpu.memory_space<hbm>>) dst(%arg12 : memref<80x128xf32, #tpu.memory_space<vmem>>)
      %dma_start3A_702 = arith.constant 0 : i32
      %dma_start3A_703 = arith.constant 3 : i32
      %dma_start3A_704 = arith.constant 0 : i32
      %dma_start3A_705 = tpu.memref_slice %arg8[%dma_start3A_702, %dma_start3A_703, %dma_start3A_704] : memref<2x8x80xi32, #tpu.memory_space<vmem>> -> memref<1x1x80xi32, #tpu.memory_space<vmem>>
      %dma_start3A_706 = tpu.memref_squeeze %dma_start3A_705 : memref<1x1x80xi32, #tpu.memory_space<vmem>> -> memref<80xi32, #tpu.memory_space<vmem>>
      %dma_start3A_707 = arith.constant 0 : i32
      %dma_start3A_708 = arith.constant 0 : i32
      %dma_start3A_709 = tpu.memref_slice %arg23[%dma_start3A_707, %dma_start3A_708] : memref<10112x128xf32, #tpu.memory_space<vmem_shared>> -> memref<10112x128xf32, #tpu.memory_space<vmem_shared>>
      tpu.enqueue_indirect_dma source(%arg12 : memref<80x128xf32, #tpu.memory_space<vmem>>) target(%dma_start3A_709 : memref<10112x128xf32, #tpu.memory_space<vmem_shared>>) offsets(%dma_start3A_706 : memref<80xi32, #tpu.memory_space<vmem>>) semaphore(%arg20 : memref<!tpu.dma_semaphore, #tpu.memory_space<semaphore_mem>>) {add = true}
      %dma_wait3A_710 = arith.constant 0 : i32
      %dma_wait3A_711 = arith.constant 0 : i32
      %dma_wait3A_712 = arith.constant 0 : i32
      %dma_wait3A_713 = tpu.memref_slice %arg8[%dma_wait3A_710, %dma_wait3A_711, %dma_wait3A_712] : memref<2x8x80xi32, #tpu.memory_space<vmem>> -> memref<1x1x80xi32, #tpu.memory_space<vmem>>
      %dma_wait3A_714 = tpu.memref_squeeze %dma_wait3A_713 : memref<1x1x80xi32, #tpu.memory_space<vmem>> -> memref<80xi32, #tpu.memory_space<vmem>>
      %dma_wait3A_715 = arith.constant 0 : i32
      %dma_wait3A_716 = arith.constant 0 : i32
      %dma_wait3A_717 = tpu.memref_slice %arg23[%dma_wait3A_715, %dma_wait3A_716] : memref<10112x128xf32, #tpu.memory_space<vmem_shared>> -> memref<10112x128xf32, #tpu.memory_space<vmem_shared>>
      tpu.wait_indirect_dma semaphore(%arg17 : memref<!tpu.dma_semaphore, #tpu.memory_space<semaphore_mem>>) src(%arg9 : memref<80x128xf32, #tpu.memory_space<vmem>>) dst(%dma_wait3A_717 : memref<10112x128xf32, #tpu.memory_space<vmem_shared>>)
      %dma_start3A_718 = arith.constant 0 : i32
      %dma_start3A_719 = arith.constant 4 : i32
      %dma_start3A_720 = arith.constant 0 : i32
      %dma_start3A_721 = tpu.memref_slice %arg7[%dma_start3A_718, %dma_start3A_719, %dma_start3A_720] : memref<2x8x80xi32, #tpu.memory_space<vmem>> -> memref<1x1x80xi32, #tpu.memory_space<vmem>>
      %dma_start3A_722 = tpu.memref_squeeze %dma_start3A_721 : memref<1x1x80xi32, #tpu.memory_space<vmem>> -> memref<80xi32, #tpu.memory_space<vmem>>
      %dma_start3A_723 = arith.constant 0 : i32
      %dma_start3A_724 = arith.constant 0 : i32
      %dma_start3A_725 = tpu.memref_slice %arg2[%dma_start3A_723, %dma_start3A_724] : memref<10000x128xf32, #tpu.memory_space<hbm>> -> memref<10000x128xf32, #tpu.memory_space<hbm>>
      tpu.enqueue_indirect_dma source(%dma_start3A_725 : memref<10000x128xf32, #tpu.memory_space<hbm>>) target(%arg9 : memref<80x128xf32, #tpu.memory_space<vmem>>) offsets(%dma_start3A_722 : memref<80xi32, #tpu.memory_space<vmem>>) semaphore(%arg13 : memref<!tpu.dma_semaphore, #tpu.memory_space<semaphore_mem>>)
      %dma_wait3A_726 = arith.constant 0 : i32
      %dma_wait3A_727 = arith.constant 1 : i32
      %dma_wait3A_728 = arith.constant 0 : i32
      %dma_wait3A_729 = tpu.memref_slice %arg8[%dma_wait3A_726, %dma_wait3A_727, %dma_wait3A_728] : memref<2x8x80xi32, #tpu.memory_space<vmem>> -> memref<1x1x80xi32, #tpu.memory_space<vmem>>
      %dma_wait3A_730 = tpu.memref_squeeze %dma_wait3A_729 : memref<1x1x80xi32, #tpu.memory_space<vmem>> -> memref<80xi32, #tpu.memory_space<vmem>>
      %dma_wait3A_731 = arith.constant 0 : i32
      %dma_wait3A_732 = arith.constant 0 : i32
      %dma_wait3A_733 = tpu.memref_slice %arg23[%dma_wait3A_731, %dma_wait3A_732] : memref<10112x128xf32, #tpu.memory_space<vmem_shared>> -> memref<10112x128xf32, #tpu.memory_space<vmem_shared>>
      tpu.wait_indirect_dma semaphore(%arg18 : memref<!tpu.dma_semaphore, #tpu.memory_space<semaphore_mem>>) src(%arg10 : memref<80x128xf32, #tpu.memory_space<vmem>>) dst(%dma_wait3A_733 : memref<10112x128xf32, #tpu.memory_space<vmem_shared>>)
      %dma_start3A_734 = arith.constant 0 : i32
      %dma_start3A_735 = arith.constant 5 : i32
      %dma_start3A_736 = arith.constant 0 : i32
      %dma_start3A_737 = tpu.memref_slice %arg7[%dma_start3A_734, %dma_start3A_735, %dma_start3A_736] : memref<2x8x80xi32, #tpu.memory_space<vmem>> -> memref<1x1x80xi32, #tpu.memory_space<vmem>>
      %dma_start3A_738 = tpu.memref_squeeze %dma_start3A_737 : memref<1x1x80xi32, #tpu.memory_space<vmem>> -> memref<80xi32, #tpu.memory_space<vmem>>
      %dma_start3A_739 = arith.constant 0 : i32
      %dma_start3A_740 = arith.constant 0 : i32
      %dma_start3A_741 = tpu.memref_slice %arg2[%dma_start3A_739, %dma_start3A_740] : memref<10000x128xf32, #tpu.memory_space<hbm>> -> memref<10000x128xf32, #tpu.memory_space<hbm>>
      tpu.enqueue_indirect_dma source(%dma_start3A_741 : memref<10000x128xf32, #tpu.memory_space<hbm>>) target(%arg10 : memref<80x128xf32, #tpu.memory_space<vmem>>) offsets(%dma_start3A_738 : memref<80xi32, #tpu.memory_space<vmem>>) semaphore(%arg14 : memref<!tpu.dma_semaphore, #tpu.memory_space<semaphore_mem>>)
      %dma_wait3A_742 = arith.constant 0 : i32
      %dma_wait3A_743 = arith.constant 2 : i32
      %dma_wait3A_744 = arith.constant 0 : i32
      %dma_wait3A_745 = tpu.memref_slice %arg8[%dma_wait3A_742, %dma_wait3A_743, %dma_wait3A_744] : memref<2x8x80xi32, #tpu.memory_space<vmem>> -> memref<1x1x80xi32, #tpu.memory_space<vmem>>
      %dma_wait3A_746 = tpu.memref_squeeze %dma_wait3A_745 : memref<1x1x80xi32, #tpu.memory_space<vmem>> -> memref<80xi32, #tpu.memory_space<vmem>>
      %dma_wait3A_747 = arith.constant 0 : i32
      %dma_wait3A_748 = arith.constant 0 : i32
      %dma_wait3A_749 = tpu.memref_slice %arg23[%dma_wait3A_747, %dma_wait3A_748] : memref<10112x128xf32, #tpu.memory_space<vmem_shared>> -> memref<10112x128xf32, #tpu.memory_space<vmem_shared>>
      tpu.wait_indirect_dma semaphore(%arg19 : memref<!tpu.dma_semaphore, #tpu.memory_space<semaphore_mem>>) src(%arg11 : memref<80x128xf32, #tpu.memory_space<vmem>>) dst(%dma_wait3A_749 : memref<10112x128xf32, #tpu.memory_space<vmem_shared>>)
      %dma_start3A_750 = arith.constant 0 : i32
      %dma_start3A_751 = arith.constant 6 : i32
      %dma_start3A_752 = arith.constant 0 : i32
      %dma_start3A_753 = tpu.memref_slice %arg7[%dma_start3A_750, %dma_start3A_751, %dma_start3A_752] : memref<2x8x80xi32, #tpu.memory_space<vmem>> -> memref<1x1x80xi32, #tpu.memory_space<vmem>>
      %dma_start3A_754 = tpu.memref_squeeze %dma_start3A_753 : memref<1x1x80xi32, #tpu.memory_space<vmem>> -> memref<80xi32, #tpu.memory_space<vmem>>
      %dma_start3A_755 = arith.constant 0 : i32
      %dma_start3A_756 = arith.constant 0 : i32
      %dma_start3A_757 = tpu.memref_slice %arg2[%dma_start3A_755, %dma_start3A_756] : memref<10000x128xf32, #tpu.memory_space<hbm>> -> memref<10000x128xf32, #tpu.memory_space<hbm>>
      tpu.enqueue_indirect_dma source(%dma_start3A_757 : memref<10000x128xf32, #tpu.memory_space<hbm>>) target(%arg11 : memref<80x128xf32, #tpu.memory_space<vmem>>) offsets(%dma_start3A_754 : memref<80xi32, #tpu.memory_space<vmem>>) semaphore(%arg15 : memref<!tpu.dma_semaphore, #tpu.memory_space<semaphore_mem>>)
      %dma_wait3A_758 = arith.constant 0 : i32
      %dma_wait3A_759 = arith.constant 3 : i32
      %dma_wait3A_760 = arith.constant 0 : i32
      %dma_wait3A_761 = tpu.memref_slice %arg8[%dma_wait3A_758, %dma_wait3A_759, %dma_wait3A_760] : memref<2x8x80xi32, #tpu.memory_space<vmem>> -> memref<1x1x80xi32, #tpu.memory_space<vmem>>
      %dma_wait3A_762 = tpu.memref_squeeze %dma_wait3A_761 : memref<1x1x80xi32, #tpu.memory_space<vmem>> -> memref<80xi32, #tpu.memory_space<vmem>>
      %dma_wait3A_763 = arith.constant 0 : i32
      %dma_wait3A_764 = arith.constant 0 : i32
      %dma_wait3A_765 = tpu.memref_slice %arg23[%dma_wait3A_763, %dma_wait3A_764] : memref<10112x128xf32, #tpu.memory_space<vmem_shared>> -> memref<10112x128xf32, #tpu.memory_space<vmem_shared>>
      tpu.wait_indirect_dma semaphore(%arg20 : memref<!tpu.dma_semaphore, #tpu.memory_space<semaphore_mem>>) src(%arg12 : memref<80x128xf32, #tpu.memory_space<vmem>>) dst(%dma_wait3A_765 : memref<10112x128xf32, #tpu.memory_space<vmem_shared>>)
      %dma_start3A_766 = arith.constant 0 : i32
      %dma_start3A_767 = arith.constant 7 : i32
      %dma_start3A_768 = arith.constant 0 : i32
      %dma_start3A_769 = tpu.memref_slice %arg7[%dma_start3A_766, %dma_start3A_767, %dma_start3A_768] : memref<2x8x80xi32, #tpu.memory_space<vmem>> -> memref<1x1x80xi32, #tpu.memory_space<vmem>>
      %dma_start3A_770 = tpu.memref_squeeze %dma_start3A_769 : memref<1x1x80xi32, #tpu.memory_space<vmem>> -> memref<80xi32, #tpu.memory_space<vmem>>
      %dma_start3A_771 = arith.constant 0 : i32
      %dma_start3A_772 = arith.constant 0 : i32
      %dma_start3A_773 = tpu.memref_slice %arg2[%dma_start3A_771, %dma_start3A_772] : memref<10000x128xf32, #tpu.memory_space<hbm>> -> memref<10000x128xf32, #tpu.memory_space<hbm>>
      tpu.enqueue_indirect_dma source(%dma_start3A_773 : memref<10000x128xf32, #tpu.memory_space<hbm>>) target(%arg12 : memref<80x128xf32, #tpu.memory_space<vmem>>) offsets(%dma_start3A_770 : memref<80xi32, #tpu.memory_space<vmem>>) semaphore(%arg16 : memref<!tpu.dma_semaphore, #tpu.memory_space<semaphore_mem>>)
      %dma_wait3A_774 = arith.constant 0 : i32
      %dma_wait3A_775 = arith.constant 4 : i32
      %dma_wait3A_776 = arith.constant 0 : i32
      %dma_wait3A_777 = tpu.memref_slice %arg7[%dma_wait3A_774, %dma_wait3A_775, %dma_wait3A_776] : memref<2x8x80xi32, #tpu.memory_space<vmem>> -> memref<1x1x80xi32, #tpu.memory_space<vmem>>
      %dma_wait3A_778 = tpu.memref_squeeze %dma_wait3A_777 : memref<1x1x80xi32, #tpu.memory_space<vmem>> -> memref<80xi32, #tpu.memory_space<vmem>>
      %dma_wait3A_779 = arith.constant 0 : i32
      %dma_wait3A_780 = arith.constant 0 : i32
      %dma_wait3A_781 = tpu.memref_slice %arg2[%dma_wait3A_779, %dma_wait3A_780] : memref<10000x128xf32, #tpu.memory_space<hbm>> -> memref<10000x128xf32, #tpu.memory_space<hbm>>
      tpu.wait_indirect_dma semaphore(%arg13 : memref<!tpu.dma_semaphore, #tpu.memory_space<semaphore_mem>>) src(%dma_wait3A_781 : memref<10000x128xf32, #tpu.memory_space<hbm>>) dst(%arg9 : memref<80x128xf32, #tpu.memory_space<vmem>>)
      %dma_start3A_782 = arith.constant 0 : i32
      %dma_start3A_783 = arith.constant 4 : i32
      %dma_start3A_784 = arith.constant 0 : i32
      %dma_start3A_785 = tpu.memref_slice %arg8[%dma_start3A_782, %dma_start3A_783, %dma_start3A_784] : memref<2x8x80xi32, #tpu.memory_space<vmem>> -> memref<1x1x80xi32, #tpu.memory_space<vmem>>
      %dma_start3A_786 = tpu.memref_squeeze %dma_start3A_785 : memref<1x1x80xi32, #tpu.memory_space<vmem>> -> memref<80xi32, #tpu.memory_space<vmem>>
      %dma_start3A_787 = arith.constant 0 : i32
      %dma_start3A_788 = arith.constant 0 : i32
      %dma_start3A_789 = tpu.memref_slice %arg23[%dma_start3A_787, %dma_start3A_788] : memref<10112x128xf32, #tpu.memory_space<vmem_shared>> -> memref<10112x128xf32, #tpu.memory_space<vmem_shared>>
      tpu.enqueue_indirect_dma source(%arg9 : memref<80x128xf32, #tpu.memory_space<vmem>>) target(%dma_start3A_789 : memref<10112x128xf32, #tpu.memory_space<vmem_shared>>) offsets(%dma_start3A_786 : memref<80xi32, #tpu.memory_space<vmem>>) semaphore(%arg17 : memref<!tpu.dma_semaphore, #tpu.memory_space<semaphore_mem>>) {add = true}
      %dma_wait3A_790 = arith.constant 0 : i32
      %dma_wait3A_791 = arith.constant 5 : i32
      %dma_wait3A_792 = arith.constant 0 : i32
      %dma_wait3A_793 = tpu.memref_slice %arg7[%dma_wait3A_790, %dma_wait3A_791, %dma_wait3A_792] : memref<2x8x80xi32, #tpu.memory_space<vmem>> -> memref<1x1x80xi32, #tpu.memory_space<vmem>>
      %dma_wait3A_794 = tpu.memref_squeeze %dma_wait3A_793 : memref<1x1x80xi32, #tpu.memory_space<vmem>> -> memref<80xi32, #tpu.memory_space<vmem>>
      %dma_wait3A_795 = arith.constant 0 : i32
      %dma_wait3A_796 = arith.constant 0 : i32
      %dma_wait3A_797 = tpu.memref_slice %arg2[%dma_wait3A_795, %dma_wait3A_796] : memref<10000x128xf32, #tpu.memory_space<hbm>> -> memref<10000x128xf32, #tpu.memory_space<hbm>>
      tpu.wait_indirect_dma semaphore(%arg14 : memref<!tpu.dma_semaphore, #tpu.memory_space<semaphore_mem>>) src(%dma_wait3A_797 : memref<10000x128xf32, #tpu.memory_space<hbm>>) dst(%arg10 : memref<80x128xf32, #tpu.memory_space<vmem>>)
      %dma_start3A_798 = arith.constant 0 : i32
      %dma_start3A_799 = arith.constant 5 : i32
      %dma_start3A_800 = arith.constant 0 : i32
      %dma_start3A_801 = tpu.memref_slice %arg8[%dma_start3A_798, %dma_start3A_799, %dma_start3A_800] : memref<2x8x80xi32, #tpu.memory_space<vmem>> -> memref<1x1x80xi32, #tpu.memory_space<vmem>>
      %dma_start3A_802 = tpu.memref_squeeze %dma_start3A_801 : memref<1x1x80xi32, #tpu.memory_space<vmem>> -> memref<80xi32, #tpu.memory_space<vmem>>
      %dma_start3A_803 = arith.constant 0 : i32
      %dma_start3A_804 = arith.constant 0 : i32
      %dma_start3A_805 = tpu.memref_slice %arg23[%dma_start3A_803, %dma_start3A_804] : memref<10112x128xf32, #tpu.memory_space<vmem_shared>> -> memref<10112x128xf32, #tpu.memory_space<vmem_shared>>
      tpu.enqueue_indirect_dma source(%arg10 : memref<80x128xf32, #tpu.memory_space<vmem>>) target(%dma_start3A_805 : memref<10112x128xf32, #tpu.memory_space<vmem_shared>>) offsets(%dma_start3A_802 : memref<80xi32, #tpu.memory_space<vmem>>) semaphore(%arg18 : memref<!tpu.dma_semaphore, #tpu.memory_space<semaphore_mem>>) {add = true}
      %dma_wait3A_806 = arith.constant 0 : i32
      %dma_wait3A_807 = arith.constant 6 : i32
      %dma_wait3A_808 = arith.constant 0 : i32
      %dma_wait3A_809 = tpu.memref_slice %arg7[%dma_wait3A_806, %dma_wait3A_807, %dma_wait3A_808] : memref<2x8x80xi32, #tpu.memory_space<vmem>> -> memref<1x1x80xi32, #tpu.memory_space<vmem>>
      %dma_wait3A_810 = tpu.memref_squeeze %dma_wait3A_809 : memref<1x1x80xi32, #tpu.memory_space<vmem>> -> memref<80xi32, #tpu.memory_space<vmem>>
      %dma_wait3A_811 = arith.constant 0 : i32
      %dma_wait3A_812 = arith.constant 0 : i32
      %dma_wait3A_813 = tpu.memref_slice %arg2[%dma_wait3A_811, %dma_wait3A_812] : memref<10000x128xf32, #tpu.memory_space<hbm>> -> memref<10000x128xf32, #tpu.memory_space<hbm>>
      tpu.wait_indirect_dma semaphore(%arg15 : memref<!tpu.dma_semaphore, #tpu.memory_space<semaphore_mem>>) src(%dma_wait3A_813 : memref<10000x128xf32, #tpu.memory_space<hbm>>) dst(%arg11 : memref<80x128xf32, #tpu.memory_space<vmem>>)
      %dma_start3A_814 = arith.constant 0 : i32
      %dma_start3A_815 = arith.constant 6 : i32
      %dma_start3A_816 = arith.constant 0 : i32
      %dma_start3A_817 = tpu.memref_slice %arg8[%dma_start3A_814, %dma_start3A_815, %dma_start3A_816] : memref<2x8x80xi32, #tpu.memory_space<vmem>> -> memref<1x1x80xi32, #tpu.memory_space<vmem>>
      %dma_start3A_818 = tpu.memref_squeeze %dma_start3A_817 : memref<1x1x80xi32, #tpu.memory_space<vmem>> -> memref<80xi32, #tpu.memory_space<vmem>>
      %dma_start3A_819 = arith.constant 0 : i32
      %dma_start3A_820 = arith.constant 0 : i32
      %dma_start3A_821 = tpu.memref_slice %arg23[%dma_start3A_819, %dma_start3A_820] : memref<10112x128xf32, #tpu.memory_space<vmem_shared>> -> memref<10112x128xf32, #tpu.memory_space<vmem_shared>>
      tpu.enqueue_indirect_dma source(%arg11 : memref<80x128xf32, #tpu.memory_space<vmem>>) target(%dma_start3A_821 : memref<10112x128xf32, #tpu.memory_space<vmem_shared>>) offsets(%dma_start3A_818 : memref<80xi32, #tpu.memory_space<vmem>>) semaphore(%arg19 : memref<!tpu.dma_semaphore, #tpu.memory_space<semaphore_mem>>) {add = true}
      %dma_wait3A_822 = arith.constant 0 : i32
      %dma_wait3A_823 = arith.constant 7 : i32
      %dma_wait3A_824 = arith.constant 0 : i32
      %dma_wait3A_825 = tpu.memref_slice %arg7[%dma_wait3A_822, %dma_wait3A_823, %dma_wait3A_824] : memref<2x8x80xi32, #tpu.memory_space<vmem>> -> memref<1x1x80xi32, #tpu.memory_space<vmem>>
      %dma_wait3A_826 = tpu.memref_squeeze %dma_wait3A_825 : memref<1x1x80xi32, #tpu.memory_space<vmem>> -> memref<80xi32, #tpu.memory_space<vmem>>
      %dma_wait3A_827 = arith.constant 0 : i32
      %dma_wait3A_828 = arith.constant 0 : i32
      %dma_wait3A_829 = tpu.memref_slice %arg2[%dma_wait3A_827, %dma_wait3A_828] : memref<10000x128xf32, #tpu.memory_space<hbm>> -> memref<10000x128xf32, #tpu.memory_space<hbm>>
      tpu.wait_indirect_dma semaphore(%arg16 : memref<!tpu.dma_semaphore, #tpu.memory_space<semaphore_mem>>) src(%dma_wait3A_829 : memref<10000x128xf32, #tpu.memory_space<hbm>>) dst(%arg12 : memref<80x128xf32, #tpu.memory_space<vmem>>)
      %dma_start3A_830 = arith.constant 0 : i32
      %dma_start3A_831 = arith.constant 7 : i32
      %dma_start3A_832 = arith.constant 0 : i32
      %dma_start3A_833 = tpu.memref_slice %arg8[%dma_start3A_830, %dma_start3A_831, %dma_start3A_832] : memref<2x8x80xi32, #tpu.memory_space<vmem>> -> memref<1x1x80xi32, #tpu.memory_space<vmem>>
      %dma_start3A_834 = tpu.memref_squeeze %dma_start3A_833 : memref<1x1x80xi32, #tpu.memory_space<vmem>> -> memref<80xi32, #tpu.memory_space<vmem>>
      %dma_start3A_835 = arith.constant 0 : i32
      %dma_start3A_836 = arith.constant 0 : i32
      %dma_start3A_837 = tpu.memref_slice %arg23[%dma_start3A_835, %dma_start3A_836] : memref<10112x128xf32, #tpu.memory_space<vmem_shared>> -> memref<10112x128xf32, #tpu.memory_space<vmem_shared>>
      tpu.enqueue_indirect_dma source(%arg12 : memref<80x128xf32, #tpu.memory_space<vmem>>) target(%dma_start3A_837 : memref<10112x128xf32, #tpu.memory_space<vmem_shared>>) offsets(%dma_start3A_834 : memref<80xi32, #tpu.memory_space<vmem>>) semaphore(%arg20 : memref<!tpu.dma_semaphore, #tpu.memory_space<semaphore_mem>>) {add = true}
      %add3A_838 = arith.constant 1 : i32
      %add3A_839 = arith.addi %mul3A_645, %add3A_838 : i32
      %mul3A_840 = arith.constant 128 : i32
      %mul3A_841 = arith.muli %add3A, %mul3A_840 : i32
      %mul3A_842 = arith.constant 8 : i32
      %mul3A_843 = arith.muli %add3A_839, %mul3A_842 : i32
      %add3A_844 = arith.addi %mul3A_841, %mul3A_843 : i32
      %dma_wait3A_845 = arith.constant 1 : i32
      %dma_wait3A_846 = arith.constant 0 : i32
      %dma_wait3A_847 = arith.constant 0 : i32
      %dma_wait3A_848 = tpu.memref_slice %arg7[%dma_wait3A_845, %dma_wait3A_846, %dma_wait3A_847] : memref<2x8x80xi32, #tpu.memory_space<vmem>> -> memref<1x8x80xi32, #tpu.memory_space<vmem>>
      %dma_wait3A_849 = tpu.memref_squeeze %dma_wait3A_848 : memref<1x8x80xi32, #tpu.memory_space<vmem>> -> memref<8x80xi32, #tpu.memory_space<vmem>>
      %dma_wait3A_850 = arith.constant 0 : i32
      %dma_wait3A_851 = tpu.memref_slice %arg3[%add3A_844, %dma_wait3A_850] : memref<4096x80xi32, #tpu.memory_space<hbm>> -> memref<8x80xi32, #tpu.memory_space<hbm>>
      %dma_wait3A_852 = arith.constant 0 : i32
      %dma_wait3A_853 = arith.constant 0 : i32
      %dma_wait3A_854 = tpu.memref_slice %arg7[%dma_wait3A_845, %dma_wait3A_852, %dma_wait3A_853] : memref<2x8x80xi32, #tpu.memory_space<vmem>> -> memref<1x8x80xi32, #tpu.memory_space<vmem>>
      %dma_wait3A_855 = tpu.memref_squeeze %dma_wait3A_854 : memref<1x8x80xi32, #tpu.memory_space<vmem>> -> memref<8x80xi32, #tpu.memory_space<vmem>>
      %dma_wait3A_856 = arith.constant 0 : i32
      %dma_wait3A_857 = tpu.memref_slice %arg3[%add3A_844, %dma_wait3A_856] : memref<4096x80xi32, #tpu.memory_space<hbm>> -> memref<8x80xi32, #tpu.memory_space<hbm>>
      tpu.wait_dma2 semaphore(%arg22 : memref<!tpu.dma_semaphore, #tpu.memory_space<semaphore_mem>>) src(%dma_wait3A_857 : memref<8x80xi32, #tpu.memory_space<hbm>>) dst(%dma_wait3A_855 : memref<8x80xi32, #tpu.memory_space<vmem>>)
      %dma_wait3A_858 = arith.constant 1 : i32
      %dma_wait3A_859 = arith.constant 0 : i32
      %dma_wait3A_860 = arith.constant 0 : i32
      %dma_wait3A_861 = tpu.memref_slice %arg8[%dma_wait3A_858, %dma_wait3A_859, %dma_wait3A_860] : memref<2x8x80xi32, #tpu.memory_space<vmem>> -> memref<1x8x80xi32, #tpu.memory_space<vmem>>
      %dma_wait3A_862 = tpu.memref_squeeze %dma_wait3A_861 : memref<1x8x80xi32, #tpu.memory_space<vmem>> -> memref<8x80xi32, #tpu.memory_space<vmem>>
      %dma_wait3A_863 = arith.constant 0 : i32
      %dma_wait3A_864 = tpu.memref_slice %arg4[%add3A_844, %dma_wait3A_863] : memref<4096x80xi32, #tpu.memory_space<hbm>> -> memref<8x80xi32, #tpu.memory_space<hbm>>
      %dma_wait3A_865 = arith.constant 0 : i32
      %dma_wait3A_866 = arith.constant 0 : i32
      %dma_wait3A_867 = tpu.memref_slice %arg8[%dma_wait3A_858, %dma_wait3A_865, %dma_wait3A_866] : memref<2x8x80xi32, #tpu.memory_space<vmem>> -> memref<1x8x80xi32, #tpu.memory_space<vmem>>
      %dma_wait3A_868 = tpu.memref_squeeze %dma_wait3A_867 : memref<1x8x80xi32, #tpu.memory_space<vmem>> -> memref<8x80xi32, #tpu.memory_space<vmem>>
      %dma_wait3A_869 = arith.constant 0 : i32
      %dma_wait3A_870 = tpu.memref_slice %arg4[%add3A_844, %dma_wait3A_869] : memref<4096x80xi32, #tpu.memory_space<hbm>> -> memref<8x80xi32, #tpu.memory_space<hbm>>
      tpu.wait_dma2 semaphore(%arg22 : memref<!tpu.dma_semaphore, #tpu.memory_space<semaphore_mem>>) src(%dma_wait3A_870 : memref<8x80xi32, #tpu.memory_space<hbm>>) dst(%dma_wait3A_868 : memref<8x80xi32, #tpu.memory_space<vmem>>)
      %dma_wait3A_871 = arith.constant 0 : i32
      %dma_wait3A_872 = arith.constant 4 : i32
      %dma_wait3A_873 = arith.constant 0 : i32
      %dma_wait3A_874 = tpu.memref_slice %arg8[%dma_wait3A_871, %dma_wait3A_872, %dma_wait3A_873] : memref<2x8x80xi32, #tpu.memory_space<vmem>> -> memref<1x1x80xi32, #tpu.memory_space<vmem>>
      %dma_wait3A_875 = tpu.memref_squeeze %dma_wait3A_874 : memref<1x1x80xi32, #tpu.memory_space<vmem>> -> memref<80xi32, #tpu.memory_space<vmem>>
      %dma_wait3A_876 = arith.constant 0 : i32
      %dma_wait3A_877 = arith.constant 0 : i32
      %dma_wait3A_878 = tpu.memref_slice %arg23[%dma_wait3A_876, %dma_wait3A_877] : memref<10112x128xf32, #tpu.memory_space<vmem_shared>> -> memref<10112x128xf32, #tpu.memory_space<vmem_shared>>
      tpu.wait_indirect_dma semaphore(%arg17 : memref<!tpu.dma_semaphore, #tpu.memory_space<semaphore_mem>>) src(%arg9 : memref<80x128xf32, #tpu.memory_space<vmem>>) dst(%dma_wait3A_878 : memref<10112x128xf32, #tpu.memory_space<vmem_shared>>)
      %dma_start3A_879 = arith.constant 1 : i32
      %dma_start3A_880 = arith.constant 0 : i32
      %dma_start3A_881 = arith.constant 0 : i32
      %dma_start3A_882 = tpu.memref_slice %arg7[%dma_start3A_879, %dma_start3A_880, %dma_start3A_881] : memref<2x8x80xi32, #tpu.memory_space<vmem>> -> memref<1x1x80xi32, #tpu.memory_space<vmem>>
      %dma_start3A_883 = tpu.memref_squeeze %dma_start3A_882 : memref<1x1x80xi32, #tpu.memory_space<vmem>> -> memref<80xi32, #tpu.memory_space<vmem>>
      %dma_start3A_884 = arith.constant 0 : i32
      %dma_start3A_885 = arith.constant 0 : i32
      %dma_start3A_886 = tpu.memref_slice %arg2[%dma_start3A_884, %dma_start3A_885] : memref<10000x128xf32, #tpu.memory_space<hbm>> -> memref<10000x128xf32, #tpu.memory_space<hbm>>
      tpu.enqueue_indirect_dma source(%dma_start3A_886 : memref<10000x128xf32, #tpu.memory_space<hbm>>) target(%arg9 : memref<80x128xf32, #tpu.memory_space<vmem>>) offsets(%dma_start3A_883 : memref<80xi32, #tpu.memory_space<vmem>>) semaphore(%arg13 : memref<!tpu.dma_semaphore, #tpu.memory_space<semaphore_mem>>)
      %dma_wait3A_887 = arith.constant 0 : i32
      %dma_wait3A_888 = arith.constant 5 : i32
      %dma_wait3A_889 = arith.constant 0 : i32
      %dma_wait3A_890 = tpu.memref_slice %arg8[%dma_wait3A_887, %dma_wait3A_888, %dma_wait3A_889] : memref<2x8x80xi32, #tpu.memory_space<vmem>> -> memref<1x1x80xi32, #tpu.memory_space<vmem>>
      %dma_wait3A_891 = tpu.memref_squeeze %dma_wait3A_890 : memref<1x1x80xi32, #tpu.memory_space<vmem>> -> memref<80xi32, #tpu.memory_space<vmem>>
      %dma_wait3A_892 = arith.constant 0 : i32
      %dma_wait3A_893 = arith.constant 0 : i32
      %dma_wait3A_894 = tpu.memref_slice %arg23[%dma_wait3A_892, %dma_wait3A_893] : memref<10112x128xf32, #tpu.memory_space<vmem_shared>> -> memref<10112x128xf32, #tpu.memory_space<vmem_shared>>
      tpu.wait_indirect_dma semaphore(%arg18 : memref<!tpu.dma_semaphore, #tpu.memory_space<semaphore_mem>>) src(%arg10 : memref<80x128xf32, #tpu.memory_space<vmem>>) dst(%dma_wait3A_894 : memref<10112x128xf32, #tpu.memory_space<vmem_shared>>)
      %dma_start3A_895 = arith.constant 1 : i32
      %dma_start3A_896 = arith.constant 1 : i32
      %dma_start3A_897 = arith.constant 0 : i32
      %dma_start3A_898 = tpu.memref_slice %arg7[%dma_start3A_895, %dma_start3A_896, %dma_start3A_897] : memref<2x8x80xi32, #tpu.memory_space<vmem>> -> memref<1x1x80xi32, #tpu.memory_space<vmem>>
      %dma_start3A_899 = tpu.memref_squeeze %dma_start3A_898 : memref<1x1x80xi32, #tpu.memory_space<vmem>> -> memref<80xi32, #tpu.memory_space<vmem>>
      %dma_start3A_900 = arith.constant 0 : i32
      %dma_start3A_901 = arith.constant 0 : i32
      %dma_start3A_902 = tpu.memref_slice %arg2[%dma_start3A_900, %dma_start3A_901] : memref<10000x128xf32, #tpu.memory_space<hbm>> -> memref<10000x128xf32, #tpu.memory_space<hbm>>
      tpu.enqueue_indirect_dma source(%dma_start3A_902 : memref<10000x128xf32, #tpu.memory_space<hbm>>) target(%arg10 : memref<80x128xf32, #tpu.memory_space<vmem>>) offsets(%dma_start3A_899 : memref<80xi32, #tpu.memory_space<vmem>>) semaphore(%arg14 : memref<!tpu.dma_semaphore, #tpu.memory_space<semaphore_mem>>)
      %dma_wait3A_903 = arith.constant 0 : i32
      %dma_wait3A_904 = arith.constant 6 : i32
      %dma_wait3A_905 = arith.constant 0 : i32
      %dma_wait3A_906 = tpu.memref_slice %arg8[%dma_wait3A_903, %dma_wait3A_904, %dma_wait3A_905] : memref<2x8x80xi32, #tpu.memory_space<vmem>> -> memref<1x1x80xi32, #tpu.memory_space<vmem>>
      %dma_wait3A_907 = tpu.memref_squeeze %dma_wait3A_906 : memref<1x1x80xi32, #tpu.memory_space<vmem>> -> memref<80xi32, #tpu.memory_space<vmem>>
      %dma_wait3A_908 = arith.constant 0 : i32
      %dma_wait3A_909 = arith.constant 0 : i32
      %dma_wait3A_910 = tpu.memref_slice %arg23[%dma_wait3A_908, %dma_wait3A_909] : memref<10112x128xf32, #tpu.memory_space<vmem_shared>> -> memref<10112x128xf32, #tpu.memory_space<vmem_shared>>
      tpu.wait_indirect_dma semaphore(%arg19 : memref<!tpu.dma_semaphore, #tpu.memory_space<semaphore_mem>>) src(%arg11 : memref<80x128xf32, #tpu.memory_space<vmem>>) dst(%dma_wait3A_910 : memref<10112x128xf32, #tpu.memory_space<vmem_shared>>)
      %dma_start3A_911 = arith.constant 1 : i32
      %dma_start3A_912 = arith.constant 2 : i32
      %dma_start3A_913 = arith.constant 0 : i32
      %dma_start3A_914 = tpu.memref_slice %arg7[%dma_start3A_911, %dma_start3A_912, %dma_start3A_913] : memref<2x8x80xi32, #tpu.memory_space<vmem>> -> memref<1x1x80xi32, #tpu.memory_space<vmem>>
      %dma_start3A_915 = tpu.memref_squeeze %dma_start3A_914 : memref<1x1x80xi32, #tpu.memory_space<vmem>> -> memref<80xi32, #tpu.memory_space<vmem>>
      %dma_start3A_916 = arith.constant 0 : i32
      %dma_start3A_917 = arith.constant 0 : i32
      %dma_start3A_918 = tpu.memref_slice %arg2[%dma_start3A_916, %dma_start3A_917] : memref<10000x128xf32, #tpu.memory_space<hbm>> -> memref<10000x128xf32, #tpu.memory_space<hbm>>
      tpu.enqueue_indirect_dma source(%dma_start3A_918 : memref<10000x128xf32, #tpu.memory_space<hbm>>) target(%arg11 : memref<80x128xf32, #tpu.memory_space<vmem>>) offsets(%dma_start3A_915 : memref<80xi32, #tpu.memory_space<vmem>>) semaphore(%arg15 : memref<!tpu.dma_semaphore, #tpu.memory_space<semaphore_mem>>)
      %dma_wait3A_919 = arith.constant 0 : i32
      %dma_wait3A_920 = arith.constant 7 : i32
      %dma_wait3A_921 = arith.constant 0 : i32
      %dma_wait3A_922 = tpu.memref_slice %arg8[%dma_wait3A_919, %dma_wait3A_920, %dma_wait3A_921] : memref<2x8x80xi32, #tpu.memory_space<vmem>> -> memref<1x1x80xi32, #tpu.memory_space<vmem>>
      %dma_wait3A_923 = tpu.memref_squeeze %dma_wait3A_922 : memref<1x1x80xi32, #tpu.memory_space<vmem>> -> memref<80xi32, #tpu.memory_space<vmem>>
      %dma_wait3A_924 = arith.constant 0 : i32
      %dma_wait3A_925 = arith.constant 0 : i32
      %dma_wait3A_926 = tpu.memref_slice %arg23[%dma_wait3A_924, %dma_wait3A_925] : memref<10112x128xf32, #tpu.memory_space<vmem_shared>> -> memref<10112x128xf32, #tpu.memory_space<vmem_shared>>
      tpu.wait_indirect_dma semaphore(%arg20 : memref<!tpu.dma_semaphore, #tpu.memory_space<semaphore_mem>>) src(%arg12 : memref<80x128xf32, #tpu.memory_space<vmem>>) dst(%dma_wait3A_926 : memref<10112x128xf32, #tpu.memory_space<vmem_shared>>)
      %dma_start3A_927 = arith.constant 1 : i32
      %dma_start3A_928 = arith.constant 3 : i32
      %dma_start3A_929 = arith.constant 0 : i32
      %dma_start3A_930 = tpu.memref_slice %arg7[%dma_start3A_927, %dma_start3A_928, %dma_start3A_929] : memref<2x8x80xi32, #tpu.memory_space<vmem>> -> memref<1x1x80xi32, #tpu.memory_space<vmem>>
      %dma_start3A_931 = tpu.memref_squeeze %dma_start3A_930 : memref<1x1x80xi32, #tpu.memory_space<vmem>> -> memref<80xi32, #tpu.memory_space<vmem>>
      %dma_start3A_932 = arith.constant 0 : i32
      %dma_start3A_933 = arith.constant 0 : i32
      %dma_start3A_934 = tpu.memref_slice %arg2[%dma_start3A_932, %dma_start3A_933] : memref<10000x128xf32, #tpu.memory_space<hbm>> -> memref<10000x128xf32, #tpu.memory_space<hbm>>
      tpu.enqueue_indirect_dma source(%dma_start3A_934 : memref<10000x128xf32, #tpu.memory_space<hbm>>) target(%arg12 : memref<80x128xf32, #tpu.memory_space<vmem>>) offsets(%dma_start3A_931 : memref<80xi32, #tpu.memory_space<vmem>>) semaphore(%arg16 : memref<!tpu.dma_semaphore, #tpu.memory_space<semaphore_mem>>)
      %add3A_935 = arith.constant 2 : i32
      %add3A_936 = arith.addi %mul3A_645, %add3A_935 : i32
      %mul3A_937 = arith.constant 128 : i32
      %mul3A_938 = arith.muli %add3A, %mul3A_937 : i32
      %mul3A_939 = arith.constant 8 : i32
      %mul3A_940 = arith.muli %add3A_936, %mul3A_939 : i32
      %add3A_941 = arith.addi %mul3A_938, %mul3A_940 : i32
      %dma_start3A_942 = arith.constant 0 : i32
      %dma_start3A_943 = arith.constant 0 : i32
      %dma_start3A_944 = arith.constant 0 : i32
      %dma_start3A_945 = tpu.memref_slice %arg7[%dma_start3A_942, %dma_start3A_943, %dma_start3A_944] : memref<2x8x80xi32, #tpu.memory_space<vmem>> -> memref<1x8x80xi32, #tpu.memory_space<vmem>>
      %dma_start3A_946 = tpu.memref_squeeze %dma_start3A_945 : memref<1x8x80xi32, #tpu.memory_space<vmem>> -> memref<8x80xi32, #tpu.memory_space<vmem>>
      %dma_start3A_947 = arith.constant 0 : i32
      %dma_start3A_948 = tpu.memref_slice %arg3[%add3A_941, %dma_start3A_947] : memref<4096x80xi32, #tpu.memory_space<hbm>> -> memref<8x80xi32, #tpu.memory_space<hbm>>
      %dma_start3A_949 = arith.constant 0 : i32
      %dma_start3A_950 = arith.constant 0 : i32
      %dma_start3A_951 = tpu.memref_slice %arg7[%dma_start3A_942, %dma_start3A_949, %dma_start3A_950] : memref<2x8x80xi32, #tpu.memory_space<vmem>> -> memref<1x8x80xi32, #tpu.memory_space<vmem>>
      %dma_start3A_952 = tpu.memref_squeeze %dma_start3A_951 : memref<1x8x80xi32, #tpu.memory_space<vmem>> -> memref<8x80xi32, #tpu.memory_space<vmem>>
      %dma_start3A_953 = arith.constant 0 : i32
      %dma_start3A_954 = tpu.memref_slice %arg3[%add3A_941, %dma_start3A_953] : memref<4096x80xi32, #tpu.memory_space<hbm>> -> memref<8x80xi32, #tpu.memory_space<hbm>>
      tpu.enqueue_dma source(%dma_start3A_954 : memref<8x80xi32, #tpu.memory_space<hbm>>) target(%dma_start3A_952 : memref<8x80xi32, #tpu.memory_space<vmem>>) target_semaphore(%arg21 : memref<!tpu.dma_semaphore, #tpu.memory_space<semaphore_mem>>)
      %dma_start3A_955 = arith.constant 0 : i32
      %dma_start3A_956 = arith.constant 0 : i32
      %dma_start3A_957 = arith.constant 0 : i32
      %dma_start3A_958 = tpu.memref_slice %arg8[%dma_start3A_955, %dma_start3A_956, %dma_start3A_957] : memref<2x8x80xi32, #tpu.memory_space<vmem>> -> memref<1x8x80xi32, #tpu.memory_space<vmem>>
      %dma_start3A_959 = tpu.memref_squeeze %dma_start3A_958 : memref<1x8x80xi32, #tpu.memory_space<vmem>> -> memref<8x80xi32, #tpu.memory_space<vmem>>
      %dma_start3A_960 = arith.constant 0 : i32
      %dma_start3A_961 = tpu.memref_slice %arg4[%add3A_941, %dma_start3A_960] : memref<4096x80xi32, #tpu.memory_space<hbm>> -> memref<8x80xi32, #tpu.memory_space<hbm>>
      %dma_start3A_962 = arith.constant 0 : i32
      %dma_start3A_963 = arith.constant 0 : i32
      %dma_start3A_964 = tpu.memref_slice %arg8[%dma_start3A_955, %dma_start3A_962, %dma_start3A_963] : memref<2x8x80xi32, #tpu.memory_space<vmem>> -> memref<1x8x80xi32, #tpu.memory_space<vmem>>
      %dma_start3A_965 = tpu.memref_squeeze %dma_start3A_964 : memref<1x8x80xi32, #tpu.memory_space<vmem>> -> memref<8x80xi32, #tpu.memory_space<vmem>>
      %dma_start3A_966 = arith.constant 0 : i32
      %dma_start3A_967 = tpu.memref_slice %arg4[%add3A_941, %dma_start3A_966] : memref<4096x80xi32, #tpu.memory_space<hbm>> -> memref<8x80xi32, #tpu.memory_space<hbm>>
      tpu.enqueue_dma source(%dma_start3A_967 : memref<8x80xi32, #tpu.memory_space<hbm>>) target(%dma_start3A_965 : memref<8x80xi32, #tpu.memory_space<vmem>>) target_semaphore(%arg21 : memref<!tpu.dma_semaphore, #tpu.memory_space<semaphore_mem>>)
      %dma_wait3A_968 = arith.constant 1 : i32
      %dma_wait3A_969 = arith.constant 0 : i32
      %dma_wait3A_970 = arith.constant 0 : i32
      %dma_wait3A_971 = tpu.memref_slice %arg7[%dma_wait3A_968, %dma_wait3A_969, %dma_wait3A_970] : memref<2x8x80xi32, #tpu.memory_space<vmem>> -> memref<1x1x80xi32, #tpu.memory_space<vmem>>
      %dma_wait3A_972 = tpu.memref_squeeze %dma_wait3A_971 : memref<1x1x80xi32, #tpu.memory_space<vmem>> -> memref<80xi32, #tpu.memory_space<vmem>>
      %dma_wait3A_973 = arith.constant 0 : i32
      %dma_wait3A_974 = arith.constant 0 : i32
      %dma_wait3A_975 = tpu.memref_slice %arg2[%dma_wait3A_973, %dma_wait3A_974] : memref<10000x128xf32, #tpu.memory_space<hbm>> -> memref<10000x128xf32, #tpu.memory_space<hbm>>
      tpu.wait_indirect_dma semaphore(%arg13 : memref<!tpu.dma_semaphore, #tpu.memory_space<semaphore_mem>>) src(%dma_wait3A_975 : memref<10000x128xf32, #tpu.memory_space<hbm>>) dst(%arg9 : memref<80x128xf32, #tpu.memory_space<vmem>>)
      %dma_start3A_976 = arith.constant 1 : i32
      %dma_start3A_977 = arith.constant 0 : i32
      %dma_start3A_978 = arith.constant 0 : i32
      %dma_start3A_979 = tpu.memref_slice %arg8[%dma_start3A_976, %dma_start3A_977, %dma_start3A_978] : memref<2x8x80xi32, #tpu.memory_space<vmem>> -> memref<1x1x80xi32, #tpu.memory_space<vmem>>
      %dma_start3A_980 = tpu.memref_squeeze %dma_start3A_979 : memref<1x1x80xi32, #tpu.memory_space<vmem>> -> memref<80xi32, #tpu.memory_space<vmem>>
      %dma_start3A_981 = arith.constant 0 : i32
      %dma_start3A_982 = arith.constant 0 : i32
      %dma_start3A_983 = tpu.memref_slice %arg23[%dma_start3A_981, %dma_start3A_982] : memref<10112x128xf32, #tpu.memory_space<vmem_shared>> -> memref<10112x128xf32, #tpu.memory_space<vmem_shared>>
      tpu.enqueue_indirect_dma source(%arg9 : memref<80x128xf32, #tpu.memory_space<vmem>>) target(%dma_start3A_983 : memref<10112x128xf32, #tpu.memory_space<vmem_shared>>) offsets(%dma_start3A_980 : memref<80xi32, #tpu.memory_space<vmem>>) semaphore(%arg17 : memref<!tpu.dma_semaphore, #tpu.memory_space<semaphore_mem>>) {add = true}
      %dma_wait3A_984 = arith.constant 1 : i32
      %dma_wait3A_985 = arith.constant 1 : i32
      %dma_wait3A_986 = arith.constant 0 : i32
      %dma_wait3A_987 = tpu.memref_slice %arg7[%dma_wait3A_984, %dma_wait3A_985, %dma_wait3A_986] : memref<2x8x80xi32, #tpu.memory_space<vmem>> -> memref<1x1x80xi32, #tpu.memory_space<vmem>>
      %dma_wait3A_988 = tpu.memref_squeeze %dma_wait3A_987 : memref<1x1x80xi32, #tpu.memory_space<vmem>> -> memref<80xi32, #tpu.memory_space<vmem>>
      %dma_wait3A_989 = arith.constant 0 : i32
      %dma_wait3A_990 = arith.constant 0 : i32
      %dma_wait3A_991 = tpu.memref_slice %arg2[%dma_wait3A_989, %dma_wait3A_990] : memref<10000x128xf32, #tpu.memory_space<hbm>> -> memref<10000x128xf32, #tpu.memory_space<hbm>>
      tpu.wait_indirect_dma semaphore(%arg14 : memref<!tpu.dma_semaphore, #tpu.memory_space<semaphore_mem>>) src(%dma_wait3A_991 : memref<10000x128xf32, #tpu.memory_space<hbm>>) dst(%arg10 : memref<80x128xf32, #tpu.memory_space<vmem>>)
      %dma_start3A_992 = arith.constant 1 : i32
      %dma_start3A_993 = arith.constant 1 : i32
      %dma_start3A_994 = arith.constant 0 : i32
      %dma_start3A_995 = tpu.memref_slice %arg8[%dma_start3A_992, %dma_start3A_993, %dma_start3A_994] : memref<2x8x80xi32, #tpu.memory_space<vmem>> -> memref<1x1x80xi32, #tpu.memory_space<vmem>>
      %dma_start3A_996 = tpu.memref_squeeze %dma_start3A_995 : memref<1x1x80xi32, #tpu.memory_space<vmem>> -> memref<80xi32, #tpu.memory_space<vmem>>
      %dma_start3A_997 = arith.constant 0 : i32
      %dma_start3A_998 = arith.constant 0 : i32
      %dma_start3A_999 = tpu.memref_slice %arg23[%dma_start3A_997, %dma_start3A_998] : memref<10112x128xf32, #tpu.memory_space<vmem_shared>> -> memref<10112x128xf32, #tpu.memory_space<vmem_shared>>
      tpu.enqueue_indirect_dma source(%arg10 : memref<80x128xf32, #tpu.memory_space<vmem>>) target(%dma_start3A_999 : memref<10112x128xf32, #tpu.memory_space<vmem_shared>>) offsets(%dma_start3A_996 : memref<80xi32, #tpu.memory_space<vmem>>) semaphore(%arg18 : memref<!tpu.dma_semaphore, #tpu.memory_space<semaphore_mem>>) {add = true}
      %dma_wait3A_1000 = arith.constant 1 : i32
      %dma_wait3A_1001 = arith.constant 2 : i32
      %dma_wait3A_1002 = arith.constant 0 : i32
      %dma_wait3A_1003 = tpu.memref_slice %arg7[%dma_wait3A_1000, %dma_wait3A_1001, %dma_wait3A_1002] : memref<2x8x80xi32, #tpu.memory_space<vmem>> -> memref<1x1x80xi32, #tpu.memory_space<vmem>>
      %dma_wait3A_1004 = tpu.memref_squeeze %dma_wait3A_1003 : memref<1x1x80xi32, #tpu.memory_space<vmem>> -> memref<80xi32, #tpu.memory_space<vmem>>
      %dma_wait3A_1005 = arith.constant 0 : i32
      %dma_wait3A_1006 = arith.constant 0 : i32
      %dma_wait3A_1007 = tpu.memref_slice %arg2[%dma_wait3A_1005, %dma_wait3A_1006] : memref<10000x128xf32, #tpu.memory_space<hbm>> -> memref<10000x128xf32, #tpu.memory_space<hbm>>
      tpu.wait_indirect_dma semaphore(%arg15 : memref<!tpu.dma_semaphore, #tpu.memory_space<semaphore_mem>>) src(%dma_wait3A_1007 : memref<10000x128xf32, #tpu.memory_space<hbm>>) dst(%arg11 : memref<80x128xf32, #tpu.memory_space<vmem>>)
      %dma_start3A_1008 = arith.constant 1 : i32
      %dma_start3A_1009 = arith.constant 2 : i32
      %dma_start3A_1010 = arith.constant 0 : i32
      %dma_start3A_1011 = tpu.memref_slice %arg8[%dma_start3A_1008, %dma_start3A_1009, %dma_start3A_1010] : memref<2x8x80xi32, #tpu.memory_space<vmem>> -> memref<1x1x80xi32, #tpu.memory_space<vmem>>
      %dma_start3A_1012 = tpu.memref_squeeze %dma_start3A_1011 : memref<1x1x80xi32, #tpu.memory_space<vmem>> -> memref<80xi32, #tpu.memory_space<vmem>>
      %dma_start3A_1013 = arith.constant 0 : i32
      %dma_start3A_1014 = arith.constant 0 : i32
      %dma_start3A_1015 = tpu.memref_slice %arg23[%dma_start3A_1013, %dma_start3A_1014] : memref<10112x128xf32, #tpu.memory_space<vmem_shared>> -> memref<10112x128xf32, #tpu.memory_space<vmem_shared>>
      tpu.enqueue_indirect_dma source(%arg11 : memref<80x128xf32, #tpu.memory_space<vmem>>) target(%dma_start3A_1015 : memref<10112x128xf32, #tpu.memory_space<vmem_shared>>) offsets(%dma_start3A_1012 : memref<80xi32, #tpu.memory_space<vmem>>) semaphore(%arg19 : memref<!tpu.dma_semaphore, #tpu.memory_space<semaphore_mem>>) {add = true}
      %dma_wait3A_1016 = arith.constant 1 : i32
      %dma_wait3A_1017 = arith.constant 3 : i32
      %dma_wait3A_1018 = arith.constant 0 : i32
      %dma_wait3A_1019 = tpu.memref_slice %arg7[%dma_wait3A_1016, %dma_wait3A_1017, %dma_wait3A_1018] : memref<2x8x80xi32, #tpu.memory_space<vmem>> -> memref<1x1x80xi32, #tpu.memory_space<vmem>>
      %dma_wait3A_1020 = tpu.memref_squeeze %dma_wait3A_1019 : memref<1x1x80xi32, #tpu.memory_space<vmem>> -> memref<80xi32, #tpu.memory_space<vmem>>
      %dma_wait3A_1021 = arith.constant 0 : i32
      %dma_wait3A_1022 = arith.constant 0 : i32
      %dma_wait3A_1023 = tpu.memref_slice %arg2[%dma_wait3A_1021, %dma_wait3A_1022] : memref<10000x128xf32, #tpu.memory_space<hbm>> -> memref<10000x128xf32, #tpu.memory_space<hbm>>
      tpu.wait_indirect_dma semaphore(%arg16 : memref<!tpu.dma_semaphore, #tpu.memory_space<semaphore_mem>>) src(%dma_wait3A_1023 : memref<10000x128xf32, #tpu.memory_space<hbm>>) dst(%arg12 : memref<80x128xf32, #tpu.memory_space<vmem>>)
      %dma_start3A_1024 = arith.constant 1 : i32
      %dma_start3A_1025 = arith.constant 3 : i32
      %dma_start3A_1026 = arith.constant 0 : i32
      %dma_start3A_1027 = tpu.memref_slice %arg8[%dma_start3A_1024, %dma_start3A_1025, %dma_start3A_1026] : memref<2x8x80xi32, #tpu.memory_space<vmem>> -> memref<1x1x80xi32, #tpu.memory_space<vmem>>
      %dma_start3A_1028 = tpu.memref_squeeze %dma_start3A_1027 : memref<1x1x80xi32, #tpu.memory_space<vmem>> -> memref<80xi32, #tpu.memory_space<vmem>>
      %dma_start3A_1029 = arith.constant 0 : i32
      %dma_start3A_1030 = arith.constant 0 : i32
      %dma_start3A_1031 = tpu.memref_slice %arg23[%dma_start3A_1029, %dma_start3A_1030] : memref<10112x128xf32, #tpu.memory_space<vmem_shared>> -> memref<10112x128xf32, #tpu.memory_space<vmem_shared>>
      tpu.enqueue_indirect_dma source(%arg12 : memref<80x128xf32, #tpu.memory_space<vmem>>) target(%dma_start3A_1031 : memref<10112x128xf32, #tpu.memory_space<vmem_shared>>) offsets(%dma_start3A_1028 : memref<80xi32, #tpu.memory_space<vmem>>) semaphore(%arg20 : memref<!tpu.dma_semaphore, #tpu.memory_space<semaphore_mem>>) {add = true}
      %dma_wait3A_1032 = arith.constant 1 : i32
      %dma_wait3A_1033 = arith.constant 0 : i32
      %dma_wait3A_1034 = arith.constant 0 : i32
      %dma_wait3A_1035 = tpu.memref_slice %arg8[%dma_wait3A_1032, %dma_wait3A_1033, %dma_wait3A_1034] : memref<2x8x80xi32, #tpu.memory_space<vmem>> -> memref<1x1x80xi32, #tpu.memory_space<vmem>>
      %dma_wait3A_1036 = tpu.memref_squeeze %dma_wait3A_1035 : memref<1x1x80xi32, #tpu.memory_space<vmem>> -> memref<80xi32, #tpu.memory_space<vmem>>
      %dma_wait3A_1037 = arith.constant 0 : i32
      %dma_wait3A_1038 = arith.constant 0 : i32
      %dma_wait3A_1039 = tpu.memref_slice %arg23[%dma_wait3A_1037, %dma_wait3A_1038] : memref<10112x128xf32, #tpu.memory_space<vmem_shared>> -> memref<10112x128xf32, #tpu.memory_space<vmem_shared>>
      tpu.wait_indirect_dma semaphore(%arg17 : memref<!tpu.dma_semaphore, #tpu.memory_space<semaphore_mem>>) src(%arg9 : memref<80x128xf32, #tpu.memory_space<vmem>>) dst(%dma_wait3A_1039 : memref<10112x128xf32, #tpu.memory_space<vmem_shared>>)
      %dma_start3A_1040 = arith.constant 1 : i32
      %dma_start3A_1041 = arith.constant 4 : i32
      %dma_start3A_1042 = arith.constant 0 : i32
      %dma_start3A_1043 = tpu.memref_slice %arg7[%dma_start3A_1040, %dma_start3A_1041, %dma_start3A_1042] : memref<2x8x80xi32, #tpu.memory_space<vmem>> -> memref<1x1x80xi32, #tpu.memory_space<vmem>>
      %dma_start3A_1044 = tpu.memref_squeeze %dma_start3A_1043 : memref<1x1x80xi32, #tpu.memory_space<vmem>> -> memref<80xi32, #tpu.memory_space<vmem>>
      %dma_start3A_1045 = arith.constant 0 : i32
      %dma_start3A_1046 = arith.constant 0 : i32
      %dma_start3A_1047 = tpu.memref_slice %arg2[%dma_start3A_1045, %dma_start3A_1046] : memref<10000x128xf32, #tpu.memory_space<hbm>> -> memref<10000x128xf32, #tpu.memory_space<hbm>>
      tpu.enqueue_indirect_dma source(%dma_start3A_1047 : memref<10000x128xf32, #tpu.memory_space<hbm>>) target(%arg9 : memref<80x128xf32, #tpu.memory_space<vmem>>) offsets(%dma_start3A_1044 : memref<80xi32, #tpu.memory_space<vmem>>) semaphore(%arg13 : memref<!tpu.dma_semaphore, #tpu.memory_space<semaphore_mem>>)
      %dma_wait3A_1048 = arith.constant 1 : i32
      %dma_wait3A_1049 = arith.constant 1 : i32
      %dma_wait3A_1050 = arith.constant 0 : i32
      %dma_wait3A_1051 = tpu.memref_slice %arg8[%dma_wait3A_1048, %dma_wait3A_1049, %dma_wait3A_1050] : memref<2x8x80xi32, #tpu.memory_space<vmem>> -> memref<1x1x80xi32, #tpu.memory_space<vmem>>
      %dma_wait3A_1052 = tpu.memref_squeeze %dma_wait3A_1051 : memref<1x1x80xi32, #tpu.memory_space<vmem>> -> memref<80xi32, #tpu.memory_space<vmem>>
      %dma_wait3A_1053 = arith.constant 0 : i32
      %dma_wait3A_1054 = arith.constant 0 : i32
      %dma_wait3A_1055 = tpu.memref_slice %arg23[%dma_wait3A_1053, %dma_wait3A_1054] : memref<10112x128xf32, #tpu.memory_space<vmem_shared>> -> memref<10112x128xf32, #tpu.memory_space<vmem_shared>>
      tpu.wait_indirect_dma semaphore(%arg18 : memref<!tpu.dma_semaphore, #tpu.memory_space<semaphore_mem>>) src(%arg10 : memref<80x128xf32, #tpu.memory_space<vmem>>) dst(%dma_wait3A_1055 : memref<10112x128xf32, #tpu.memory_space<vmem_shared>>)
      %dma_start3A_1056 = arith.constant 1 : i32
      %dma_start3A_1057 = arith.constant 5 : i32
      %dma_start3A_1058 = arith.constant 0 : i32
      %dma_start3A_1059 = tpu.memref_slice %arg7[%dma_start3A_1056, %dma_start3A_1057, %dma_start3A_1058] : memref<2x8x80xi32, #tpu.memory_space<vmem>> -> memref<1x1x80xi32, #tpu.memory_space<vmem>>
      %dma_start3A_1060 = tpu.memref_squeeze %dma_start3A_1059 : memref<1x1x80xi32, #tpu.memory_space<vmem>> -> memref<80xi32, #tpu.memory_space<vmem>>
      %dma_start3A_1061 = arith.constant 0 : i32
      %dma_start3A_1062 = arith.constant 0 : i32
      %dma_start3A_1063 = tpu.memref_slice %arg2[%dma_start3A_1061, %dma_start3A_1062] : memref<10000x128xf32, #tpu.memory_space<hbm>> -> memref<10000x128xf32, #tpu.memory_space<hbm>>
      tpu.enqueue_indirect_dma source(%dma_start3A_1063 : memref<10000x128xf32, #tpu.memory_space<hbm>>) target(%arg10 : memref<80x128xf32, #tpu.memory_space<vmem>>) offsets(%dma_start3A_1060 : memref<80xi32, #tpu.memory_space<vmem>>) semaphore(%arg14 : memref<!tpu.dma_semaphore, #tpu.memory_space<semaphore_mem>>)
      %dma_wait3A_1064 = arith.constant 1 : i32
      %dma_wait3A_1065 = arith.constant 2 : i32
      %dma_wait3A_1066 = arith.constant 0 : i32
      %dma_wait3A_1067 = tpu.memref_slice %arg8[%dma_wait3A_1064, %dma_wait3A_1065, %dma_wait3A_1066] : memref<2x8x80xi32, #tpu.memory_space<vmem>> -> memref<1x1x80xi32, #tpu.memory_space<vmem>>
      %dma_wait3A_1068 = tpu.memref_squeeze %dma_wait3A_1067 : memref<1x1x80xi32, #tpu.memory_space<vmem>> -> memref<80xi32, #tpu.memory_space<vmem>>
      %dma_wait3A_1069 = arith.constant 0 : i32
      %dma_wait3A_1070 = arith.constant 0 : i32
      %dma_wait3A_1071 = tpu.memref_slice %arg23[%dma_wait3A_1069, %dma_wait3A_1070] : memref<10112x128xf32, #tpu.memory_space<vmem_shared>> -> memref<10112x128xf32, #tpu.memory_space<vmem_shared>>
      tpu.wait_indirect_dma semaphore(%arg19 : memref<!tpu.dma_semaphore, #tpu.memory_space<semaphore_mem>>) src(%arg11 : memref<80x128xf32, #tpu.memory_space<vmem>>) dst(%dma_wait3A_1071 : memref<10112x128xf32, #tpu.memory_space<vmem_shared>>)
      %dma_start3A_1072 = arith.constant 1 : i32
      %dma_start3A_1073 = arith.constant 6 : i32
      %dma_start3A_1074 = arith.constant 0 : i32
      %dma_start3A_1075 = tpu.memref_slice %arg7[%dma_start3A_1072, %dma_start3A_1073, %dma_start3A_1074] : memref<2x8x80xi32, #tpu.memory_space<vmem>> -> memref<1x1x80xi32, #tpu.memory_space<vmem>>
      %dma_start3A_1076 = tpu.memref_squeeze %dma_start3A_1075 : memref<1x1x80xi32, #tpu.memory_space<vmem>> -> memref<80xi32, #tpu.memory_space<vmem>>
      %dma_start3A_1077 = arith.constant 0 : i32
      %dma_start3A_1078 = arith.constant 0 : i32
      %dma_start3A_1079 = tpu.memref_slice %arg2[%dma_start3A_1077, %dma_start3A_1078] : memref<10000x128xf32, #tpu.memory_space<hbm>> -> memref<10000x128xf32, #tpu.memory_space<hbm>>
      tpu.enqueue_indirect_dma source(%dma_start3A_1079 : memref<10000x128xf32, #tpu.memory_space<hbm>>) target(%arg11 : memref<80x128xf32, #tpu.memory_space<vmem>>) offsets(%dma_start3A_1076 : memref<80xi32, #tpu.memory_space<vmem>>) semaphore(%arg15 : memref<!tpu.dma_semaphore, #tpu.memory_space<semaphore_mem>>)
      %dma_wait3A_1080 = arith.constant 1 : i32
      %dma_wait3A_1081 = arith.constant 3 : i32
      %dma_wait3A_1082 = arith.constant 0 : i32
      %dma_wait3A_1083 = tpu.memref_slice %arg8[%dma_wait3A_1080, %dma_wait3A_1081, %dma_wait3A_1082] : memref<2x8x80xi32, #tpu.memory_space<vmem>> -> memref<1x1x80xi32, #tpu.memory_space<vmem>>
      %dma_wait3A_1084 = tpu.memref_squeeze %dma_wait3A_1083 : memref<1x1x80xi32, #tpu.memory_space<vmem>> -> memref<80xi32, #tpu.memory_space<vmem>>
      %dma_wait3A_1085 = arith.constant 0 : i32
      %dma_wait3A_1086 = arith.constant 0 : i32
      %dma_wait3A_1087 = tpu.memref_slice %arg23[%dma_wait3A_1085, %dma_wait3A_1086] : memref<10112x128xf32, #tpu.memory_space<vmem_shared>> -> memref<10112x128xf32, #tpu.memory_space<vmem_shared>>
      tpu.wait_indirect_dma semaphore(%arg20 : memref<!tpu.dma_semaphore, #tpu.memory_space<semaphore_mem>>) src(%arg12 : memref<80x128xf32, #tpu.memory_space<vmem>>) dst(%dma_wait3A_1087 : memref<10112x128xf32, #tpu.memory_space<vmem_shared>>)
      %dma_start3A_1088 = arith.constant 1 : i32
      %dma_start3A_1089 = arith.constant 7 : i32
      %dma_start3A_1090 = arith.constant 0 : i32
      %dma_start3A_1091 = tpu.memref_slice %arg7[%dma_start3A_1088, %dma_start3A_1089, %dma_start3A_1090] : memref<2x8x80xi32, #tpu.memory_space<vmem>> -> memref<1x1x80xi32, #tpu.memory_space<vmem>>
      %dma_start3A_1092 = tpu.memref_squeeze %dma_start3A_1091 : memref<1x1x80xi32, #tpu.memory_space<vmem>> -> memref<80xi32, #tpu.memory_space<vmem>>
      %dma_start3A_1093 = arith.constant 0 : i32
      %dma_start3A_1094 = arith.constant 0 : i32
      %dma_start3A_1095 = tpu.memref_slice %arg2[%dma_start3A_1093, %dma_start3A_1094] : memref<10000x128xf32, #tpu.memory_space<hbm>> -> memref<10000x128xf32, #tpu.memory_space<hbm>>
      tpu.enqueue_indirect_dma source(%dma_start3A_1095 : memref<10000x128xf32, #tpu.memory_space<hbm>>) target(%arg12 : memref<80x128xf32, #tpu.memory_space<vmem>>) offsets(%dma_start3A_1092 : memref<80xi32, #tpu.memory_space<vmem>>) semaphore(%arg16 : memref<!tpu.dma_semaphore, #tpu.memory_space<semaphore_mem>>)
      %dma_wait3A_1096 = arith.constant 1 : i32
      %dma_wait3A_1097 = arith.constant 4 : i32
      %dma_wait3A_1098 = arith.constant 0 : i32
      %dma_wait3A_1099 = tpu.memref_slice %arg7[%dma_wait3A_1096, %dma_wait3A_1097, %dma_wait3A_1098] : memref<2x8x80xi32, #tpu.memory_space<vmem>> -> memref<1x1x80xi32, #tpu.memory_space<vmem>>
      %dma_wait3A_1100 = tpu.memref_squeeze %dma_wait3A_1099 : memref<1x1x80xi32, #tpu.memory_space<vmem>> -> memref<80xi32, #tpu.memory_space<vmem>>
      %dma_wait3A_1101 = arith.constant 0 : i32
      %dma_wait3A_1102 = arith.constant 0 : i32
      %dma_wait3A_1103 = tpu.memref_slice %arg2[%dma_wait3A_1101, %dma_wait3A_1102] : memref<10000x128xf32, #tpu.memory_space<hbm>> -> memref<10000x128xf32, #tpu.memory_space<hbm>>
      tpu.wait_indirect_dma semaphore(%arg13 : memref<!tpu.dma_semaphore, #tpu.memory_space<semaphore_mem>>) src(%dma_wait3A_1103 : memref<10000x128xf32, #tpu.memory_space<hbm>>) dst(%arg9 : memref<80x128xf32, #tpu.memory_space<vmem>>)
      %dma_start3A_1104 = arith.constant 1 : i32
      %dma_start3A_1105 = arith.constant 4 : i32
      %dma_start3A_1106 = arith.constant 0 : i32
      %dma_start3A_1107 = tpu.memref_slice %arg8[%dma_start3A_1104, %dma_start3A_1105, %dma_start3A_1106] : memref<2x8x80xi32, #tpu.memory_space<vmem>> -> memref<1x1x80xi32, #tpu.memory_space<vmem>>
      %dma_start3A_1108 = tpu.memref_squeeze %dma_start3A_1107 : memref<1x1x80xi32, #tpu.memory_space<vmem>> -> memref<80xi32, #tpu.memory_space<vmem>>
      %dma_start3A_1109 = arith.constant 0 : i32
      %dma_start3A_1110 = arith.constant 0 : i32
      %dma_start3A_1111 = tpu.memref_slice %arg23[%dma_start3A_1109, %dma_start3A_1110] : memref<10112x128xf32, #tpu.memory_space<vmem_shared>> -> memref<10112x128xf32, #tpu.memory_space<vmem_shared>>
      tpu.enqueue_indirect_dma source(%arg9 : memref<80x128xf32, #tpu.memory_space<vmem>>) target(%dma_start3A_1111 : memref<10112x128xf32, #tpu.memory_space<vmem_shared>>) offsets(%dma_start3A_1108 : memref<80xi32, #tpu.memory_space<vmem>>) semaphore(%arg17 : memref<!tpu.dma_semaphore, #tpu.memory_space<semaphore_mem>>) {add = true}
      %dma_wait3A_1112 = arith.constant 1 : i32
      %dma_wait3A_1113 = arith.constant 5 : i32
      %dma_wait3A_1114 = arith.constant 0 : i32
      %dma_wait3A_1115 = tpu.memref_slice %arg7[%dma_wait3A_1112, %dma_wait3A_1113, %dma_wait3A_1114] : memref<2x8x80xi32, #tpu.memory_space<vmem>> -> memref<1x1x80xi32, #tpu.memory_space<vmem>>
      %dma_wait3A_1116 = tpu.memref_squeeze %dma_wait3A_1115 : memref<1x1x80xi32, #tpu.memory_space<vmem>> -> memref<80xi32, #tpu.memory_space<vmem>>
      %dma_wait3A_1117 = arith.constant 0 : i32
      %dma_wait3A_1118 = arith.constant 0 : i32
      %dma_wait3A_1119 = tpu.memref_slice %arg2[%dma_wait3A_1117, %dma_wait3A_1118] : memref<10000x128xf32, #tpu.memory_space<hbm>> -> memref<10000x128xf32, #tpu.memory_space<hbm>>
      tpu.wait_indirect_dma semaphore(%arg14 : memref<!tpu.dma_semaphore, #tpu.memory_space<semaphore_mem>>) src(%dma_wait3A_1119 : memref<10000x128xf32, #tpu.memory_space<hbm>>) dst(%arg10 : memref<80x128xf32, #tpu.memory_space<vmem>>)
      %dma_start3A_1120 = arith.constant 1 : i32
      %dma_start3A_1121 = arith.constant 5 : i32
      %dma_start3A_1122 = arith.constant 0 : i32
      %dma_start3A_1123 = tpu.memref_slice %arg8[%dma_start3A_1120, %dma_start3A_1121, %dma_start3A_1122] : memref<2x8x80xi32, #tpu.memory_space<vmem>> -> memref<1x1x80xi32, #tpu.memory_space<vmem>>
      %dma_start3A_1124 = tpu.memref_squeeze %dma_start3A_1123 : memref<1x1x80xi32, #tpu.memory_space<vmem>> -> memref<80xi32, #tpu.memory_space<vmem>>
      %dma_start3A_1125 = arith.constant 0 : i32
      %dma_start3A_1126 = arith.constant 0 : i32
      %dma_start3A_1127 = tpu.memref_slice %arg23[%dma_start3A_1125, %dma_start3A_1126] : memref<10112x128xf32, #tpu.memory_space<vmem_shared>> -> memref<10112x128xf32, #tpu.memory_space<vmem_shared>>
      tpu.enqueue_indirect_dma source(%arg10 : memref<80x128xf32, #tpu.memory_space<vmem>>) target(%dma_start3A_1127 : memref<10112x128xf32, #tpu.memory_space<vmem_shared>>) offsets(%dma_start3A_1124 : memref<80xi32, #tpu.memory_space<vmem>>) semaphore(%arg18 : memref<!tpu.dma_semaphore, #tpu.memory_space<semaphore_mem>>) {add = true}
      %dma_wait3A_1128 = arith.constant 1 : i32
      %dma_wait3A_1129 = arith.constant 6 : i32
      %dma_wait3A_1130 = arith.constant 0 : i32
      %dma_wait3A_1131 = tpu.memref_slice %arg7[%dma_wait3A_1128, %dma_wait3A_1129, %dma_wait3A_1130] : memref<2x8x80xi32, #tpu.memory_space<vmem>> -> memref<1x1x80xi32, #tpu.memory_space<vmem>>
      %dma_wait3A_1132 = tpu.memref_squeeze %dma_wait3A_1131 : memref<1x1x80xi32, #tpu.memory_space<vmem>> -> memref<80xi32, #tpu.memory_space<vmem>>
      %dma_wait3A_1133 = arith.constant 0 : i32
      %dma_wait3A_1134 = arith.constant 0 : i32
      %dma_wait3A_1135 = tpu.memref_slice %arg2[%dma_wait3A_1133, %dma_wait3A_1134] : memref<10000x128xf32, #tpu.memory_space<hbm>> -> memref<10000x128xf32, #tpu.memory_space<hbm>>
      tpu.wait_indirect_dma semaphore(%arg15 : memref<!tpu.dma_semaphore, #tpu.memory_space<semaphore_mem>>) src(%dma_wait3A_1135 : memref<10000x128xf32, #tpu.memory_space<hbm>>) dst(%arg11 : memref<80x128xf32, #tpu.memory_space<vmem>>)
      %dma_start3A_1136 = arith.constant 1 : i32
      %dma_start3A_1137 = arith.constant 6 : i32
      %dma_start3A_1138 = arith.constant 0 : i32
      %dma_start3A_1139 = tpu.memref_slice %arg8[%dma_start3A_1136, %dma_start3A_1137, %dma_start3A_1138] : memref<2x8x80xi32, #tpu.memory_space<vmem>> -> memref<1x1x80xi32, #tpu.memory_space<vmem>>
      %dma_start3A_1140 = tpu.memref_squeeze %dma_start3A_1139 : memref<1x1x80xi32, #tpu.memory_space<vmem>> -> memref<80xi32, #tpu.memory_space<vmem>>
      %dma_start3A_1141 = arith.constant 0 : i32
      %dma_start3A_1142 = arith.constant 0 : i32
      %dma_start3A_1143 = tpu.memref_slice %arg23[%dma_start3A_1141, %dma_start3A_1142] : memref<10112x128xf32, #tpu.memory_space<vmem_shared>> -> memref<10112x128xf32, #tpu.memory_space<vmem_shared>>
      tpu.enqueue_indirect_dma source(%arg11 : memref<80x128xf32, #tpu.memory_space<vmem>>) target(%dma_start3A_1143 : memref<10112x128xf32, #tpu.memory_space<vmem_shared>>) offsets(%dma_start3A_1140 : memref<80xi32, #tpu.memory_space<vmem>>) semaphore(%arg19 : memref<!tpu.dma_semaphore, #tpu.memory_space<semaphore_mem>>) {add = true}
      %dma_wait3A_1144 = arith.constant 1 : i32
      %dma_wait3A_1145 = arith.constant 7 : i32
      %dma_wait3A_1146 = arith.constant 0 : i32
      %dma_wait3A_1147 = tpu.memref_slice %arg7[%dma_wait3A_1144, %dma_wait3A_1145, %dma_wait3A_1146] : memref<2x8x80xi32, #tpu.memory_space<vmem>> -> memref<1x1x80xi32, #tpu.memory_space<vmem>>
      %dma_wait3A_1148 = tpu.memref_squeeze %dma_wait3A_1147 : memref<1x1x80xi32, #tpu.memory_space<vmem>> -> memref<80xi32, #tpu.memory_space<vmem>>
      %dma_wait3A_1149 = arith.constant 0 : i32
      %dma_wait3A_1150 = arith.constant 0 : i32
      %dma_wait3A_1151 = tpu.memref_slice %arg2[%dma_wait3A_1149, %dma_wait3A_1150] : memref<10000x128xf32, #tpu.memory_space<hbm>> -> memref<10000x128xf32, #tpu.memory_space<hbm>>
      tpu.wait_indirect_dma semaphore(%arg16 : memref<!tpu.dma_semaphore, #tpu.memory_space<semaphore_mem>>) src(%dma_wait3A_1151 : memref<10000x128xf32, #tpu.memory_space<hbm>>) dst(%arg12 : memref<80x128xf32, #tpu.memory_space<vmem>>)
      %dma_start3A_1152 = arith.constant 1 : i32
      %dma_start3A_1153 = arith.constant 7 : i32
      %dma_start3A_1154 = arith.constant 0 : i32
      %dma_start3A_1155 = tpu.memref_slice %arg8[%dma_start3A_1152, %dma_start3A_1153, %dma_start3A_1154] : memref<2x8x80xi32, #tpu.memory_space<vmem>> -> memref<1x1x80xi32, #tpu.memory_space<vmem>>
      %dma_start3A_1156 = tpu.memref_squeeze %dma_start3A_1155 : memref<1x1x80xi32, #tpu.memory_space<vmem>> -> memref<80xi32, #tpu.memory_space<vmem>>
      %dma_start3A_1157 = arith.constant 0 : i32
      %dma_start3A_1158 = arith.constant 0 : i32
      %dma_start3A_1159 = tpu.memref_slice %arg23[%dma_start3A_1157, %dma_start3A_1158] : memref<10112x128xf32, #tpu.memory_space<vmem_shared>> -> memref<10112x128xf32, #tpu.memory_space<vmem_shared>>
      tpu.enqueue_indirect_dma source(%arg12 : memref<80x128xf32, #tpu.memory_space<vmem>>) target(%dma_start3A_1159 : memref<10112x128xf32, #tpu.memory_space<vmem_shared>>) offsets(%dma_start3A_1156 : memref<80xi32, #tpu.memory_space<vmem>>) semaphore(%arg20 : memref<!tpu.dma_semaphore, #tpu.memory_space<semaphore_mem>>) {add = true}
      %add3A_1160 = arith.constant 2 : i32
      %add3A_1161 = arith.addi %mul3A_645, %add3A_1160 : i32
      %mul3A_1162 = arith.constant 128 : i32
      %mul3A_1163 = arith.muli %add3A, %mul3A_1162 : i32
      %mul3A_1164 = arith.constant 8 : i32
      %mul3A_1165 = arith.muli %add3A_1161, %mul3A_1164 : i32
      %add3A_1166 = arith.addi %mul3A_1163, %mul3A_1165 : i32
      %dma_wait3A_1167 = arith.constant 0 : i32
      %dma_wait3A_1168 = arith.constant 0 : i32
      %dma_wait3A_1169 = arith.constant 0 : i32
      %dma_wait3A_1170 = tpu.memref_slice %arg7[%dma_wait3A_1167, %dma_wait3A_1168, %dma_wait3A_1169] : memref<2x8x80xi32, #tpu.memory_space<vmem>> -> memref<1x8x80xi32, #tpu.memory_space<vmem>>
      %dma_wait3A_1171 = tpu.memref_squeeze %dma_wait3A_1170 : memref<1x8x80xi32, #tpu.memory_space<vmem>> -> memref<8x80xi32, #tpu.memory_space<vmem>>
      %dma_wait3A_1172 = arith.constant 0 : i32
      %dma_wait3A_1173 = tpu.memref_slice %arg3[%add3A_1166, %dma_wait3A_1172] : memref<4096x80xi32, #tpu.memory_space<hbm>> -> memref<8x80xi32, #tpu.memory_space<hbm>>
      %dma_wait3A_1174 = arith.constant 0 : i32
      %dma_wait3A_1175 = arith.constant 0 : i32
      %dma_wait3A_1176 = tpu.memref_slice %arg7[%dma_wait3A_1167, %dma_wait3A_1174, %dma_wait3A_1175] : memref<2x8x80xi32, #tpu.memory_space<vmem>> -> memref<1x8x80xi32, #tpu.memory_space<vmem>>
      %dma_wait3A_1177 = tpu.memref_squeeze %dma_wait3A_1176 : memref<1x8x80xi32, #tpu.memory_space<vmem>> -> memref<8x80xi32, #tpu.memory_space<vmem>>
      %dma_wait3A_1178 = arith.constant 0 : i32
      %dma_wait3A_1179 = tpu.memref_slice %arg3[%add3A_1166, %dma_wait3A_1178] : memref<4096x80xi32, #tpu.memory_space<hbm>> -> memref<8x80xi32, #tpu.memory_space<hbm>>
      tpu.wait_dma2 semaphore(%arg21 : memref<!tpu.dma_semaphore, #tpu.memory_space<semaphore_mem>>) src(%dma_wait3A_1179 : memref<8x80xi32, #tpu.memory_space<hbm>>) dst(%dma_wait3A_1177 : memref<8x80xi32, #tpu.memory_space<vmem>>)
      %dma_wait3A_1180 = arith.constant 0 : i32
      %dma_wait3A_1181 = arith.constant 0 : i32
      %dma_wait3A_1182 = arith.constant 0 : i32
      %dma_wait3A_1183 = tpu.memref_slice %arg8[%dma_wait3A_1180, %dma_wait3A_1181, %dma_wait3A_1182] : memref<2x8x80xi32, #tpu.memory_space<vmem>> -> memref<1x8x80xi32, #tpu.memory_space<vmem>>
      %dma_wait3A_1184 = tpu.memref_squeeze %dma_wait3A_1183 : memref<1x8x80xi32, #tpu.memory_space<vmem>> -> memref<8x80xi32, #tpu.memory_space<vmem>>
      %dma_wait3A_1185 = arith.constant 0 : i32
      %dma_wait3A_1186 = tpu.memref_slice %arg4[%add3A_1166, %dma_wait3A_1185] : memref<4096x80xi32, #tpu.memory_space<hbm>> -> memref<8x80xi32, #tpu.memory_space<hbm>>
      %dma_wait3A_1187 = arith.constant 0 : i32
      %dma_wait3A_1188 = arith.constant 0 : i32
      %dma_wait3A_1189 = tpu.memref_slice %arg8[%dma_wait3A_1180, %dma_wait3A_1187, %dma_wait3A_1188] : memref<2x8x80xi32, #tpu.memory_space<vmem>> -> memref<1x8x80xi32, #tpu.memory_space<vmem>>
      %dma_wait3A_1190 = tpu.memref_squeeze %dma_wait3A_1189 : memref<1x8x80xi32, #tpu.memory_space<vmem>> -> memref<8x80xi32, #tpu.memory_space<vmem>>
      %dma_wait3A_1191 = arith.constant 0 : i32
      %dma_wait3A_1192 = tpu.memref_slice %arg4[%add3A_1166, %dma_wait3A_1191] : memref<4096x80xi32, #tpu.memory_space<hbm>> -> memref<8x80xi32, #tpu.memory_space<hbm>>
      tpu.wait_dma2 semaphore(%arg21 : memref<!tpu.dma_semaphore, #tpu.memory_space<semaphore_mem>>) src(%dma_wait3A_1192 : memref<8x80xi32, #tpu.memory_space<hbm>>) dst(%dma_wait3A_1190 : memref<8x80xi32, #tpu.memory_space<vmem>>)
      %dma_wait3A_1193 = arith.constant 1 : i32
      %dma_wait3A_1194 = arith.constant 4 : i32
      %dma_wait3A_1195 = arith.constant 0 : i32
      %dma_wait3A_1196 = tpu.memref_slice %arg8[%dma_wait3A_1193, %dma_wait3A_1194, %dma_wait3A_1195] : memref<2x8x80xi32, #tpu.memory_space<vmem>> -> memref<1x1x80xi32, #tpu.memory_space<vmem>>
      %dma_wait3A_1197 = tpu.memref_squeeze %dma_wait3A_1196 : memref<1x1x80xi32, #tpu.memory_space<vmem>> -> memref<80xi32, #tpu.memory_space<vmem>>
      %dma_wait3A_1198 = arith.constant 0 : i32
      %dma_wait3A_1199 = arith.constant 0 : i32
      %dma_wait3A_1200 = tpu.memref_slice %arg23[%dma_wait3A_1198, %dma_wait3A_1199] : memref<10112x128xf32, #tpu.memory_space<vmem_shared>> -> memref<10112x128xf32, #tpu.memory_space<vmem_shared>>
      tpu.wait_indirect_dma semaphore(%arg17 : memref<!tpu.dma_semaphore, #tpu.memory_space<semaphore_mem>>) src(%arg9 : memref<80x128xf32, #tpu.memory_space<vmem>>) dst(%dma_wait3A_1200 : memref<10112x128xf32, #tpu.memory_space<vmem_shared>>)
      %dma_start3A_1201 = arith.constant 0 : i32
      %dma_start3A_1202 = arith.constant 0 : i32
      %dma_start3A_1203 = arith.constant 0 : i32
      %dma_start3A_1204 = tpu.memref_slice %arg7[%dma_start3A_1201, %dma_start3A_1202, %dma_start3A_1203] : memref<2x8x80xi32, #tpu.memory_space<vmem>> -> memref<1x1x80xi32, #tpu.memory_space<vmem>>
      %dma_start3A_1205 = tpu.memref_squeeze %dma_start3A_1204 : memref<1x1x80xi32, #tpu.memory_space<vmem>> -> memref<80xi32, #tpu.memory_space<vmem>>
      %dma_start3A_1206 = arith.constant 0 : i32
      %dma_start3A_1207 = arith.constant 0 : i32
      %dma_start3A_1208 = tpu.memref_slice %arg2[%dma_start3A_1206, %dma_start3A_1207] : memref<10000x128xf32, #tpu.memory_space<hbm>> -> memref<10000x128xf32, #tpu.memory_space<hbm>>
      tpu.enqueue_indirect_dma source(%dma_start3A_1208 : memref<10000x128xf32, #tpu.memory_space<hbm>>) target(%arg9 : memref<80x128xf32, #tpu.memory_space<vmem>>) offsets(%dma_start3A_1205 : memref<80xi32, #tpu.memory_space<vmem>>) semaphore(%arg13 : memref<!tpu.dma_semaphore, #tpu.memory_space<semaphore_mem>>)
      %dma_wait3A_1209 = arith.constant 1 : i32
      %dma_wait3A_1210 = arith.constant 5 : i32
      %dma_wait3A_1211 = arith.constant 0 : i32
      %dma_wait3A_1212 = tpu.memref_slice %arg8[%dma_wait3A_1209, %dma_wait3A_1210, %dma_wait3A_1211] : memref<2x8x80xi32, #tpu.memory_space<vmem>> -> memref<1x1x80xi32, #tpu.memory_space<vmem>>
      %dma_wait3A_1213 = tpu.memref_squeeze %dma_wait3A_1212 : memref<1x1x80xi32, #tpu.memory_space<vmem>> -> memref<80xi32, #tpu.memory_space<vmem>>
      %dma_wait3A_1214 = arith.constant 0 : i32
      %dma_wait3A_1215 = arith.constant 0 : i32
      %dma_wait3A_1216 = tpu.memref_slice %arg23[%dma_wait3A_1214, %dma_wait3A_1215] : memref<10112x128xf32, #tpu.memory_space<vmem_shared>> -> memref<10112x128xf32, #tpu.memory_space<vmem_shared>>
      tpu.wait_indirect_dma semaphore(%arg18 : memref<!tpu.dma_semaphore, #tpu.memory_space<semaphore_mem>>) src(%arg10 : memref<80x128xf32, #tpu.memory_space<vmem>>) dst(%dma_wait3A_1216 : memref<10112x128xf32, #tpu.memory_space<vmem_shared>>)
      %dma_start3A_1217 = arith.constant 0 : i32
      %dma_start3A_1218 = arith.constant 1 : i32
      %dma_start3A_1219 = arith.constant 0 : i32
      %dma_start3A_1220 = tpu.memref_slice %arg7[%dma_start3A_1217, %dma_start3A_1218, %dma_start3A_1219] : memref<2x8x80xi32, #tpu.memory_space<vmem>> -> memref<1x1x80xi32, #tpu.memory_space<vmem>>
      %dma_start3A_1221 = tpu.memref_squeeze %dma_start3A_1220 : memref<1x1x80xi32, #tpu.memory_space<vmem>> -> memref<80xi32, #tpu.memory_space<vmem>>
      %dma_start3A_1222 = arith.constant 0 : i32
      %dma_start3A_1223 = arith.constant 0 : i32
      %dma_start3A_1224 = tpu.memref_slice %arg2[%dma_start3A_1222, %dma_start3A_1223] : memref<10000x128xf32, #tpu.memory_space<hbm>> -> memref<10000x128xf32, #tpu.memory_space<hbm>>
      tpu.enqueue_indirect_dma source(%dma_start3A_1224 : memref<10000x128xf32, #tpu.memory_space<hbm>>) target(%arg10 : memref<80x128xf32, #tpu.memory_space<vmem>>) offsets(%dma_start3A_1221 : memref<80xi32, #tpu.memory_space<vmem>>) semaphore(%arg14 : memref<!tpu.dma_semaphore, #tpu.memory_space<semaphore_mem>>)
      %dma_wait3A_1225 = arith.constant 1 : i32
      %dma_wait3A_1226 = arith.constant 6 : i32
      %dma_wait3A_1227 = arith.constant 0 : i32
      %dma_wait3A_1228 = tpu.memref_slice %arg8[%dma_wait3A_1225, %dma_wait3A_1226, %dma_wait3A_1227] : memref<2x8x80xi32, #tpu.memory_space<vmem>> -> memref<1x1x80xi32, #tpu.memory_space<vmem>>
      %dma_wait3A_1229 = tpu.memref_squeeze %dma_wait3A_1228 : memref<1x1x80xi32, #tpu.memory_space<vmem>> -> memref<80xi32, #tpu.memory_space<vmem>>
      %dma_wait3A_1230 = arith.constant 0 : i32
      %dma_wait3A_1231 = arith.constant 0 : i32
      %dma_wait3A_1232 = tpu.memref_slice %arg23[%dma_wait3A_1230, %dma_wait3A_1231] : memref<10112x128xf32, #tpu.memory_space<vmem_shared>> -> memref<10112x128xf32, #tpu.memory_space<vmem_shared>>
      tpu.wait_indirect_dma semaphore(%arg19 : memref<!tpu.dma_semaphore, #tpu.memory_space<semaphore_mem>>) src(%arg11 : memref<80x128xf32, #tpu.memory_space<vmem>>) dst(%dma_wait3A_1232 : memref<10112x128xf32, #tpu.memory_space<vmem_shared>>)
      %dma_start3A_1233 = arith.constant 0 : i32
      %dma_start3A_1234 = arith.constant 2 : i32
      %dma_start3A_1235 = arith.constant 0 : i32
      %dma_start3A_1236 = tpu.memref_slice %arg7[%dma_start3A_1233, %dma_start3A_1234, %dma_start3A_1235] : memref<2x8x80xi32, #tpu.memory_space<vmem>> -> memref<1x1x80xi32, #tpu.memory_space<vmem>>
      %dma_start3A_1237 = tpu.memref_squeeze %dma_start3A_1236 : memref<1x1x80xi32, #tpu.memory_space<vmem>> -> memref<80xi32, #tpu.memory_space<vmem>>
      %dma_start3A_1238 = arith.constant 0 : i32
      %dma_start3A_1239 = arith.constant 0 : i32
      %dma_start3A_1240 = tpu.memref_slice %arg2[%dma_start3A_1238, %dma_start3A_1239] : memref<10000x128xf32, #tpu.memory_space<hbm>> -> memref<10000x128xf32, #tpu.memory_space<hbm>>
      tpu.enqueue_indirect_dma source(%dma_start3A_1240 : memref<10000x128xf32, #tpu.memory_space<hbm>>) target(%arg11 : memref<80x128xf32, #tpu.memory_space<vmem>>) offsets(%dma_start3A_1237 : memref<80xi32, #tpu.memory_space<vmem>>) semaphore(%arg15 : memref<!tpu.dma_semaphore, #tpu.memory_space<semaphore_mem>>)
      %dma_wait3A_1241 = arith.constant 1 : i32
      %dma_wait3A_1242 = arith.constant 7 : i32
      %dma_wait3A_1243 = arith.constant 0 : i32
      %dma_wait3A_1244 = tpu.memref_slice %arg8[%dma_wait3A_1241, %dma_wait3A_1242, %dma_wait3A_1243] : memref<2x8x80xi32, #tpu.memory_space<vmem>> -> memref<1x1x80xi32, #tpu.memory_space<vmem>>
      %dma_wait3A_1245 = tpu.memref_squeeze %dma_wait3A_1244 : memref<1x1x80xi32, #tpu.memory_space<vmem>> -> memref<80xi32, #tpu.memory_space<vmem>>
      %dma_wait3A_1246 = arith.constant 0 : i32
      %dma_wait3A_1247 = arith.constant 0 : i32
      %dma_wait3A_1248 = tpu.memref_slice %arg23[%dma_wait3A_1246, %dma_wait3A_1247] : memref<10112x128xf32, #tpu.memory_space<vmem_shared>> -> memref<10112x128xf32, #tpu.memory_space<vmem_shared>>
      tpu.wait_indirect_dma semaphore(%arg20 : memref<!tpu.dma_semaphore, #tpu.memory_space<semaphore_mem>>) src(%arg12 : memref<80x128xf32, #tpu.memory_space<vmem>>) dst(%dma_wait3A_1248 : memref<10112x128xf32, #tpu.memory_space<vmem_shared>>)
      %dma_start3A_1249 = arith.constant 0 : i32
      %dma_start3A_1250 = arith.constant 3 : i32
      %dma_start3A_1251 = arith.constant 0 : i32
      %dma_start3A_1252 = tpu.memref_slice %arg7[%dma_start3A_1249, %dma_start3A_1250, %dma_start3A_1251] : memref<2x8x80xi32, #tpu.memory_space<vmem>> -> memref<1x1x80xi32, #tpu.memory_space<vmem>>
      %dma_start3A_1253 = tpu.memref_squeeze %dma_start3A_1252 : memref<1x1x80xi32, #tpu.memory_space<vmem>> -> memref<80xi32, #tpu.memory_space<vmem>>
      %dma_start3A_1254 = arith.constant 0 : i32
      %dma_start3A_1255 = arith.constant 0 : i32
      %dma_start3A_1256 = tpu.memref_slice %arg2[%dma_start3A_1254, %dma_start3A_1255] : memref<10000x128xf32, #tpu.memory_space<hbm>> -> memref<10000x128xf32, #tpu.memory_space<hbm>>
      tpu.enqueue_indirect_dma source(%dma_start3A_1256 : memref<10000x128xf32, #tpu.memory_space<hbm>>) target(%arg12 : memref<80x128xf32, #tpu.memory_space<vmem>>) offsets(%dma_start3A_1253 : memref<80xi32, #tpu.memory_space<vmem>>) semaphore(%arg16 : memref<!tpu.dma_semaphore, #tpu.memory_space<semaphore_mem>>)
      %add3A_1257 = arith.constant 3 : i32
      %add3A_1258 = arith.addi %mul3A_645, %add3A_1257 : i32
      %mul3A_1259 = arith.constant 128 : i32
      %mul3A_1260 = arith.muli %add3A, %mul3A_1259 : i32
      %mul3A_1261 = arith.constant 8 : i32
      %mul3A_1262 = arith.muli %add3A_1258, %mul3A_1261 : i32
      %add3A_1263 = arith.addi %mul3A_1260, %mul3A_1262 : i32
      %dma_start3A_1264 = arith.constant 1 : i32
      %dma_start3A_1265 = arith.constant 0 : i32
      %dma_start3A_1266 = arith.constant 0 : i32
      %dma_start3A_1267 = tpu.memref_slice %arg7[%dma_start3A_1264, %dma_start3A_1265, %dma_start3A_1266] : memref<2x8x80xi32, #tpu.memory_space<vmem>> -> memref<1x8x80xi32, #tpu.memory_space<vmem>>
      %dma_start3A_1268 = tpu.memref_squeeze %dma_start3A_1267 : memref<1x8x80xi32, #tpu.memory_space<vmem>> -> memref<8x80xi32, #tpu.memory_space<vmem>>
      %dma_start3A_1269 = arith.constant 0 : i32
      %dma_start3A_1270 = tpu.memref_slice %arg3[%add3A_1263, %dma_start3A_1269] : memref<4096x80xi32, #tpu.memory_space<hbm>> -> memref<8x80xi32, #tpu.memory_space<hbm>>
      %dma_start3A_1271 = arith.constant 0 : i32
      %dma_start3A_1272 = arith.constant 0 : i32
      %dma_start3A_1273 = tpu.memref_slice %arg7[%dma_start3A_1264, %dma_start3A_1271, %dma_start3A_1272] : memref<2x8x80xi32, #tpu.memory_space<vmem>> -> memref<1x8x80xi32, #tpu.memory_space<vmem>>
      %dma_start3A_1274 = tpu.memref_squeeze %dma_start3A_1273 : memref<1x8x80xi32, #tpu.memory_space<vmem>> -> memref<8x80xi32, #tpu.memory_space<vmem>>
      %dma_start3A_1275 = arith.constant 0 : i32
      %dma_start3A_1276 = tpu.memref_slice %arg3[%add3A_1263, %dma_start3A_1275] : memref<4096x80xi32, #tpu.memory_space<hbm>> -> memref<8x80xi32, #tpu.memory_space<hbm>>
      tpu.enqueue_dma source(%dma_start3A_1276 : memref<8x80xi32, #tpu.memory_space<hbm>>) target(%dma_start3A_1274 : memref<8x80xi32, #tpu.memory_space<vmem>>) target_semaphore(%arg22 : memref<!tpu.dma_semaphore, #tpu.memory_space<semaphore_mem>>)
      %dma_start3A_1277 = arith.constant 1 : i32
      %dma_start3A_1278 = arith.constant 0 : i32
      %dma_start3A_1279 = arith.constant 0 : i32
      %dma_start3A_1280 = tpu.memref_slice %arg8[%dma_start3A_1277, %dma_start3A_1278, %dma_start3A_1279] : memref<2x8x80xi32, #tpu.memory_space<vmem>> -> memref<1x8x80xi32, #tpu.memory_space<vmem>>
      %dma_start3A_1281 = tpu.memref_squeeze %dma_start3A_1280 : memref<1x8x80xi32, #tpu.memory_space<vmem>> -> memref<8x80xi32, #tpu.memory_space<vmem>>
      %dma_start3A_1282 = arith.constant 0 : i32
      %dma_start3A_1283 = tpu.memref_slice %arg4[%add3A_1263, %dma_start3A_1282] : memref<4096x80xi32, #tpu.memory_space<hbm>> -> memref<8x80xi32, #tpu.memory_space<hbm>>
      %dma_start3A_1284 = arith.constant 0 : i32
      %dma_start3A_1285 = arith.constant 0 : i32
      %dma_start3A_1286 = tpu.memref_slice %arg8[%dma_start3A_1277, %dma_start3A_1284, %dma_start3A_1285] : memref<2x8x80xi32, #tpu.memory_space<vmem>> -> memref<1x8x80xi32, #tpu.memory_space<vmem>>
      %dma_start3A_1287 = tpu.memref_squeeze %dma_start3A_1286 : memref<1x8x80xi32, #tpu.memory_space<vmem>> -> memref<8x80xi32, #tpu.memory_space<vmem>>
      %dma_start3A_1288 = arith.constant 0 : i32
      %dma_start3A_1289 = tpu.memref_slice %arg4[%add3A_1263, %dma_start3A_1288] : memref<4096x80xi32, #tpu.memory_space<hbm>> -> memref<8x80xi32, #tpu.memory_space<hbm>>
      tpu.enqueue_dma source(%dma_start3A_1289 : memref<8x80xi32, #tpu.memory_space<hbm>>) target(%dma_start3A_1287 : memref<8x80xi32, #tpu.memory_space<vmem>>) target_semaphore(%arg22 : memref<!tpu.dma_semaphore, #tpu.memory_space<semaphore_mem>>)
    }
    %scan3A_127 = arith.constant 7 : i32
    %dma_wait3A_128 = arith.constant 0 : i32
    %dma_wait3A_129 = arith.constant 0 : i32
    %dma_wait3A_130 = arith.constant 0 : i32
    %dma_wait3A_131 = tpu.memref_slice %arg7[%dma_wait3A_128, %dma_wait3A_129, %dma_wait3A_130] : memref<2x8x80xi32, #tpu.memory_space<vmem>> -> memref<1x1x80xi32, #tpu.memory_space<vmem>>
    %dma_wait3A_132 = tpu.memref_squeeze %dma_wait3A_131 : memref<1x1x80xi32, #tpu.memory_space<vmem>> -> memref<80xi32, #tpu.memory_space<vmem>>
    %dma_wait3A_133 = arith.constant 0 : i32
    %dma_wait3A_134 = arith.constant 0 : i32
    %dma_wait3A_135 = tpu.memref_slice %arg2[%dma_wait3A_133, %dma_wait3A_134] : memref<10000x128xf32, #tpu.memory_space<hbm>> -> memref<10000x128xf32, #tpu.memory_space<hbm>>
    tpu.wait_indirect_dma semaphore(%arg13 : memref<!tpu.dma_semaphore, #tpu.memory_space<semaphore_mem>>) src(%dma_wait3A_135 : memref<10000x128xf32, #tpu.memory_space<hbm>>) dst(%arg9 : memref<80x128xf32, #tpu.memory_space<vmem>>)
    %dma_start3A_136 = arith.constant 0 : i32
    %dma_start3A_137 = arith.constant 0 : i32
    %dma_start3A_138 = arith.constant 0 : i32
    %dma_start3A_139 = tpu.memref_slice %arg8[%dma_start3A_136, %dma_start3A_137, %dma_start3A_138] : memref<2x8x80xi32, #tpu.memory_space<vmem>> -> memref<1x1x80xi32, #tpu.memory_space<vmem>>
    %dma_start3A_140 = tpu.memref_squeeze %dma_start3A_139 : memref<1x1x80xi32, #tpu.memory_space<vmem>> -> memref<80xi32, #tpu.memory_space<vmem>>
    %dma_start3A_141 = arith.constant 0 : i32
    %dma_start3A_142 = arith.constant 0 : i32
    %dma_start3A_143 = tpu.memref_slice %arg23[%dma_start3A_141, %dma_start3A_142] : memref<10112x128xf32, #tpu.memory_space<vmem_shared>> -> memref<10112x128xf32, #tpu.memory_space<vmem_shared>>
    tpu.enqueue_indirect_dma source(%arg9 : memref<80x128xf32, #tpu.memory_space<vmem>>) target(%dma_start3A_143 : memref<10112x128xf32, #tpu.memory_space<vmem_shared>>) offsets(%dma_start3A_140 : memref<80xi32, #tpu.memory_space<vmem>>) semaphore(%arg17 : memref<!tpu.dma_semaphore, #tpu.memory_space<semaphore_mem>>) {add = true}
    %dma_wait3A_144 = arith.constant 0 : i32
    %dma_wait3A_145 = arith.constant 1 : i32
    %dma_wait3A_146 = arith.constant 0 : i32
    %dma_wait3A_147 = tpu.memref_slice %arg7[%dma_wait3A_144, %dma_wait3A_145, %dma_wait3A_146] : memref<2x8x80xi32, #tpu.memory_space<vmem>> -> memref<1x1x80xi32, #tpu.memory_space<vmem>>
    %dma_wait3A_148 = tpu.memref_squeeze %dma_wait3A_147 : memref<1x1x80xi32, #tpu.memory_space<vmem>> -> memref<80xi32, #tpu.memory_space<vmem>>
    %dma_wait3A_149 = arith.constant 0 : i32
    %dma_wait3A_150 = arith.constant 0 : i32
    %dma_wait3A_151 = tpu.memref_slice %arg2[%dma_wait3A_149, %dma_wait3A_150] : memref<10000x128xf32, #tpu.memory_space<hbm>> -> memref<10000x128xf32, #tpu.memory_space<hbm>>
    tpu.wait_indirect_dma semaphore(%arg14 : memref<!tpu.dma_semaphore, #tpu.memory_space<semaphore_mem>>) src(%dma_wait3A_151 : memref<10000x128xf32, #tpu.memory_space<hbm>>) dst(%arg10 : memref<80x128xf32, #tpu.memory_space<vmem>>)
    %dma_start3A_152 = arith.constant 0 : i32
    %dma_start3A_153 = arith.constant 1 : i32
    %dma_start3A_154 = arith.constant 0 : i32
    %dma_start3A_155 = tpu.memref_slice %arg8[%dma_start3A_152, %dma_start3A_153, %dma_start3A_154] : memref<2x8x80xi32, #tpu.memory_space<vmem>> -> memref<1x1x80xi32, #tpu.memory_space<vmem>>
    %dma_start3A_156 = tpu.memref_squeeze %dma_start3A_155 : memref<1x1x80xi32, #tpu.memory_space<vmem>> -> memref<80xi32, #tpu.memory_space<vmem>>
    %dma_start3A_157 = arith.constant 0 : i32
    %dma_start3A_158 = arith.constant 0 : i32
    %dma_start3A_159 = tpu.memref_slice %arg23[%dma_start3A_157, %dma_start3A_158] : memref<10112x128xf32, #tpu.memory_space<vmem_shared>> -> memref<10112x128xf32, #tpu.memory_space<vmem_shared>>
    tpu.enqueue_indirect_dma source(%arg10 : memref<80x128xf32, #tpu.memory_space<vmem>>) target(%dma_start3A_159 : memref<10112x128xf32, #tpu.memory_space<vmem_shared>>) offsets(%dma_start3A_156 : memref<80xi32, #tpu.memory_space<vmem>>) semaphore(%arg18 : memref<!tpu.dma_semaphore, #tpu.memory_space<semaphore_mem>>) {add = true}
    %dma_wait3A_160 = arith.constant 0 : i32
    %dma_wait3A_161 = arith.constant 2 : i32
    %dma_wait3A_162 = arith.constant 0 : i32
    %dma_wait3A_163 = tpu.memref_slice %arg7[%dma_wait3A_160, %dma_wait3A_161, %dma_wait3A_162] : memref<2x8x80xi32, #tpu.memory_space<vmem>> -> memref<1x1x80xi32, #tpu.memory_space<vmem>>
    %dma_wait3A_164 = tpu.memref_squeeze %dma_wait3A_163 : memref<1x1x80xi32, #tpu.memory_space<vmem>> -> memref<80xi32, #tpu.memory_space<vmem>>
    %dma_wait3A_165 = arith.constant 0 : i32
    %dma_wait3A_166 = arith.constant 0 : i32
    %dma_wait3A_167 = tpu.memref_slice %arg2[%dma_wait3A_165, %dma_wait3A_166] : memref<10000x128xf32, #tpu.memory_space<hbm>> -> memref<10000x128xf32, #tpu.memory_space<hbm>>
    tpu.wait_indirect_dma semaphore(%arg15 : memref<!tpu.dma_semaphore, #tpu.memory_space<semaphore_mem>>) src(%dma_wait3A_167 : memref<10000x128xf32, #tpu.memory_space<hbm>>) dst(%arg11 : memref<80x128xf32, #tpu.memory_space<vmem>>)
    %dma_start3A_168 = arith.constant 0 : i32
    %dma_start3A_169 = arith.constant 2 : i32
    %dma_start3A_170 = arith.constant 0 : i32
    %dma_start3A_171 = tpu.memref_slice %arg8[%dma_start3A_168, %dma_start3A_169, %dma_start3A_170] : memref<2x8x80xi32, #tpu.memory_space<vmem>> -> memref<1x1x80xi32, #tpu.memory_space<vmem>>
    %dma_start3A_172 = tpu.memref_squeeze %dma_start3A_171 : memref<1x1x80xi32, #tpu.memory_space<vmem>> -> memref<80xi32, #tpu.memory_space<vmem>>
    %dma_start3A_173 = arith.constant 0 : i32
    %dma_start3A_174 = arith.constant 0 : i32
    %dma_start3A_175 = tpu.memref_slice %arg23[%dma_start3A_173, %dma_start3A_174] : memref<10112x128xf32, #tpu.memory_space<vmem_shared>> -> memref<10112x128xf32, #tpu.memory_space<vmem_shared>>
    tpu.enqueue_indirect_dma source(%arg11 : memref<80x128xf32, #tpu.memory_space<vmem>>) target(%dma_start3A_175 : memref<10112x128xf32, #tpu.memory_space<vmem_shared>>) offsets(%dma_start3A_172 : memref<80xi32, #tpu.memory_space<vmem>>) semaphore(%arg19 : memref<!tpu.dma_semaphore, #tpu.memory_space<semaphore_mem>>) {add = true}
    %dma_wait3A_176 = arith.constant 0 : i32
    %dma_wait3A_177 = arith.constant 3 : i32
    %dma_wait3A_178 = arith.constant 0 : i32
    %dma_wait3A_179 = tpu.memref_slice %arg7[%dma_wait3A_176, %dma_wait3A_177, %dma_wait3A_178] : memref<2x8x80xi32, #tpu.memory_space<vmem>> -> memref<1x1x80xi32, #tpu.memory_space<vmem>>
    %dma_wait3A_180 = tpu.memref_squeeze %dma_wait3A_179 : memref<1x1x80xi32, #tpu.memory_space<vmem>> -> memref<80xi32, #tpu.memory_space<vmem>>
    %dma_wait3A_181 = arith.constant 0 : i32
    %dma_wait3A_182 = arith.constant 0 : i32
    %dma_wait3A_183 = tpu.memref_slice %arg2[%dma_wait3A_181, %dma_wait3A_182] : memref<10000x128xf32, #tpu.memory_space<hbm>> -> memref<10000x128xf32, #tpu.memory_space<hbm>>
    tpu.wait_indirect_dma semaphore(%arg16 : memref<!tpu.dma_semaphore, #tpu.memory_space<semaphore_mem>>) src(%dma_wait3A_183 : memref<10000x128xf32, #tpu.memory_space<hbm>>) dst(%arg12 : memref<80x128xf32, #tpu.memory_space<vmem>>)
    %dma_start3A_184 = arith.constant 0 : i32
    %dma_start3A_185 = arith.constant 3 : i32
    %dma_start3A_186 = arith.constant 0 : i32
    %dma_start3A_187 = tpu.memref_slice %arg8[%dma_start3A_184, %dma_start3A_185, %dma_start3A_186] : memref<2x8x80xi32, #tpu.memory_space<vmem>> -> memref<1x1x80xi32, #tpu.memory_space<vmem>>
    %dma_start3A_188 = tpu.memref_squeeze %dma_start3A_187 : memref<1x1x80xi32, #tpu.memory_space<vmem>> -> memref<80xi32, #tpu.memory_space<vmem>>
    %dma_start3A_189 = arith.constant 0 : i32
    %dma_start3A_190 = arith.constant 0 : i32
    %dma_start3A_191 = tpu.memref_slice %arg23[%dma_start3A_189, %dma_start3A_190] : memref<10112x128xf32, #tpu.memory_space<vmem_shared>> -> memref<10112x128xf32, #tpu.memory_space<vmem_shared>>
    tpu.enqueue_indirect_dma source(%arg12 : memref<80x128xf32, #tpu.memory_space<vmem>>) target(%dma_start3A_191 : memref<10112x128xf32, #tpu.memory_space<vmem_shared>>) offsets(%dma_start3A_188 : memref<80xi32, #tpu.memory_space<vmem>>) semaphore(%arg20 : memref<!tpu.dma_semaphore, #tpu.memory_space<semaphore_mem>>) {add = true}
    %dma_wait3A_192 = arith.constant 0 : i32
    %dma_wait3A_193 = arith.constant 0 : i32
    %dma_wait3A_194 = arith.constant 0 : i32
    %dma_wait3A_195 = tpu.memref_slice %arg8[%dma_wait3A_192, %dma_wait3A_193, %dma_wait3A_194] : memref<2x8x80xi32, #tpu.memory_space<vmem>> -> memref<1x1x80xi32, #tpu.memory_space<vmem>>
    %dma_wait3A_196 = tpu.memref_squeeze %dma_wait3A_195 : memref<1x1x80xi32, #tpu.memory_space<vmem>> -> memref<80xi32, #tpu.memory_space<vmem>>
    %dma_wait3A_197 = arith.constant 0 : i32
    %dma_wait3A_198 = arith.constant 0 : i32
    %dma_wait3A_199 = tpu.memref_slice %arg23[%dma_wait3A_197, %dma_wait3A_198] : memref<10112x128xf32, #tpu.memory_space<vmem_shared>> -> memref<10112x128xf32, #tpu.memory_space<vmem_shared>>
    tpu.wait_indirect_dma semaphore(%arg17 : memref<!tpu.dma_semaphore, #tpu.memory_space<semaphore_mem>>) src(%arg9 : memref<80x128xf32, #tpu.memory_space<vmem>>) dst(%dma_wait3A_199 : memref<10112x128xf32, #tpu.memory_space<vmem_shared>>)
    %dma_start3A_200 = arith.constant 0 : i32
    %dma_start3A_201 = arith.constant 4 : i32
    %dma_start3A_202 = arith.constant 0 : i32
    %dma_start3A_203 = tpu.memref_slice %arg7[%dma_start3A_200, %dma_start3A_201, %dma_start3A_202] : memref<2x8x80xi32, #tpu.memory_space<vmem>> -> memref<1x1x80xi32, #tpu.memory_space<vmem>>
    %dma_start3A_204 = tpu.memref_squeeze %dma_start3A_203 : memref<1x1x80xi32, #tpu.memory_space<vmem>> -> memref<80xi32, #tpu.memory_space<vmem>>
    %dma_start3A_205 = arith.constant 0 : i32
    %dma_start3A_206 = arith.constant 0 : i32
    %dma_start3A_207 = tpu.memref_slice %arg2[%dma_start3A_205, %dma_start3A_206] : memref<10000x128xf32, #tpu.memory_space<hbm>> -> memref<10000x128xf32, #tpu.memory_space<hbm>>
    tpu.enqueue_indirect_dma source(%dma_start3A_207 : memref<10000x128xf32, #tpu.memory_space<hbm>>) target(%arg9 : memref<80x128xf32, #tpu.memory_space<vmem>>) offsets(%dma_start3A_204 : memref<80xi32, #tpu.memory_space<vmem>>) semaphore(%arg13 : memref<!tpu.dma_semaphore, #tpu.memory_space<semaphore_mem>>)
    %dma_wait3A_208 = arith.constant 0 : i32
    %dma_wait3A_209 = arith.constant 1 : i32
    %dma_wait3A_210 = arith.constant 0 : i32
    %dma_wait3A_211 = tpu.memref_slice %arg8[%dma_wait3A_208, %dma_wait3A_209, %dma_wait3A_210] : memref<2x8x80xi32, #tpu.memory_space<vmem>> -> memref<1x1x80xi32, #tpu.memory_space<vmem>>
    %dma_wait3A_212 = tpu.memref_squeeze %dma_wait3A_211 : memref<1x1x80xi32, #tpu.memory_space<vmem>> -> memref<80xi32, #tpu.memory_space<vmem>>
    %dma_wait3A_213 = arith.constant 0 : i32
    %dma_wait3A_214 = arith.constant 0 : i32
    %dma_wait3A_215 = tpu.memref_slice %arg23[%dma_wait3A_213, %dma_wait3A_214] : memref<10112x128xf32, #tpu.memory_space<vmem_shared>> -> memref<10112x128xf32, #tpu.memory_space<vmem_shared>>
    tpu.wait_indirect_dma semaphore(%arg18 : memref<!tpu.dma_semaphore, #tpu.memory_space<semaphore_mem>>) src(%arg10 : memref<80x128xf32, #tpu.memory_space<vmem>>) dst(%dma_wait3A_215 : memref<10112x128xf32, #tpu.memory_space<vmem_shared>>)
    %dma_start3A_216 = arith.constant 0 : i32
    %dma_start3A_217 = arith.constant 5 : i32
    %dma_start3A_218 = arith.constant 0 : i32
    %dma_start3A_219 = tpu.memref_slice %arg7[%dma_start3A_216, %dma_start3A_217, %dma_start3A_218] : memref<2x8x80xi32, #tpu.memory_space<vmem>> -> memref<1x1x80xi32, #tpu.memory_space<vmem>>
    %dma_start3A_220 = tpu.memref_squeeze %dma_start3A_219 : memref<1x1x80xi32, #tpu.memory_space<vmem>> -> memref<80xi32, #tpu.memory_space<vmem>>
    %dma_start3A_221 = arith.constant 0 : i32
    %dma_start3A_222 = arith.constant 0 : i32
    %dma_start3A_223 = tpu.memref_slice %arg2[%dma_start3A_221, %dma_start3A_222] : memref<10000x128xf32, #tpu.memory_space<hbm>> -> memref<10000x128xf32, #tpu.memory_space<hbm>>
    tpu.enqueue_indirect_dma source(%dma_start3A_223 : memref<10000x128xf32, #tpu.memory_space<hbm>>) target(%arg10 : memref<80x128xf32, #tpu.memory_space<vmem>>) offsets(%dma_start3A_220 : memref<80xi32, #tpu.memory_space<vmem>>) semaphore(%arg14 : memref<!tpu.dma_semaphore, #tpu.memory_space<semaphore_mem>>)
    %dma_wait3A_224 = arith.constant 0 : i32
    %dma_wait3A_225 = arith.constant 2 : i32
    %dma_wait3A_226 = arith.constant 0 : i32
    %dma_wait3A_227 = tpu.memref_slice %arg8[%dma_wait3A_224, %dma_wait3A_225, %dma_wait3A_226] : memref<2x8x80xi32, #tpu.memory_space<vmem>> -> memref<1x1x80xi32, #tpu.memory_space<vmem>>
    %dma_wait3A_228 = tpu.memref_squeeze %dma_wait3A_227 : memref<1x1x80xi32, #tpu.memory_space<vmem>> -> memref<80xi32, #tpu.memory_space<vmem>>
    %dma_wait3A_229 = arith.constant 0 : i32
    %dma_wait3A_230 = arith.constant 0 : i32
    %dma_wait3A_231 = tpu.memref_slice %arg23[%dma_wait3A_229, %dma_wait3A_230] : memref<10112x128xf32, #tpu.memory_space<vmem_shared>> -> memref<10112x128xf32, #tpu.memory_space<vmem_shared>>
    tpu.wait_indirect_dma semaphore(%arg19 : memref<!tpu.dma_semaphore, #tpu.memory_space<semaphore_mem>>) src(%arg11 : memref<80x128xf32, #tpu.memory_space<vmem>>) dst(%dma_wait3A_231 : memref<10112x128xf32, #tpu.memory_space<vmem_shared>>)
    %dma_start3A_232 = arith.constant 0 : i32
    %dma_start3A_233 = arith.constant 6 : i32
    %dma_start3A_234 = arith.constant 0 : i32
    %dma_start3A_235 = tpu.memref_slice %arg7[%dma_start3A_232, %dma_start3A_233, %dma_start3A_234] : memref<2x8x80xi32, #tpu.memory_space<vmem>> -> memref<1x1x80xi32, #tpu.memory_space<vmem>>
    %dma_start3A_236 = tpu.memref_squeeze %dma_start3A_235 : memref<1x1x80xi32, #tpu.memory_space<vmem>> -> memref<80xi32, #tpu.memory_space<vmem>>
    %dma_start3A_237 = arith.constant 0 : i32
    %dma_start3A_238 = arith.constant 0 : i32
    %dma_start3A_239 = tpu.memref_slice %arg2[%dma_start3A_237, %dma_start3A_238] : memref<10000x128xf32, #tpu.memory_space<hbm>> -> memref<10000x128xf32, #tpu.memory_space<hbm>>
    tpu.enqueue_indirect_dma source(%dma_start3A_239 : memref<10000x128xf32, #tpu.memory_space<hbm>>) target(%arg11 : memref<80x128xf32, #tpu.memory_space<vmem>>) offsets(%dma_start3A_236 : memref<80xi32, #tpu.memory_space<vmem>>) semaphore(%arg15 : memref<!tpu.dma_semaphore, #tpu.memory_space<semaphore_mem>>)
    %dma_wait3A_240 = arith.constant 0 : i32
    %dma_wait3A_241 = arith.constant 3 : i32
    %dma_wait3A_242 = arith.constant 0 : i32
    %dma_wait3A_243 = tpu.memref_slice %arg8[%dma_wait3A_240, %dma_wait3A_241, %dma_wait3A_242] : memref<2x8x80xi32, #tpu.memory_space<vmem>> -> memref<1x1x80xi32, #tpu.memory_space<vmem>>
    %dma_wait3A_244 = tpu.memref_squeeze %dma_wait3A_243 : memref<1x1x80xi32, #tpu.memory_space<vmem>> -> memref<80xi32, #tpu.memory_space<vmem>>
    %dma_wait3A_245 = arith.constant 0 : i32
    %dma_wait3A_246 = arith.constant 0 : i32
    %dma_wait3A_247 = tpu.memref_slice %arg23[%dma_wait3A_245, %dma_wait3A_246] : memref<10112x128xf32, #tpu.memory_space<vmem_shared>> -> memref<10112x128xf32, #tpu.memory_space<vmem_shared>>
    tpu.wait_indirect_dma semaphore(%arg20 : memref<!tpu.dma_semaphore, #tpu.memory_space<semaphore_mem>>) src(%arg12 : memref<80x128xf32, #tpu.memory_space<vmem>>) dst(%dma_wait3A_247 : memref<10112x128xf32, #tpu.memory_space<vmem_shared>>)
    %dma_start3A_248 = arith.constant 0 : i32
    %dma_start3A_249 = arith.constant 7 : i32
    %dma_start3A_250 = arith.constant 0 : i32
    %dma_start3A_251 = tpu.memref_slice %arg7[%dma_start3A_248, %dma_start3A_249, %dma_start3A_250] : memref<2x8x80xi32, #tpu.memory_space<vmem>> -> memref<1x1x80xi32, #tpu.memory_space<vmem>>
    %dma_start3A_252 = tpu.memref_squeeze %dma_start3A_251 : memref<1x1x80xi32, #tpu.memory_space<vmem>> -> memref<80xi32, #tpu.memory_space<vmem>>
    %dma_start3A_253 = arith.constant 0 : i32
    %dma_start3A_254 = arith.constant 0 : i32
    %dma_start3A_255 = tpu.memref_slice %arg2[%dma_start3A_253, %dma_start3A_254] : memref<10000x128xf32, #tpu.memory_space<hbm>> -> memref<10000x128xf32, #tpu.memory_space<hbm>>
    tpu.enqueue_indirect_dma source(%dma_start3A_255 : memref<10000x128xf32, #tpu.memory_space<hbm>>) target(%arg12 : memref<80x128xf32, #tpu.memory_space<vmem>>) offsets(%dma_start3A_252 : memref<80xi32, #tpu.memory_space<vmem>>) semaphore(%arg16 : memref<!tpu.dma_semaphore, #tpu.memory_space<semaphore_mem>>)
    %dma_wait3A_256 = arith.constant 0 : i32
    %dma_wait3A_257 = arith.constant 4 : i32
    %dma_wait3A_258 = arith.constant 0 : i32
    %dma_wait3A_259 = tpu.memref_slice %arg7[%dma_wait3A_256, %dma_wait3A_257, %dma_wait3A_258] : memref<2x8x80xi32, #tpu.memory_space<vmem>> -> memref<1x1x80xi32, #tpu.memory_space<vmem>>
    %dma_wait3A_260 = tpu.memref_squeeze %dma_wait3A_259 : memref<1x1x80xi32, #tpu.memory_space<vmem>> -> memref<80xi32, #tpu.memory_space<vmem>>
    %dma_wait3A_261 = arith.constant 0 : i32
    %dma_wait3A_262 = arith.constant 0 : i32
    %dma_wait3A_263 = tpu.memref_slice %arg2[%dma_wait3A_261, %dma_wait3A_262] : memref<10000x128xf32, #tpu.memory_space<hbm>> -> memref<10000x128xf32, #tpu.memory_space<hbm>>
    tpu.wait_indirect_dma semaphore(%arg13 : memref<!tpu.dma_semaphore, #tpu.memory_space<semaphore_mem>>) src(%dma_wait3A_263 : memref<10000x128xf32, #tpu.memory_space<hbm>>) dst(%arg9 : memref<80x128xf32, #tpu.memory_space<vmem>>)
    %dma_start3A_264 = arith.constant 0 : i32
    %dma_start3A_265 = arith.constant 4 : i32
    %dma_start3A_266 = arith.constant 0 : i32
    %dma_start3A_267 = tpu.memref_slice %arg8[%dma_start3A_264, %dma_start3A_265, %dma_start3A_266] : memref<2x8x80xi32, #tpu.memory_space<vmem>> -> memref<1x1x80xi32, #tpu.memory_space<vmem>>
    %dma_start3A_268 = tpu.memref_squeeze %dma_start3A_267 : memref<1x1x80xi32, #tpu.memory_space<vmem>> -> memref<80xi32, #tpu.memory_space<vmem>>
    %dma_start3A_269 = arith.constant 0 : i32
    %dma_start3A_270 = arith.constant 0 : i32
    %dma_start3A_271 = tpu.memref_slice %arg23[%dma_start3A_269, %dma_start3A_270] : memref<10112x128xf32, #tpu.memory_space<vmem_shared>> -> memref<10112x128xf32, #tpu.memory_space<vmem_shared>>
    tpu.enqueue_indirect_dma source(%arg9 : memref<80x128xf32, #tpu.memory_space<vmem>>) target(%dma_start3A_271 : memref<10112x128xf32, #tpu.memory_space<vmem_shared>>) offsets(%dma_start3A_268 : memref<80xi32, #tpu.memory_space<vmem>>) semaphore(%arg17 : memref<!tpu.dma_semaphore, #tpu.memory_space<semaphore_mem>>) {add = true}
    %dma_wait3A_272 = arith.constant 0 : i32
    %dma_wait3A_273 = arith.constant 5 : i32
    %dma_wait3A_274 = arith.constant 0 : i32
    %dma_wait3A_275 = tpu.memref_slice %arg7[%dma_wait3A_272, %dma_wait3A_273, %dma_wait3A_274] : memref<2x8x80xi32, #tpu.memory_space<vmem>> -> memref<1x1x80xi32, #tpu.memory_space<vmem>>
    %dma_wait3A_276 = tpu.memref_squeeze %dma_wait3A_275 : memref<1x1x80xi32, #tpu.memory_space<vmem>> -> memref<80xi32, #tpu.memory_space<vmem>>
    %dma_wait3A_277 = arith.constant 0 : i32
    %dma_wait3A_278 = arith.constant 0 : i32
    %dma_wait3A_279 = tpu.memref_slice %arg2[%dma_wait3A_277, %dma_wait3A_278] : memref<10000x128xf32, #tpu.memory_space<hbm>> -> memref<10000x128xf32, #tpu.memory_space<hbm>>
    tpu.wait_indirect_dma semaphore(%arg14 : memref<!tpu.dma_semaphore, #tpu.memory_space<semaphore_mem>>) src(%dma_wait3A_279 : memref<10000x128xf32, #tpu.memory_space<hbm>>) dst(%arg10 : memref<80x128xf32, #tpu.memory_space<vmem>>)
    %dma_start3A_280 = arith.constant 0 : i32
    %dma_start3A_281 = arith.constant 5 : i32
    %dma_start3A_282 = arith.constant 0 : i32
    %dma_start3A_283 = tpu.memref_slice %arg8[%dma_start3A_280, %dma_start3A_281, %dma_start3A_282] : memref<2x8x80xi32, #tpu.memory_space<vmem>> -> memref<1x1x80xi32, #tpu.memory_space<vmem>>
    %dma_start3A_284 = tpu.memref_squeeze %dma_start3A_283 : memref<1x1x80xi32, #tpu.memory_space<vmem>> -> memref<80xi32, #tpu.memory_space<vmem>>
    %dma_start3A_285 = arith.constant 0 : i32
    %dma_start3A_286 = arith.constant 0 : i32
    %dma_start3A_287 = tpu.memref_slice %arg23[%dma_start3A_285, %dma_start3A_286] : memref<10112x128xf32, #tpu.memory_space<vmem_shared>> -> memref<10112x128xf32, #tpu.memory_space<vmem_shared>>
    tpu.enqueue_indirect_dma source(%arg10 : memref<80x128xf32, #tpu.memory_space<vmem>>) target(%dma_start3A_287 : memref<10112x128xf32, #tpu.memory_space<vmem_shared>>) offsets(%dma_start3A_284 : memref<80xi32, #tpu.memory_space<vmem>>) semaphore(%arg18 : memref<!tpu.dma_semaphore, #tpu.memory_space<semaphore_mem>>) {add = true}
    %dma_wait3A_288 = arith.constant 0 : i32
    %dma_wait3A_289 = arith.constant 6 : i32
    %dma_wait3A_290 = arith.constant 0 : i32
    %dma_wait3A_291 = tpu.memref_slice %arg7[%dma_wait3A_288, %dma_wait3A_289, %dma_wait3A_290] : memref<2x8x80xi32, #tpu.memory_space<vmem>> -> memref<1x1x80xi32, #tpu.memory_space<vmem>>
    %dma_wait3A_292 = tpu.memref_squeeze %dma_wait3A_291 : memref<1x1x80xi32, #tpu.memory_space<vmem>> -> memref<80xi32, #tpu.memory_space<vmem>>
    %dma_wait3A_293 = arith.constant 0 : i32
    %dma_wait3A_294 = arith.constant 0 : i32
    %dma_wait3A_295 = tpu.memref_slice %arg2[%dma_wait3A_293, %dma_wait3A_294] : memref<10000x128xf32, #tpu.memory_space<hbm>> -> memref<10000x128xf32, #tpu.memory_space<hbm>>
    tpu.wait_indirect_dma semaphore(%arg15 : memref<!tpu.dma_semaphore, #tpu.memory_space<semaphore_mem>>) src(%dma_wait3A_295 : memref<10000x128xf32, #tpu.memory_space<hbm>>) dst(%arg11 : memref<80x128xf32, #tpu.memory_space<vmem>>)
    %dma_start3A_296 = arith.constant 0 : i32
    %dma_start3A_297 = arith.constant 6 : i32
    %dma_start3A_298 = arith.constant 0 : i32
    %dma_start3A_299 = tpu.memref_slice %arg8[%dma_start3A_296, %dma_start3A_297, %dma_start3A_298] : memref<2x8x80xi32, #tpu.memory_space<vmem>> -> memref<1x1x80xi32, #tpu.memory_space<vmem>>
    %dma_start3A_300 = tpu.memref_squeeze %dma_start3A_299 : memref<1x1x80xi32, #tpu.memory_space<vmem>> -> memref<80xi32, #tpu.memory_space<vmem>>
    %dma_start3A_301 = arith.constant 0 : i32
    %dma_start3A_302 = arith.constant 0 : i32
    %dma_start3A_303 = tpu.memref_slice %arg23[%dma_start3A_301, %dma_start3A_302] : memref<10112x128xf32, #tpu.memory_space<vmem_shared>> -> memref<10112x128xf32, #tpu.memory_space<vmem_shared>>
    tpu.enqueue_indirect_dma source(%arg11 : memref<80x128xf32, #tpu.memory_space<vmem>>) target(%dma_start3A_303 : memref<10112x128xf32, #tpu.memory_space<vmem_shared>>) offsets(%dma_start3A_300 : memref<80xi32, #tpu.memory_space<vmem>>) semaphore(%arg19 : memref<!tpu.dma_semaphore, #tpu.memory_space<semaphore_mem>>) {add = true}
    %dma_wait3A_304 = arith.constant 0 : i32
    %dma_wait3A_305 = arith.constant 7 : i32
    %dma_wait3A_306 = arith.constant 0 : i32
    %dma_wait3A_307 = tpu.memref_slice %arg7[%dma_wait3A_304, %dma_wait3A_305, %dma_wait3A_306] : memref<2x8x80xi32, #tpu.memory_space<vmem>> -> memref<1x1x80xi32, #tpu.memory_space<vmem>>
    %dma_wait3A_308 = tpu.memref_squeeze %dma_wait3A_307 : memref<1x1x80xi32, #tpu.memory_space<vmem>> -> memref<80xi32, #tpu.memory_space<vmem>>
    %dma_wait3A_309 = arith.constant 0 : i32
    %dma_wait3A_310 = arith.constant 0 : i32
    %dma_wait3A_311 = tpu.memref_slice %arg2[%dma_wait3A_309, %dma_wait3A_310] : memref<10000x128xf32, #tpu.memory_space<hbm>> -> memref<10000x128xf32, #tpu.memory_space<hbm>>
    tpu.wait_indirect_dma semaphore(%arg16 : memref<!tpu.dma_semaphore, #tpu.memory_space<semaphore_mem>>) src(%dma_wait3A_311 : memref<10000x128xf32, #tpu.memory_space<hbm>>) dst(%arg12 : memref<80x128xf32, #tpu.memory_space<vmem>>)
    %dma_start3A_312 = arith.constant 0 : i32
    %dma_start3A_313 = arith.constant 7 : i32
    %dma_start3A_314 = arith.constant 0 : i32
    %dma_start3A_315 = tpu.memref_slice %arg8[%dma_start3A_312, %dma_start3A_313, %dma_start3A_314] : memref<2x8x80xi32, #tpu.memory_space<vmem>> -> memref<1x1x80xi32, #tpu.memory_space<vmem>>
    %dma_start3A_316 = tpu.memref_squeeze %dma_start3A_315 : memref<1x1x80xi32, #tpu.memory_space<vmem>> -> memref<80xi32, #tpu.memory_space<vmem>>
    %dma_start3A_317 = arith.constant 0 : i32
    %dma_start3A_318 = arith.constant 0 : i32
    %dma_start3A_319 = tpu.memref_slice %arg23[%dma_start3A_317, %dma_start3A_318] : memref<10112x128xf32, #tpu.memory_space<vmem_shared>> -> memref<10112x128xf32, #tpu.memory_space<vmem_shared>>
    tpu.enqueue_indirect_dma source(%arg12 : memref<80x128xf32, #tpu.memory_space<vmem>>) target(%dma_start3A_319 : memref<10112x128xf32, #tpu.memory_space<vmem_shared>>) offsets(%dma_start3A_316 : memref<80xi32, #tpu.memory_space<vmem>>) semaphore(%arg20 : memref<!tpu.dma_semaphore, #tpu.memory_space<semaphore_mem>>) {add = true}
    %mul3A_320 = arith.constant 128 : i32
    %mul3A_321 = arith.muli %add3A, %mul3A_320 : i32
    %add3A_322 = arith.constant 120 : i32
    %add3A_323 = arith.addi %mul3A_321, %add3A_322 : i32
    %dma_wait3A_324 = arith.constant 1 : i32
    %dma_wait3A_325 = arith.constant 0 : i32
    %dma_wait3A_326 = arith.constant 0 : i32
    %dma_wait3A_327 = tpu.memref_slice %arg7[%dma_wait3A_324, %dma_wait3A_325, %dma_wait3A_326] : memref<2x8x80xi32, #tpu.memory_space<vmem>> -> memref<1x8x80xi32, #tpu.memory_space<vmem>>
    %dma_wait3A_328 = tpu.memref_squeeze %dma_wait3A_327 : memref<1x8x80xi32, #tpu.memory_space<vmem>> -> memref<8x80xi32, #tpu.memory_space<vmem>>
    %dma_wait3A_329 = arith.constant 0 : i32
    %dma_wait3A_330 = tpu.memref_slice %arg3[%add3A_323, %dma_wait3A_329] : memref<4096x80xi32, #tpu.memory_space<hbm>> -> memref<8x80xi32, #tpu.memory_space<hbm>>
    %dma_wait3A_331 = arith.constant 0 : i32
    %dma_wait3A_332 = arith.constant 0 : i32
    %dma_wait3A_333 = tpu.memref_slice %arg7[%dma_wait3A_324, %dma_wait3A_331, %dma_wait3A_332] : memref<2x8x80xi32, #tpu.memory_space<vmem>> -> memref<1x8x80xi32, #tpu.memory_space<vmem>>
    %dma_wait3A_334 = tpu.memref_squeeze %dma_wait3A_333 : memref<1x8x80xi32, #tpu.memory_space<vmem>> -> memref<8x80xi32, #tpu.memory_space<vmem>>
    %dma_wait3A_335 = arith.constant 0 : i32
    %dma_wait3A_336 = tpu.memref_slice %arg3[%add3A_323, %dma_wait3A_335] : memref<4096x80xi32, #tpu.memory_space<hbm>> -> memref<8x80xi32, #tpu.memory_space<hbm>>
    tpu.wait_dma2 semaphore(%arg22 : memref<!tpu.dma_semaphore, #tpu.memory_space<semaphore_mem>>) src(%dma_wait3A_336 : memref<8x80xi32, #tpu.memory_space<hbm>>) dst(%dma_wait3A_334 : memref<8x80xi32, #tpu.memory_space<vmem>>)
    %dma_wait3A_337 = arith.constant 1 : i32
    %dma_wait3A_338 = arith.constant 0 : i32
    %dma_wait3A_339 = arith.constant 0 : i32
    %dma_wait3A_340 = tpu.memref_slice %arg8[%dma_wait3A_337, %dma_wait3A_338, %dma_wait3A_339] : memref<2x8x80xi32, #tpu.memory_space<vmem>> -> memref<1x8x80xi32, #tpu.memory_space<vmem>>
    %dma_wait3A_341 = tpu.memref_squeeze %dma_wait3A_340 : memref<1x8x80xi32, #tpu.memory_space<vmem>> -> memref<8x80xi32, #tpu.memory_space<vmem>>
    %dma_wait3A_342 = arith.constant 0 : i32
    %dma_wait3A_343 = tpu.memref_slice %arg4[%add3A_323, %dma_wait3A_342] : memref<4096x80xi32, #tpu.memory_space<hbm>> -> memref<8x80xi32, #tpu.memory_space<hbm>>
    %dma_wait3A_344 = arith.constant 0 : i32
    %dma_wait3A_345 = arith.constant 0 : i32
    %dma_wait3A_346 = tpu.memref_slice %arg8[%dma_wait3A_337, %dma_wait3A_344, %dma_wait3A_345] : memref<2x8x80xi32, #tpu.memory_space<vmem>> -> memref<1x8x80xi32, #tpu.memory_space<vmem>>
    %dma_wait3A_347 = tpu.memref_squeeze %dma_wait3A_346 : memref<1x8x80xi32, #tpu.memory_space<vmem>> -> memref<8x80xi32, #tpu.memory_space<vmem>>
    %dma_wait3A_348 = arith.constant 0 : i32
    %dma_wait3A_349 = tpu.memref_slice %arg4[%add3A_323, %dma_wait3A_348] : memref<4096x80xi32, #tpu.memory_space<hbm>> -> memref<8x80xi32, #tpu.memory_space<hbm>>
    tpu.wait_dma2 semaphore(%arg22 : memref<!tpu.dma_semaphore, #tpu.memory_space<semaphore_mem>>) src(%dma_wait3A_349 : memref<8x80xi32, #tpu.memory_space<hbm>>) dst(%dma_wait3A_347 : memref<8x80xi32, #tpu.memory_space<vmem>>)
    %dma_wait3A_350 = arith.constant 0 : i32
    %dma_wait3A_351 = arith.constant 4 : i32
    %dma_wait3A_352 = arith.constant 0 : i32
    %dma_wait3A_353 = tpu.memref_slice %arg8[%dma_wait3A_350, %dma_wait3A_351, %dma_wait3A_352] : memref<2x8x80xi32, #tpu.memory_space<vmem>> -> memref<1x1x80xi32, #tpu.memory_space<vmem>>
    %dma_wait3A_354 = tpu.memref_squeeze %dma_wait3A_353 : memref<1x1x80xi32, #tpu.memory_space<vmem>> -> memref<80xi32, #tpu.memory_space<vmem>>
    %dma_wait3A_355 = arith.constant 0 : i32
    %dma_wait3A_356 = arith.constant 0 : i32
    %dma_wait3A_357 = tpu.memref_slice %arg23[%dma_wait3A_355, %dma_wait3A_356] : memref<10112x128xf32, #tpu.memory_space<vmem_shared>> -> memref<10112x128xf32, #tpu.memory_space<vmem_shared>>
    tpu.wait_indirect_dma semaphore(%arg17 : memref<!tpu.dma_semaphore, #tpu.memory_space<semaphore_mem>>) src(%arg9 : memref<80x128xf32, #tpu.memory_space<vmem>>) dst(%dma_wait3A_357 : memref<10112x128xf32, #tpu.memory_space<vmem_shared>>)
    %dma_start3A_358 = arith.constant 1 : i32
    %dma_start3A_359 = arith.constant 0 : i32
    %dma_start3A_360 = arith.constant 0 : i32
    %dma_start3A_361 = tpu.memref_slice %arg7[%dma_start3A_358, %dma_start3A_359, %dma_start3A_360] : memref<2x8x80xi32, #tpu.memory_space<vmem>> -> memref<1x1x80xi32, #tpu.memory_space<vmem>>
    %dma_start3A_362 = tpu.memref_squeeze %dma_start3A_361 : memref<1x1x80xi32, #tpu.memory_space<vmem>> -> memref<80xi32, #tpu.memory_space<vmem>>
    %dma_start3A_363 = arith.constant 0 : i32
    %dma_start3A_364 = arith.constant 0 : i32
    %dma_start3A_365 = tpu.memref_slice %arg2[%dma_start3A_363, %dma_start3A_364] : memref<10000x128xf32, #tpu.memory_space<hbm>> -> memref<10000x128xf32, #tpu.memory_space<hbm>>
    tpu.enqueue_indirect_dma source(%dma_start3A_365 : memref<10000x128xf32, #tpu.memory_space<hbm>>) target(%arg9 : memref<80x128xf32, #tpu.memory_space<vmem>>) offsets(%dma_start3A_362 : memref<80xi32, #tpu.memory_space<vmem>>) semaphore(%arg13 : memref<!tpu.dma_semaphore, #tpu.memory_space<semaphore_mem>>)
    %dma_wait3A_366 = arith.constant 0 : i32
    %dma_wait3A_367 = arith.constant 5 : i32
    %dma_wait3A_368 = arith.constant 0 : i32
    %dma_wait3A_369 = tpu.memref_slice %arg8[%dma_wait3A_366, %dma_wait3A_367, %dma_wait3A_368] : memref<2x8x80xi32, #tpu.memory_space<vmem>> -> memref<1x1x80xi32, #tpu.memory_space<vmem>>
    %dma_wait3A_370 = tpu.memref_squeeze %dma_wait3A_369 : memref<1x1x80xi32, #tpu.memory_space<vmem>> -> memref<80xi32, #tpu.memory_space<vmem>>
    %dma_wait3A_371 = arith.constant 0 : i32
    %dma_wait3A_372 = arith.constant 0 : i32
    %dma_wait3A_373 = tpu.memref_slice %arg23[%dma_wait3A_371, %dma_wait3A_372] : memref<10112x128xf32, #tpu.memory_space<vmem_shared>> -> memref<10112x128xf32, #tpu.memory_space<vmem_shared>>
    tpu.wait_indirect_dma semaphore(%arg18 : memref<!tpu.dma_semaphore, #tpu.memory_space<semaphore_mem>>) src(%arg10 : memref<80x128xf32, #tpu.memory_space<vmem>>) dst(%dma_wait3A_373 : memref<10112x128xf32, #tpu.memory_space<vmem_shared>>)
    %dma_start3A_374 = arith.constant 1 : i32
    %dma_start3A_375 = arith.constant 1 : i32
    %dma_start3A_376 = arith.constant 0 : i32
    %dma_start3A_377 = tpu.memref_slice %arg7[%dma_start3A_374, %dma_start3A_375, %dma_start3A_376] : memref<2x8x80xi32, #tpu.memory_space<vmem>> -> memref<1x1x80xi32, #tpu.memory_space<vmem>>
    %dma_start3A_378 = tpu.memref_squeeze %dma_start3A_377 : memref<1x1x80xi32, #tpu.memory_space<vmem>> -> memref<80xi32, #tpu.memory_space<vmem>>
    %dma_start3A_379 = arith.constant 0 : i32
    %dma_start3A_380 = arith.constant 0 : i32
    %dma_start3A_381 = tpu.memref_slice %arg2[%dma_start3A_379, %dma_start3A_380] : memref<10000x128xf32, #tpu.memory_space<hbm>> -> memref<10000x128xf32, #tpu.memory_space<hbm>>
    tpu.enqueue_indirect_dma source(%dma_start3A_381 : memref<10000x128xf32, #tpu.memory_space<hbm>>) target(%arg10 : memref<80x128xf32, #tpu.memory_space<vmem>>) offsets(%dma_start3A_378 : memref<80xi32, #tpu.memory_space<vmem>>) semaphore(%arg14 : memref<!tpu.dma_semaphore, #tpu.memory_space<semaphore_mem>>)
    %dma_wait3A_382 = arith.constant 0 : i32
    %dma_wait3A_383 = arith.constant 6 : i32
    %dma_wait3A_384 = arith.constant 0 : i32
    %dma_wait3A_385 = tpu.memref_slice %arg8[%dma_wait3A_382, %dma_wait3A_383, %dma_wait3A_384] : memref<2x8x80xi32, #tpu.memory_space<vmem>> -> memref<1x1x80xi32, #tpu.memory_space<vmem>>
    %dma_wait3A_386 = tpu.memref_squeeze %dma_wait3A_385 : memref<1x1x80xi32, #tpu.memory_space<vmem>> -> memref<80xi32, #tpu.memory_space<vmem>>
    %dma_wait3A_387 = arith.constant 0 : i32
    %dma_wait3A_388 = arith.constant 0 : i32
    %dma_wait3A_389 = tpu.memref_slice %arg23[%dma_wait3A_387, %dma_wait3A_388] : memref<10112x128xf32, #tpu.memory_space<vmem_shared>> -> memref<10112x128xf32, #tpu.memory_space<vmem_shared>>
    tpu.wait_indirect_dma semaphore(%arg19 : memref<!tpu.dma_semaphore, #tpu.memory_space<semaphore_mem>>) src(%arg11 : memref<80x128xf32, #tpu.memory_space<vmem>>) dst(%dma_wait3A_389 : memref<10112x128xf32, #tpu.memory_space<vmem_shared>>)
    %dma_start3A_390 = arith.constant 1 : i32
    %dma_start3A_391 = arith.constant 2 : i32
    %dma_start3A_392 = arith.constant 0 : i32
    %dma_start3A_393 = tpu.memref_slice %arg7[%dma_start3A_390, %dma_start3A_391, %dma_start3A_392] : memref<2x8x80xi32, #tpu.memory_space<vmem>> -> memref<1x1x80xi32, #tpu.memory_space<vmem>>
    %dma_start3A_394 = tpu.memref_squeeze %dma_start3A_393 : memref<1x1x80xi32, #tpu.memory_space<vmem>> -> memref<80xi32, #tpu.memory_space<vmem>>
    %dma_start3A_395 = arith.constant 0 : i32
    %dma_start3A_396 = arith.constant 0 : i32
    %dma_start3A_397 = tpu.memref_slice %arg2[%dma_start3A_395, %dma_start3A_396] : memref<10000x128xf32, #tpu.memory_space<hbm>> -> memref<10000x128xf32, #tpu.memory_space<hbm>>
    tpu.enqueue_indirect_dma source(%dma_start3A_397 : memref<10000x128xf32, #tpu.memory_space<hbm>>) target(%arg11 : memref<80x128xf32, #tpu.memory_space<vmem>>) offsets(%dma_start3A_394 : memref<80xi32, #tpu.memory_space<vmem>>) semaphore(%arg15 : memref<!tpu.dma_semaphore, #tpu.memory_space<semaphore_mem>>)
    %dma_wait3A_398 = arith.constant 0 : i32
    %dma_wait3A_399 = arith.constant 7 : i32
    %dma_wait3A_400 = arith.constant 0 : i32
    %dma_wait3A_401 = tpu.memref_slice %arg8[%dma_wait3A_398, %dma_wait3A_399, %dma_wait3A_400] : memref<2x8x80xi32, #tpu.memory_space<vmem>> -> memref<1x1x80xi32, #tpu.memory_space<vmem>>
    %dma_wait3A_402 = tpu.memref_squeeze %dma_wait3A_401 : memref<1x1x80xi32, #tpu.memory_space<vmem>> -> memref<80xi32, #tpu.memory_space<vmem>>
    %dma_wait3A_403 = arith.constant 0 : i32
    %dma_wait3A_404 = arith.constant 0 : i32
    %dma_wait3A_405 = tpu.memref_slice %arg23[%dma_wait3A_403, %dma_wait3A_404] : memref<10112x128xf32, #tpu.memory_space<vmem_shared>> -> memref<10112x128xf32, #tpu.memory_space<vmem_shared>>
    tpu.wait_indirect_dma semaphore(%arg20 : memref<!tpu.dma_semaphore, #tpu.memory_space<semaphore_mem>>) src(%arg12 : memref<80x128xf32, #tpu.memory_space<vmem>>) dst(%dma_wait3A_405 : memref<10112x128xf32, #tpu.memory_space<vmem_shared>>)
    %dma_start3A_406 = arith.constant 1 : i32
    %dma_start3A_407 = arith.constant 3 : i32
    %dma_start3A_408 = arith.constant 0 : i32
    %dma_start3A_409 = tpu.memref_slice %arg7[%dma_start3A_406, %dma_start3A_407, %dma_start3A_408] : memref<2x8x80xi32, #tpu.memory_space<vmem>> -> memref<1x1x80xi32, #tpu.memory_space<vmem>>
    %dma_start3A_410 = tpu.memref_squeeze %dma_start3A_409 : memref<1x1x80xi32, #tpu.memory_space<vmem>> -> memref<80xi32, #tpu.memory_space<vmem>>
    %dma_start3A_411 = arith.constant 0 : i32
    %dma_start3A_412 = arith.constant 0 : i32
    %dma_start3A_413 = tpu.memref_slice %arg2[%dma_start3A_411, %dma_start3A_412] : memref<10000x128xf32, #tpu.memory_space<hbm>> -> memref<10000x128xf32, #tpu.memory_space<hbm>>
    tpu.enqueue_indirect_dma source(%dma_start3A_413 : memref<10000x128xf32, #tpu.memory_space<hbm>>) target(%arg12 : memref<80x128xf32, #tpu.memory_space<vmem>>) offsets(%dma_start3A_410 : memref<80xi32, #tpu.memory_space<vmem>>) semaphore(%arg16 : memref<!tpu.dma_semaphore, #tpu.memory_space<semaphore_mem>>)
    %dma_wait3A_414 = arith.constant 1 : i32
    %dma_wait3A_415 = arith.constant 0 : i32
    %dma_wait3A_416 = arith.constant 0 : i32
    %dma_wait3A_417 = tpu.memref_slice %arg7[%dma_wait3A_414, %dma_wait3A_415, %dma_wait3A_416] : memref<2x8x80xi32, #tpu.memory_space<vmem>> -> memref<1x1x80xi32, #tpu.memory_space<vmem>>
    %dma_wait3A_418 = tpu.memref_squeeze %dma_wait3A_417 : memref<1x1x80xi32, #tpu.memory_space<vmem>> -> memref<80xi32, #tpu.memory_space<vmem>>
    %dma_wait3A_419 = arith.constant 0 : i32
    %dma_wait3A_420 = arith.constant 0 : i32
    %dma_wait3A_421 = tpu.memref_slice %arg2[%dma_wait3A_419, %dma_wait3A_420] : memref<10000x128xf32, #tpu.memory_space<hbm>> -> memref<10000x128xf32, #tpu.memory_space<hbm>>
    tpu.wait_indirect_dma semaphore(%arg13 : memref<!tpu.dma_semaphore, #tpu.memory_space<semaphore_mem>>) src(%dma_wait3A_421 : memref<10000x128xf32, #tpu.memory_space<hbm>>) dst(%arg9 : memref<80x128xf32, #tpu.memory_space<vmem>>)
    %dma_start3A_422 = arith.constant 1 : i32
    %dma_start3A_423 = arith.constant 0 : i32
    %dma_start3A_424 = arith.constant 0 : i32
    %dma_start3A_425 = tpu.memref_slice %arg8[%dma_start3A_422, %dma_start3A_423, %dma_start3A_424] : memref<2x8x80xi32, #tpu.memory_space<vmem>> -> memref<1x1x80xi32, #tpu.memory_space<vmem>>
    %dma_start3A_426 = tpu.memref_squeeze %dma_start3A_425 : memref<1x1x80xi32, #tpu.memory_space<vmem>> -> memref<80xi32, #tpu.memory_space<vmem>>
    %dma_start3A_427 = arith.constant 0 : i32
    %dma_start3A_428 = arith.constant 0 : i32
    %dma_start3A_429 = tpu.memref_slice %arg23[%dma_start3A_427, %dma_start3A_428] : memref<10112x128xf32, #tpu.memory_space<vmem_shared>> -> memref<10112x128xf32, #tpu.memory_space<vmem_shared>>
    tpu.enqueue_indirect_dma source(%arg9 : memref<80x128xf32, #tpu.memory_space<vmem>>) target(%dma_start3A_429 : memref<10112x128xf32, #tpu.memory_space<vmem_shared>>) offsets(%dma_start3A_426 : memref<80xi32, #tpu.memory_space<vmem>>) semaphore(%arg17 : memref<!tpu.dma_semaphore, #tpu.memory_space<semaphore_mem>>) {add = true}
    %dma_wait3A_430 = arith.constant 1 : i32
    %dma_wait3A_431 = arith.constant 1 : i32
    %dma_wait3A_432 = arith.constant 0 : i32
    %dma_wait3A_433 = tpu.memref_slice %arg7[%dma_wait3A_430, %dma_wait3A_431, %dma_wait3A_432] : memref<2x8x80xi32, #tpu.memory_space<vmem>> -> memref<1x1x80xi32, #tpu.memory_space<vmem>>
    %dma_wait3A_434 = tpu.memref_squeeze %dma_wait3A_433 : memref<1x1x80xi32, #tpu.memory_space<vmem>> -> memref<80xi32, #tpu.memory_space<vmem>>
    %dma_wait3A_435 = arith.constant 0 : i32
    %dma_wait3A_436 = arith.constant 0 : i32
    %dma_wait3A_437 = tpu.memref_slice %arg2[%dma_wait3A_435, %dma_wait3A_436] : memref<10000x128xf32, #tpu.memory_space<hbm>> -> memref<10000x128xf32, #tpu.memory_space<hbm>>
    tpu.wait_indirect_dma semaphore(%arg14 : memref<!tpu.dma_semaphore, #tpu.memory_space<semaphore_mem>>) src(%dma_wait3A_437 : memref<10000x128xf32, #tpu.memory_space<hbm>>) dst(%arg10 : memref<80x128xf32, #tpu.memory_space<vmem>>)
    %dma_start3A_438 = arith.constant 1 : i32
    %dma_start3A_439 = arith.constant 1 : i32
    %dma_start3A_440 = arith.constant 0 : i32
    %dma_start3A_441 = tpu.memref_slice %arg8[%dma_start3A_438, %dma_start3A_439, %dma_start3A_440] : memref<2x8x80xi32, #tpu.memory_space<vmem>> -> memref<1x1x80xi32, #tpu.memory_space<vmem>>
    %dma_start3A_442 = tpu.memref_squeeze %dma_start3A_441 : memref<1x1x80xi32, #tpu.memory_space<vmem>> -> memref<80xi32, #tpu.memory_space<vmem>>
    %dma_start3A_443 = arith.constant 0 : i32
    %dma_start3A_444 = arith.constant 0 : i32
    %dma_start3A_445 = tpu.memref_slice %arg23[%dma_start3A_443, %dma_start3A_444] : memref<10112x128xf32, #tpu.memory_space<vmem_shared>> -> memref<10112x128xf32, #tpu.memory_space<vmem_shared>>
    tpu.enqueue_indirect_dma source(%arg10 : memref<80x128xf32, #tpu.memory_space<vmem>>) target(%dma_start3A_445 : memref<10112x128xf32, #tpu.memory_space<vmem_shared>>) offsets(%dma_start3A_442 : memref<80xi32, #tpu.memory_space<vmem>>) semaphore(%arg18 : memref<!tpu.dma_semaphore, #tpu.memory_space<semaphore_mem>>) {add = true}
    %dma_wait3A_446 = arith.constant 1 : i32
    %dma_wait3A_447 = arith.constant 2 : i32
    %dma_wait3A_448 = arith.constant 0 : i32
    %dma_wait3A_449 = tpu.memref_slice %arg7[%dma_wait3A_446, %dma_wait3A_447, %dma_wait3A_448] : memref<2x8x80xi32, #tpu.memory_space<vmem>> -> memref<1x1x80xi32, #tpu.memory_space<vmem>>
    %dma_wait3A_450 = tpu.memref_squeeze %dma_wait3A_449 : memref<1x1x80xi32, #tpu.memory_space<vmem>> -> memref<80xi32, #tpu.memory_space<vmem>>
    %dma_wait3A_451 = arith.constant 0 : i32
    %dma_wait3A_452 = arith.constant 0 : i32
    %dma_wait3A_453 = tpu.memref_slice %arg2[%dma_wait3A_451, %dma_wait3A_452] : memref<10000x128xf32, #tpu.memory_space<hbm>> -> memref<10000x128xf32, #tpu.memory_space<hbm>>
    tpu.wait_indirect_dma semaphore(%arg15 : memref<!tpu.dma_semaphore, #tpu.memory_space<semaphore_mem>>) src(%dma_wait3A_453 : memref<10000x128xf32, #tpu.memory_space<hbm>>) dst(%arg11 : memref<80x128xf32, #tpu.memory_space<vmem>>)
    %dma_start3A_454 = arith.constant 1 : i32
    %dma_start3A_455 = arith.constant 2 : i32
    %dma_start3A_456 = arith.constant 0 : i32
    %dma_start3A_457 = tpu.memref_slice %arg8[%dma_start3A_454, %dma_start3A_455, %dma_start3A_456] : memref<2x8x80xi32, #tpu.memory_space<vmem>> -> memref<1x1x80xi32, #tpu.memory_space<vmem>>
    %dma_start3A_458 = tpu.memref_squeeze %dma_start3A_457 : memref<1x1x80xi32, #tpu.memory_space<vmem>> -> memref<80xi32, #tpu.memory_space<vmem>>
    %dma_start3A_459 = arith.constant 0 : i32
    %dma_start3A_460 = arith.constant 0 : i32
    %dma_start3A_461 = tpu.memref_slice %arg23[%dma_start3A_459, %dma_start3A_460] : memref<10112x128xf32, #tpu.memory_space<vmem_shared>> -> memref<10112x128xf32, #tpu.memory_space<vmem_shared>>
    tpu.enqueue_indirect_dma source(%arg11 : memref<80x128xf32, #tpu.memory_space<vmem>>) target(%dma_start3A_461 : memref<10112x128xf32, #tpu.memory_space<vmem_shared>>) offsets(%dma_start3A_458 : memref<80xi32, #tpu.memory_space<vmem>>) semaphore(%arg19 : memref<!tpu.dma_semaphore, #tpu.memory_space<semaphore_mem>>) {add = true}
    %dma_wait3A_462 = arith.constant 1 : i32
    %dma_wait3A_463 = arith.constant 3 : i32
    %dma_wait3A_464 = arith.constant 0 : i32
    %dma_wait3A_465 = tpu.memref_slice %arg7[%dma_wait3A_462, %dma_wait3A_463, %dma_wait3A_464] : memref<2x8x80xi32, #tpu.memory_space<vmem>> -> memref<1x1x80xi32, #tpu.memory_space<vmem>>
    %dma_wait3A_466 = tpu.memref_squeeze %dma_wait3A_465 : memref<1x1x80xi32, #tpu.memory_space<vmem>> -> memref<80xi32, #tpu.memory_space<vmem>>
    %dma_wait3A_467 = arith.constant 0 : i32
    %dma_wait3A_468 = arith.constant 0 : i32
    %dma_wait3A_469 = tpu.memref_slice %arg2[%dma_wait3A_467, %dma_wait3A_468] : memref<10000x128xf32, #tpu.memory_space<hbm>> -> memref<10000x128xf32, #tpu.memory_space<hbm>>
    tpu.wait_indirect_dma semaphore(%arg16 : memref<!tpu.dma_semaphore, #tpu.memory_space<semaphore_mem>>) src(%dma_wait3A_469 : memref<10000x128xf32, #tpu.memory_space<hbm>>) dst(%arg12 : memref<80x128xf32, #tpu.memory_space<vmem>>)
    %dma_start3A_470 = arith.constant 1 : i32
    %dma_start3A_471 = arith.constant 3 : i32
    %dma_start3A_472 = arith.constant 0 : i32
    %dma_start3A_473 = tpu.memref_slice %arg8[%dma_start3A_470, %dma_start3A_471, %dma_start3A_472] : memref<2x8x80xi32, #tpu.memory_space<vmem>> -> memref<1x1x80xi32, #tpu.memory_space<vmem>>
    %dma_start3A_474 = tpu.memref_squeeze %dma_start3A_473 : memref<1x1x80xi32, #tpu.memory_space<vmem>> -> memref<80xi32, #tpu.memory_space<vmem>>
    %dma_start3A_475 = arith.constant 0 : i32
    %dma_start3A_476 = arith.constant 0 : i32
    %dma_start3A_477 = tpu.memref_slice %arg23[%dma_start3A_475, %dma_start3A_476] : memref<10112x128xf32, #tpu.memory_space<vmem_shared>> -> memref<10112x128xf32, #tpu.memory_space<vmem_shared>>
    tpu.enqueue_indirect_dma source(%arg12 : memref<80x128xf32, #tpu.memory_space<vmem>>) target(%dma_start3A_477 : memref<10112x128xf32, #tpu.memory_space<vmem_shared>>) offsets(%dma_start3A_474 : memref<80xi32, #tpu.memory_space<vmem>>) semaphore(%arg20 : memref<!tpu.dma_semaphore, #tpu.memory_space<semaphore_mem>>) {add = true}
    %dma_wait3A_478 = arith.constant 1 : i32
    %dma_wait3A_479 = arith.constant 0 : i32
    %dma_wait3A_480 = arith.constant 0 : i32
    %dma_wait3A_481 = tpu.memref_slice %arg8[%dma_wait3A_478, %dma_wait3A_479, %dma_wait3A_480] : memref<2x8x80xi32, #tpu.memory_space<vmem>> -> memref<1x1x80xi32, #tpu.memory_space<vmem>>
    %dma_wait3A_482 = tpu.memref_squeeze %dma_wait3A_481 : memref<1x1x80xi32, #tpu.memory_space<vmem>> -> memref<80xi32, #tpu.memory_space<vmem>>
    %dma_wait3A_483 = arith.constant 0 : i32
    %dma_wait3A_484 = arith.constant 0 : i32
    %dma_wait3A_485 = tpu.memref_slice %arg23[%dma_wait3A_483, %dma_wait3A_484] : memref<10112x128xf32, #tpu.memory_space<vmem_shared>> -> memref<10112x128xf32, #tpu.memory_space<vmem_shared>>
    tpu.wait_indirect_dma semaphore(%arg17 : memref<!tpu.dma_semaphore, #tpu.memory_space<semaphore_mem>>) src(%arg9 : memref<80x128xf32, #tpu.memory_space<vmem>>) dst(%dma_wait3A_485 : memref<10112x128xf32, #tpu.memory_space<vmem_shared>>)
    %dma_start3A_486 = arith.constant 1 : i32
    %dma_start3A_487 = arith.constant 4 : i32
    %dma_start3A_488 = arith.constant 0 : i32
    %dma_start3A_489 = tpu.memref_slice %arg7[%dma_start3A_486, %dma_start3A_487, %dma_start3A_488] : memref<2x8x80xi32, #tpu.memory_space<vmem>> -> memref<1x1x80xi32, #tpu.memory_space<vmem>>
    %dma_start3A_490 = tpu.memref_squeeze %dma_start3A_489 : memref<1x1x80xi32, #tpu.memory_space<vmem>> -> memref<80xi32, #tpu.memory_space<vmem>>
    %dma_start3A_491 = arith.constant 0 : i32
    %dma_start3A_492 = arith.constant 0 : i32
    %dma_start3A_493 = tpu.memref_slice %arg2[%dma_start3A_491, %dma_start3A_492] : memref<10000x128xf32, #tpu.memory_space<hbm>> -> memref<10000x128xf32, #tpu.memory_space<hbm>>
    tpu.enqueue_indirect_dma source(%dma_start3A_493 : memref<10000x128xf32, #tpu.memory_space<hbm>>) target(%arg9 : memref<80x128xf32, #tpu.memory_space<vmem>>) offsets(%dma_start3A_490 : memref<80xi32, #tpu.memory_space<vmem>>) semaphore(%arg13 : memref<!tpu.dma_semaphore, #tpu.memory_space<semaphore_mem>>)
    %dma_wait3A_494 = arith.constant 1 : i32
    %dma_wait3A_495 = arith.constant 1 : i32
    %dma_wait3A_496 = arith.constant 0 : i32
    %dma_wait3A_497 = tpu.memref_slice %arg8[%dma_wait3A_494, %dma_wait3A_495, %dma_wait3A_496] : memref<2x8x80xi32, #tpu.memory_space<vmem>> -> memref<1x1x80xi32, #tpu.memory_space<vmem>>
    %dma_wait3A_498 = tpu.memref_squeeze %dma_wait3A_497 : memref<1x1x80xi32, #tpu.memory_space<vmem>> -> memref<80xi32, #tpu.memory_space<vmem>>
    %dma_wait3A_499 = arith.constant 0 : i32
    %dma_wait3A_500 = arith.constant 0 : i32
    %dma_wait3A_501 = tpu.memref_slice %arg23[%dma_wait3A_499, %dma_wait3A_500] : memref<10112x128xf32, #tpu.memory_space<vmem_shared>> -> memref<10112x128xf32, #tpu.memory_space<vmem_shared>>
    tpu.wait_indirect_dma semaphore(%arg18 : memref<!tpu.dma_semaphore, #tpu.memory_space<semaphore_mem>>) src(%arg10 : memref<80x128xf32, #tpu.memory_space<vmem>>) dst(%dma_wait3A_501 : memref<10112x128xf32, #tpu.memory_space<vmem_shared>>)
    %dma_start3A_502 = arith.constant 1 : i32
    %dma_start3A_503 = arith.constant 5 : i32
    %dma_start3A_504 = arith.constant 0 : i32
    %dma_start3A_505 = tpu.memref_slice %arg7[%dma_start3A_502, %dma_start3A_503, %dma_start3A_504] : memref<2x8x80xi32, #tpu.memory_space<vmem>> -> memref<1x1x80xi32, #tpu.memory_space<vmem>>
    %dma_start3A_506 = tpu.memref_squeeze %dma_start3A_505 : memref<1x1x80xi32, #tpu.memory_space<vmem>> -> memref<80xi32, #tpu.memory_space<vmem>>
    %dma_start3A_507 = arith.constant 0 : i32
    %dma_start3A_508 = arith.constant 0 : i32
    %dma_start3A_509 = tpu.memref_slice %arg2[%dma_start3A_507, %dma_start3A_508] : memref<10000x128xf32, #tpu.memory_space<hbm>> -> memref<10000x128xf32, #tpu.memory_space<hbm>>
    tpu.enqueue_indirect_dma source(%dma_start3A_509 : memref<10000x128xf32, #tpu.memory_space<hbm>>) target(%arg10 : memref<80x128xf32, #tpu.memory_space<vmem>>) offsets(%dma_start3A_506 : memref<80xi32, #tpu.memory_space<vmem>>) semaphore(%arg14 : memref<!tpu.dma_semaphore, #tpu.memory_space<semaphore_mem>>)
    %dma_wait3A_510 = arith.constant 1 : i32
    %dma_wait3A_511 = arith.constant 2 : i32
    %dma_wait3A_512 = arith.constant 0 : i32
    %dma_wait3A_513 = tpu.memref_slice %arg8[%dma_wait3A_510, %dma_wait3A_511, %dma_wait3A_512] : memref<2x8x80xi32, #tpu.memory_space<vmem>> -> memref<1x1x80xi32, #tpu.memory_space<vmem>>
    %dma_wait3A_514 = tpu.memref_squeeze %dma_wait3A_513 : memref<1x1x80xi32, #tpu.memory_space<vmem>> -> memref<80xi32, #tpu.memory_space<vmem>>
    %dma_wait3A_515 = arith.constant 0 : i32
    %dma_wait3A_516 = arith.constant 0 : i32
    %dma_wait3A_517 = tpu.memref_slice %arg23[%dma_wait3A_515, %dma_wait3A_516] : memref<10112x128xf32, #tpu.memory_space<vmem_shared>> -> memref<10112x128xf32, #tpu.memory_space<vmem_shared>>
    tpu.wait_indirect_dma semaphore(%arg19 : memref<!tpu.dma_semaphore, #tpu.memory_space<semaphore_mem>>) src(%arg11 : memref<80x128xf32, #tpu.memory_space<vmem>>) dst(%dma_wait3A_517 : memref<10112x128xf32, #tpu.memory_space<vmem_shared>>)
    %dma_start3A_518 = arith.constant 1 : i32
    %dma_start3A_519 = arith.constant 6 : i32
    %dma_start3A_520 = arith.constant 0 : i32
    %dma_start3A_521 = tpu.memref_slice %arg7[%dma_start3A_518, %dma_start3A_519, %dma_start3A_520] : memref<2x8x80xi32, #tpu.memory_space<vmem>> -> memref<1x1x80xi32, #tpu.memory_space<vmem>>
    %dma_start3A_522 = tpu.memref_squeeze %dma_start3A_521 : memref<1x1x80xi32, #tpu.memory_space<vmem>> -> memref<80xi32, #tpu.memory_space<vmem>>
    %dma_start3A_523 = arith.constant 0 : i32
    %dma_start3A_524 = arith.constant 0 : i32
    %dma_start3A_525 = tpu.memref_slice %arg2[%dma_start3A_523, %dma_start3A_524] : memref<10000x128xf32, #tpu.memory_space<hbm>> -> memref<10000x128xf32, #tpu.memory_space<hbm>>
    tpu.enqueue_indirect_dma source(%dma_start3A_525 : memref<10000x128xf32, #tpu.memory_space<hbm>>) target(%arg11 : memref<80x128xf32, #tpu.memory_space<vmem>>) offsets(%dma_start3A_522 : memref<80xi32, #tpu.memory_space<vmem>>) semaphore(%arg15 : memref<!tpu.dma_semaphore, #tpu.memory_space<semaphore_mem>>)
    %dma_wait3A_526 = arith.constant 1 : i32
    %dma_wait3A_527 = arith.constant 3 : i32
    %dma_wait3A_528 = arith.constant 0 : i32
    %dma_wait3A_529 = tpu.memref_slice %arg8[%dma_wait3A_526, %dma_wait3A_527, %dma_wait3A_528] : memref<2x8x80xi32, #tpu.memory_space<vmem>> -> memref<1x1x80xi32, #tpu.memory_space<vmem>>
    %dma_wait3A_530 = tpu.memref_squeeze %dma_wait3A_529 : memref<1x1x80xi32, #tpu.memory_space<vmem>> -> memref<80xi32, #tpu.memory_space<vmem>>
    %dma_wait3A_531 = arith.constant 0 : i32
    %dma_wait3A_532 = arith.constant 0 : i32
    %dma_wait3A_533 = tpu.memref_slice %arg23[%dma_wait3A_531, %dma_wait3A_532] : memref<10112x128xf32, #tpu.memory_space<vmem_shared>> -> memref<10112x128xf32, #tpu.memory_space<vmem_shared>>
    tpu.wait_indirect_dma semaphore(%arg20 : memref<!tpu.dma_semaphore, #tpu.memory_space<semaphore_mem>>) src(%arg12 : memref<80x128xf32, #tpu.memory_space<vmem>>) dst(%dma_wait3A_533 : memref<10112x128xf32, #tpu.memory_space<vmem_shared>>)
    %dma_start3A_534 = arith.constant 1 : i32
    %dma_start3A_535 = arith.constant 7 : i32
    %dma_start3A_536 = arith.constant 0 : i32
    %dma_start3A_537 = tpu.memref_slice %arg7[%dma_start3A_534, %dma_start3A_535, %dma_start3A_536] : memref<2x8x80xi32, #tpu.memory_space<vmem>> -> memref<1x1x80xi32, #tpu.memory_space<vmem>>
    %dma_start3A_538 = tpu.memref_squeeze %dma_start3A_537 : memref<1x1x80xi32, #tpu.memory_space<vmem>> -> memref<80xi32, #tpu.memory_space<vmem>>
    %dma_start3A_539 = arith.constant 0 : i32
    %dma_start3A_540 = arith.constant 0 : i32
    %dma_start3A_541 = tpu.memref_slice %arg2[%dma_start3A_539, %dma_start3A_540] : memref<10000x128xf32, #tpu.memory_space<hbm>> -> memref<10000x128xf32, #tpu.memory_space<hbm>>
    tpu.enqueue_indirect_dma source(%dma_start3A_541 : memref<10000x128xf32, #tpu.memory_space<hbm>>) target(%arg12 : memref<80x128xf32, #tpu.memory_space<vmem>>) offsets(%dma_start3A_538 : memref<80xi32, #tpu.memory_space<vmem>>) semaphore(%arg16 : memref<!tpu.dma_semaphore, #tpu.memory_space<semaphore_mem>>)
    %dma_wait3A_542 = arith.constant 1 : i32
    %dma_wait3A_543 = arith.constant 4 : i32
    %dma_wait3A_544 = arith.constant 0 : i32
    %dma_wait3A_545 = tpu.memref_slice %arg7[%dma_wait3A_542, %dma_wait3A_543, %dma_wait3A_544] : memref<2x8x80xi32, #tpu.memory_space<vmem>> -> memref<1x1x80xi32, #tpu.memory_space<vmem>>
    %dma_wait3A_546 = tpu.memref_squeeze %dma_wait3A_545 : memref<1x1x80xi32, #tpu.memory_space<vmem>> -> memref<80xi32, #tpu.memory_space<vmem>>
    %dma_wait3A_547 = arith.constant 0 : i32
    %dma_wait3A_548 = arith.constant 0 : i32
    %dma_wait3A_549 = tpu.memref_slice %arg2[%dma_wait3A_547, %dma_wait3A_548] : memref<10000x128xf32, #tpu.memory_space<hbm>> -> memref<10000x128xf32, #tpu.memory_space<hbm>>
    tpu.wait_indirect_dma semaphore(%arg13 : memref<!tpu.dma_semaphore, #tpu.memory_space<semaphore_mem>>) src(%dma_wait3A_549 : memref<10000x128xf32, #tpu.memory_space<hbm>>) dst(%arg9 : memref<80x128xf32, #tpu.memory_space<vmem>>)
    %dma_start3A_550 = arith.constant 1 : i32
    %dma_start3A_551 = arith.constant 4 : i32
    %dma_start3A_552 = arith.constant 0 : i32
    %dma_start3A_553 = tpu.memref_slice %arg8[%dma_start3A_550, %dma_start3A_551, %dma_start3A_552] : memref<2x8x80xi32, #tpu.memory_space<vmem>> -> memref<1x1x80xi32, #tpu.memory_space<vmem>>
    %dma_start3A_554 = tpu.memref_squeeze %dma_start3A_553 : memref<1x1x80xi32, #tpu.memory_space<vmem>> -> memref<80xi32, #tpu.memory_space<vmem>>
    %dma_start3A_555 = arith.constant 0 : i32
    %dma_start3A_556 = arith.constant 0 : i32
    %dma_start3A_557 = tpu.memref_slice %arg23[%dma_start3A_555, %dma_start3A_556] : memref<10112x128xf32, #tpu.memory_space<vmem_shared>> -> memref<10112x128xf32, #tpu.memory_space<vmem_shared>>
    tpu.enqueue_indirect_dma source(%arg9 : memref<80x128xf32, #tpu.memory_space<vmem>>) target(%dma_start3A_557 : memref<10112x128xf32, #tpu.memory_space<vmem_shared>>) offsets(%dma_start3A_554 : memref<80xi32, #tpu.memory_space<vmem>>) semaphore(%arg17 : memref<!tpu.dma_semaphore, #tpu.memory_space<semaphore_mem>>) {add = true}
    %dma_wait3A_558 = arith.constant 1 : i32
    %dma_wait3A_559 = arith.constant 5 : i32
    %dma_wait3A_560 = arith.constant 0 : i32
    %dma_wait3A_561 = tpu.memref_slice %arg7[%dma_wait3A_558, %dma_wait3A_559, %dma_wait3A_560] : memref<2x8x80xi32, #tpu.memory_space<vmem>> -> memref<1x1x80xi32, #tpu.memory_space<vmem>>
    %dma_wait3A_562 = tpu.memref_squeeze %dma_wait3A_561 : memref<1x1x80xi32, #tpu.memory_space<vmem>> -> memref<80xi32, #tpu.memory_space<vmem>>
    %dma_wait3A_563 = arith.constant 0 : i32
    %dma_wait3A_564 = arith.constant 0 : i32
    %dma_wait3A_565 = tpu.memref_slice %arg2[%dma_wait3A_563, %dma_wait3A_564] : memref<10000x128xf32, #tpu.memory_space<hbm>> -> memref<10000x128xf32, #tpu.memory_space<hbm>>
    tpu.wait_indirect_dma semaphore(%arg14 : memref<!tpu.dma_semaphore, #tpu.memory_space<semaphore_mem>>) src(%dma_wait3A_565 : memref<10000x128xf32, #tpu.memory_space<hbm>>) dst(%arg10 : memref<80x128xf32, #tpu.memory_space<vmem>>)
    %dma_start3A_566 = arith.constant 1 : i32
    %dma_start3A_567 = arith.constant 5 : i32
    %dma_start3A_568 = arith.constant 0 : i32
    %dma_start3A_569 = tpu.memref_slice %arg8[%dma_start3A_566, %dma_start3A_567, %dma_start3A_568] : memref<2x8x80xi32, #tpu.memory_space<vmem>> -> memref<1x1x80xi32, #tpu.memory_space<vmem>>
    %dma_start3A_570 = tpu.memref_squeeze %dma_start3A_569 : memref<1x1x80xi32, #tpu.memory_space<vmem>> -> memref<80xi32, #tpu.memory_space<vmem>>
    %dma_start3A_571 = arith.constant 0 : i32
    %dma_start3A_572 = arith.constant 0 : i32
    %dma_start3A_573 = tpu.memref_slice %arg23[%dma_start3A_571, %dma_start3A_572] : memref<10112x128xf32, #tpu.memory_space<vmem_shared>> -> memref<10112x128xf32, #tpu.memory_space<vmem_shared>>
    tpu.enqueue_indirect_dma source(%arg10 : memref<80x128xf32, #tpu.memory_space<vmem>>) target(%dma_start3A_573 : memref<10112x128xf32, #tpu.memory_space<vmem_shared>>) offsets(%dma_start3A_570 : memref<80xi32, #tpu.memory_space<vmem>>) semaphore(%arg18 : memref<!tpu.dma_semaphore, #tpu.memory_space<semaphore_mem>>) {add = true}
    %dma_wait3A_574 = arith.constant 1 : i32
    %dma_wait3A_575 = arith.constant 6 : i32
    %dma_wait3A_576 = arith.constant 0 : i32
    %dma_wait3A_577 = tpu.memref_slice %arg7[%dma_wait3A_574, %dma_wait3A_575, %dma_wait3A_576] : memref<2x8x80xi32, #tpu.memory_space<vmem>> -> memref<1x1x80xi32, #tpu.memory_space<vmem>>
    %dma_wait3A_578 = tpu.memref_squeeze %dma_wait3A_577 : memref<1x1x80xi32, #tpu.memory_space<vmem>> -> memref<80xi32, #tpu.memory_space<vmem>>
    %dma_wait3A_579 = arith.constant 0 : i32
    %dma_wait3A_580 = arith.constant 0 : i32
    %dma_wait3A_581 = tpu.memref_slice %arg2[%dma_wait3A_579, %dma_wait3A_580] : memref<10000x128xf32, #tpu.memory_space<hbm>> -> memref<10000x128xf32, #tpu.memory_space<hbm>>
    tpu.wait_indirect_dma semaphore(%arg15 : memref<!tpu.dma_semaphore, #tpu.memory_space<semaphore_mem>>) src(%dma_wait3A_581 : memref<10000x128xf32, #tpu.memory_space<hbm>>) dst(%arg11 : memref<80x128xf32, #tpu.memory_space<vmem>>)
    %dma_start3A_582 = arith.constant 1 : i32
    %dma_start3A_583 = arith.constant 6 : i32
    %dma_start3A_584 = arith.constant 0 : i32
    %dma_start3A_585 = tpu.memref_slice %arg8[%dma_start3A_582, %dma_start3A_583, %dma_start3A_584] : memref<2x8x80xi32, #tpu.memory_space<vmem>> -> memref<1x1x80xi32, #tpu.memory_space<vmem>>
    %dma_start3A_586 = tpu.memref_squeeze %dma_start3A_585 : memref<1x1x80xi32, #tpu.memory_space<vmem>> -> memref<80xi32, #tpu.memory_space<vmem>>
    %dma_start3A_587 = arith.constant 0 : i32
    %dma_start3A_588 = arith.constant 0 : i32
    %dma_start3A_589 = tpu.memref_slice %arg23[%dma_start3A_587, %dma_start3A_588] : memref<10112x128xf32, #tpu.memory_space<vmem_shared>> -> memref<10112x128xf32, #tpu.memory_space<vmem_shared>>
    tpu.enqueue_indirect_dma source(%arg11 : memref<80x128xf32, #tpu.memory_space<vmem>>) target(%dma_start3A_589 : memref<10112x128xf32, #tpu.memory_space<vmem_shared>>) offsets(%dma_start3A_586 : memref<80xi32, #tpu.memory_space<vmem>>) semaphore(%arg19 : memref<!tpu.dma_semaphore, #tpu.memory_space<semaphore_mem>>) {add = true}
    %dma_wait3A_590 = arith.constant 1 : i32
    %dma_wait3A_591 = arith.constant 7 : i32
    %dma_wait3A_592 = arith.constant 0 : i32
    %dma_wait3A_593 = tpu.memref_slice %arg7[%dma_wait3A_590, %dma_wait3A_591, %dma_wait3A_592] : memref<2x8x80xi32, #tpu.memory_space<vmem>> -> memref<1x1x80xi32, #tpu.memory_space<vmem>>
    %dma_wait3A_594 = tpu.memref_squeeze %dma_wait3A_593 : memref<1x1x80xi32, #tpu.memory_space<vmem>> -> memref<80xi32, #tpu.memory_space<vmem>>
    %dma_wait3A_595 = arith.constant 0 : i32
    %dma_wait3A_596 = arith.constant 0 : i32
    %dma_wait3A_597 = tpu.memref_slice %arg2[%dma_wait3A_595, %dma_wait3A_596] : memref<10000x128xf32, #tpu.memory_space<hbm>> -> memref<10000x128xf32, #tpu.memory_space<hbm>>
    tpu.wait_indirect_dma semaphore(%arg16 : memref<!tpu.dma_semaphore, #tpu.memory_space<semaphore_mem>>) src(%dma_wait3A_597 : memref<10000x128xf32, #tpu.memory_space<hbm>>) dst(%arg12 : memref<80x128xf32, #tpu.memory_space<vmem>>)
    %dma_start3A_598 = arith.constant 1 : i32
    %dma_start3A_599 = arith.constant 7 : i32
    %dma_start3A_600 = arith.constant 0 : i32
    %dma_start3A_601 = tpu.memref_slice %arg8[%dma_start3A_598, %dma_start3A_599, %dma_start3A_600] : memref<2x8x80xi32, #tpu.memory_space<vmem>> -> memref<1x1x80xi32, #tpu.memory_space<vmem>>
    %dma_start3A_602 = tpu.memref_squeeze %dma_start3A_601 : memref<1x1x80xi32, #tpu.memory_space<vmem>> -> memref<80xi32, #tpu.memory_space<vmem>>
    %dma_start3A_603 = arith.constant 0 : i32
    %dma_start3A_604 = arith.constant 0 : i32
    %dma_start3A_605 = tpu.memref_slice %arg23[%dma_start3A_603, %dma_start3A_604] : memref<10112x128xf32, #tpu.memory_space<vmem_shared>> -> memref<10112x128xf32, #tpu.memory_space<vmem_shared>>
    tpu.enqueue_indirect_dma source(%arg12 : memref<80x128xf32, #tpu.memory_space<vmem>>) target(%dma_start3A_605 : memref<10112x128xf32, #tpu.memory_space<vmem_shared>>) offsets(%dma_start3A_602 : memref<80xi32, #tpu.memory_space<vmem>>) semaphore(%arg20 : memref<!tpu.dma_semaphore, #tpu.memory_space<semaphore_mem>>) {add = true}
    %dma_wait3A_606 = arith.constant 1 : i32
    %dma_wait3A_607 = arith.constant 4 : i32
    %dma_wait3A_608 = arith.constant 0 : i32
    %dma_wait3A_609 = tpu.memref_slice %arg8[%dma_wait3A_606, %dma_wait3A_607, %dma_wait3A_608] : memref<2x8x80xi32, #tpu.memory_space<vmem>> -> memref<1x1x80xi32, #tpu.memory_space<vmem>>
    %dma_wait3A_610 = tpu.memref_squeeze %dma_wait3A_609 : memref<1x1x80xi32, #tpu.memory_space<vmem>> -> memref<80xi32, #tpu.memory_space<vmem>>
    %dma_wait3A_611 = arith.constant 0 : i32
    %dma_wait3A_612 = arith.constant 0 : i32
    %dma_wait3A_613 = tpu.memref_slice %arg23[%dma_wait3A_611, %dma_wait3A_612] : memref<10112x128xf32, #tpu.memory_space<vmem_shared>> -> memref<10112x128xf32, #tpu.memory_space<vmem_shared>>
    tpu.wait_indirect_dma semaphore(%arg17 : memref<!tpu.dma_semaphore, #tpu.memory_space<semaphore_mem>>) src(%arg9 : memref<80x128xf32, #tpu.memory_space<vmem>>) dst(%dma_wait3A_613 : memref<10112x128xf32, #tpu.memory_space<vmem_shared>>)
    %dma_wait3A_614 = arith.constant 1 : i32
    %dma_wait3A_615 = arith.constant 5 : i32
    %dma_wait3A_616 = arith.constant 0 : i32
    %dma_wait3A_617 = tpu.memref_slice %arg8[%dma_wait3A_614, %dma_wait3A_615, %dma_wait3A_616] : memref<2x8x80xi32, #tpu.memory_space<vmem>> -> memref<1x1x80xi32, #tpu.memory_space<vmem>>
    %dma_wait3A_618 = tpu.memref_squeeze %dma_wait3A_617 : memref<1x1x80xi32, #tpu.memory_space<vmem>> -> memref<80xi32, #tpu.memory_space<vmem>>
    %dma_wait3A_619 = arith.constant 0 : i32
    %dma_wait3A_620 = arith.constant 0 : i32
    %dma_wait3A_621 = tpu.memref_slice %arg23[%dma_wait3A_619, %dma_wait3A_620] : memref<10112x128xf32, #tpu.memory_space<vmem_shared>> -> memref<10112x128xf32, #tpu.memory_space<vmem_shared>>
    tpu.wait_indirect_dma semaphore(%arg18 : memref<!tpu.dma_semaphore, #tpu.memory_space<semaphore_mem>>) src(%arg10 : memref<80x128xf32, #tpu.memory_space<vmem>>) dst(%dma_wait3A_621 : memref<10112x128xf32, #tpu.memory_space<vmem_shared>>)
    %dma_wait3A_622 = arith.constant 1 : i32
    %dma_wait3A_623 = arith.constant 6 : i32
    %dma_wait3A_624 = arith.constant 0 : i32
    %dma_wait3A_625 = tpu.memref_slice %arg8[%dma_wait3A_622, %dma_wait3A_623, %dma_wait3A_624] : memref<2x8x80xi32, #tpu.memory_space<vmem>> -> memref<1x1x80xi32, #tpu.memory_space<vmem>>
    %dma_wait3A_626 = tpu.memref_squeeze %dma_wait3A_625 : memref<1x1x80xi32, #tpu.memory_space<vmem>> -> memref<80xi32, #tpu.memory_space<vmem>>
    %dma_wait3A_627 = arith.constant 0 : i32
    %dma_wait3A_628 = arith.constant 0 : i32
    %dma_wait3A_629 = tpu.memref_slice %arg23[%dma_wait3A_627, %dma_wait3A_628] : memref<10112x128xf32, #tpu.memory_space<vmem_shared>> -> memref<10112x128xf32, #tpu.memory_space<vmem_shared>>
    tpu.wait_indirect_dma semaphore(%arg19 : memref<!tpu.dma_semaphore, #tpu.memory_space<semaphore_mem>>) src(%arg11 : memref<80x128xf32, #tpu.memory_space<vmem>>) dst(%dma_wait3A_629 : memref<10112x128xf32, #tpu.memory_space<vmem_shared>>)
    %dma_wait3A_630 = arith.constant 1 : i32
    %dma_wait3A_631 = arith.constant 7 : i32
    %dma_wait3A_632 = arith.constant 0 : i32
    %dma_wait3A_633 = tpu.memref_slice %arg8[%dma_wait3A_630, %dma_wait3A_631, %dma_wait3A_632] : memref<2x8x80xi32, #tpu.memory_space<vmem>> -> memref<1x1x80xi32, #tpu.memory_space<vmem>>
    %dma_wait3A_634 = tpu.memref_squeeze %dma_wait3A_633 : memref<1x1x80xi32, #tpu.memory_space<vmem>> -> memref<80xi32, #tpu.memory_space<vmem>>
    %dma_wait3A_635 = arith.constant 0 : i32
    %dma_wait3A_636 = arith.constant 0 : i32
    %dma_wait3A_637 = tpu.memref_slice %arg23[%dma_wait3A_635, %dma_wait3A_636] : memref<10112x128xf32, #tpu.memory_space<vmem_shared>> -> memref<10112x128xf32, #tpu.memory_space<vmem_shared>>
    tpu.wait_indirect_dma semaphore(%arg20 : memref<!tpu.dma_semaphore, #tpu.memory_space<semaphore_mem>>) src(%arg12 : memref<80x128xf32, #tpu.memory_space<vmem>>) dst(%dma_wait3A_637 : memref<10112x128xf32, #tpu.memory_space<vmem_shared>>)
    %barrier3A_638 = arith.constant 0 : index
    tpu.barrier barrier_id(%barrier3A_638)
    %mul3A_639 = arith.constant 632 : i32
    %mul3A_640 = arith.muli %arg1, %mul3A_639 : i32
    %mul3A_641 = arith.constant 632 : i32
    %mul3A_642 = arith.muli %arg1, %mul3A_641 : i32
    "tpu.region"() ({
      %run_scoped3A = tpu.sem_alloc : memref<!tpu.dma_semaphore, #tpu.memory_space<semaphore_mem>>
      %dma_start3A_643 = arith.constant 0 : i32
      %dma_start3A_644 = tpu.memref_slice %arg6[%arg0, %mul3A_642, %dma_start3A_643] : memref<2x10112x128xf32, #tpu.memory_space<hbm>> -> memref<1x632x128xf32, #tpu.memory_space<hbm>>
      %dma_start3A_645 = tpu.memref_squeeze %dma_start3A_644 : memref<1x632x128xf32, #tpu.memory_space<hbm>> -> memref<632x128xf32, #tpu.memory_space<hbm>>
      %dma_start3A_646 = arith.constant 0 : i32
      %dma_start3A_647 = tpu.memref_slice %arg23[%mul3A_640, %dma_start3A_646] : memref<10112x128xf32, #tpu.memory_space<vmem_shared>> -> memref<632x128xf32, #tpu.memory_space<vmem_shared>>
      tpu.enqueue_dma source(%dma_start3A_647 : memref<632x128xf32, #tpu.memory_space<vmem_shared>>) target(%dma_start3A_645 : memref<632x128xf32, #tpu.memory_space<hbm>>) target_semaphore(%run_scoped3A : memref<!tpu.dma_semaphore, #tpu.memory_space<semaphore_mem>>)
      %dma_wait3A_648 = arith.constant 0 : i32
      %dma_wait3A_649 = tpu.memref_slice %arg6[%arg0, %mul3A_642, %dma_wait3A_648] : memref<2x10112x128xf32, #tpu.memory_space<hbm>> -> memref<1x632x128xf32, #tpu.memory_space<hbm>>
      %dma_wait3A_650 = tpu.memref_squeeze %dma_wait3A_649 : memref<1x632x128xf32, #tpu.memory_space<hbm>> -> memref<632x128xf32, #tpu.memory_space<hbm>>
      %dma_wait3A_651 = arith.constant 0 : i32
      %dma_wait3A_652 = tpu.memref_slice %arg23[%mul3A_640, %dma_wait3A_651] : memref<10112x128xf32, #tpu.memory_space<vmem_shared>> -> memref<632x128xf32, #tpu.memory_space<vmem_shared>>
      tpu.wait_dma2 semaphore(%run_scoped3A : memref<!tpu.dma_semaphore, #tpu.memory_space<semaphore_mem>>) src(%dma_wait3A_652 : memref<632x128xf32, #tpu.memory_space<vmem_shared>>) dst(%dma_wait3A_650 : memref<632x128xf32, #tpu.memory_space<hbm>>)
      tpu.yield
    }) : () -> ()
    return
  }
}

module attributes {stable_mosaic.version = 14 : i64} {
  func.func @_tc1_body(%arg0: i32, %arg1: memref<1000x128xf32, #tpu.memory_space<vmem>>, %arg2: memref<2x1000x128xf32, #tpu.memory_space<vmem>>, %arg3: memref<128x128xf32, #tpu.memory_space<vmem>>, %arg4: memref<1x128xf32, #tpu.memory_space<vmem>>, %arg5: memref<128x128xf32, #tpu.memory_space<vmem>>, %arg6: memref<128x128xf32, #tpu.memory_space<vmem>>, %arg7: memref<1x128xf32, #tpu.memory_space<vmem>>, %arg8: memref<1x128xf32, #tpu.memory_space<vmem>>, %arg9: memref<1x128xf32, #tpu.memory_space<vmem>>, %arg10: memref<1000x128xf32, #tpu.memory_space<vmem>>, %arg11: memref<1000x128xf32, #tpu.memory_space<vmem>>, %arg12: memref<128x128xf32, #tpu.memory_space<vmem>>, %arg13: memref<128x128xf32, #tpu.memory_space<vmem>>) attributes {dimension_semantics = [#tpu.dimension_semantics<arbitrary>], iteration_bounds = array<i64: 10>, scalar_prefetch = 0 : i64, scratch_operands = 0 : i64, tpu.core_type = #tpu.core_type<tc>, window_params = [{transform_indices = @transform_0, window_bounds = array<i64: 1000, 128>}, {transform_indices = @transform_1, window_bounds = array<i64: 2, 1000, 128>}, {pipeline_mode = #tpu.pipeline_mode<synchronous>, transform_indices = @transform_2, window_bounds = array<i64: 128, 128>}, {pipeline_mode = #tpu.pipeline_mode<synchronous>, transform_indices = @transform_3, window_bounds = array<i64: 1, 128>}, {pipeline_mode = #tpu.pipeline_mode<synchronous>, transform_indices = @transform_4, window_bounds = array<i64: 128, 128>}, {pipeline_mode = #tpu.pipeline_mode<synchronous>, transform_indices = @transform_5, window_bounds = array<i64: 128, 128>}, {pipeline_mode = #tpu.pipeline_mode<synchronous>, transform_indices = @transform_6, window_bounds = array<i64: 1, 128>}, {pipeline_mode = #tpu.pipeline_mode<synchronous>, transform_indices = @transform_7, window_bounds = array<i64: 1, 128>}, {pipeline_mode = #tpu.pipeline_mode<synchronous>, transform_indices = @transform_8, window_bounds = array<i64: 1, 128>}, {transform_indices = @transform_9, window_bounds = array<i64: 1000, 128>}, {transform_indices = @transform_10, window_bounds = array<i64: 1000, 128>}, {pipeline_mode = #tpu.pipeline_mode<synchronous>, transform_indices = @transform_11, window_bounds = array<i64: 128, 128>}, {pipeline_mode = #tpu.pipeline_mode<synchronous>, transform_indices = @transform_12, window_bounds = array<i64: 128, 128>}]} {
    %get3A = arith.constant 0 : index
    %get3A_0 = arith.constant 0 : index
    %get3A_1 = arith.constant 0 : index
    %get3A_2 = vector.load %arg2[%get3A, %get3A_0, %get3A_1] : memref<2x1000x128xf32, #tpu.memory_space<vmem>>, vector<1x1000x128xf32>
    %get3A_3 = vector.shape_cast %get3A_2 : vector<1x1000x128xf32> to vector<1000x128xf32>
    %get3A_4 = arith.constant 1 : index
    %get3A_5 = arith.constant 0 : index
    %get3A_6 = arith.constant 0 : index
    %get3A_7 = vector.load %arg2[%get3A_4, %get3A_5, %get3A_6] : memref<2x1000x128xf32, #tpu.memory_space<vmem>>, vector<1x1000x128xf32>
    %get3A_8 = vector.shape_cast %get3A_7 : vector<1x1000x128xf32> to vector<1000x128xf32>
    %add3A = arith.addf %get3A_3, %get3A_8 : vector<1000x128xf32>
    %get3A_9 = arith.constant 0 : index
    %get3A_10 = arith.constant 0 : index
    %get3A_11 = vector.load %arg3[%get3A_9, %get3A_10] : memref<128x128xf32, #tpu.memory_space<vmem>>, vector<128x128xf32>
    %dot_general3A = arith.constant dense<0.000000e+00> : vector<1000x128xf32>
    %dot_general3A_12 = tpu.matmul %add3A, %get3A_11, %dot_general3A {dimension_numbers = #tpu.dot_dimension_numbers<[1], [0], [0], [1], [0, 0, 1, 1], [], []>, transpose_lhs_hint = false} : vector<1000x128xf32>, vector<128x128xf32>, vector<1000x128xf32> -> vector<1000x128xf32>
    %get3A_13 = arith.constant 0 : index
    %get3A_14 = arith.constant 0 : index
    %get3A_15 = vector.load %arg4[%get3A_13, %get3A_14] : memref<1x128xf32, #tpu.memory_space<vmem>>, vector<1x128xf32>
    %add3A_16 = vector.broadcast %get3A_15 : vector<1x128xf32> to vector<1000x128xf32>
    %add3A_17 = arith.addf %dot_general3A_12, %add3A_16 : vector<1000x128xf32>
    %get3A_18 = arith.constant 0 : index
    %get3A_19 = arith.constant 0 : index
    %get3A_20 = vector.load %arg1[%get3A_18, %get3A_19] : memref<1000x128xf32, #tpu.memory_space<vmem>>, vector<1000x128xf32>
    %get3A_21 = arith.constant 0 : index
    %get3A_22 = arith.constant 0 : index
    %get3A_23 = vector.load %arg5[%get3A_21, %get3A_22] : memref<128x128xf32, #tpu.memory_space<vmem>>, vector<128x128xf32>
    %dot_general3A_24 = arith.constant dense<0.000000e+00> : vector<1000x128xf32>
    %dot_general3A_25 = tpu.matmul %get3A_20, %get3A_23, %dot_general3A_24 {dimension_numbers = #tpu.dot_dimension_numbers<[1], [0], [0], [1], [0, 0, 1, 1], [], []>, transpose_lhs_hint = false} : vector<1000x128xf32>, vector<128x128xf32>, vector<1000x128xf32> -> vector<1000x128xf32>
    %add3A_26 = arith.addf %add3A_17, %dot_general3A_25 : vector<1000x128xf32>
    %max3A = arith.constant 0.000000e+00 : f32
    %max3A_27 = vector.broadcast %max3A : f32 to vector<1000x128xf32>
    %max3A_28 = arith.maximumf %add3A_26, %max3A_27 : vector<1000x128xf32>
    %get3A_29 = arith.constant 0 : index
    %get3A_30 = arith.constant 0 : index
    %get3A_31 = vector.load %arg6[%get3A_29, %get3A_30] : memref<128x128xf32, #tpu.memory_space<vmem>>, vector<128x128xf32>
    %dot_general3A_32 = arith.constant dense<0.000000e+00> : vector<1000x128xf32>
    %dot_general3A_33 = tpu.matmul %max3A_28, %get3A_31, %dot_general3A_32 {dimension_numbers = #tpu.dot_dimension_numbers<[1], [0], [0], [1], [0, 0, 1, 1], [], []>, transpose_lhs_hint = false} : vector<1000x128xf32>, vector<128x128xf32>, vector<1000x128xf32> -> vector<1000x128xf32>
    %get3A_34 = arith.constant 0 : index
    %get3A_35 = arith.constant 0 : index
    %get3A_36 = vector.load %arg7[%get3A_34, %get3A_35] : memref<1x128xf32, #tpu.memory_space<vmem>>, vector<1x128xf32>
    %add3A_37 = vector.broadcast %get3A_36 : vector<1x128xf32> to vector<1000x128xf32>
    %add3A_38 = arith.addf %dot_general3A_33, %add3A_37 : vector<1000x128xf32>
    %reduce_sum3A = arith.constant dense<0.000000e+00> : vector<1000xf32>
    %reduce_sum3A_39 = vector.multi_reduction <add>, %add3A_38, %reduce_sum3A [1] : vector<1000x128xf32> to vector<1000xf32>
    %broadcast_in_dim3A = vector.shape_cast %reduce_sum3A_39 : vector<1000xf32> to vector<1000x1xf32>
    %div3A = arith.constant 1.280000e+02 : f32
    %div3A_40 = vector.broadcast %div3A : f32 to vector<1000x1xf32>
    %div3A_41 = arith.divf %broadcast_in_dim3A, %div3A_40 : vector<1000x1xf32>
    %sub3A = vector.broadcast %div3A_41 : vector<1000x1xf32> to vector<1000x128xf32>
    %sub3A_42 = arith.subf %add3A_38, %sub3A : vector<1000x128xf32>
    %integer_pow3A = arith.mulf %sub3A_42, %sub3A_42 : vector<1000x128xf32>
    %reduce_sum3A_43 = arith.constant dense<0.000000e+00> : vector<1000xf32>
    %reduce_sum3A_44 = vector.multi_reduction <add>, %integer_pow3A, %reduce_sum3A_43 [1] : vector<1000x128xf32> to vector<1000xf32>
    %broadcast_in_dim3A_45 = vector.shape_cast %reduce_sum3A_44 : vector<1000xf32> to vector<1000x1xf32>
    %div3A_46 = arith.constant 1.280000e+02 : f32
    %div3A_47 = vector.broadcast %div3A_46 : f32 to vector<1000x1xf32>
    %div3A_48 = arith.divf %broadcast_in_dim3A_45, %div3A_47 : vector<1000x1xf32>
    %sub3A_49 = vector.broadcast %div3A_41 : vector<1000x1xf32> to vector<1000x128xf32>
    %sub3A_50 = arith.subf %add3A_38, %sub3A_49 : vector<1000x128xf32>
    %add3A_51 = arith.constant 9.99999974E-6 : f32
    %add3A_52 = vector.broadcast %add3A_51 : f32 to vector<1000x1xf32>
    %add3A_53 = arith.addf %div3A_48, %add3A_52 : vector<1000x1xf32>
    %sqrt3A = math.sqrt %add3A_53 : vector<1000x1xf32>
    %div3A_54 = vector.broadcast %sqrt3A : vector<1000x1xf32> to vector<1000x128xf32>
    %div3A_55 = arith.divf %sub3A_50, %div3A_54 : vector<1000x128xf32>
    %get3A_56 = arith.constant 0 : index
    %get3A_57 = arith.constant 0 : index
    %get3A_58 = vector.load %arg8[%get3A_56, %get3A_57] : memref<1x128xf32, #tpu.memory_space<vmem>>, vector<1x128xf32>
    %mul3A = vector.broadcast %get3A_58 : vector<1x128xf32> to vector<1000x128xf32>
    %mul3A_59 = arith.mulf %div3A_55, %mul3A : vector<1000x128xf32>
    %get3A_60 = arith.constant 0 : index
    %get3A_61 = arith.constant 0 : index
    %get3A_62 = vector.load %arg9[%get3A_60, %get3A_61] : memref<1x128xf32, #tpu.memory_space<vmem>>, vector<1x128xf32>
    %add3A_63 = vector.broadcast %get3A_62 : vector<1x128xf32> to vector<1000x128xf32>
    %add3A_64 = arith.addf %mul3A_59, %add3A_63 : vector<1000x128xf32>
    %swap3A = arith.constant 0 : index
    %swap3A_65 = arith.constant 0 : index
    %swap3A_66 = vector.load %arg10[%swap3A, %swap3A_65] : memref<1000x128xf32, #tpu.memory_space<vmem>>, vector<1000x128xf32>
    tpu.vector_store %arg10[%swap3A, %swap3A_65], %add3A_64 {strides = array<i32>} : memref<1000x128xf32, #tpu.memory_space<vmem>>, vector<1000x128xf32>,
    %reduce_max3A = arith.constant dense<0xFF800000> : vector<1000xf32>
    %reduce_max3A_67 = vector.multi_reduction <maximumf>, %add3A_64, %reduce_max3A [1] : vector<1000x128xf32> to vector<1000xf32>
    %broadcast_in_dim3A_68 = vector.shape_cast %reduce_max3A_67 : vector<1000xf32> to vector<1000x1xf32>
    %sub3A_69 = vector.broadcast %broadcast_in_dim3A_68 : vector<1000x1xf32> to vector<1000x128xf32>
    %sub3A_70 = arith.subf %add3A_64, %sub3A_69 : vector<1000x128xf32>
    %exp3A = math.exp %sub3A_70 : vector<1000x128xf32>
    %reduce_sum3A_71 = arith.constant dense<0.000000e+00> : vector<1000xf32>
    %reduce_sum3A_72 = vector.multi_reduction <add>, %exp3A, %reduce_sum3A_71 [1] : vector<1000x128xf32> to vector<1000xf32>
    %broadcast_in_dim3A_73 = vector.shape_cast %reduce_sum3A_72 : vector<1000xf32> to vector<1000x1xf32>
    %div3A_74 = vector.broadcast %broadcast_in_dim3A_73 : vector<1000x1xf32> to vector<1000x128xf32>
    %div3A_75 = arith.divf %exp3A, %div3A_74 : vector<1000x128xf32>
    %swap3A_76 = arith.constant 0 : index
    %swap3A_77 = arith.constant 0 : index
    %swap3A_78 = vector.load %arg11[%swap3A_76, %swap3A_77] : memref<1000x128xf32, #tpu.memory_space<vmem>>, vector<1000x128xf32>
    tpu.vector_store %arg11[%swap3A_76, %swap3A_77], %div3A_75 {strides = array<i32>} : memref<1000x128xf32, #tpu.memory_space<vmem>>, vector<1000x128xf32>,
    %eq3A = arith.constant 0 : i32
    %eq3A_79 = arith.cmpi eq, %arg0, %eq3A : i32
    %convert_element_type3A = arith.extui %eq3A_79 : i1 to i32
    %cond3A = arith.constant 0 : i32
    %cond3A_80 = arith.cmpi ne, %convert_element_type3A, %cond3A : i32
    scf.if %cond3A_80 {
      %broadcast_in_dim3A_99 = arith.constant 0.000000e+00 : f32
      %broadcast_in_dim3A_100 = vector.broadcast %broadcast_in_dim3A_99 : f32 to vector<128x128xf32>
      %swap3A_101 = arith.constant 0 : index
      %swap3A_102 = arith.constant 0 : index
      %swap3A_103 = vector.load %arg12[%swap3A_101, %swap3A_102] : memref<128x128xf32, #tpu.memory_space<vmem>>, vector<128x128xf32>
      tpu.vector_store %arg12[%swap3A_101, %swap3A_102], %broadcast_in_dim3A_100 {strides = array<i32>} : memref<128x128xf32, #tpu.memory_space<vmem>>, vector<128x128xf32>,
      %broadcast_in_dim3A_104 = arith.constant 0.000000e+00 : f32
      %broadcast_in_dim3A_105 = vector.broadcast %broadcast_in_dim3A_104 : f32 to vector<128x128xf32>
      %swap3A_106 = arith.constant 0 : index
      %swap3A_107 = arith.constant 0 : index
      %swap3A_108 = vector.load %arg13[%swap3A_106, %swap3A_107] : memref<128x128xf32, #tpu.memory_space<vmem>>, vector<128x128xf32>
      tpu.vector_store %arg13[%swap3A_106, %swap3A_107], %broadcast_in_dim3A_105 {strides = array<i32>} : memref<128x128xf32, #tpu.memory_space<vmem>>, vector<128x128xf32>,
    } else {
    }
    %get3A_81 = arith.constant 0 : index
    %get3A_82 = arith.constant 0 : index
    %get3A_83 = vector.load %arg12[%get3A_81, %get3A_82] : memref<128x128xf32, #tpu.memory_space<vmem>>, vector<128x128xf32>
    %dot_general3A_84 = arith.constant dense<0.000000e+00> : vector<128x128xf32>
    %dot_general3A_85 = tpu.matmul %div3A_75, %max3A_28, %dot_general3A_84 {dimension_numbers = #tpu.dot_dimension_numbers<[0], [0], [1], [1], [0, 1, 1, 1], [], []>, transpose_lhs_hint = false} : vector<1000x128xf32>, vector<1000x128xf32>, vector<128x128xf32> -> vector<128x128xf32>
    %add3A_86 = arith.addf %get3A_83, %dot_general3A_85 : vector<128x128xf32>
    %swap3A_87 = arith.constant 0 : index
    %swap3A_88 = arith.constant 0 : index
    %swap3A_89 = vector.load %arg12[%swap3A_87, %swap3A_88] : memref<128x128xf32, #tpu.memory_space<vmem>>, vector<128x128xf32>
    tpu.vector_store %arg12[%swap3A_87, %swap3A_88], %add3A_86 {strides = array<i32>} : memref<128x128xf32, #tpu.memory_space<vmem>>, vector<128x128xf32>,
    %get3A_90 = arith.constant 0 : index
    %get3A_91 = arith.constant 0 : index
    %get3A_92 = vector.load %arg13[%get3A_90, %get3A_91] : memref<128x128xf32, #tpu.memory_space<vmem>>, vector<128x128xf32>
    %dot_general3A_93 = arith.constant dense<0.000000e+00> : vector<128x128xf32>
    %dot_general3A_94 = tpu.matmul %div3A_75, %div3A_75, %dot_general3A_93 {dimension_numbers = #tpu.dot_dimension_numbers<[0], [0], [1], [1], [0, 1, 1, 1], [], []>, transpose_lhs_hint = false} : vector<1000x128xf32>, vector<1000x128xf32>, vector<128x128xf32> -> vector<128x128xf32>
    %add3A_95 = arith.addf %get3A_92, %dot_general3A_94 : vector<128x128xf32>
    %swap3A_96 = arith.constant 0 : index
    %swap3A_97 = arith.constant 0 : index
    %swap3A_98 = vector.load %arg13[%swap3A_96, %swap3A_97] : memref<128x128xf32, #tpu.memory_space<vmem>>, vector<128x128xf32>
    tpu.vector_store %arg13[%swap3A_96, %swap3A_97], %add3A_95 {strides = array<i32>} : memref<128x128xf32, #tpu.memory_space<vmem>>, vector<128x128xf32>,
    return
  }
  func.func @transform_0(%arg0: i32) -> (i32, i32) {
    %c0_i32 = arith.constant 0 : i32
    %c0_i32_0 = arith.constant 0 : i32
    return %arg0, %c0_i32 : i32, i32
  }
  func.func @transform_1(%arg0: i32) -> (i32, i32, i32) {
    %c0_i32 = arith.constant 0 : i32
    %c0_i32_0 = arith.constant 0 : i32
    %c0_i32_1 = arith.constant 0 : i32
    return %c0_i32, %arg0, %c0_i32_0 : i32, i32, i32
  }
  func.func @transform_2(%arg0: i32) -> (i32, i32) {
    %c0_i32 = arith.constant 0 : i32
    %c0_i32_0 = arith.constant 0 : i32
    %c0_i32_1 = arith.constant 0 : i32
    return %c0_i32, %c0_i32_0 : i32, i32
  }
  func.func @transform_3(%arg0: i32) -> (i32, i32) {
    %c0_i32 = arith.constant 0 : i32
    %c0_i32_0 = arith.constant 0 : i32
    %c0_i32_1 = arith.constant 0 : i32
    return %c0_i32, %c0_i32_0 : i32, i32
  }
  func.func @transform_4(%arg0: i32) -> (i32, i32) {
    %c0_i32 = arith.constant 0 : i32
    %c0_i32_0 = arith.constant 0 : i32
    %c0_i32_1 = arith.constant 0 : i32
    return %c0_i32, %c0_i32_0 : i32, i32
  }
  func.func @transform_5(%arg0: i32) -> (i32, i32) {
    %c0_i32 = arith.constant 0 : i32
    %c0_i32_0 = arith.constant 0 : i32
    %c0_i32_1 = arith.constant 0 : i32
    return %c0_i32, %c0_i32_0 : i32, i32
  }
  func.func @transform_6(%arg0: i32) -> (i32, i32) {
    %c0_i32 = arith.constant 0 : i32
    %c0_i32_0 = arith.constant 0 : i32
    %c0_i32_1 = arith.constant 0 : i32
    return %c0_i32, %c0_i32_0 : i32, i32
  }
  func.func @transform_7(%arg0: i32) -> (i32, i32) {
    %c0_i32 = arith.constant 0 : i32
    %c0_i32_0 = arith.constant 0 : i32
    %c0_i32_1 = arith.constant 0 : i32
    return %c0_i32, %c0_i32_0 : i32, i32
  }
  func.func @transform_8(%arg0: i32) -> (i32, i32) {
    %c0_i32 = arith.constant 0 : i32
    %c0_i32_0 = arith.constant 0 : i32
    %c0_i32_1 = arith.constant 0 : i32
    return %c0_i32, %c0_i32_0 : i32, i32
  }
  func.func @transform_9(%arg0: i32) -> (i32, i32) {
    %c0_i32 = arith.constant 0 : i32
    %c0_i32_0 = arith.constant 0 : i32
    return %arg0, %c0_i32 : i32, i32
  }
  func.func @transform_10(%arg0: i32) -> (i32, i32) {
    %c0_i32 = arith.constant 0 : i32
    %c0_i32_0 = arith.constant 0 : i32
    return %arg0, %c0_i32 : i32, i32
  }
  func.func @transform_11(%arg0: i32) -> (i32, i32) {
    %c0_i32 = arith.constant 0 : i32
    %c0_i32_0 = arith.constant 0 : i32
    %c0_i32_1 = arith.constant 0 : i32
    return %c0_i32, %c0_i32_0 : i32, i32
  }
  func.func @transform_12(%arg0: i32) -> (i32, i32) {
    %c0_i32 = arith.constant 0 : i32
    %c0_i32_0 = arith.constant 0 : i32
    %c0_i32_1 = arith.constant 0 : i32
    return %c0_i32, %c0_i32_0 : i32, i32
  }
}

module attributes {stable_mosaic.version = 14 : i64} {
  func.func @_tc2_body(%arg0: i32, %arg1: memref<2x1000x128xf32, #tpu.memory_space<vmem>>, %arg2: memref<1000x128xf32, #tpu.memory_space<vmem>>, %arg3: memref<128x128xf32, #tpu.memory_space<vmem>>, %arg4: memref<128x128xf32, #tpu.memory_space<vmem>>, %arg5: memref<128x128xf32, #tpu.memory_space<vmem>>, %arg6: memref<1x128xf32, #tpu.memory_space<vmem>>, %arg7: memref<128x128xf32, #tpu.memory_space<vmem>>, %arg8: memref<128x16xf32, #tpu.memory_space<vmem>>, %arg9: memref<1x16xf32, #tpu.memory_space<vmem>>, %arg10: memref<1x16xf32, #tpu.memory_space<vmem>>, %arg11: memref<1x16xf32, #tpu.memory_space<vmem>>, %arg12: memref<1x1xf32, #tpu.memory_space<vmem>>, %arg13: memref<1x1xf32, #tpu.memory_space<vmem>>, %arg14: memref<1x1xf32, #tpu.memory_space<vmem>>, %arg15: memref<1x1xf32, #tpu.memory_space<vmem>>, %arg16: memref<128x128xf32, #tpu.memory_space<vmem>>, %arg17: memref<128x16xf32, #tpu.memory_space<vmem>>, %arg18: memref<16x16xf32, #tpu.memory_space<vmem>>, %arg19: memref<128x128xf32, #tpu.memory_space<vmem>>, %arg20: memref<1x1xf32, #tpu.memory_space<vmem>>) attributes {dimension_semantics = [#tpu.dimension_semantics<arbitrary>], iteration_bounds = array<i64: 10>, scalar_prefetch = 0 : i64, scratch_operands = 2 : i64, tpu.core_type = #tpu.core_type<tc>, window_params = [{transform_indices = @transform_0, window_bounds = array<i64: 2, 1000, 128>}, {transform_indices = @transform_1, window_bounds = array<i64: 1000, 128>}, {pipeline_mode = #tpu.pipeline_mode<synchronous>, transform_indices = @transform_2, window_bounds = array<i64: 128, 128>}, {pipeline_mode = #tpu.pipeline_mode<synchronous>, transform_indices = @transform_3, window_bounds = array<i64: 128, 128>}, {pipeline_mode = #tpu.pipeline_mode<synchronous>, transform_indices = @transform_4, window_bounds = array<i64: 128, 128>}, {pipeline_mode = #tpu.pipeline_mode<synchronous>, transform_indices = @transform_5, window_bounds = array<i64: 1, 128>}, {pipeline_mode = #tpu.pipeline_mode<synchronous>, transform_indices = @transform_6, window_bounds = array<i64: 128, 128>}, {pipeline_mode = #tpu.pipeline_mode<synchronous>, transform_indices = @transform_7, window_bounds = array<i64: 128, 16>}, {pipeline_mode = #tpu.pipeline_mode<synchronous>, transform_indices = @transform_8, window_bounds = array<i64: 1, 16>}, {pipeline_mode = #tpu.pipeline_mode<synchronous>, transform_indices = @transform_9, window_bounds = array<i64: 1, 16>}, {pipeline_mode = #tpu.pipeline_mode<synchronous>, transform_indices = @transform_10, window_bounds = array<i64: 1, 16>}, {pipeline_mode = #tpu.pipeline_mode<synchronous>, transform_indices = @transform_11, window_bounds = array<i64: 1, 1>}, {pipeline_mode = #tpu.pipeline_mode<synchronous>, transform_indices = @transform_12, window_bounds = array<i64: 1, 1>}, {pipeline_mode = #tpu.pipeline_mode<synchronous>, transform_indices = @transform_13, window_bounds = array<i64: 1, 1>}, {pipeline_mode = #tpu.pipeline_mode<synchronous>, transform_indices = @transform_14, window_bounds = array<i64: 1, 1>}, {pipeline_mode = #tpu.pipeline_mode<synchronous>, transform_indices = @transform_15, window_bounds = array<i64: 128, 128>}, {pipeline_mode = #tpu.pipeline_mode<synchronous>, transform_indices = @transform_16, window_bounds = array<i64: 128, 16>}, {pipeline_mode = #tpu.pipeline_mode<synchronous>, transform_indices = @transform_17, window_bounds = array<i64: 16, 16>}]} {
    %eq3A = arith.constant 0 : i32
    %eq3A_0 = arith.cmpi eq, %arg0, %eq3A : i32
    %convert_element_type3A = arith.extui %eq3A_0 : i1 to i32
    %cond3A = arith.constant 0 : i32
    %cond3A_1 = arith.cmpi ne, %convert_element_type3A, %cond3A : i32
    scf.if %cond3A_1 {
      %broadcast_in_dim3A_43 = arith.constant 0.000000e+00 : f32
      %broadcast_in_dim3A_44 = vector.broadcast %broadcast_in_dim3A_43 : f32 to vector<128x128xf32>
      %swap3A_45 = arith.constant 0 : index
      %swap3A_46 = arith.constant 0 : index
      %swap3A_47 = vector.load %arg19[%swap3A_45, %swap3A_46] : memref<128x128xf32, #tpu.memory_space<vmem>>, vector<128x128xf32>
      tpu.vector_store %arg19[%swap3A_45, %swap3A_46], %broadcast_in_dim3A_44 {strides = array<i32>} : memref<128x128xf32, #tpu.memory_space<vmem>>, vector<128x128xf32>,
      %broadcast_in_dim3A_48 = arith.constant 0.000000e+00 : f32
      %broadcast_in_dim3A_49 = vector.broadcast %broadcast_in_dim3A_48 : f32 to vector<1x1xf32>
      %swap3A_50 = arith.constant 0 : index
      %swap3A_51 = arith.constant 0 : index
      %swap3A_52 = vector.load %arg20[%swap3A_50, %swap3A_51] : memref<1x1xf32, #tpu.memory_space<vmem>>, vector<1x1xf32>
      tpu.vector_store %arg20[%swap3A_50, %swap3A_51], %broadcast_in_dim3A_49 {strides = array<i32>} : memref<1x1xf32, #tpu.memory_space<vmem>>, vector<1x1xf32>,
    } else {
    }
    %get3A = arith.constant 0 : index
    %get3A_2 = arith.constant 0 : index
    %get3A_3 = arith.constant 0 : index
    %get3A_4 = vector.load %arg1[%get3A, %get3A_2, %get3A_3] : memref<2x1000x128xf32, #tpu.memory_space<vmem>>, vector<1x1000x128xf32>
    %get3A_5 = vector.shape_cast %get3A_4 : vector<1x1000x128xf32> to vector<1000x128xf32>
    %get3A_6 = arith.constant 1 : index
    %get3A_7 = arith.constant 0 : index
    %get3A_8 = arith.constant 0 : index
    %get3A_9 = vector.load %arg1[%get3A_6, %get3A_7, %get3A_8] : memref<2x1000x128xf32, #tpu.memory_space<vmem>>, vector<1x1000x128xf32>
    %get3A_10 = vector.shape_cast %get3A_9 : vector<1x1000x128xf32> to vector<1000x128xf32>
    %add3A = arith.addf %get3A_5, %get3A_10 : vector<1000x128xf32>
    %get3A_11 = arith.constant 0 : index
    %get3A_12 = arith.constant 0 : index
    %get3A_13 = vector.load %arg2[%get3A_11, %get3A_12] : memref<1000x128xf32, #tpu.memory_space<vmem>>, vector<1000x128xf32>
    %get3A_14 = arith.constant 0 : index
    %get3A_15 = arith.constant 0 : index
    %get3A_16 = vector.load %arg19[%get3A_14, %get3A_15] : memref<128x128xf32, #tpu.memory_space<vmem>>, vector<128x128xf32>
    %dot_general3A = arith.constant dense<0.000000e+00> : vector<128x128xf32>
    %dot_general3A_17 = tpu.matmul %get3A_13, %add3A, %dot_general3A {dimension_numbers = #tpu.dot_dimension_numbers<[0], [0], [1], [1], [0, 1, 1, 1], [], []>, transpose_lhs_hint = false} : vector<1000x128xf32>, vector<1000x128xf32>, vector<128x128xf32> -> vector<128x128xf32>
    %add3A_18 = arith.addf %get3A_16, %dot_general3A_17 : vector<128x128xf32>
    %swap3A = arith.constant 0 : index
    %swap3A_19 = arith.constant 0 : index
    %swap3A_20 = vector.load %arg19[%swap3A, %swap3A_19] : memref<128x128xf32, #tpu.memory_space<vmem>>, vector<128x128xf32>
    tpu.vector_store %arg19[%swap3A, %swap3A_19], %add3A_18 {strides = array<i32>} : memref<128x128xf32, #tpu.memory_space<vmem>>, vector<128x128xf32>,
    %reduce_sum3A = arith.constant dense<0.000000e+00> : vector<1000xf32>
    %reduce_sum3A_21 = vector.multi_reduction <add>, %add3A, %reduce_sum3A [1] : vector<1000x128xf32> to vector<1000xf32>
    %broadcast_in_dim3A = vector.shape_cast %reduce_sum3A_21 : vector<1000xf32> to vector<1000x1xf32>
    %mul3A = arith.mulf %get3A_13, %get3A_13 : vector<1000x128xf32>
    %reduce_sum3A_22 = arith.constant dense<0.000000e+00> : vector<1000xf32>
    %reduce_sum3A_23 = vector.multi_reduction <add>, %mul3A, %reduce_sum3A_22 [1] : vector<1000x128xf32> to vector<1000xf32>
    %broadcast_in_dim3A_24 = vector.shape_cast %reduce_sum3A_23 : vector<1000xf32> to vector<1000x1xf32>
    %get3A_25 = arith.constant 0 : index
    %get3A_26 = arith.constant 0 : index
    %get3A_27 = vector.load %arg20[%get3A_25, %get3A_26] : memref<1x1xf32, #tpu.memory_space<vmem>>, vector<1x1xf32>
    %mul3A_28 = arith.mulf %broadcast_in_dim3A, %broadcast_in_dim3A_24 : vector<1000x1xf32>
    %reduce_sum3A_29 = vector.shape_cast %mul3A_28 : vector<1000x1xf32> to vector<1x1000x1xf32>
    %reduce_sum3A_30 = arith.constant dense<0.000000e+00> : vector<1xf32>
    %reduce_sum3A_31 = vector.multi_reduction <add>, %reduce_sum3A_29, %reduce_sum3A_30 [1, 2] : vector<1x1000x1xf32> to vector<1xf32>
    %reduce_sum3A_32 = vector.shape_cast %reduce_sum3A_31 : vector<1xf32> to vector<1x1x1xf32>
    %reduce_sum3A_33 = vector.extract %reduce_sum3A_32[0, 0, 0] : f32 from vector<1x1x1xf32>
    %reshape3A = vector.broadcast %reduce_sum3A_33 : f32 to vector<1x1xf32>
    %add3A_34 = arith.addf %get3A_27, %reshape3A : vector<1x1xf32>
    %swap3A_35 = arith.constant 0 : index
    %swap3A_36 = arith.constant 0 : index
    %swap3A_37 = vector.load %arg20[%swap3A_35, %swap3A_36] : memref<1x1xf32, #tpu.memory_space<vmem>>, vector<1x1xf32>
    tpu.vector_store %arg20[%swap3A_35, %swap3A_36], %add3A_34 {strides = array<i32>} : memref<1x1xf32, #tpu.memory_space<vmem>>, vector<1x1xf32>,
    %eq3A_38 = arith.constant 9 : i32
    %eq3A_39 = arith.cmpi eq, %arg0, %eq3A_38 : i32
    %convert_element_type3A_40 = arith.extui %eq3A_39 : i1 to i32
    %cond3A_41 = arith.constant 0 : i32
    %cond3A_42 = arith.cmpi ne, %convert_element_type3A_40, %cond3A_41 : i32
    scf.if %cond3A_42 {
      %get3A_43 = arith.constant 0 : index
      %get3A_44 = arith.constant 0 : index
      %get3A_45 = vector.load %arg19[%get3A_43, %get3A_44] : memref<128x128xf32, #tpu.memory_space<vmem>>, vector<128x128xf32>
      %iota3A = tpu.iota {dimensions = array<i32: 0>} : vector<128x128xi32>
      %iota3A_46 = tpu.iota {dimensions = array<i32: 1>} : vector<128x128xi32>
      %eq3A_47 = arith.cmpi eq, %iota3A, %iota3A_46 : vector<128x128xi32>
      %convert_element_type3A_48 = arith.extui %eq3A_47 : vector<128x128xi1> to vector<128x128xi32>
      %convert_element_type3A_49 = arith.sitofp %convert_element_type3A_48 : vector<128x128xi32> to vector<128x128xf32>
      %mul3A_50 = arith.mulf %get3A_45, %convert_element_type3A_49 : vector<128x128xf32>
      %reduce_sum3A_51 = vector.shape_cast %mul3A_50 : vector<128x128xf32> to vector<1x128x128xf32>
      %reduce_sum3A_52 = arith.constant dense<0.000000e+00> : vector<1xf32>
      %reduce_sum3A_53 = vector.multi_reduction <add>, %reduce_sum3A_51, %reduce_sum3A_52 [1, 2] : vector<1x128x128xf32> to vector<1xf32>
      %reduce_sum3A_54 = vector.shape_cast %reduce_sum3A_53 : vector<1xf32> to vector<1x1x1xf32>
      %reduce_sum3A_55 = vector.extract %reduce_sum3A_54[0, 0, 0] : f32 from vector<1x1x1xf32>
      %get3A_56 = arith.constant 0 : index
      %get3A_57 = arith.constant 0 : index
      %get3A_58 = vector.load %arg20[%get3A_56, %get3A_57] : memref<1x1xf32, #tpu.memory_space<vmem>>, vector<1x1xf32>
      %get3A_59 = vector.extract %get3A_58[0, 0] : f32 from vector<1x1xf32>
      %add3A_60 = arith.constant 1.000000e-10 : f32
      %add3A_61 = arith.addf %get3A_59, %add3A_60 : f32
      %neg3A = arith.constant 0.000000e+00 : f32
      %neg3A_62 = arith.subf %neg3A, %reduce_sum3A_55 : f32
      %div3A = arith.divf %neg3A_62, %add3A_61 : f32
      %get3A_63 = arith.constant 0 : index
      %get3A_64 = arith.constant 0 : index
      %get3A_65 = vector.load %arg4[%get3A_63, %get3A_64] : memref<128x128xf32, #tpu.memory_space<vmem>>, vector<128x128xf32>
      %mul3A_66 = arith.mulf %get3A_65, %get3A_65 : vector<128x128xf32>
      %reduce_sum3A_67 = vector.shape_cast %mul3A_66 : vector<128x128xf32> to vector<1x128x128xf32>
      %reduce_sum3A_68 = arith.constant dense<0.000000e+00> : vector<1xf32>
      %reduce_sum3A_69 = vector.multi_reduction <add>, %reduce_sum3A_67, %reduce_sum3A_68 [1, 2] : vector<1x128x128xf32> to vector<1xf32>
      %reduce_sum3A_70 = vector.shape_cast %reduce_sum3A_69 : vector<1xf32> to vector<1x1x1xf32>
      %reduce_sum3A_71 = vector.extract %reduce_sum3A_70[0, 0, 0] : f32 from vector<1x1x1xf32>
      %sqrt3A = math.sqrt %reduce_sum3A_71 : f32
      %add3A_72 = arith.constant 1.000000e-10 : f32
      %add3A_73 = arith.addf %sqrt3A, %add3A_72 : f32
      %div3A_74 = vector.broadcast %add3A_73 : f32 to vector<128x128xf32>
      %div3A_75 = arith.divf %get3A_65, %div3A_74 : vector<128x128xf32>
      %div3A_76 = arith.constant 11.3137083 : f32
      %div3A_77 = vector.broadcast %div3A_76 : f32 to vector<128x128xf32>
      %div3A_78 = arith.divf %convert_element_type3A_49, %div3A_77 : vector<128x128xf32>
      %sub3A = arith.subf %div3A_75, %div3A_78 : vector<128x128xf32>
      %mul3A_79 = arith.mulf %sub3A, %sub3A : vector<128x128xf32>
      %reduce_sum3A_80 = vector.shape_cast %mul3A_79 : vector<128x128xf32> to vector<1x128x128xf32>
      %reduce_sum3A_81 = arith.constant dense<0.000000e+00> : vector<1xf32>
      %reduce_sum3A_82 = vector.multi_reduction <add>, %reduce_sum3A_80, %reduce_sum3A_81 [1, 2] : vector<1x128x128xf32> to vector<1xf32>
      %reduce_sum3A_83 = vector.shape_cast %reduce_sum3A_82 : vector<1xf32> to vector<1x1x1xf32>
      %reduce_sum3A_84 = vector.extract %reduce_sum3A_83[0, 0, 0] : f32 from vector<1x1x1xf32>
      %sqrt3A_85 = math.sqrt %reduce_sum3A_84 : f32
      %sub3A_86 = arith.constant 1.000000e+00 : f32
      %sub3A_87 = vector.broadcast %sub3A_86 : f32 to vector<128x128xf32>
      %sub3A_88 = arith.subf %sub3A_87, %convert_element_type3A_49 : vector<128x128xf32>
      %mul3A_89 = arith.mulf %get3A_45, %sub3A_88 : vector<128x128xf32>
      %reduce_sum3A_90 = arith.constant dense<0.000000e+00> : vector<128xf32>
      %reduce_sum3A_91 = vector.multi_reduction <add>, %mul3A_89, %reduce_sum3A_90 [1] : vector<128x128xf32> to vector<128xf32>
      %broadcast_in_dim3A_92 = vector.shape_cast %reduce_sum3A_91 : vector<128xf32> to vector<128x1xf32>
      %sqrt3A_93 = math.sqrt %broadcast_in_dim3A_92 : vector<128x1xf32>
      %add3A_94 = arith.constant 1.000000e-15 : f32
      %add3A_95 = vector.broadcast %add3A_94 : f32 to vector<128x1xf32>
      %add3A_96 = arith.addf %sqrt3A_93, %add3A_95 : vector<128x1xf32>
      %div3A_97 = arith.constant 1.000000e+00 : f32
      %div3A_98 = vector.broadcast %div3A_97 : f32 to vector<128x1xf32>
      %div3A_99 = arith.divf %div3A_98, %add3A_96 : vector<128x1xf32>
      %mul3A_100 = vector.broadcast %div3A_99 : vector<128x1xf32> to vector<128x128xf32>
      %mul3A_101 = arith.mulf %mul3A_89, %mul3A_100 : vector<128x128xf32>
      %reshape3A_102 = vector.shape_cast %div3A_99 : vector<128x1xf32> to vector<1x128xf32>
      %mul3A_103 = vector.broadcast %reshape3A_102 : vector<1x128xf32> to vector<128x128xf32>
      %mul3A_104 = arith.mulf %mul3A_101, %mul3A_103 : vector<128x128xf32>
      %gt3A = arith.constant 0.00787401571 : f32
      %gt3A_105 = vector.broadcast %gt3A : f32 to vector<128x128xf32>
      %gt3A_106 = arith.cmpf ogt, %mul3A_104, %gt3A_105 : vector<128x128xf32>
      %jit3A = arith.constant 1.000000e+00 : f32
      %jit3A_107 = arith.constant 0.000000e+00 : f32
      %broadcast_in_dim3A_108 = vector.broadcast %jit3A : f32 to vector<128x128xf32>
      %broadcast_in_dim3A_109 = vector.broadcast %jit3A_107 : f32 to vector<128x128xf32>
      %select_n3A = arith.select %gt3A_106, %broadcast_in_dim3A_108, %broadcast_in_dim3A_109 : vector<128x128xi1>, vector<128x128xf32>
      %swap3A_110 = arith.constant 0 : index
      %swap3A_111 = arith.constant 0 : index
      %swap3A_112 = vector.load %arg16[%swap3A_110, %swap3A_111] : memref<128x128xf32, #tpu.memory_space<vmem>>, vector<128x128xf32>
      tpu.vector_store %arg16[%swap3A_110, %swap3A_111], %select_n3A {strides = array<i32>} : memref<128x128xf32, #tpu.memory_space<vmem>>, vector<128x128xf32>,
      %get3A_113 = arith.constant 0 : index
      %get3A_114 = arith.constant 0 : index
      %get3A_115 = vector.load %arg3[%get3A_113, %get3A_114] : memref<128x128xf32, #tpu.memory_space<vmem>>, vector<128x128xf32>
      %dot_general3A_116 = arith.constant dense<0.000000e+00> : vector<128x128xf32>
      %dot_general3A_117 = tpu.matmul %select_n3A, %get3A_115, %dot_general3A_116 {dimension_numbers = #tpu.dot_dimension_numbers<[0], [0], [1], [1], [0, 1, 1, 1], [], []>, transpose_lhs_hint = false} : vector<128x128xf32>, vector<128x128xf32>, vector<128x128xf32> -> vector<128x128xf32>
      %get3A_118 = arith.constant 0 : index
      %get3A_119 = arith.constant 0 : index
      %get3A_120 = vector.load %arg5[%get3A_118, %get3A_119] : memref<128x128xf32, #tpu.memory_space<vmem>>, vector<128x128xf32>
      %dot_general3A_121 = arith.constant dense<0.000000e+00> : vector<128x128xf32>
      %dot_general3A_122 = tpu.matmul %dot_general3A_117, %get3A_120, %dot_general3A_121 {dimension_numbers = #tpu.dot_dimension_numbers<[1], [0], [0], [1], [0, 0, 1, 1], [], []>, transpose_lhs_hint = false} : vector<128x128xf32>, vector<128x128xf32>, vector<128x128xf32> -> vector<128x128xf32>
      %get3A_123 = arith.constant 0 : index
      %get3A_124 = arith.constant 0 : index
      %get3A_125 = vector.load %arg6[%get3A_123, %get3A_124] : memref<1x128xf32, #tpu.memory_space<vmem>>, vector<1x128xf32>
      %add3A_126 = vector.broadcast %get3A_125 : vector<1x128xf32> to vector<128x128xf32>
      %add3A_127 = arith.addf %dot_general3A_122, %add3A_126 : vector<128x128xf32>
      %get3A_128 = arith.constant 0 : index
      %get3A_129 = arith.constant 0 : index
      %get3A_130 = vector.load %arg7[%get3A_128, %get3A_129] : memref<128x128xf32, #tpu.memory_space<vmem>>, vector<128x128xf32>
      %dot_general3A_131 = arith.constant dense<0.000000e+00> : vector<128x128xf32>
      %dot_general3A_132 = tpu.matmul %get3A_115, %get3A_130, %dot_general3A_131 {dimension_numbers = #tpu.dot_dimension_numbers<[1], [0], [0], [1], [0, 0, 1, 1], [], []>, transpose_lhs_hint = false} : vector<128x128xf32>, vector<128x128xf32>, vector<128x128xf32> -> vector<128x128xf32>
      %add3A_133 = arith.addf %add3A_127, %dot_general3A_132 : vector<128x128xf32>
      %max3A = arith.constant 0.000000e+00 : f32
      %max3A_134 = vector.broadcast %max3A : f32 to vector<128x128xf32>
      %max3A_135 = arith.maximumf %add3A_133, %max3A_134 : vector<128x128xf32>
      %get3A_136 = arith.constant 0 : index
      %get3A_137 = arith.constant 0 : index
      %get3A_138 = vector.load %arg8[%get3A_136, %get3A_137] : memref<128x16xf32, #tpu.memory_space<vmem>>, vector<128x16xf32>
      %dot_general3A_139 = arith.constant dense<0.000000e+00> : vector<128x16xf32>
      %dot_general3A_140 = tpu.matmul %max3A_135, %get3A_138, %dot_general3A_139 {dimension_numbers = #tpu.dot_dimension_numbers<[1], [0], [0], [1], [0, 0, 1, 1], [], []>, transpose_lhs_hint = false} : vector<128x128xf32>, vector<128x16xf32>, vector<128x16xf32> -> vector<128x16xf32>
      %get3A_141 = arith.constant 0 : index
      %get3A_142 = arith.constant 0 : index
      %get3A_143 = vector.load %arg9[%get3A_141, %get3A_142] : memref<1x16xf32, #tpu.memory_space<vmem>>, vector<1x16xf32>
      %add3A_144 = vector.broadcast %get3A_143 : vector<1x16xf32> to vector<128x16xf32>
      %add3A_145 = arith.addf %dot_general3A_140, %add3A_144 : vector<128x16xf32>
      %reduce_sum3A_146 = arith.constant dense<0.000000e+00> : vector<128xf32>
      %reduce_sum3A_147 = vector.multi_reduction <add>, %add3A_145, %reduce_sum3A_146 [1] : vector<128x16xf32> to vector<128xf32>
      %broadcast_in_dim3A_148 = vector.shape_cast %reduce_sum3A_147 : vector<128xf32> to vector<128x1xf32>
      %div3A_149 = arith.constant 1.600000e+01 : f32
      %div3A_150 = vector.broadcast %div3A_149 : f32 to vector<128x1xf32>
      %div3A_151 = arith.divf %broadcast_in_dim3A_148, %div3A_150 : vector<128x1xf32>
      %sub3A_152 = vector.broadcast %div3A_151 : vector<128x1xf32> to vector<128x16xf32>
      %sub3A_153 = arith.subf %add3A_145, %sub3A_152 : vector<128x16xf32>
      %integer_pow3A = arith.mulf %sub3A_153, %sub3A_153 : vector<128x16xf32>
      %reduce_sum3A_154 = arith.constant dense<0.000000e+00> : vector<128xf32>
      %reduce_sum3A_155 = vector.multi_reduction <add>, %integer_pow3A, %reduce_sum3A_154 [1] : vector<128x16xf32> to vector<128xf32>
      %broadcast_in_dim3A_156 = vector.shape_cast %reduce_sum3A_155 : vector<128xf32> to vector<128x1xf32>
      %div3A_157 = arith.constant 1.600000e+01 : f32
      %div3A_158 = vector.broadcast %div3A_157 : f32 to vector<128x1xf32>
      %div3A_159 = arith.divf %broadcast_in_dim3A_156, %div3A_158 : vector<128x1xf32>
      %sub3A_160 = vector.broadcast %div3A_151 : vector<128x1xf32> to vector<128x16xf32>
      %sub3A_161 = arith.subf %add3A_145, %sub3A_160 : vector<128x16xf32>
      %add3A_162 = arith.constant 9.99999974E-6 : f32
      %add3A_163 = vector.broadcast %add3A_162 : f32 to vector<128x1xf32>
      %add3A_164 = arith.addf %div3A_159, %add3A_163 : vector<128x1xf32>
      %sqrt3A_165 = math.sqrt %add3A_164 : vector<128x1xf32>
      %div3A_166 = vector.broadcast %sqrt3A_165 : vector<128x1xf32> to vector<128x16xf32>
      %div3A_167 = arith.divf %sub3A_161, %div3A_166 : vector<128x16xf32>
      %get3A_168 = arith.constant 0 : index
      %get3A_169 = arith.constant 0 : index
      %get3A_170 = vector.load %arg10[%get3A_168, %get3A_169] : memref<1x16xf32, #tpu.memory_space<vmem>>, vector<1x16xf32>
      %mul3A_171 = vector.broadcast %get3A_170 : vector<1x16xf32> to vector<128x16xf32>
      %mul3A_172 = arith.mulf %div3A_167, %mul3A_171 : vector<128x16xf32>
      %get3A_173 = arith.constant 0 : index
      %get3A_174 = arith.constant 0 : index
      %get3A_175 = vector.load %arg11[%get3A_173, %get3A_174] : memref<1x16xf32, #tpu.memory_space<vmem>>, vector<1x16xf32>
      %add3A_176 = vector.broadcast %get3A_175 : vector<1x16xf32> to vector<128x16xf32>
      %add3A_177 = arith.addf %mul3A_172, %add3A_176 : vector<128x16xf32>
      %swap3A_178 = arith.constant 0 : index
      %swap3A_179 = arith.constant 0 : index
      %swap3A_180 = vector.load %arg17[%swap3A_178, %swap3A_179] : memref<128x16xf32, #tpu.memory_space<vmem>>, vector<128x16xf32>
      tpu.vector_store %arg17[%swap3A_178, %swap3A_179], %add3A_177 {strides = array<i32>} : memref<128x16xf32, #tpu.memory_space<vmem>>, vector<128x16xf32>,
      %reduce_max3A = arith.constant dense<0xFF800000> : vector<128xf32>
      %reduce_max3A_181 = vector.multi_reduction <maximumf>, %add3A_177, %reduce_max3A [1] : vector<128x16xf32> to vector<128xf32>
      %broadcast_in_dim3A_182 = vector.shape_cast %reduce_max3A_181 : vector<128xf32> to vector<128x1xf32>
      %sub3A_183 = vector.broadcast %broadcast_in_dim3A_182 : vector<128x1xf32> to vector<128x16xf32>
      %sub3A_184 = arith.subf %add3A_177, %sub3A_183 : vector<128x16xf32>
      %exp3A = math.exp %sub3A_184 : vector<128x16xf32>
      %reduce_sum3A_185 = arith.constant dense<0.000000e+00> : vector<128xf32>
      %reduce_sum3A_186 = vector.multi_reduction <add>, %exp3A, %reduce_sum3A_185 [1] : vector<128x16xf32> to vector<128xf32>
      %broadcast_in_dim3A_187 = vector.shape_cast %reduce_sum3A_186 : vector<128xf32> to vector<128x1xf32>
      %div3A_188 = vector.broadcast %broadcast_in_dim3A_187 : vector<128x1xf32> to vector<128x16xf32>
      %div3A_189 = arith.divf %exp3A, %div3A_188 : vector<128x16xf32>
      %dot_general3A_190 = arith.constant dense<0.000000e+00> : vector<128x16xf32>
      %dot_general3A_191 = tpu.matmul %select_n3A, %div3A_189, %dot_general3A_190 {dimension_numbers = #tpu.dot_dimension_numbers<[1], [0], [0], [1], [0, 0, 1, 1], [], []>, transpose_lhs_hint = false} : vector<128x128xf32>, vector<128x16xf32>, vector<128x16xf32> -> vector<128x16xf32>
      %dot_general3A_192 = arith.constant dense<0.000000e+00> : vector<16x16xf32>
      %dot_general3A_193 = tpu.matmul %div3A_189, %dot_general3A_191, %dot_general3A_192 {dimension_numbers = #tpu.dot_dimension_numbers<[0], [0], [1], [1], [0, 1, 1, 1], [], []>, transpose_lhs_hint = false} : vector<128x16xf32>, vector<128x16xf32>, vector<16x16xf32> -> vector<16x16xf32>
      %iota3A_194 = tpu.iota {dimensions = array<i32: 0>} : vector<16x16xi32>
      %iota3A_195 = tpu.iota {dimensions = array<i32: 1>} : vector<16x16xi32>
      %eq3A_196 = arith.cmpi eq, %iota3A_194, %iota3A_195 : vector<16x16xi32>
      %convert_element_type3A_197 = arith.extui %eq3A_196 : vector<16x16xi1> to vector<16x16xi32>
      %convert_element_type3A_198 = arith.sitofp %convert_element_type3A_197 : vector<16x16xi32> to vector<16x16xf32>
      %mul3A_199 = arith.mulf %dot_general3A_193, %convert_element_type3A_198 : vector<16x16xf32>
      %reduce_sum3A_200 = vector.shape_cast %mul3A_199 : vector<16x16xf32> to vector<1x16x16xf32>
      %reduce_sum3A_201 = arith.constant dense<0.000000e+00> : vector<1xf32>
      %reduce_sum3A_202 = vector.multi_reduction <add>, %reduce_sum3A_200, %reduce_sum3A_201 [1, 2] : vector<1x16x16xf32> to vector<1xf32>
      %reduce_sum3A_203 = vector.shape_cast %reduce_sum3A_202 : vector<1xf32> to vector<1x1x1xf32>
      %reduce_sum3A_204 = vector.extract %reduce_sum3A_203[0, 0, 0] : f32 from vector<1x1x1xf32>
      %reduce_sum3A_205 = arith.constant dense<0.000000e+00> : vector<128xf32>
      %reduce_sum3A_206 = vector.multi_reduction <add>, %select_n3A, %reduce_sum3A_205 [1] : vector<128x128xf32> to vector<128xf32>
      %broadcast_in_dim3A_207 = vector.shape_cast %reduce_sum3A_206 : vector<128xf32> to vector<128x1xf32>
      %mul3A_208 = arith.mulf %div3A_189, %div3A_189 : vector<128x16xf32>
      %reduce_sum3A_209 = arith.constant dense<0.000000e+00> : vector<128xf32>
      %reduce_sum3A_210 = vector.multi_reduction <add>, %mul3A_208, %reduce_sum3A_209 [1] : vector<128x16xf32> to vector<128xf32>
      %broadcast_in_dim3A_211 = vector.shape_cast %reduce_sum3A_210 : vector<128xf32> to vector<128x1xf32>
      %mul3A_212 = arith.mulf %broadcast_in_dim3A_207, %broadcast_in_dim3A_211 : vector<128x1xf32>
      %reduce_sum3A_213 = vector.shape_cast %mul3A_212 : vector<128x1xf32> to vector<1x128x1xf32>
      %reduce_sum3A_214 = arith.constant dense<0.000000e+00> : vector<1xf32>
      %reduce_sum3A_215 = vector.multi_reduction <add>, %reduce_sum3A_213, %reduce_sum3A_214 [1, 2] : vector<1x128x1xf32> to vector<1xf32>
      %reduce_sum3A_216 = vector.shape_cast %reduce_sum3A_215 : vector<1xf32> to vector<1x1x1xf32>
      %reduce_sum3A_217 = vector.extract %reduce_sum3A_216[0, 0, 0] : f32 from vector<1x1x1xf32>
      %add3A_218 = arith.constant 1.000000e-10 : f32
      %add3A_219 = arith.addf %reduce_sum3A_217, %add3A_218 : f32
      %neg3A_220 = arith.constant 0.000000e+00 : f32
      %neg3A_221 = arith.subf %neg3A_220, %reduce_sum3A_204 : f32
      %div3A_222 = arith.divf %neg3A_221, %add3A_219 : f32
      %dot_general3A_223 = arith.constant dense<0.000000e+00> : vector<16x16xf32>
      %dot_general3A_224 = tpu.matmul %div3A_189, %div3A_189, %dot_general3A_223 {dimension_numbers = #tpu.dot_dimension_numbers<[0], [0], [1], [1], [0, 1, 1, 1], [], []>, transpose_lhs_hint = false} : vector<128x16xf32>, vector<128x16xf32>, vector<16x16xf32> -> vector<16x16xf32>
      %mul3A_225 = arith.mulf %dot_general3A_224, %dot_general3A_224 : vector<16x16xf32>
      %reduce_sum3A_226 = vector.shape_cast %mul3A_225 : vector<16x16xf32> to vector<1x16x16xf32>
      %reduce_sum3A_227 = arith.constant dense<0.000000e+00> : vector<1xf32>
      %reduce_sum3A_228 = vector.multi_reduction <add>, %reduce_sum3A_226, %reduce_sum3A_227 [1, 2] : vector<1x16x16xf32> to vector<1xf32>
      %reduce_sum3A_229 = vector.shape_cast %reduce_sum3A_228 : vector<1xf32> to vector<1x1x1xf32>
      %reduce_sum3A_230 = vector.extract %reduce_sum3A_229[0, 0, 0] : f32 from vector<1x1x1xf32>
      %sqrt3A_231 = math.sqrt %reduce_sum3A_230 : f32
      %add3A_232 = arith.constant 1.000000e-10 : f32
      %add3A_233 = arith.addf %sqrt3A_231, %add3A_232 : f32
      %div3A_234 = vector.broadcast %add3A_233 : f32 to vector<16x16xf32>
      %div3A_235 = arith.divf %dot_general3A_224, %div3A_234 : vector<16x16xf32>
      %div3A_236 = arith.constant 4.000000e+00 : f32
      %div3A_237 = vector.broadcast %div3A_236 : f32 to vector<16x16xf32>
      %div3A_238 = arith.divf %convert_element_type3A_198, %div3A_237 : vector<16x16xf32>
      %sub3A_239 = arith.subf %div3A_235, %div3A_238 : vector<16x16xf32>
      %mul3A_240 = arith.mulf %sub3A_239, %sub3A_239 : vector<16x16xf32>
      %reduce_sum3A_241 = vector.shape_cast %mul3A_240 : vector<16x16xf32> to vector<1x16x16xf32>
      %reduce_sum3A_242 = arith.constant dense<0.000000e+00> : vector<1xf32>
      %reduce_sum3A_243 = vector.multi_reduction <add>, %reduce_sum3A_241, %reduce_sum3A_242 [1, 2] : vector<1x16x16xf32> to vector<1xf32>
      %reduce_sum3A_244 = vector.shape_cast %reduce_sum3A_243 : vector<1xf32> to vector<1x1x1xf32>
      %reduce_sum3A_245 = vector.extract %reduce_sum3A_244[0, 0, 0] : f32 from vector<1x1x1xf32>
      %sqrt3A_246 = math.sqrt %reduce_sum3A_245 : f32
      %sub3A_247 = arith.constant 1.000000e+00 : f32
      %sub3A_248 = vector.broadcast %sub3A_247 : f32 to vector<16x16xf32>
      %sub3A_249 = arith.subf %sub3A_248, %convert_element_type3A_198 : vector<16x16xf32>
      %mul3A_250 = arith.mulf %dot_general3A_193, %sub3A_249 : vector<16x16xf32>
      %reduce_sum3A_251 = arith.constant dense<0.000000e+00> : vector<16xf32>
      %reduce_sum3A_252 = vector.multi_reduction <add>, %mul3A_250, %reduce_sum3A_251 [1] : vector<16x16xf32> to vector<16xf32>
      %broadcast_in_dim3A_253 = vector.shape_cast %reduce_sum3A_252 : vector<16xf32> to vector<16x1xf32>
      %sqrt3A_254 = math.sqrt %broadcast_in_dim3A_253 : vector<16x1xf32>
      %add3A_255 = arith.constant 1.000000e-15 : f32
      %add3A_256 = vector.broadcast %add3A_255 : f32 to vector<16x1xf32>
      %add3A_257 = arith.addf %sqrt3A_254, %add3A_256 : vector<16x1xf32>
      %div3A_258 = arith.constant 1.000000e+00 : f32
      %div3A_259 = vector.broadcast %div3A_258 : f32 to vector<16x1xf32>
      %div3A_260 = arith.divf %div3A_259, %add3A_257 : vector<16x1xf32>
      %mul3A_261 = vector.broadcast %div3A_260 : vector<16x1xf32> to vector<16x16xf32>
      %mul3A_262 = arith.mulf %mul3A_250, %mul3A_261 : vector<16x16xf32>
      %reshape3A_263 = vector.shape_cast %div3A_260 : vector<16x1xf32> to vector<1x16xf32>
      %mul3A_264 = vector.broadcast %reshape3A_263 : vector<1x16xf32> to vector<16x16xf32>
      %mul3A_265 = arith.mulf %mul3A_262, %mul3A_264 : vector<16x16xf32>
      %swap3A_266 = arith.constant 0 : index
      %swap3A_267 = arith.constant 0 : index
      %swap3A_268 = vector.load %arg18[%swap3A_266, %swap3A_267] : memref<16x16xf32, #tpu.memory_space<vmem>>, vector<16x16xf32>
      tpu.vector_store %arg18[%swap3A_266, %swap3A_267], %mul3A_265 {strides = array<i32>} : memref<16x16xf32, #tpu.memory_space<vmem>>, vector<16x16xf32>,
      %reshape3A_269 = vector.broadcast %div3A : f32 to vector<1x1xf32>
      %swap3A_270 = arith.constant 0 : index
      %swap3A_271 = arith.constant 0 : index
      %swap3A_272 = vector.load %arg12[%swap3A_270, %swap3A_271] : memref<1x1xf32, #tpu.memory_space<vmem>>, vector<1x1xf32>
      tpu.vector_store %arg12[%swap3A_270, %swap3A_271], %reshape3A_269 {strides = array<i32>} : memref<1x1xf32, #tpu.memory_space<vmem>>, vector<1x1xf32>,
      %reshape3A_273 = vector.broadcast %sqrt3A_85 : f32 to vector<1x1xf32>
      %swap3A_274 = arith.constant 0 : index
      %swap3A_275 = arith.constant 0 : index
      %swap3A_276 = vector.load %arg13[%swap3A_274, %swap3A_275] : memref<1x1xf32, #tpu.memory_space<vmem>>, vector<1x1xf32>
      tpu.vector_store %arg13[%swap3A_274, %swap3A_275], %reshape3A_273 {strides = array<i32>} : memref<1x1xf32, #tpu.memory_space<vmem>>, vector<1x1xf32>,
      %reshape3A_277 = vector.broadcast %div3A_222 : f32 to vector<1x1xf32>
      %swap3A_278 = arith.constant 0 : index
      %swap3A_279 = arith.constant 0 : index
      %swap3A_280 = vector.load %arg14[%swap3A_278, %swap3A_279] : memref<1x1xf32, #tpu.memory_space<vmem>>, vector<1x1xf32>
      tpu.vector_store %arg14[%swap3A_278, %swap3A_279], %reshape3A_277 {strides = array<i32>} : memref<1x1xf32, #tpu.memory_space<vmem>>, vector<1x1xf32>,
      %reshape3A_281 = vector.broadcast %sqrt3A_246 : f32 to vector<1x1xf32>
      %swap3A_282 = arith.constant 0 : index
      %swap3A_283 = arith.constant 0 : index
      %swap3A_284 = vector.load %arg15[%swap3A_282, %swap3A_283] : memref<1x1xf32, #tpu.memory_space<vmem>>, vector<1x1xf32>
      tpu.vector_store %arg15[%swap3A_282, %swap3A_283], %reshape3A_281 {strides = array<i32>} : memref<1x1xf32, #tpu.memory_space<vmem>>, vector<1x1xf32>,
    } else {
    }
    return
  }
  func.func @transform_0(%arg0: i32) -> (i32, i32, i32) {
    %c0_i32 = arith.constant 0 : i32
    %c0_i32_0 = arith.constant 0 : i32
    %c0_i32_1 = arith.constant 0 : i32
    return %c0_i32, %arg0, %c0_i32_0 : i32, i32, i32
  }
  func.func @transform_1(%arg0: i32) -> (i32, i32) {
    %c0_i32 = arith.constant 0 : i32
    %c0_i32_0 = arith.constant 0 : i32
    return %arg0, %c0_i32 : i32, i32
  }
  func.func @transform_2(%arg0: i32) -> (i32, i32) {
    %c0_i32 = arith.constant 0 : i32
    %c0_i32_0 = arith.constant 0 : i32
    %c0_i32_1 = arith.constant 0 : i32
    return %c0_i32, %c0_i32_0 : i32, i32
  }
  func.func @transform_3(%arg0: i32) -> (i32, i32) {
    %c0_i32 = arith.constant 0 : i32
    %c0_i32_0 = arith.constant 0 : i32
    %c0_i32_1 = arith.constant 0 : i32
    return %c0_i32, %c0_i32_0 : i32, i32
  }
  func.func @transform_4(%arg0: i32) -> (i32, i32) {
    %c0_i32 = arith.constant 0 : i32
    %c0_i32_0 = arith.constant 0 : i32
    %c0_i32_1 = arith.constant 0 : i32
    return %c0_i32, %c0_i32_0 : i32, i32
  }
  func.func @transform_5(%arg0: i32) -> (i32, i32) {
    %c0_i32 = arith.constant 0 : i32
    %c0_i32_0 = arith.constant 0 : i32
    %c0_i32_1 = arith.constant 0 : i32
    return %c0_i32, %c0_i32_0 : i32, i32
  }
  func.func @transform_6(%arg0: i32) -> (i32, i32) {
    %c0_i32 = arith.constant 0 : i32
    %c0_i32_0 = arith.constant 0 : i32
    %c0_i32_1 = arith.constant 0 : i32
    return %c0_i32, %c0_i32_0 : i32, i32
  }
  func.func @transform_7(%arg0: i32) -> (i32, i32) {
    %c0_i32 = arith.constant 0 : i32
    %c0_i32_0 = arith.constant 0 : i32
    %c0_i32_1 = arith.constant 0 : i32
    return %c0_i32, %c0_i32_0 : i32, i32
  }
  func.func @transform_8(%arg0: i32) -> (i32, i32) {
    %c0_i32 = arith.constant 0 : i32
    %c0_i32_0 = arith.constant 0 : i32
    %c0_i32_1 = arith.constant 0 : i32
    return %c0_i32, %c0_i32_0 : i32, i32
  }
  func.func @transform_9(%arg0: i32) -> (i32, i32) {
    %c0_i32 = arith.constant 0 : i32
    %c0_i32_0 = arith.constant 0 : i32
    %c0_i32_1 = arith.constant 0 : i32
    return %c0_i32, %c0_i32_0 : i32, i32
  }
  func.func @transform_10(%arg0: i32) -> (i32, i32) {
    %c0_i32 = arith.constant 0 : i32
    %c0_i32_0 = arith.constant 0 : i32
    %c0_i32_1 = arith.constant 0 : i32
    return %c0_i32, %c0_i32_0 : i32, i32
  }
  func.func @transform_11(%arg0: i32) -> (i32, i32) {
    %c0_i32 = arith.constant 0 : i32
    %c0_i32_0 = arith.constant 0 : i32
    %c0_i32_1 = arith.constant 0 : i32
    return %c0_i32, %c0_i32_0 : i32, i32
  }
  func.func @transform_12(%arg0: i32) -> (i32, i32) {
    %c0_i32 = arith.constant 0 : i32
    %c0_i32_0 = arith.constant 0 : i32
    %c0_i32_1 = arith.constant 0 : i32
    return %c0_i32, %c0_i32_0 : i32, i32
  }
  func.func @transform_13(%arg0: i32) -> (i32, i32) {
    %c0_i32 = arith.constant 0 : i32
    %c0_i32_0 = arith.constant 0 : i32
    %c0_i32_1 = arith.constant 0 : i32
    return %c0_i32, %c0_i32_0 : i32, i32
  }
  func.func @transform_14(%arg0: i32) -> (i32, i32) {
    %c0_i32 = arith.constant 0 : i32
    %c0_i32_0 = arith.constant 0 : i32
    %c0_i32_1 = arith.constant 0 : i32
    return %c0_i32, %c0_i32_0 : i32, i32
  }
  func.func @transform_15(%arg0: i32) -> (i32, i32) {
    %c0_i32 = arith.constant 0 : i32
    %c0_i32_0 = arith.constant 0 : i32
    %c0_i32_1 = arith.constant 0 : i32
    return %c0_i32, %c0_i32_0 : i32, i32
  }
  func.func @transform_16(%arg0: i32) -> (i32, i32) {
    %c0_i32 = arith.constant 0 : i32
    %c0_i32_0 = arith.constant 0 : i32
    %c0_i32_1 = arith.constant 0 : i32
    return %c0_i32, %c0_i32_0 : i32, i32
  }
  func.func @transform_17(%arg0: i32) -> (i32, i32) {
    %c0_i32 = arith.constant 0 : i32
    %c0_i32_0 = arith.constant 0 : i32
    %c0_i32_1 = arith.constant 0 : i32
    return %c0_i32, %c0_i32_0 : i32, i32
  }
}

</mosaic_0001>

<sc_bundles>
// kernel: kernel.6.cloned.1.call-start
scs
__scs_entry_jumppad:
0x0: {  	(pc) =	sbr.rel $0x88, $3  }
0x1: {  	(tag) =	ssettag $0x0;
	lr =	simm.s32 $0x1  }
0x2: {  	[smem:$0x3F91] =	sst lr;
	_ =	strace $0xD0000000  }
0x3: {  	_ = 	snop  }
0x4: {  	_ = 	snop  }
0x5: {  	_ = 	snop  }
0x6: {  	_ = 	snop  }
0x7: {  	_ = 	snop  }
__scs_overlays_trampoline_lowered:
0x8: {  	[smem:$0x3FA0] =	sst s0  }
0x9: {  	[smem:$0x3FA1] =	sst s1  }
0xa: {  	[smem:$0x3FA2] =	sst s2  }
0xb: {  	[smem:$0x3FA3] =	sst s3  }
0xc: {  	[smem:$0x3FA4] =	sst s4  }
0xd: {  	[smem:$0x3FA5] =	sst s5  }
0xe: {  	[smem:$0x3FA6] =	sst s6  }
0xf: {  	[smem:$0x3FA7] =	sst s7  }
0x10: {  	[smem:$0x3FA8] =	sst s8  }
0x11: {  	[smem:$0x3FA9] =	sst s9;
	s0 =	simm.s32 @!p0 $0x0  }
0x12: {  	s1 =	sld [smem:$0x3F8F];
	s0 =	simm.s32 @p0 $0x1  }
0x13: {  	[smem:$0x3FAA] =	sst s0;
	s0 =	simm.s32 @!p1 $0x0  }
0x14: {  	s2 =	sld [smem:$0x3F8E];
	s0 =	simm.s32 @p1 $0x1  }
0x15: {  	[smem:$0x3FAB] =	sst s0;
	s0 =	simm.s32 @!p2 $0x0  }
0x16: {  	s3 =	sld [smem:$0x3FDB];
	s0 =	simm.s32 @p2 $0x1  }
0x17: {  	s4 =	simm.s32 $0x1BF5;
	[smem:$0x3FAD] =	sst s0  }
0x18: {  	s0 =	sld [smem:$0x3F90];
	_ =	swait.ge [sflag:s4], $0x0  }
0x19: {  	s7 =	sld [smem:$0x3F91]  }
0x1a: {  	s8 =	sadd.s32 $0xFFFFE003, lr  }
0x1b: {  	s9 =	sadd.s32 $0xFFFFFEF7, lr;
	s5 =	simm.s32 $0xFFFFFFFF;
	p2 =	slt.u32 s8, $0xFFFFF086  }
0x1c: {  	p1 =	slt.u32 s9, $0xF7A;
	s5 =	simm.s32 @!p2 $0x0  }
0x1d: {  	s5 =	simm.s32 @p1 $0x1;
	p0 =	seq.s32 s7, s2  }
0x1e: {  	s7 =	smul.u32 @!p0 $0xF7A, s2;
	p2 =	seq.s32 @!p0 s5, $0x0  }
0x1f: {  	s9 =	smul.u32 $0xF7A, s1;
	s8 =	simm.s32 @!p0 $0x1BF5;
	p2 =	por !p2, p0  }
0x20: {  	[sflag:s8] =	ssyncset.s32 @!p0 $0xFFFFF086;
	s6 =	sadd.s32 @!p0 s3, s7;
	s7 =	simm.s32 @!p0 $0x108  }
0x21: {  	s3 =	sadd.s32 s3, s9;
	s6 =	sadd.s32 @!p0 $0x88, s6;
	s7 =	simm.s32 @p2 $0x1082  }
0x22: {  	[simem:s7], [sflag:s8] =	dma.local @!p0 [hbm:s6], $0xF7A  }
0x23: {  	s9 =	sor.u32 $0xD0000000, s2;
	s6 =	simm.s32 $0x108;
	_ =	swait.ge @!p0 [sflag:s8], $0x0  }
0x24: {  	s3 =	sadd.s32 $0x88, s3;
	s6 =	simm.s32 @!p1 $0x1082;
	[sflag:s4] =	ssyncset.s32 $0xFFFFF086  }
0x25: {  	[simem:s6], [sflag:s4] =	dma.local [hbm:s3], $0xF7A  }
0x26: {  	[smem:$0x3F91] =	sst s1;
	(tag) =	ssettag s2;
	_ =	strace s9  }
0x27: {  	s1 =	sld [smem:$0x3FA1]  }
0x28: {  	s2 =	sld [smem:$0x3FA2]  }
0x29: {  	s4 =	sld [smem:$0x3FA4]  }
0x2a: {  	p0 =	seq.s32 s5, $0x0;
	s5 =	sld [smem:$0x3FA5]  }
0x2b: {  	s6 =	sld [smem:$0x3FA6]  }
0x2c: {  	s7 =	sld [smem:$0x3FA7]  }
0x2d: {  	s3 =	simm.s32 $0x108;
	s8 =	sld [smem:$0x3FA8]  }
0x2e: {  	s3 =	simm.s32 @!p0 $0x1082;
	s9 =	sld [smem:$0x3FA9]  }
0x2f: {  	lr =	sadd.s32 s0, s3;
	s0 =	sld [smem:$0x3FA0]  }
0x30: {  	s3 =	sld [smem:$0x3FA3]  }
0x31: {  	[smem:$0x3FAC] =	sst s10  }
0x32: {  	s10 =	sld [smem:$0x3FAA];
	_ =	sdelay $0x3  }
0x33: {  	p0 =	seq.s32 s10, $0x1;
	s10 =	sld [smem:$0x3FAC];
	_ =	sdelay $0x3  }
0x34: {  	[smem:$0x3FAC] =	sst s10  }
0x35: {  	s10 =	sld [smem:$0x3FAB];
	_ =	sdelay $0x3  }
0x36: {  	p1 =	seq.s32 s10, $0x1;
	s10 =	sld [smem:$0x3FAC];
	_ =	sdelay $0x3  }
0x37: {  	[smem:$0x3FAC] =	sst s10  }
0x38: {  	s10 =	sld [smem:$0x3FAD]  }
0x39: {  	_ = 	snop;
	(pc) =	sbr.ind lr, $3  }
0x3a: {  	_ = 	snop  }
0x3b: {  	_ = 	snop  }
0x3c: {  	p2 =	seq.s32 s10, $0x1;
	s10 =	sld [smem:$0x3FAC]  }
0x3d: {  	_ =	shalt  }
0x3e: {  	_ =	shalt  }
0x3f: {  	_ =	shalt  }
0x40: {  	_ =	shalt  }
0x41: {  	_ =	shalt  }
0x42: {  	_ =	shalt  }
0x43: {  	_ =	shalt  }
0x44: {  	_ =	shalt  }
0x45: {  	_ =	shalt  }
0x46: {  	_ =	shalt  }
0x47: {  	_ =	shalt  }
0x48: {  	_ =	shalt  }
0x49: {  	_ =	shalt  }
0x4a: {  	_ =	shalt  }
0x4b: {  	_ =	shalt  }
0x4c: {  	_ =	shalt  }
0x4d: {  	_ =	shalt  }
0x4e: {  	_ =	shalt  }
0x4f: {  	_ =	shalt  }
0x50: {  	_ =	shalt  }
0x51: {  	_ =	shalt  }
0x52: {  	_ =	shalt  }
0x53: {  	_ =	shalt  }
0x54: {  	_ =	shalt  }
0x55: {  	_ =	shalt  }
0x56: {  	_ =	shalt  }
0x57: {  	_ =	shalt  }
0x58: {  	_ =	shalt  }
0x59: {  	_ =	shalt  }
0x5a: {  	_ =	shalt  }
0x5b: {  	_ =	shalt  }
0x5c: {  	_ =	shalt  }
0x5d: {  	_ =	shalt  }
0x5e: {  	_ =	shalt  }
0x5f: {  	_ =	shalt  }
0x60: {  	_ =	shalt  }
0x61: {  	_ =	shalt  }
0x62: {  	_ =	shalt  }
0x63: {  	_ =	shalt  }
0x64: {  	_ =	shalt  }
0x65: {  	_ =	shalt  }
0x66: {  	_ =	shalt  }
0x67: {  	_ =	shalt  }
0x68: {  	_ =	shalt  }
0x69: {  	_ =	shalt  }
0x6a: {  	_ =	shalt  }
0x6b: {  	_ =	shalt  }
0x6c: {  	_ =	shalt  }
0x6d: {  	_ =	shalt  }
0x6e: {  	_ =	shalt  }
0x6f: {  	_ =	shalt  }
0x70: {  	_ =	shalt  }
0x71: {  	_ =	shalt  }
0x72: {  	_ =	shalt  }
0x73: {  	_ =	shalt  }
0x74: {  	_ =	shalt  }
0x75: {  	_ =	shalt  }
0x76: {  	_ =	shalt  }
0x77: {  	_ =	shalt  }
0x78: {  	_ =	shalt  }
0x79: {  	_ =	shalt  }
0x7a: {  	_ =	shalt  }
0x7b: {  	_ =	shalt  }
0x7c: {  	_ =	shalt  }
0x7d: {  	_ =	shalt  }
0x7e: {  	_ =	shalt  }
0x7f: {  	_ =	shalt  }
0x80: {  	_ =	shalt  }
0x81: {  	_ =	shalt  }
0x82: {  	_ =	shalt  }
0x83: {  	_ =	shalt  }
0x84: {  	_ =	shalt  }
0x85: {  	_ =	shalt  }
0x86: {  	_ =	shalt  }
0x87: {  	_ =	shalt  }
.Lfunc_end0:
.L_simem_size_0:
called_computation_lowered:
.L_overlay_start_0:
0x88: {  	s2 =	sld [smem:$0x3FD9]  }
0x89: {  	s3 =	sld [smem:$0x3FFE];
	_ =	sdelay $0x1  }
0x8a: {  	s1 =	srdreg.scid  }
0x8b: {  	s0 =	sand.u32 $0x1, s1  }
0x8c: {  	s14 =	sshll.u32 s0, $0xA;
	s2 =	sadd.s32 s3, s2  }
0x8d: {  	s2 =	sadd.s32 s2, s14  }
0x8e: {  	[smem:$0x3FB8] =	sst s2  }
0x8f: {  	_ = 	snop  }
0x90: {  	s2 =	sld [smem:$0x3FD0];
	_ =	sdelay $0x2  }
0x91: {  	s4 =	simm.s32 $0xA;
	s5 =	simm.s32 $0x10;
	s15 =	sld [smem:$0x3FC9]  }
0x92: {  	[smem:s5], [sflag:s4] =	dma.local [hbm:s2], $0x1  }
0x93: {  	_ =	swait.eq [sflag:s4], $0x1  }
0x94: {  	[sflag:s4] =	ssyncset.done $0x0  }
0x95: {  	[sflag:s4] =	ssyncadd.s32 $0xFFFFFFFF  }
0x96: {  	s16 =	sld [smem:$0x14];
	(tm) =	ssettm $0x1  }
0x97: {  	s17 =	sld [smem:$0x3FFB];
	_ =	sdelay $0x3  }
0x98: {  	_ =	strace s17  }
0x99: {  	s4 =	sld [smem:$0x3FFC];
	_ =	sdelay $0x3  }
0x9a: {  	_ =	strace s4  }
0x9b: {  	s4 =	sld [smem:$0x3FFD];
	_ =	sdelay $0x3  }
0x9c: {  	_ =	strace s4  }
0x9d: {  	_ =	strace $0x8FFFFFFF  }
0x9e: {  	s18 =	sld [smem:$0x3FDB];
	_ =	sdelay $0x1  }
0x9f: {  	s19 =	simm.s32 $_scs_section_size  }
0xa0: {  	s6 =	simm.s32 $_size__tile_overlayer_lowered;
	s7 =	simm.s32 $_tile_overlayer_lowered  }
0xa1: {  	s22 =	simm.s32 $0x1BFF;
	s21 =	sshll.u32 s7, $0x1;
	s4 =	sadd.s32 s19, s18  }
0xa2: {  	s8 =	simm.s32 $0x0;
	s20 =	sshll.u32 s6, $0x1;
	s6 =	sadd.s32 s21, s4  }
0xa3: {  	[timem:s8], [sflag:s22] =	dma.local [hbm:s6], s20  }
0xa4: {  	_ =	swait.ge [sflag:s22], s20  }
0xa5: {  	s5 =	ssub.s32 $0x0, s20;
	[sflag:s22] =	ssyncset.done $0x0  }
0xa6: {  	[sflag:s22] =	ssyncadd.s32 s5;
	_ =	sdelay $0x1  }
0xa7: {  	s23 =	simm.s32 $0x1B8B  }
0xa8: {  	_ =	swait.ge [sflag:s23], $0x1  }
0xa9: {  	[sflag:s23] =	ssyncset.done $0x0  }
0xaa: {  	s25 =	simm.s32 $0x1B8E;
	s24 =	sld [smem:$0x3FFE];
	[sflag:s23] =	ssyncadd.s32 $0xFFFFFFFF  }
0xab: {  	s26 =	simm.s32 $execute0_lowered;
	[smem:$0x3FD2] =	sst s25  }
0xac: {  	s6 =	sshll.u32 s26, $0x1;
	_ =	strace $0x80000046;
	[dreg:$0x1] =	wrdreg $0xFFFFFFFF  }
0xad: {  	s28 =	simm.s32 $_size_execute0_lowered;
	s4 =	sadd.s32 s4, s6;
	[dreg:$0x0] =	wrdreg $0x0  }
0xae: {  	s6 =	sshll.u32 s28, $0x1;
	[dreg:$0x2] =	wrdreg s4  }
0xaf: {  	[dreg:$0x3] =	wrdreg s6  }
0xb0: {  	[dreg:$0x4] =	wrdreg $0xC0  }
0xb1: {  	_ =	task [dreg:s8], $0x5FFFF  }
0xb2: {  	[dreg:$0x1] =	wrdreg $0xFFFFFFFF  }
0xb3: {  	[dreg:$0x0] =	wrdreg $0x60  }
0xb4: {  	[dreg:$0x2] =	wrdreg s15  }
0xb5: {  	[dreg:$0x3] =	wrdreg s16  }
0xb6: {  	[dreg:$0x4] =	wrdreg s24  }
0xb7: {  	[dreg:$0x5] =	wrdreg $0xB0000  }
0xb8: {  	[dreg:$0x6] =	wrdreg $0x9  }
0xb9: {  	_ =	task.clear_ibuf [dreg:s8], $0x7FFFF;
	_ =	strace $0x90000046  }
0xba: {  	s29 =	simm.s32 $0x9;
	_ =	strace $0x80000048  }
0xbb: {  	_ =	swait.ge [sflag:s29], $0x1  }
0xbc: {  	[sflag:s29] =	ssyncadd.s32 $0xFFFFFFFF  }
0xbd: {  	_ =	strace $0x90000048  }
0xbe: {  	_ =	sfence  }
0xbf: {  	s30 =	sld [smem:$0x0];
	_ =	sdelay $0x2  }
0xc0: {  	s31 =	sshll.u32 s1, $0xD;
	s1 =	sshrl.u32 s1, $0x2  }
0xc1: {  	s3 =	sand.u32 $0x4000, s31;
	s1 =	sadd.s32 s1, s30  }
0xc2: {  	s0 =	sor.u32 s3, s0;
	s1 =	sshll.u32 s1, $0x11  }
0xc3: {  	s0 =	sor.u32 s1, s0  }
0xc4: {  	s0 =	sadd.s32 $0x8F2B, s0  }
0xc5: {  	[sflag:s0] =	ssyncadd.remote.s32 $0x1  }
0xc6: {  	_ =	sfence.sel $0xFFFF  }
0xc7: {  	[dreg:$0x0] =	wrdreg $0xFFFFFFFF;
	(pc) =	sbr.abs _section_cstart, $3  }
0xc8: {  	[dreg:$0x1] =	wrdreg $0xFFFFFFFF  }
0xc9: {  	_ =	task.clear_ibuf [dreg:s8], $0x2FFFF;
	_ =	strace $0x9FFFFFFF  }
0xca: {  	(tm) =	ssettm $0x7FFFFFFF  }
0xcb: {  	_ =	shalt  }
tec
execute0_lowered:
.L_overlay_start_1:
0x0: {  	(tag) =	ssettag $0x1  }
0x1: {  	s1 =	rddreg [dreg:$0x0]  }
0x2: {  	s0 =	rddreg [dreg:$0x1]  }
0x3: {  	s3 =	rddreg [dreg:$0x2]  }
0x4: {  	s2 =	rddreg [dreg:$0x3]  }
0x5: {  	s4 =	srdreg.scid;
	s11 =	stileid.u32;
	s15 =	simm.s32 $0x800  }
0x6: {  	s28 =	simm.s32 $0x1;
	s29 =	simm.s32 $0x2;
	s31 =	simm.s32 $0x3  }
0x7: {  	s30 =	simm.s32 $0xA;
	s5 =	sand.u32 $0x1, s4;
	s7 =	smul.u32 $0x13C00, s11  }
0x8: {  	s4 =	simm.s32 $0x0;
	s8 =	sadd.s32 $0x3800, s3;
	s10 =	smul.u32 $0x4F000, s11  }
0x9: {  	s12 =	sadd.s32 $0x13800, s3;
	s19 =	sshll.u32 s11, $0xC;
	s20 =	sshll.u32 s11, $0x6  }
0xa: {  	s6 =	smul.u32 $0x13C000, s5;
	[smem:$0x7FF] =	sst s4;
	s16 =	ssub.s32 $0x2, s5  }
0xb: {  	s5 =	sshll.u32 s5, $0xB;
	s13 =	sor.u32 $0x1C0B, s20;
	s20 =	simm.s32 $0x1000  }
0xc: {  	_ =	strace $0x80000047;
	s9 =	sshrl.u32 s16, $0x1;
	[dreg:$0x7] =	wrdreg s12  }
0xd: {  	s18 =	sshrl.u32 s10, $0x2;
	s21 =	sor.u32 s5, s19;
	[dreg:$0x8] =	wrdreg s13  }
0xe: {  	s6 =	sadd.s32 s7, s6;
	s17 =	ssub.s32 s16, s9;
	s7 =	sadd.s32 s18, s2  }
0xf: {  	s22 =	sadd.s32 s0, s21;
	s23 =	sor.u32 $0x80, s21;
	s11 =	sadd.s32 s8, s21  }
0x10: {  	s21 =	simm.s32 $0xB;
	s16 =	simm.s32 $0x400;
	s18 =	simm.s32 $0x9  }
0x11: {  	s9 =	simm.s32 $0x6;
	s6 =	sshrl.u32 s6, $0x3;
	[dreg:$0x9] =	wrdreg s22  }
0x12: {  	[dreg:$0xa] =	wrdreg s11;
	s24 =	sadd.s32 s0, s23;
	s0 =	sadd.s32 s19, s0  }
0x13: {  	s10 =	sadd.s32 s8, s23;
	s8 =	sadd.s32 s19, s8;
	s26 =	smax.u32 s17, $0x1  }
0x14: {  	s14 =	sshrl.u32 s7, $0x3;
	s17 =	simm.s32 $0xC00;
	s19 =	simm.s32 $0x50  }
0x15: {  	s23 =	simm.s32 $0x80;
	s22 =	simm.s32 $0x3800;
	s7 =	simm.s32 $0x5  }
0x16: {  	s11 =	simm.s32 $0x7;
	s3 =	sadd.s32 s6, s3;
	[dreg:$0xb] =	wrdreg s24  }
0x17: {  	[dreg:$0xc] =	wrdreg s10;
	s0 =	sadd.s32 s5, s0;
	s25 =	sadd.s32 s5, s8  }
0x18: {  	[dreg:$0xe] =	wrdreg s26;
	s24 =	simm.s32 $0x6000;
	s26 =	simm.s32 $0x8800  }
0x19: {  	s6 =	simm.s32 $0x8;
	s5 =	simm.s32 $0xE80;
	[dreg:$0xf] =	wrdreg s14  }
0x1a: {  	s8 =	simm.s32 $0xF00;
	s10 =	simm.s32 $0xF80;
	[dreg:$0x5] =	wrdreg s0  }
0x1b: {  	s3 =	sadd.s32 $0x16000, s3;
	[dreg:$0x6] =	wrdreg s25;
	s0 =	simm.s32 $0x0  }
0x1c: {  	s25 =	simm.s32 $0x100;
	[dreg:$0xd] =	wrdreg s3;
	s3 =	simm.s32 $0x4  }
.LBB2_1:
0x1d: {  	[dreg:$0x10] =	wrdreg s0  }
0x1e: {  	s12 =	rddreg [dreg:$0x7]  }
0x1f: {  	[spmem:s14], [sflag:s13] =	dma.local [hbm:s12], $0x2780  }
0x20: {  	_ =	swait.ge [sflag:s21], $0x2780  }
0x21: {  	[sflag:s21] =	ssyncset.done $0x0  }
0x22: {  	[sflag:s21] =	ssyncadd.s32 $0xFFFFD880  }
0x23: {  	[bflag:$0x0] =	sbarrier.arrive $0xFFFF  }
0x24: {  	s14 =	rddreg [dreg:$0x9]  }
0x25: {  	[tilespmem:s4], [sflag:$0x9] =	stream.linear.gather [hbm4b:s14+s4], $0x400, $0x38;
	[tilespmem:$0x1EC00] =	vst v63  }
0x26: {  	s21 =	rddreg [dreg:$0xa]  }
0x27: {  	[tilespmem:s15], [sflag:$0x9] =	stream.linear.gather [hbm4b:s21+s4], $0x400, $0x38;
	[tilespmem:$0x1EC00] =	vst v63  }
0x28: {  	s0 =	rddreg [dreg:$0xb]  }
0x29: {  	[tilespmem:s16], [sflag:$0xA] =	stream.linear.gather [hbm4b:s0+s4], $0x400, $0x38;
	[tilespmem:$0x1EC00] =	vst v63  }
0x2a: {  	s13 =	rddreg [dreg:$0xc]  }
0x2b: {  	[tilespmem:s17], [sflag:$0xA] =	stream.linear.gather [hbm4b:s13+s4], $0x400, $0x38;
	[tilespmem:$0x1EC00] =	vst v63  }
0x2c: {  	_ =	swait.ge [sflag:s18], $0x400  }
0x2d: {  	[sflag:s18] =	ssyncset.done $0x0  }
0x2e: {  	[sflag:s18] =	ssyncadd.s32 $0xFFFFFC00  }
0x2f: {  	_ =	swait.ge [sflag:s18], $0x400  }
0x30: {  	[sflag:s18] =	ssyncset.done $0x0  }
0x31: {  	[sflag:s18] =	ssyncadd.s32 $0xFFFFFC00  }
0x32: {  	[tilespmem:s20], [sflag:$0x1] =	stream.indirect.gather [hbm4b:s1+s19], $0x80, s4, s19, $0xb8;
	[tilespmem:$0x1EC00] =	vst v63  }
0x33: {  	_ = 	snop  }
0x34: {  	[tilespmem:s22], [sflag:$0x2] =	stream.indirect.gather [hbm4b:s1+s19], $0x80, s23, s19, $0xb8;
	[tilespmem:$0x1EC00] =	vst v63  }
0x35: {  	_ = 	snop  }
0x36: {  	[tilespmem:s24], [sflag:$0x3] =	stream.indirect.gather [hbm4b:s1+s19], $0x80, s25, s19, $0xb8;
	[tilespmem:$0x1EC00] =	vst v63  }
0x37: {  	s0 =	simm.s32 $0x180  }
0x38: {  	[tilespmem:s26], [sflag:$0x4] =	stream.indirect.gather [hbm4b:s1+s19], $0x80, s0, s19, $0xb8;
	[tilespmem:$0x1EC00] =	vst v63  }
0x39: {  	_ =	swait.ge [sflag:s28], $0x2800  }
0x3a: {  	[sflag:s28] =	ssyncset.done $0x0  }
0x3b: {  	[sflag:s28] =	ssyncadd.s32 $0xFFFFD800  }
0x3c: {  	[spmem:s2] =	stream.indirect.scatter.add.f32 [tilespmem:s20], [sflag:$0x5], $0x80, s15, s19, $0xb8;
	[tilespmem:$0x1EC00] =	vst v63  }
0x3d: {  	_ =	swait.ge [sflag:s29], $0x2800  }
0x3e: {  	[sflag:s29] =	ssyncset.done $0x0  }
0x3f: {  	s14 =	simm.s32 $0x880;
	[sflag:s29] =	ssyncadd.s32 $0xFFFFD800  }
0x40: {  	[spmem:s2] =	stream.indirect.scatter.add.f32 [tilespmem:s22], [sflag:$0x6], $0x80, s14, s19, $0xb8;
	[tilespmem:$0x1EC00] =	vst v63  }
0x41: {  	_ =	swait.ge [sflag:s31], $0x2800  }
0x42: {  	[sflag:s31] =	ssyncset.done $0x0  }
0x43: {  	s21 =	simm.s32 $0x900;
	[sflag:s31] =	ssyncadd.s32 $0xFFFFD800  }
0x44: {  	[spmem:s2] =	stream.indirect.scatter.add.f32 [tilespmem:s24], [sflag:$0x7], $0x80, s21, s19, $0xb8;
	[tilespmem:$0x1EC00] =	vst v63  }
0x45: {  	_ =	swait.ge [sflag:s3], $0x2800  }
0x46: {  	[sflag:s3] =	ssyncset.done $0x0  }
0x47: {  	s13 =	simm.s32 $0x980;
	[sflag:s3] =	ssyncadd.s32 $0xFFFFD800  }
0x48: {  	[spmem:s2] =	stream.indirect.scatter.add.f32 [tilespmem:s26], [sflag:$0x8], $0x80, s13, s19, $0xb8;
	[tilespmem:$0x1EC00] =	vst v63  }
0x49: {  	_ =	swait.ge [sflag:s7], $0x2800  }
0x4a: {  	[sflag:s7] =	ssyncset.done $0x0  }
0x4b: {  	s14 =	simm.s32 $0x200;
	[sflag:s7] =	ssyncadd.s32 $0xFFFFD800  }
0x4c: {  	[tilespmem:s20], [sflag:$0x1] =	stream.indirect.gather [hbm4b:s1+s19], $0x80, s14, s19, $0xb8;
	[tilespmem:$0x1EC00] =	vst v63  }
0x4d: {  	_ =	swait.ge [sflag:s9], $0x2800  }
0x4e: {  	[sflag:s9] =	ssyncset.done $0x0  }
0x4f: {  	s21 =	simm.s32 $0x280;
	[sflag:s9] =	ssyncadd.s32 $0xFFFFD800  }
0x50: {  	[tilespmem:s22], [sflag:$0x2] =	stream.indirect.gather [hbm4b:s1+s19], $0x80, s21, s19, $0xb8;
	[tilespmem:$0x1EC00] =	vst v63  }
0x51: {  	_ =	swait.ge [sflag:s11], $0x2800  }
0x52: {  	[sflag:s11] =	ssyncset.done $0x0  }
0x53: {  	s13 =	simm.s32 $0x300;
	[sflag:s11] =	ssyncadd.s32 $0xFFFFD800  }
0x54: {  	[tilespmem:s24], [sflag:$0x3] =	stream.indirect.gather [hbm4b:s1+s19], $0x80, s13, s19, $0xb8;
	[tilespmem:$0x1EC00] =	vst v63  }
0x55: {  	_ =	swait.ge [sflag:s6], $0x2800  }
0x56: {  	[sflag:s6] =	ssyncset.done $0x0  }
0x57: {  	s14 =	simm.s32 $0x380;
	[sflag:s6] =	ssyncadd.s32 $0xFFFFD800  }
0x58: {  	[tilespmem:s26], [sflag:$0x4] =	stream.indirect.gather [hbm4b:s1+s19], $0x80, s14, s19, $0xb8;
	[tilespmem:$0x1EC00] =	vst v63  }
0x59: {  	_ =	swait.ge [sflag:s28], $0x2800  }
0x5a: {  	[sflag:s28] =	ssyncset.done $0x0  }
0x5b: {  	s21 =	simm.s32 $0xA00;
	[sflag:s28] =	ssyncadd.s32 $0xFFFFD800  }
0x5c: {  	[spmem:s2] =	stream.indirect.scatter.add.f32 [tilespmem:s20], [sflag:$0x5], $0x80, s21, s19, $0xb8;
	[tilespmem:$0x1EC00] =	vst v63  }
0x5d: {  	_ =	swait.ge [sflag:s29], $0x2800  }
0x5e: {  	[sflag:s29] =	ssyncset.done $0x0  }
0x5f: {  	s13 =	simm.s32 $0xA80;
	[sflag:s29] =	ssyncadd.s32 $0xFFFFD800  }
0x60: {  	[spmem:s2] =	stream.indirect.scatter.add.f32 [tilespmem:s22], [sflag:$0x6], $0x80, s13, s19, $0xb8;
	[tilespmem:$0x1EC00] =	vst v63  }
0x61: {  	_ =	swait.ge [sflag:s31], $0x2800  }
0x62: {  	[sflag:s31] =	ssyncset.done $0x0  }
0x63: {  	s14 =	simm.s32 $0xB00;
	[sflag:s31] =	ssyncadd.s32 $0xFFFFD800  }
0x64: {  	[spmem:s2] =	stream.indirect.scatter.add.f32 [tilespmem:s24], [sflag:$0x7], $0x80, s14, s19, $0xb8;
	[tilespmem:$0x1EC00] =	vst v63  }
0x65: {  	_ =	swait.ge [sflag:s3], $0x2800  }
0x66: {  	[sflag:s3] =	ssyncset.done $0x0  }
0x67: {  	s21 =	simm.s32 $0xB80;
	[sflag:s3] =	ssyncadd.s32 $0xFFFFD800  }
0x68: {  	[spmem:s2] =	stream.indirect.scatter.add.f32 [tilespmem:s26], [sflag:$0x8], $0x80, s21, s19, $0xb8;
	[tilespmem:$0x1EC00] =	vst v63  }
0x69: {  	_ =	swait.ge [sflag:s30], $0x400  }
0x6a: {  	[sflag:s30] =	ssyncset.done $0x0  }
0x6b: {  	[sflag:s30] =	ssyncadd.s32 $0xFFFFFC00  }
0x6c: {  	_ =	swait.ge [sflag:s30], $0x400  }
0x6d: {  	[sflag:s30] =	ssyncset.done $0x0  }
0x6e: {  	[sflag:s30] =	ssyncadd.s32 $0xFFFFFC00  }
0x6f: {  	_ =	swait.ge [sflag:s7], $0x2800  }
0x70: {  	[sflag:s7] =	ssyncset.done $0x0  }
0x71: {  	[sflag:s7] =	ssyncadd.s32 $0xFFFFD800  }
0x72: {  	[tilespmem:s20], [sflag:$0x1] =	stream.indirect.gather [hbm4b:s1+s19], $0x80, s16, s19, $0xb8;
	[tilespmem:$0x1EC00] =	vst v63  }
0x73: {  	_ =	swait.ge [sflag:s9], $0x2800  }
0x74: {  	[sflag:s9] =	ssyncset.done $0x0  }
0x75: {  	s13 =	simm.s32 $0x480;
	[sflag:s9] =	ssyncadd.s32 $0xFFFFD800  }
0x76: {  	[tilespmem:s22], [sflag:$0x2] =	stream.indirect.gather [hbm4b:s1+s19], $0x80, s13, s19, $0xb8;
	[tilespmem:$0x1EC00] =	vst v63  }
0x77: {  	_ =	swait.ge [sflag:s11], $0x2800  }
0x78: {  	[sflag:s11] =	ssyncset.done $0x0  }
0x79: {  	s14 =	simm.s32 $0x500;
	[sflag:s11] =	ssyncadd.s32 $0xFFFFD800  }
0x7a: {  	[tilespmem:s24], [sflag:$0x3] =	stream.indirect.gather [hbm4b:s1+s19], $0x80, s14, s19, $0xb8;
	[tilespmem:$0x1EC00] =	vst v63  }
0x7b: {  	_ =	swait.ge [sflag:s6], $0x2800  }
0x7c: {  	s21 =	simm.s32 $0x580;
	[sflag:s6] =	ssyncset.done $0x0;
	s12 =	rddreg [dreg:$0x5]  }
0x7d: {  	s13 =	rddreg [dreg:$0x6];
	[sflag:s6] =	ssyncadd.s32 $0xFFFFD800;
	s12 =	sadd.s32 $0x0, s12  }
0x7e: {  	[tilespmem:s26], [sflag:$0x4] =	stream.indirect.gather [hbm4b:s1+s19], $0x80, s21, s19, $0xb8;
	[tilespmem:$0x1EC00] =	vst v63  }
0x7f: {  	s13 =	sadd.s32 $0x0, s13;
	s21 =	sadd.s32 $0x100, s12  }
0x80: {  	[tilespmem:s4], [sflag:$0x9] =	stream.linear.gather [hbm4b:s21+s4], $0x400, $0x38;
	[tilespmem:$0x1EC00] =	vst v63  }
0x81: {  	s21 =	sadd.s32 $0x100, s13  }
0x82: {  	[tilespmem:s15], [sflag:$0x9] =	stream.linear.gather [hbm4b:s21+s4], $0x400, $0x38;
	[tilespmem:$0x1EC00] =	vst v63  }
0x83: {  	_ =	swait.ge [sflag:s28], $0x2800  }
0x84: {  	[sflag:s28] =	ssyncset.done $0x0  }
0x85: {  	[sflag:s28] =	ssyncadd.s32 $0xFFFFD800  }
0x86: {  	[spmem:s2] =	stream.indirect.scatter.add.f32 [tilespmem:s20], [sflag:$0x5], $0x80, s17, s19, $0xb8;
	[tilespmem:$0x1EC00] =	vst v63  }
0x87: {  	_ =	swait.ge [sflag:s29], $0x2800  }
0x88: {  	[sflag:s29] =	ssyncset.done $0x0  }
0x89: {  	s21 =	simm.s32 $0xC80;
	[sflag:s29] =	ssyncadd.s32 $0xFFFFD800  }
0x8a: {  	[spmem:s2] =	stream.indirect.scatter.add.f32 [tilespmem:s22], [sflag:$0x6], $0x80, s21, s19, $0xb8;
	[tilespmem:$0x1EC00] =	vst v63  }
0x8b: {  	_ =	swait.ge [sflag:s31], $0x2800  }
0x8c: {  	[sflag:s31] =	ssyncset.done $0x0  }
0x8d: {  	s21 =	simm.s32 $0xD00;
	[sflag:s31] =	ssyncadd.s32 $0xFFFFD800  }
0x8e: {  	[spmem:s2] =	stream.indirect.scatter.add.f32 [tilespmem:s24], [sflag:$0x7], $0x80, s21, s19, $0xb8;
	[tilespmem:$0x1EC00] =	vst v63  }
0x8f: {  	_ =	swait.ge [sflag:s3], $0x2800  }
0x90: {  	[sflag:s3] =	ssyncset.done $0x0  }
0x91: {  	s21 =	simm.s32 $0xD80;
	[sflag:s3] =	ssyncadd.s32 $0xFFFFD800  }
0x92: {  	[spmem:s2] =	stream.indirect.scatter.add.f32 [tilespmem:s26], [sflag:$0x8], $0x80, s21, s19, $0xb8;
	[tilespmem:$0x1EC00] =	vst v63  }
0x93: {  	_ =	swait.ge [sflag:s7], $0x2800  }
0x94: {  	[sflag:s7] =	ssyncset.done $0x0  }
0x95: {  	s21 =	simm.s32 $0x600;
	[sflag:s7] =	ssyncadd.s32 $0xFFFFD800  }
0x96: {  	[tilespmem:s20], [sflag:$0x1] =	stream.indirect.gather [hbm4b:s1+s19], $0x80, s21, s19, $0xb8;
	[tilespmem:$0x1EC00] =	vst v63  }
0x97: {  	_ =	swait.ge [sflag:s9], $0x2800  }
0x98: {  	[sflag:s9] =	ssyncset.done $0x0  }
0x99: {  	s21 =	simm.s32 $0x680;
	[sflag:s9] =	ssyncadd.s32 $0xFFFFD800  }
0x9a: {  	[tilespmem:s22], [sflag:$0x2] =	stream.indirect.gather [hbm4b:s1+s19], $0x80, s21, s19, $0xb8;
	[tilespmem:$0x1EC00] =	vst v63  }
0x9b: {  	_ =	swait.ge [sflag:s11], $0x2800  }
0x9c: {  	[sflag:s11] =	ssyncset.done $0x0  }
0x9d: {  	s21 =	simm.s32 $0x700;
	[sflag:s11] =	ssyncadd.s32 $0xFFFFD800  }
0x9e: {  	[tilespmem:s24], [sflag:$0x3] =	stream.indirect.gather [hbm4b:s1+s19], $0x80, s21, s19, $0xb8;
	[tilespmem:$0x1EC00] =	vst v63  }
0x9f: {  	_ =	swait.ge [sflag:s6], $0x2800  }
0xa0: {  	[sflag:s6] =	ssyncset.done $0x0  }
0xa1: {  	s21 =	simm.s32 $0x780;
	[sflag:s6] =	ssyncadd.s32 $0xFFFFD800  }
0xa2: {  	[tilespmem:s26], [sflag:$0x4] =	stream.indirect.gather [hbm4b:s1+s19], $0x80, s21, s19, $0xb8;
	[tilespmem:$0x1EC00] =	vst v63  }
0xa3: {  	_ =	swait.ge [sflag:s28], $0x2800  }
0xa4: {  	[sflag:s28] =	ssyncset.done $0x0  }
0xa5: {  	s21 =	simm.s32 $0xE00;
	[sflag:s28] =	ssyncadd.s32 $0xFFFFD800  }
0xa6: {  	[spmem:s2] =	stream.indirect.scatter.add.f32 [tilespmem:s20], [sflag:$0x5], $0x80, s21, s19, $0xb8;
	[tilespmem:$0x1EC00] =	vst v63  }
0xa7: {  	_ =	swait.ge [sflag:s29], $0x2800  }
0xa8: {  	[sflag:s29] =	ssyncset.done $0x0  }
0xa9: {  	[sflag:s29] =	ssyncadd.s32 $0xFFFFD800  }
0xaa: {  	[spmem:s2] =	stream.indirect.scatter.add.f32 [tilespmem:s22], [sflag:$0x6], $0x80, s5, s19, $0xb8;
	[tilespmem:$0x1EC00] =	vst v63  }
0xab: {  	_ =	swait.ge [sflag:s31], $0x2800  }
0xac: {  	[sflag:s31] =	ssyncset.done $0x0  }
0xad: {  	[sflag:s31] =	ssyncadd.s32 $0xFFFFD800  }
0xae: {  	[spmem:s2] =	stream.indirect.scatter.add.f32 [tilespmem:s24], [sflag:$0x7], $0x80, s8, s19, $0xb8;
	[tilespmem:$0x1EC00] =	vst v63  }
0xaf: {  	_ =	swait.ge [sflag:s3], $0x2800  }
0xb0: {  	[sflag:s3] =	ssyncset.done $0x0  }
0xb1: {  	[sflag:s3] =	ssyncadd.s32 $0xFFFFD800  }
0xb2: {  	[spmem:s2] =	stream.indirect.scatter.add.f32 [tilespmem:s26], [sflag:$0x8], $0x80, s10, s19, $0xb8;
	[tilespmem:$0x1EC00] =	vst v63  }
0xb3: {  	_ =	swait.ge [sflag:s18], $0x400  }
0xb4: {  	[sflag:s18] =	ssyncset.done $0x0  }
0xb5: {  	[sflag:s18] =	ssyncadd.s32 $0xFFFFFC00  }
0xb6: {  	_ =	swait.ge [sflag:s18], $0x400  }
0xb7: {  	[sflag:s18] =	ssyncset.done $0x0  }
0xb8: {  	[sflag:s18] =	ssyncadd.s32 $0xFFFFFC00  }
0xb9: {  	_ =	swait.ge [sflag:s7], $0x2800  }
0xba: {  	[sflag:s7] =	ssyncset.done $0x0  }
0xbb: {  	[sflag:s7] =	ssyncadd.s32 $0xFFFFD800  }
0xbc: {  	[tilespmem:s20], [sflag:$0x1] =	stream.indirect.gather [hbm4b:s1+s19], $0x80, s4, s19, $0xb8;
	[tilespmem:$0x1EC00] =	vst v63  }
0xbd: {  	_ =	swait.ge [sflag:s9], $0x2800  }
0xbe: {  	[sflag:s9] =	ssyncset.done $0x0  }
0xbf: {  	[sflag:s9] =	ssyncadd.s32 $0xFFFFD800  }
0xc0: {  	[tilespmem:s22], [sflag:$0x2] =	stream.indirect.gather [hbm4b:s1+s19], $0x80, s23, s19, $0xb8;
	[tilespmem:$0x1EC00] =	vst v63  }
0xc1: {  	_ =	swait.ge [sflag:s11], $0x2800  }
0xc2: {  	[sflag:s11] =	ssyncset.done $0x0  }
0xc3: {  	[sflag:s11] =	ssyncadd.s32 $0xFFFFD800  }
0xc4: {  	[tilespmem:s24], [sflag:$0x3] =	stream.indirect.gather [hbm4b:s1+s19], $0x80, s25, s19, $0xb8;
	[tilespmem:$0x1EC00] =	vst v63  }
0xc5: {  	_ =	swait.ge [sflag:s6], $0x2800  }
0xc6: {  	[sflag:s6] =	ssyncset.done $0x0  }
0xc7: {  	[sflag:s6] =	ssyncadd.s32 $0xFFFFD800  }
0xc8: {  	[tilespmem:s26], [sflag:$0x4] =	stream.indirect.gather [hbm4b:s1+s19], $0x80, s0, s19, $0xb8;
	[tilespmem:$0x1EC00] =	vst v63  }
0xc9: {  	s12 =	sadd.s32 $0x180, s12  }
0xca: {  	[tilespmem:s16], [sflag:$0xA] =	stream.linear.gather [hbm4b:s12+s4], $0x400, $0x38;
	[tilespmem:$0x1EC00] =	vst v63  }
0xcb: {  	s13 =	sadd.s32 $0x180, s13;
	s12 =	simm.s32 $0x100  }
.LBB2_2:
0xcc: {  	[tilespmem:s17], [sflag:$0xA] =	stream.linear.gather [hbm4b:s13+s4], $0x400, $0x38;
	[tilespmem:$0x1EC00] =	vst v63  }
0xcd: {  	_ =	swait.ge [sflag:s28], $0x2800  }
0xce: {  	[sflag:s28] =	ssyncset.done $0x0  }
0xcf: {  	[sflag:s28] =	ssyncadd.s32 $0xFFFFD800  }
0xd0: {  	[spmem:s2] =	stream.indirect.scatter.add.f32 [tilespmem:s20], [sflag:$0x5], $0x80, s15, s19, $0xb8;
	[tilespmem:$0x1EC00] =	vst v63  }
0xd1: {  	_ =	swait.ge [sflag:s29], $0x2800  }
0xd2: {  	[sflag:s29] =	ssyncset.done $0x0  }
0xd3: {  	s14 =	simm.s32 $0x880;
	[sflag:s29] =	ssyncadd.s32 $0xFFFFD800  }
0xd4: {  	[spmem:s2] =	stream.indirect.scatter.add.f32 [tilespmem:s22], [sflag:$0x6], $0x80, s14, s19, $0xb8;
	[tilespmem:$0x1EC00] =	vst v63  }
0xd5: {  	_ =	swait.ge [sflag:s31], $0x2800  }
0xd6: {  	[sflag:s31] =	ssyncset.done $0x0  }
0xd7: {  	s21 =	simm.s32 $0x900;
	[sflag:s31] =	ssyncadd.s32 $0xFFFFD800  }
0xd8: {  	[spmem:s2] =	stream.indirect.scatter.add.f32 [tilespmem:s24], [sflag:$0x7], $0x80, s21, s19, $0xb8;
	[tilespmem:$0x1EC00] =	vst v63  }
0xd9: {  	_ =	swait.ge [sflag:s3], $0x2800  }
0xda: {  	[sflag:s3] =	ssyncset.done $0x0  }
0xdb: {  	s23 =	simm.s32 $0x980;
	[sflag:s3] =	ssyncadd.s32 $0xFFFFD800  }
0xdc: {  	[spmem:s2] =	stream.indirect.scatter.add.f32 [tilespmem:s26], [sflag:$0x8], $0x80, s23, s19, $0xb8;
	[tilespmem:$0x1EC00] =	vst v63  }
0xdd: {  	_ =	swait.ge [sflag:s7], $0x2800  }
0xde: {  	[sflag:s7] =	ssyncset.done $0x0  }
0xdf: {  	s21 =	simm.s32 $0x200;
	[sflag:s7] =	ssyncadd.s32 $0xFFFFD800  }
0xe0: {  	[tilespmem:s20], [sflag:$0x1] =	stream.indirect.gather [hbm4b:s1+s19], $0x80, s21, s19, $0xb8;
	[tilespmem:$0x1EC00] =	vst v63  }
0xe1: {  	_ =	swait.ge [sflag:s9], $0x2800  }
0xe2: {  	[sflag:s9] =	ssyncset.done $0x0  }
0xe3: {  	s23 =	simm.s32 $0x280;
	[sflag:s9] =	ssyncadd.s32 $0xFFFFD800  }
0xe4: {  	[tilespmem:s22], [sflag:$0x2] =	stream.indirect.gather [hbm4b:s1+s19], $0x80, s23, s19, $0xb8;
	[tilespmem:$0x1EC00] =	vst v63  }
0xe5: {  	_ =	swait.ge [sflag:s11], $0x2800  }
0xe6: {  	[sflag:s11] =	ssyncset.done $0x0  }
0xe7: {  	s21 =	simm.s32 $0x300;
	[sflag:s11] =	ssyncadd.s32 $0xFFFFD800  }
0xe8: {  	[tilespmem:s24], [sflag:$0x3] =	stream.indirect.gather [hbm4b:s1+s19], $0x80, s21, s19, $0xb8;
	[tilespmem:$0x1EC00] =	vst v63  }
0xe9: {  	_ =	swait.ge [sflag:s6], $0x2800  }
0xea: {  	[sflag:s6] =	ssyncset.done $0x0  }
0xeb: {  	s23 =	simm.s32 $0x380;
	[sflag:s6] =	ssyncadd.s32 $0xFFFFD800  }
0xec: {  	[tilespmem:s26], [sflag:$0x4] =	stream.indirect.gather [hbm4b:s1+s19], $0x80, s23, s19, $0xb8;
	[tilespmem:$0x1EC00] =	vst v63  }
0xed: {  	_ =	swait.ge [sflag:s28], $0x2800  }
0xee: {  	[sflag:s28] =	ssyncset.done $0x0  }
0xef: {  	s21 =	simm.s32 $0xA00;
	[sflag:s28] =	ssyncadd.s32 $0xFFFFD800  }
0xf0: {  	[spmem:s2] =	stream.indirect.scatter.add.f32 [tilespmem:s20], [sflag:$0x5], $0x80, s21, s19, $0xb8;
	[tilespmem:$0x1EC00] =	vst v63  }
0xf1: {  	_ =	swait.ge [sflag:s29], $0x2800  }
0xf2: {  	[sflag:s29] =	ssyncset.done $0x0  }
0xf3: {  	s23 =	simm.s32 $0xA80;
	[sflag:s29] =	ssyncadd.s32 $0xFFFFD800  }
0xf4: {  	[spmem:s2] =	stream.indirect.scatter.add.f32 [tilespmem:s22], [sflag:$0x6], $0x80, s23, s19, $0xb8;
	[tilespmem:$0x1EC00] =	vst v63  }
0xf5: {  	_ =	swait.ge [sflag:s31], $0x2800  }
0xf6: {  	[sflag:s31] =	ssyncset.done $0x0  }
0xf7: {  	s21 =	simm.s32 $0xB00;
	[sflag:s31] =	ssyncadd.s32 $0xFFFFD800  }
0xf8: {  	[spmem:s2] =	stream.indirect.scatter.add.f32 [tilespmem:s24], [sflag:$0x7], $0x80, s21, s19, $0xb8;
	[tilespmem:$0x1EC00] =	vst v63  }
0xf9: {  	_ =	swait.ge [sflag:s3], $0x2800  }
0xfa: {  	[sflag:s3] =	ssyncset.done $0x0  }
0xfb: {  	s23 =	simm.s32 $0xB80;
	[sflag:s3] =	ssyncadd.s32 $0xFFFFD800  }
0xfc: {  	[spmem:s2] =	stream.indirect.scatter.add.f32 [tilespmem:s26], [sflag:$0x8], $0x80, s23, s19, $0xb8;
	[tilespmem:$0x1EC00] =	vst v63  }
0xfd: {  	_ =	swait.ge [sflag:s30], $0x400  }
0xfe: {  	[sflag:s30] =	ssyncset.done $0x0  }
0xff: {  	[sflag:s30] =	ssyncadd.s32 $0xFFFFFC00  }
0x100: {  	_ =	swait.ge [sflag:s30], $0x400  }
0x101: {  	[sflag:s30] =	ssyncset.done $0x0  }
0x102: {  	[sflag:s30] =	ssyncadd.s32 $0xFFFFFC00  }
0x103: {  	_ =	swait.ge [sflag:s7], $0x2800  }
0x104: {  	[sflag:s7] =	ssyncset.done $0x0  }
0x105: {  	[sflag:s7] =	ssyncadd.s32 $0xFFFFD800  }
0x106: {  	[tilespmem:s20], [sflag:$0x1] =	stream.indirect.gather [hbm4b:s1+s19], $0x80, s16, s19, $0xb8;
	[tilespmem:$0x1EC00] =	vst v63  }
0x107: {  	_ =	swait.ge [sflag:s9], $0x2800  }
0x108: {  	[sflag:s9] =	ssyncset.done $0x0  }
0x109: {  	s21 =	simm.s32 $0x480;
	[sflag:s9] =	ssyncadd.s32 $0xFFFFD800  }
0x10a: {  	[tilespmem:s22], [sflag:$0x2] =	stream.indirect.gather [hbm4b:s1+s19], $0x80, s21, s19, $0xb8;
	[tilespmem:$0x1EC00] =	vst v63  }
0x10b: {  	_ =	swait.ge [sflag:s11], $0x2800  }
0x10c: {  	[sflag:s11] =	ssyncset.done $0x0  }
0x10d: {  	s23 =	simm.s32 $0x500;
	[sflag:s11] =	ssyncadd.s32 $0xFFFFD800  }
0x10e: {  	[tilespmem:s24], [sflag:$0x3] =	stream.indirect.gather [hbm4b:s1+s19], $0x80, s23, s19, $0xb8;
	[tilespmem:$0x1EC00] =	vst v63  }
0x10f: {  	s13 =	smov.u32 s12;
	_ =	swait.ge [sflag:s6], $0x2800  }
0x110: {  	s23 =	simm.s32 $0x580;
	[sflag:s6] =	ssyncset.done $0x0;
	s14 =	rddreg [dreg:$0x5]  }
0x111: {  	s21 =	rddreg [dreg:$0x6];
	[sflag:s6] =	ssyncadd.s32 $0xFFFFD800;
	s14 =	sadd.s32 s13, s14  }
0x112: {  	[tilespmem:s26], [sflag:$0x4] =	stream.indirect.gather [hbm4b:s1+s19], $0x80, s23, s19, $0xb8;
	[tilespmem:$0x1EC00] =	vst v63  }
0x113: {  	s13 =	sadd.s32 s13, s21;
	s23 =	sadd.s32 $0x100, s14  }
0x114: {  	[tilespmem:s4], [sflag:$0x9] =	stream.linear.gather [hbm4b:s23+s4], $0x400, $0x38;
	[tilespmem:$0x1EC00] =	vst v63  }
0x115: {  	s21 =	sadd.s32 $0x100, s13  }
0x116: {  	[tilespmem:s15], [sflag:$0x9] =	stream.linear.gather [hbm4b:s21+s4], $0x400, $0x38;
	[tilespmem:$0x1EC00] =	vst v63  }
0x117: {  	_ =	swait.ge [sflag:s28], $0x2800  }
0x118: {  	[sflag:s28] =	ssyncset.done $0x0  }
0x119: {  	[sflag:s28] =	ssyncadd.s32 $0xFFFFD800  }
0x11a: {  	[spmem:s2] =	stream.indirect.scatter.add.f32 [tilespmem:s20], [sflag:$0x5], $0x80, s17, s19, $0xb8;
	[tilespmem:$0x1EC00] =	vst v63  }
0x11b: {  	_ =	swait.ge [sflag:s29], $0x2800  }
0x11c: {  	[sflag:s29] =	ssyncset.done $0x0  }
0x11d: {  	s21 =	simm.s32 $0xC80;
	[sflag:s29] =	ssyncadd.s32 $0xFFFFD800  }
0x11e: {  	[spmem:s2] =	stream.indirect.scatter.add.f32 [tilespmem:s22], [sflag:$0x6], $0x80, s21, s19, $0xb8;
	[tilespmem:$0x1EC00] =	vst v63  }
0x11f: {  	_ =	swait.ge [sflag:s31], $0x2800  }
0x120: {  	[sflag:s31] =	ssyncset.done $0x0  }
0x121: {  	s21 =	simm.s32 $0xD00;
	[sflag:s31] =	ssyncadd.s32 $0xFFFFD800  }
0x122: {  	[spmem:s2] =	stream.indirect.scatter.add.f32 [tilespmem:s24], [sflag:$0x7], $0x80, s21, s19, $0xb8;
	[tilespmem:$0x1EC00] =	vst v63  }
0x123: {  	_ =	swait.ge [sflag:s3], $0x2800  }
0x124: {  	[sflag:s3] =	ssyncset.done $0x0  }
0x125: {  	s21 =	simm.s32 $0xD80;
	[sflag:s3] =	ssyncadd.s32 $0xFFFFD800  }
0x126: {  	[spmem:s2] =	stream.indirect.scatter.add.f32 [tilespmem:s26], [sflag:$0x8], $0x80, s21, s19, $0xb8;
	[tilespmem:$0x1EC00] =	vst v63  }
0x127: {  	_ =	swait.ge [sflag:s7], $0x2800  }
0x128: {  	[sflag:s7] =	ssyncset.done $0x0  }
0x129: {  	s21 =	simm.s32 $0x600;
	[sflag:s7] =	ssyncadd.s32 $0xFFFFD800  }
0x12a: {  	[tilespmem:s20], [sflag:$0x1] =	stream.indirect.gather [hbm4b:s1+s19], $0x80, s21, s19, $0xb8;
	[tilespmem:$0x1EC00] =	vst v63  }
0x12b: {  	_ =	swait.ge [sflag:s9], $0x2800  }
0x12c: {  	[sflag:s9] =	ssyncset.done $0x0  }
0x12d: {  	s21 =	simm.s32 $0x680;
	[sflag:s9] =	ssyncadd.s32 $0xFFFFD800  }
0x12e: {  	[tilespmem:s22], [sflag:$0x2] =	stream.indirect.gather [hbm4b:s1+s19], $0x80, s21, s19, $0xb8;
	[tilespmem:$0x1EC00] =	vst v63  }
0x12f: {  	_ =	swait.ge [sflag:s11], $0x2800  }
0x130: {  	[sflag:s11] =	ssyncset.done $0x0  }
0x131: {  	s21 =	simm.s32 $0x700;
	[sflag:s11] =	ssyncadd.s32 $0xFFFFD800  }
0x132: {  	[tilespmem:s24], [sflag:$0x3] =	stream.indirect.gather [hbm4b:s1+s19], $0x80, s21, s19, $0xb8;
	[tilespmem:$0x1EC00] =	vst v63  }
0x133: {  	_ =	swait.ge [sflag:s6], $0x2800  }
0x134: {  	[sflag:s6] =	ssyncset.done $0x0  }
0x135: {  	s21 =	simm.s32 $0x780;
	[sflag:s6] =	ssyncadd.s32 $0xFFFFD800  }
0x136: {  	[tilespmem:s26], [sflag:$0x4] =	stream.indirect.gather [hbm4b:s1+s19], $0x80, s21, s19, $0xb8;
	[tilespmem:$0x1EC00] =	vst v63  }
0x137: {  	_ =	swait.ge [sflag:s28], $0x2800  }
0x138: {  	[sflag:s28] =	ssyncset.done $0x0  }
0x139: {  	s21 =	simm.s32 $0xE00;
	[sflag:s28] =	ssyncadd.s32 $0xFFFFD800  }
0x13a: {  	[spmem:s2] =	stream.indirect.scatter.add.f32 [tilespmem:s20], [sflag:$0x5], $0x80, s21, s19, $0xb8;
	[tilespmem:$0x1EC00] =	vst v63  }
0x13b: {  	_ =	swait.ge [sflag:s29], $0x2800  }
0x13c: {  	[sflag:s29] =	ssyncset.done $0x0  }
0x13d: {  	[sflag:s29] =	ssyncadd.s32 $0xFFFFD800  }
0x13e: {  	[spmem:s2] =	stream.indirect.scatter.add.f32 [tilespmem:s22], [sflag:$0x6], $0x80, s5, s19, $0xb8;
	[tilespmem:$0x1EC00] =	vst v63  }
0x13f: {  	_ =	swait.ge [sflag:s31], $0x2800  }
0x140: {  	[sflag:s31] =	ssyncset.done $0x0  }
0x141: {  	[sflag:s31] =	ssyncadd.s32 $0xFFFFD800  }
0x142: {  	[spmem:s2] =	stream.indirect.scatter.add.f32 [tilespmem:s24], [sflag:$0x7], $0x80, s8, s19, $0xb8;
	[tilespmem:$0x1EC00] =	vst v63  }
0x143: {  	_ =	swait.ge [sflag:s3], $0x2800  }
0x144: {  	[sflag:s3] =	ssyncset.done $0x0  }
0x145: {  	[sflag:s3] =	ssyncadd.s32 $0xFFFFD800  }
0x146: {  	[spmem:s2] =	stream.indirect.scatter.add.f32 [tilespmem:s26], [sflag:$0x8], $0x80, s10, s19, $0xb8;
	[tilespmem:$0x1EC00] =	vst v63  }
0x147: {  	_ =	swait.ge [sflag:s18], $0x400  }
0x148: {  	[sflag:s18] =	ssyncset.done $0x0  }
0x149: {  	[sflag:s18] =	ssyncadd.s32 $0xFFFFFC00  }
0x14a: {  	_ =	swait.ge [sflag:s18], $0x400  }
0x14b: {  	[sflag:s18] =	ssyncset.done $0x0  }
0x14c: {  	[sflag:s18] =	ssyncadd.s32 $0xFFFFFC00  }
0x14d: {  	_ =	swait.ge [sflag:s7], $0x2800  }
0x14e: {  	[sflag:s7] =	ssyncset.done $0x0  }
0x14f: {  	[sflag:s7] =	ssyncadd.s32 $0xFFFFD800  }
0x150: {  	[tilespmem:s20], [sflag:$0x1] =	stream.indirect.gather [hbm4b:s1+s19], $0x80, s4, s19, $0xb8;
	[tilespmem:$0x1EC00] =	vst v63  }
0x151: {  	_ =	swait.ge [sflag:s9], $0x2800  }
0x152: {  	[sflag:s9] =	ssyncset.done $0x0  }
0x153: {  	s23 =	simm.s32 $0x80;
	[sflag:s9] =	ssyncadd.s32 $0xFFFFD800  }
0x154: {  	[tilespmem:s22], [sflag:$0x2] =	stream.indirect.gather [hbm4b:s1+s19], $0x80, s23, s19, $0xb8;
	[tilespmem:$0x1EC00] =	vst v63  }
0x155: {  	_ =	swait.ge [sflag:s11], $0x2800  }
0x156: {  	[sflag:s11] =	ssyncset.done $0x0  }
0x157: {  	[sflag:s11] =	ssyncadd.s32 $0xFFFFD800  }
0x158: {  	[tilespmem:s24], [sflag:$0x3] =	stream.indirect.gather [hbm4b:s1+s19], $0x80, s25, s19, $0xb8;
	[tilespmem:$0x1EC00] =	vst v63  }
0x159: {  	p0 =	sne.s32 s12, $0x600;
	_ =	swait.ge [sflag:s6], $0x2800  }
.Ltmp0:
0x15a: {  	[sflag:s6] =	ssyncset.done $0x0;
	(pc) =	sbr.rel @p0 .LBB2_2-.Ltmp0, $4  }
0x15b: {  	[sflag:s6] =	ssyncadd.s32 $0xFFFFD800  }
0x15c: {  	[tilespmem:s26], [sflag:$0x4] =	stream.indirect.gather [hbm4b:s1+s19], $0x80, s0, s19, $0xb8;
	[tilespmem:$0x1EC00] =	vst v63  }
0x15d: {  	s12 =	sadd.s32 $0x100, s12;
	s14 =	sadd.s32 $0x180, s14;
	s13 =	sadd.s32 $0x180, s13  }
0x15e: {  	[tilespmem:s16], [sflag:$0xA] =	stream.linear.gather [hbm4b:s14+s4], $0x400, $0x38;
	[tilespmem:$0x1EC00] =	vst v63  }
0x15f: {  	[tilespmem:s17], [sflag:$0xA] =	stream.linear.gather [hbm4b:s13+s4], $0x400, $0x38;
	[tilespmem:$0x1EC00] =	vst v63  }
0x160: {  	_ =	swait.ge [sflag:s28], $0x2800  }
0x161: {  	[sflag:s28] =	ssyncset.done $0x0  }
0x162: {  	[sflag:s28] =	ssyncadd.s32 $0xFFFFD800  }
0x163: {  	[spmem:s2] =	stream.indirect.scatter.add.f32 [tilespmem:s20], [sflag:$0x5], $0x80, s15, s19, $0xb8;
	[tilespmem:$0x1EC00] =	vst v63  }
0x164: {  	_ =	swait.ge [sflag:s29], $0x2800  }
0x165: {  	[sflag:s29] =	ssyncset.done $0x0  }
0x166: {  	s0 =	simm.s32 $0x880;
	[sflag:s29] =	ssyncadd.s32 $0xFFFFD800  }
0x167: {  	[spmem:s2] =	stream.indirect.scatter.add.f32 [tilespmem:s22], [sflag:$0x6], $0x80, s0, s19, $0xb8;
	[tilespmem:$0x1EC00] =	vst v63  }
0x168: {  	_ =	swait.ge [sflag:s31], $0x2800  }
0x169: {  	[sflag:s31] =	ssyncset.done $0x0  }
0x16a: {  	s21 =	simm.s32 $0x900;
	[sflag:s31] =	ssyncadd.s32 $0xFFFFD800  }
0x16b: {  	[spmem:s2] =	stream.indirect.scatter.add.f32 [tilespmem:s24], [sflag:$0x7], $0x80, s21, s19, $0xb8;
	[tilespmem:$0x1EC00] =	vst v63  }
0x16c: {  	_ =	swait.ge [sflag:s3], $0x2800  }
0x16d: {  	[sflag:s3] =	ssyncset.done $0x0  }
0x16e: {  	s12 =	simm.s32 $0x980;
	[sflag:s3] =	ssyncadd.s32 $0xFFFFD800  }
0x16f: {  	[spmem:s2] =	stream.indirect.scatter.add.f32 [tilespmem:s26], [sflag:$0x8], $0x80, s12, s19, $0xb8;
	[tilespmem:$0x1EC00] =	vst v63  }
0x170: {  	_ =	swait.ge [sflag:s7], $0x2800  }
0x171: {  	[sflag:s7] =	ssyncset.done $0x0  }
0x172: {  	s13 =	simm.s32 $0x200;
	[sflag:s7] =	ssyncadd.s32 $0xFFFFD800  }
0x173: {  	[tilespmem:s20], [sflag:$0x1] =	stream.indirect.gather [hbm4b:s1+s19], $0x80, s13, s19, $0xb8;
	[tilespmem:$0x1EC00] =	vst v63  }
0x174: {  	_ =	swait.ge [sflag:s9], $0x2800  }
0x175: {  	[sflag:s9] =	ssyncset.done $0x0  }
0x176: {  	s14 =	simm.s32 $0x280;
	[sflag:s9] =	ssyncadd.s32 $0xFFFFD800  }
0x177: {  	[tilespmem:s22], [sflag:$0x2] =	stream.indirect.gather [hbm4b:s1+s19], $0x80, s14, s19, $0xb8;
	[tilespmem:$0x1EC00] =	vst v63  }
0x178: {  	_ =	swait.ge [sflag:s11], $0x2800  }
0x179: {  	[sflag:s11] =	ssyncset.done $0x0  }
0x17a: {  	s21 =	simm.s32 $0x300;
	[sflag:s11] =	ssyncadd.s32 $0xFFFFD800  }
0x17b: {  	[tilespmem:s24], [sflag:$0x3] =	stream.indirect.gather [hbm4b:s1+s19], $0x80, s21, s19, $0xb8;
	[tilespmem:$0x1EC00] =	vst v63  }
0x17c: {  	_ =	swait.ge [sflag:s6], $0x2800  }
0x17d: {  	[sflag:s6] =	ssyncset.done $0x0  }
0x17e: {  	s12 =	simm.s32 $0x380;
	[sflag:s6] =	ssyncadd.s32 $0xFFFFD800  }
0x17f: {  	[tilespmem:s26], [sflag:$0x4] =	stream.indirect.gather [hbm4b:s1+s19], $0x80, s12, s19, $0xb8;
	[tilespmem:$0x1EC00] =	vst v63  }
0x180: {  	_ =	swait.ge [sflag:s28], $0x2800  }
0x181: {  	[sflag:s28] =	ssyncset.done $0x0  }
0x182: {  	s13 =	simm.s32 $0xA00;
	[sflag:s28] =	ssyncadd.s32 $0xFFFFD800  }
0x183: {  	[spmem:s2] =	stream.indirect.scatter.add.f32 [tilespmem:s20], [sflag:$0x5], $0x80, s13, s19, $0xb8;
	[tilespmem:$0x1EC00] =	vst v63  }
0x184: {  	_ =	swait.ge [sflag:s29], $0x2800  }
0x185: {  	[sflag:s29] =	ssyncset.done $0x0  }
0x186: {  	s14 =	simm.s32 $0xA80;
	[sflag:s29] =	ssyncadd.s32 $0xFFFFD800  }
0x187: {  	[spmem:s2] =	stream.indirect.scatter.add.f32 [tilespmem:s22], [sflag:$0x6], $0x80, s14, s19, $0xb8;
	[tilespmem:$0x1EC00] =	vst v63  }
0x188: {  	_ =	swait.ge [sflag:s31], $0x2800  }
0x189: {  	[sflag:s31] =	ssyncset.done $0x0  }
0x18a: {  	s21 =	simm.s32 $0xB00;
	[sflag:s31] =	ssyncadd.s32 $0xFFFFD800  }
0x18b: {  	[spmem:s2] =	stream.indirect.scatter.add.f32 [tilespmem:s24], [sflag:$0x7], $0x80, s21, s19, $0xb8;
	[tilespmem:$0x1EC00] =	vst v63  }
0x18c: {  	_ =	swait.ge [sflag:s3], $0x2800  }
0x18d: {  	[sflag:s3] =	ssyncset.done $0x0  }
0x18e: {  	s12 =	simm.s32 $0xB80;
	[sflag:s3] =	ssyncadd.s32 $0xFFFFD800  }
0x18f: {  	[spmem:s2] =	stream.indirect.scatter.add.f32 [tilespmem:s26], [sflag:$0x8], $0x80, s12, s19, $0xb8;
	[tilespmem:$0x1EC00] =	vst v63  }
0x190: {  	_ =	swait.ge [sflag:s30], $0x400  }
0x191: {  	[sflag:s30] =	ssyncset.done $0x0  }
0x192: {  	[sflag:s30] =	ssyncadd.s32 $0xFFFFFC00  }
0x193: {  	_ =	swait.ge [sflag:s30], $0x400  }
0x194: {  	[sflag:s30] =	ssyncset.done $0x0  }
0x195: {  	[sflag:s30] =	ssyncadd.s32 $0xFFFFFC00  }
0x196: {  	_ =	swait.ge [sflag:s7], $0x2800  }
0x197: {  	[sflag:s7] =	ssyncset.done $0x0  }
0x198: {  	[sflag:s7] =	ssyncadd.s32 $0xFFFFD800  }
0x199: {  	[tilespmem:s20], [sflag:$0x1] =	stream.indirect.gather [hbm4b:s1+s19], $0x80, s16, s19, $0xb8;
	[tilespmem:$0x1EC00] =	vst v63  }
0x19a: {  	_ =	swait.ge [sflag:s9], $0x2800  }
0x19b: {  	[sflag:s9] =	ssyncset.done $0x0  }
0x19c: {  	s13 =	simm.s32 $0x480;
	[sflag:s9] =	ssyncadd.s32 $0xFFFFD800  }
0x19d: {  	[tilespmem:s22], [sflag:$0x2] =	stream.indirect.gather [hbm4b:s1+s19], $0x80, s13, s19, $0xb8;
	[tilespmem:$0x1EC00] =	vst v63  }
0x19e: {  	_ =	swait.ge [sflag:s11], $0x2800  }
0x19f: {  	[sflag:s11] =	ssyncset.done $0x0  }
0x1a0: {  	s14 =	simm.s32 $0x500;
	[sflag:s11] =	ssyncadd.s32 $0xFFFFD800  }
0x1a1: {  	[tilespmem:s24], [sflag:$0x3] =	stream.indirect.gather [hbm4b:s1+s19], $0x80, s14, s19, $0xb8;
	[tilespmem:$0x1EC00] =	vst v63  }
0x1a2: {  	_ =	swait.ge [sflag:s6], $0x2800  }
0x1a3: {  	[sflag:s6] =	ssyncset.done $0x0  }
0x1a4: {  	s21 =	simm.s32 $0x580;
	[sflag:s6] =	ssyncadd.s32 $0xFFFFD800  }
0x1a5: {  	[tilespmem:s26], [sflag:$0x4] =	stream.indirect.gather [hbm4b:s1+s19], $0x80, s21, s19, $0xb8;
	[tilespmem:$0x1EC00] =	vst v63  }
0x1a6: {  	_ =	swait.ge [sflag:s28], $0x2800  }
0x1a7: {  	[sflag:s28] =	ssyncset.done $0x0  }
0x1a8: {  	[sflag:s28] =	ssyncadd.s32 $0xFFFFD800  }
0x1a9: {  	[spmem:s2] =	stream.indirect.scatter.add.f32 [tilespmem:s20], [sflag:$0x5], $0x80, s17, s19, $0xb8;
	[tilespmem:$0x1EC00] =	vst v63  }
0x1aa: {  	_ =	swait.ge [sflag:s29], $0x2800  }
0x1ab: {  	[sflag:s29] =	ssyncset.done $0x0  }
0x1ac: {  	s12 =	simm.s32 $0xC80;
	[sflag:s29] =	ssyncadd.s32 $0xFFFFD800  }
0x1ad: {  	[spmem:s2] =	stream.indirect.scatter.add.f32 [tilespmem:s22], [sflag:$0x6], $0x80, s12, s19, $0xb8;
	[tilespmem:$0x1EC00] =	vst v63  }
0x1ae: {  	_ =	swait.ge [sflag:s31], $0x2800  }
0x1af: {  	[sflag:s31] =	ssyncset.done $0x0  }
0x1b0: {  	s13 =	simm.s32 $0xD00;
	[sflag:s31] =	ssyncadd.s32 $0xFFFFD800  }
0x1b1: {  	[spmem:s2] =	stream.indirect.scatter.add.f32 [tilespmem:s24], [sflag:$0x7], $0x80, s13, s19, $0xb8;
	[tilespmem:$0x1EC00] =	vst v63  }
0x1b2: {  	_ =	swait.ge [sflag:s3], $0x2800  }
0x1b3: {  	[sflag:s3] =	ssyncset.done $0x0  }
0x1b4: {  	s14 =	simm.s32 $0xD80;
	[sflag:s3] =	ssyncadd.s32 $0xFFFFD800  }
0x1b5: {  	[spmem:s2] =	stream.indirect.scatter.add.f32 [tilespmem:s26], [sflag:$0x8], $0x80, s14, s19, $0xb8;
	[tilespmem:$0x1EC00] =	vst v63  }
0x1b6: {  	_ =	swait.ge [sflag:s7], $0x2800  }
0x1b7: {  	[sflag:s7] =	ssyncset.done $0x0  }
0x1b8: {  	s21 =	simm.s32 $0x600;
	[sflag:s7] =	ssyncadd.s32 $0xFFFFD800  }
0x1b9: {  	[tilespmem:s20], [sflag:$0x1] =	stream.indirect.gather [hbm4b:s1+s19], $0x80, s21, s19, $0xb8;
	[tilespmem:$0x1EC00] =	vst v63  }
0x1ba: {  	_ =	swait.ge [sflag:s9], $0x2800  }
0x1bb: {  	[sflag:s9] =	ssyncset.done $0x0  }
0x1bc: {  	s12 =	simm.s32 $0x680;
	[sflag:s9] =	ssyncadd.s32 $0xFFFFD800  }
0x1bd: {  	[tilespmem:s22], [sflag:$0x2] =	stream.indirect.gather [hbm4b:s1+s19], $0x80, s12, s19, $0xb8;
	[tilespmem:$0x1EC00] =	vst v63  }
0x1be: {  	_ =	swait.ge [sflag:s11], $0x2800  }
0x1bf: {  	[sflag:s11] =	ssyncset.done $0x0  }
0x1c0: {  	s13 =	simm.s32 $0x700;
	[sflag:s11] =	ssyncadd.s32 $0xFFFFD800  }
0x1c1: {  	[tilespmem:s24], [sflag:$0x3] =	stream.indirect.gather [hbm4b:s1+s19], $0x80, s13, s19, $0xb8;
	[tilespmem:$0x1EC00] =	vst v63  }
0x1c2: {  	_ =	swait.ge [sflag:s6], $0x2800  }
0x1c3: {  	[sflag:s6] =	ssyncset.done $0x0  }
0x1c4: {  	s14 =	simm.s32 $0x780;
	[sflag:s6] =	ssyncadd.s32 $0xFFFFD800  }
0x1c5: {  	[tilespmem:s26], [sflag:$0x4] =	stream.indirect.gather [hbm4b:s1+s19], $0x80, s14, s19, $0xb8;
	[tilespmem:$0x1EC00] =	vst v63  }
0x1c6: {  	_ =	swait.ge [sflag:s28], $0x2800  }
0x1c7: {  	[sflag:s28] =	ssyncset.done $0x0  }
0x1c8: {  	s21 =	simm.s32 $0xE00;
	[sflag:s28] =	ssyncadd.s32 $0xFFFFD800  }
0x1c9: {  	[spmem:s2] =	stream.indirect.scatter.add.f32 [tilespmem:s20], [sflag:$0x5], $0x80, s21, s19, $0xb8;
	[tilespmem:$0x1EC00] =	vst v63  }
0x1ca: {  	_ =	swait.ge [sflag:s29], $0x2800  }
0x1cb: {  	[sflag:s29] =	ssyncset.done $0x0  }
0x1cc: {  	[sflag:s29] =	ssyncadd.s32 $0xFFFFD800  }
0x1cd: {  	[spmem:s2] =	stream.indirect.scatter.add.f32 [tilespmem:s22], [sflag:$0x6], $0x80, s5, s19, $0xb8;
	[tilespmem:$0x1EC00] =	vst v63  }
0x1ce: {  	_ =	swait.ge [sflag:s31], $0x2800  }
0x1cf: {  	[sflag:s31] =	ssyncset.done $0x0  }
0x1d0: {  	[sflag:s31] =	ssyncadd.s32 $0xFFFFD800  }
0x1d1: {  	[spmem:s2] =	stream.indirect.scatter.add.f32 [tilespmem:s24], [sflag:$0x7], $0x80, s8, s19, $0xb8;
	[tilespmem:$0x1EC00] =	vst v63  }
0x1d2: {  	_ =	swait.ge [sflag:s3], $0x2800  }
0x1d3: {  	[sflag:s3] =	ssyncset.done $0x0  }
0x1d4: {  	[sflag:s3] =	ssyncadd.s32 $0xFFFFD800  }
0x1d5: {  	[spmem:s2] =	stream.indirect.scatter.add.f32 [tilespmem:s26], [sflag:$0x8], $0x80, s10, s19, $0xb8;
	[tilespmem:$0x1EC00] =	vst v63  }
0x1d6: {  	_ =	swait.ge [sflag:s7], $0x2800  }
0x1d7: {  	[sflag:s7] =	ssyncset.done $0x0  }
0x1d8: {  	[sflag:s7] =	ssyncadd.s32 $0xFFFFD800  }
0x1d9: {  	_ =	swait.ge [sflag:s9], $0x2800  }
0x1da: {  	[sflag:s9] =	ssyncset.done $0x0  }
0x1db: {  	[sflag:s9] =	ssyncadd.s32 $0xFFFFD800  }
0x1dc: {  	_ =	swait.ge [sflag:s11], $0x2800  }
0x1dd: {  	[sflag:s11] =	ssyncset.done $0x0  }
0x1de: {  	[sflag:s11] =	ssyncadd.s32 $0xFFFFD800  }
0x1df: {  	_ =	swait.ge [sflag:s6], $0x2800  }
0x1e0: {  	[sflag:s6] =	ssyncset.done $0x0  }
0x1e1: {  	[sflag:s6] =	ssyncadd.s32 $0xFFFFD800  }
0x1e2: {  	[bflag:$0x0] =	sbarrier.arrive $0xFFFF  }
0x1e3: {  	s13 =	rddreg [dreg:$0x8]  }
0x1e4: {  	s12 =	rddreg [dreg:$0xd]  }
0x1e5: {  	s21 =	simm.s32 $0xB;
	s14 =	rddreg [dreg:$0xf]  }
0x1e6: {  	[hbm:s12], [sflag:s13] =	dma.local [spmem:s14], $0x2780  }
0x1e7: {  	_ =	swait.ge [sflag:s21], $0x2780  }
0x1e8: {  	s12 =	rddreg [dreg:$0x10]  }
0x1e9: {  	s0 =	sadd.s32 $0x1, s12;
	s12 =	rddreg [dreg:$0xe]  }
0x1ea: {  	p0 =	sne.s32 s0, s12  }
.Ltmp1:
0x1eb: {  	_ = 	snop;
	(pc) =	sbr.rel @p0 .LBB2_1-.Ltmp1, $3  }
0x1ec: {  	_ =	sdelay $0x1  }
0x1ed: {  	[sflag:s21] =	ssyncset.done $0x0  }
0x1ee: {  	[sflag:s21] =	ssyncadd.s32 $0xFFFFD880  }
0x1ef: {  	_ =	sfence.sel $0x180000  }
0x1f0: {  	[bflag:$0x0] =	sbarrier.arrive $0xFFFF  }
0x1f1: {  	_ =	strace $0x90000047  }
0x1f2: {  	s0 =	stileid.u32;
	[bflag:$0x2] =	sbarrier.arrive $0xFFFF  }
0x1f3: {  	p0 =	sne.s32 s0, $0x0;
	s0 =	rddreg [dreg:$0x4]  }
0x1f4: {  	s0 =	sadd.s32 @!p0 $0x100000, s0  }
0x1f5: {  	[sflag:s0] =	ssyncadd.tile.s32 @!p0 $0x1;
	_ =	shalt  }
.Lfunc_end2:
_tile_overlayer_lowered:
.L_overlay_start_2:
0x1f6: {  	(tag) =	ssettag $0x2  }
0x1f7: {  	s0 =	rddreg [dreg:$0x0];
	s2 =	stileid.u32  }
0x1f8: {  	s1 =	rddreg [dreg:$0x1];
	p0 =	sne.s32 s2, $0x0  }
0x1f9: {  	s3 =	rddreg [dreg:$0x2];
	[bflag:$0x3] =	sbarrier.arrive $0xFFFF;
	s2 =	simm.s32 @!p0 $0x1C0B  }
0x1fa: {  	[timem:s3], [sflag:s2] =	dma.local @!p0 [hbm:s0], s1  }
0x1fb: {  	s0 =	simm.s32 @!p0 $0xB  }
0x1fc: {  	_ =	swait.ge @!p0 [sflag:s0], s1  }
0x1fd: {  	s1 =	ssub.s32 @!p0 $0x0, s1;
	[sflag:s0] =	ssyncset.done @!p0 $0x0  }
0x1fe: {  	[sflag:s0] =	ssyncadd.s32 @!p0 s1  }
0x1ff: {  	[bflag:$0x3] =	sbarrier.arrive $0xFFFF  }
0x200: {  	_ =	shalt  }

// kernel: kernel.9.cloned.1.call-start
scs
__scs_entry_jumppad:
0x0: {  	(pc) =	sbr.rel $0x88, $3  }
0x1: {  	(tag) =	ssettag $0x0;
	lr =	simm.s32 $0x1  }
0x2: {  	[smem:$0x3F91] =	sst lr;
	_ =	strace $0xD0000000  }
0x3: {  	_ = 	snop  }
0x4: {  	_ = 	snop  }
0x5: {  	_ = 	snop  }
0x6: {  	_ = 	snop  }
0x7: {  	_ = 	snop  }
__scs_overlays_trampoline_lowered:
0x8: {  	[smem:$0x3FA0] =	sst s0  }
0x9: {  	[smem:$0x3FA1] =	sst s1  }
0xa: {  	[smem:$0x3FA2] =	sst s2  }
0xb: {  	[smem:$0x3FA3] =	sst s3  }
0xc: {  	[smem:$0x3FA4] =	sst s4  }
0xd: {  	[smem:$0x3FA5] =	sst s5  }
0xe: {  	[smem:$0x3FA6] =	sst s6  }
0xf: {  	[smem:$0x3FA7] =	sst s7  }
0x10: {  	[smem:$0x3FA8] =	sst s8  }
0x11: {  	[smem:$0x3FA9] =	sst s9;
	s0 =	simm.s32 @!p0 $0x0  }
0x12: {  	s1 =	sld [smem:$0x3F8F];
	s0 =	simm.s32 @p0 $0x1  }
0x13: {  	[smem:$0x3FAA] =	sst s0;
	s0 =	simm.s32 @!p1 $0x0  }
0x14: {  	s2 =	sld [smem:$0x3F8E];
	s0 =	simm.s32 @p1 $0x1  }
0x15: {  	[smem:$0x3FAB] =	sst s0;
	s0 =	simm.s32 @!p2 $0x0  }
0x16: {  	s3 =	sld [smem:$0x3FDB];
	s0 =	simm.s32 @p2 $0x1  }
0x17: {  	s4 =	simm.s32 $0x1BF5;
	[smem:$0x3FAD] =	sst s0  }
0x18: {  	s0 =	sld [smem:$0x3F90];
	_ =	swait.ge [sflag:s4], $0x0  }
0x19: {  	s7 =	sld [smem:$0x3F91]  }
0x1a: {  	s8 =	sadd.s32 $0xFFFFE003, lr  }
0x1b: {  	s9 =	sadd.s32 $0xFFFFFEF7, lr;
	s5 =	simm.s32 $0xFFFFFFFF;
	p2 =	slt.u32 s8, $0xFFFFF086  }
0x1c: {  	p1 =	slt.u32 s9, $0xF7A;
	s5 =	simm.s32 @!p2 $0x0  }
0x1d: {  	s5 =	simm.s32 @p1 $0x1;
	p0 =	seq.s32 s7, s2  }
0x1e: {  	s7 =	smul.u32 @!p0 $0xF7A, s2;
	p2 =	seq.s32 @!p0 s5, $0x0  }
0x1f: {  	s9 =	smul.u32 $0xF7A, s1;
	s8 =	simm.s32 @!p0 $0x1BF5;
	p2 =	por !p2, p0  }
0x20: {  	[sflag:s8] =	ssyncset.s32 @!p0 $0xFFFFF086;
	s6 =	sadd.s32 @!p0 s3, s7;
	s7 =	simm.s32 @!p0 $0x108  }
0x21: {  	s3 =	sadd.s32 s3, s9;
	s6 =	sadd.s32 @!p0 $0x88, s6;
	s7 =	simm.s32 @p2 $0x1082  }
0x22: {  	[simem:s7], [sflag:s8] =	dma.local @!p0 [hbm:s6], $0xF7A  }
0x23: {  	s9 =	sor.u32 $0xD0000000, s2;
	s6 =	simm.s32 $0x108;
	_ =	swait.ge @!p0 [sflag:s8], $0x0  }
0x24: {  	s3 =	sadd.s32 $0x88, s3;
	s6 =	simm.s32 @!p1 $0x1082;
	[sflag:s4] =	ssyncset.s32 $0xFFFFF086  }
0x25: {  	[simem:s6], [sflag:s4] =	dma.local [hbm:s3], $0xF7A  }
0x26: {  	[smem:$0x3F91] =	sst s1;
	(tag) =	ssettag s2;
	_ =	strace s9  }
0x27: {  	s1 =	sld [smem:$0x3FA1]  }
0x28: {  	s2 =	sld [smem:$0x3FA2]  }
0x29: {  	s4 =	sld [smem:$0x3FA4]  }
0x2a: {  	p0 =	seq.s32 s5, $0x0;
	s5 =	sld [smem:$0x3FA5]  }
0x2b: {  	s6 =	sld [smem:$0x3FA6]  }
0x2c: {  	s7 =	sld [smem:$0x3FA7]  }
0x2d: {  	s3 =	simm.s32 $0x108;
	s8 =	sld [smem:$0x3FA8]  }
0x2e: {  	s3 =	simm.s32 @!p0 $0x1082;
	s9 =	sld [smem:$0x3FA9]  }
0x2f: {  	lr =	sadd.s32 s0, s3;
	s0 =	sld [smem:$0x3FA0]  }
0x30: {  	s3 =	sld [smem:$0x3FA3]  }
0x31: {  	[smem:$0x3FAC] =	sst s10  }
0x32: {  	s10 =	sld [smem:$0x3FAA];
	_ =	sdelay $0x3  }
0x33: {  	p0 =	seq.s32 s10, $0x1;
	s10 =	sld [smem:$0x3FAC];
	_ =	sdelay $0x3  }
0x34: {  	[smem:$0x3FAC] =	sst s10  }
0x35: {  	s10 =	sld [smem:$0x3FAB];
	_ =	sdelay $0x3  }
0x36: {  	p1 =	seq.s32 s10, $0x1;
	s10 =	sld [smem:$0x3FAC];
	_ =	sdelay $0x3  }
0x37: {  	[smem:$0x3FAC] =	sst s10  }
0x38: {  	s10 =	sld [smem:$0x3FAD]  }
0x39: {  	_ = 	snop;
	(pc) =	sbr.ind lr, $3  }
0x3a: {  	_ = 	snop  }
0x3b: {  	_ = 	snop  }
0x3c: {  	p2 =	seq.s32 s10, $0x1;
	s10 =	sld [smem:$0x3FAC]  }
0x3d: {  	_ =	shalt  }
0x3e: {  	_ =	shalt  }
0x3f: {  	_ =	shalt  }
0x40: {  	_ =	shalt  }
0x41: {  	_ =	shalt  }
0x42: {  	_ =	shalt  }
0x43: {  	_ =	shalt  }
0x44: {  	_ =	shalt  }
0x45: {  	_ =	shalt  }
0x46: {  	_ =	shalt  }
0x47: {  	_ =	shalt  }
0x48: {  	_ =	shalt  }
0x49: {  	_ =	shalt  }
0x4a: {  	_ =	shalt  }
0x4b: {  	_ =	shalt  }
0x4c: {  	_ =	shalt  }
0x4d: {  	_ =	shalt  }
0x4e: {  	_ =	shalt  }
0x4f: {  	_ =	shalt  }
0x50: {  	_ =	shalt  }
0x51: {  	_ =	shalt  }
0x52: {  	_ =	shalt  }
0x53: {  	_ =	shalt  }
0x54: {  	_ =	shalt  }
0x55: {  	_ =	shalt  }
0x56: {  	_ =	shalt  }
0x57: {  	_ =	shalt  }
0x58: {  	_ =	shalt  }
0x59: {  	_ =	shalt  }
0x5a: {  	_ =	shalt  }
0x5b: {  	_ =	shalt  }
0x5c: {  	_ =	shalt  }
0x5d: {  	_ =	shalt  }
0x5e: {  	_ =	shalt  }
0x5f: {  	_ =	shalt  }
0x60: {  	_ =	shalt  }
0x61: {  	_ =	shalt  }
0x62: {  	_ =	shalt  }
0x63: {  	_ =	shalt  }
0x64: {  	_ =	shalt  }
0x65: {  	_ =	shalt  }
0x66: {  	_ =	shalt  }
0x67: {  	_ =	shalt  }
0x68: {  	_ =	shalt  }
0x69: {  	_ =	shalt  }
0x6a: {  	_ =	shalt  }
0x6b: {  	_ =	shalt  }
0x6c: {  	_ =	shalt  }
0x6d: {  	_ =	shalt  }
0x6e: {  	_ =	shalt  }
0x6f: {  	_ =	shalt  }
0x70: {  	_ =	shalt  }
0x71: {  	_ =	shalt  }
0x72: {  	_ =	shalt  }
0x73: {  	_ =	shalt  }
0x74: {  	_ =	shalt  }
0x75: {  	_ =	shalt  }
0x76: {  	_ =	shalt  }
0x77: {  	_ =	shalt  }
0x78: {  	_ =	shalt  }
0x79: {  	_ =	shalt  }
0x7a: {  	_ =	shalt  }
0x7b: {  	_ =	shalt  }
0x7c: {  	_ =	shalt  }
0x7d: {  	_ =	shalt  }
0x7e: {  	_ =	shalt  }
0x7f: {  	_ =	shalt  }
0x80: {  	_ =	shalt  }
0x81: {  	_ =	shalt  }
0x82: {  	_ =	shalt  }
0x83: {  	_ =	shalt  }
0x84: {  	_ =	shalt  }
0x85: {  	_ =	shalt  }
0x86: {  	_ =	shalt  }
0x87: {  	_ =	shalt  }
.Lfunc_end0:
.L_simem_size_0:
called_computation.1_lowered:
.L_overlay_start_0:
0x88: {  	s2 =	sld [smem:$0x3FD9]  }
0x89: {  	s3 =	sld [smem:$0x3FFE];
	_ =	sdelay $0x1  }
0x8a: {  	s1 =	srdreg.scid  }
0x8b: {  	s0 =	sand.u32 $0x1, s1  }
0x8c: {  	s16 =	sshll.u32 s0, $0xA;
	s2 =	sadd.s32 s3, s2  }
0x8d: {  	s2 =	sadd.s32 s2, s16  }
0x8e: {  	[smem:$0x3FB8] =	sst s2  }
0x8f: {  	_ = 	snop  }
0x90: {  	(tm) =	ssettm $0x1  }
0x91: {  	s17 =	sld [smem:$0x3FFB];
	_ =	sdelay $0x3  }
0x92: {  	_ =	strace s17  }
0x93: {  	s2 =	sld [smem:$0x3FFC];
	_ =	sdelay $0x3  }
0x94: {  	_ =	strace s2  }
0x95: {  	s2 =	sld [smem:$0x3FFD];
	_ =	sdelay $0x3  }
0x96: {  	_ =	strace s2  }
0x97: {  	_ =	strace $0x8FFFFFFF  }
0x98: {  	s18 =	sld [smem:$0x3FDB];
	_ =	sdelay $0x1  }
0x99: {  	s19 =	simm.s32 $_scs_section_size  }
0x9a: {  	s4 =	simm.s32 $_size__tile_overlayer_lowered;
	s5 =	simm.s32 $_tile_overlayer_lowered  }
0x9b: {  	s22 =	simm.s32 $0x1BFF;
	s21 =	sshll.u32 s5, $0x1;
	s2 =	sadd.s32 s19, s18  }
0x9c: {  	s6 =	simm.s32 $0x0;
	s20 =	sshll.u32 s4, $0x1;
	s4 =	sadd.s32 s21, s2  }
0x9d: {  	[timem:s6], [sflag:s22] =	dma.local [hbm:s4], s20  }
0x9e: {  	_ =	swait.ge [sflag:s22], s20  }
0x9f: {  	s3 =	ssub.s32 $0x0, s20;
	[sflag:s22] =	ssyncset.done $0x0  }
0xa0: {  	[sflag:s22] =	ssyncadd.s32 s3;
	_ =	sdelay $0x1  }
0xa1: {  	s23 =	simm.s32 $0x1B8B  }
0xa2: {  	_ =	swait.ge [sflag:s23], $0x1  }
0xa3: {  	[sflag:s23] =	ssyncset.done $0x0  }
0xa4: {  	s25 =	simm.s32 $0x1B8E;
	s24 =	sld [smem:$0x3FFE];
	[sflag:s23] =	ssyncadd.s32 $0xFFFFFFFF  }
0xa5: {  	s26 =	simm.s32 $execute0_lowered;
	[smem:$0x3FD2] =	sst s25  }
0xa6: {  	s4 =	sshll.u32 s26, $0x1;
	_ =	strace $0x80000049;
	[dreg:$0x1] =	wrdreg $0xFFFFFFFF  }
0xa7: {  	s28 =	simm.s32 $_size_execute0_lowered;
	s2 =	sadd.s32 s2, s4;
	[dreg:$0x0] =	wrdreg $0x0  }
0xa8: {  	s4 =	sshll.u32 s28, $0x1;
	[dreg:$0x2] =	wrdreg s2  }
0xa9: {  	[dreg:$0x3] =	wrdreg s4  }
0xaa: {  	[dreg:$0x4] =	wrdreg $0xC0  }
0xab: {  	_ =	task [dreg:s6], $0x5FFFF  }
0xac: {  	[dreg:$0x1] =	wrdreg $0xFFFFFFFF  }
0xad: {  	[dreg:$0x0] =	wrdreg $0x60  }
0xae: {  	[dreg:$0x2] =	wrdreg s24  }
0xaf: {  	[dreg:$0x3] =	wrdreg $0xB0000  }
0xb0: {  	[dreg:$0x4] =	wrdreg $0x9  }
0xb1: {  	_ =	task.clear_ibuf [dreg:s6], $0x5FFFF;
	_ =	strace $0x90000049  }
0xb2: {  	s29 =	simm.s32 $0x9;
	_ =	strace $0x8000004B  }
0xb3: {  	_ =	swait.ge [sflag:s29], $0x1  }
0xb4: {  	[sflag:s29] =	ssyncadd.s32 $0xFFFFFFFF  }
0xb5: {  	_ =	strace $0x9000004B  }
0xb6: {  	_ =	sfence  }
0xb7: {  	s30 =	sld [smem:$0x0];
	_ =	sdelay $0x2  }
0xb8: {  	s31 =	sshll.u32 s1, $0xD;
	s1 =	sshrl.u32 s1, $0x2  }
0xb9: {  	s3 =	sand.u32 $0x4000, s31;
	s1 =	sadd.s32 s1, s30  }
0xba: {  	s0 =	sor.u32 s3, s0;
	s1 =	sshll.u32 s1, $0x11  }
0xbb: {  	s0 =	sor.u32 s1, s0  }
0xbc: {  	s0 =	sadd.s32 $0x8F2B, s0  }
0xbd: {  	[sflag:s0] =	ssyncadd.remote.s32 $0x1  }
0xbe: {  	_ =	sfence.sel $0xFFFF  }
0xbf: {  	[dreg:$0x0] =	wrdreg $0xFFFFFFFF;
	(pc) =	sbr.abs _section_cstart, $3  }
0xc0: {  	[dreg:$0x1] =	wrdreg $0xFFFFFFFF  }
0xc1: {  	_ =	task.clear_ibuf [dreg:s6], $0x2FFFF;
	_ =	strace $0x9FFFFFFF  }
0xc2: {  	(tm) =	ssettm $0x7FFFFFFF  }
0xc3: {  	_ =	shalt  }
tec
execute0_lowered:
.L_overlay_start_1:
0x0: {  	(tag) =	ssettag $0x1  }
0x1: {  	s0 =	rddreg [dreg:$0x0]  }
0x2: {  	s1 =	rddreg [dreg:$0x1];
	s2 =	srdreg.scid;
	s3 =	simm.s32 $0x0  }
0x3: {  	s11 =	stileid.u32;
	s15 =	simm.s32 $0x800;
	s28 =	simm.s32 $0x1  }
0x4: {  	s29 =	simm.s32 $0x2;
	s31 =	simm.s32 $0x3;
	s30 =	simm.s32 $0xA  }
0x5: {  	s2 =	sand.u32 $0x1, s2;
	[smem:$0x7FF] =	sst s3;
	s6 =	smul.u32 $0x13C00, s11  }
0x6: {  	s4 =	sadd.s32 $0x16000, s0;
	s7 =	sadd.s32 $0x65000, s0;
	s8 =	sadd.s32 $0x75000, s0  }
0x7: {  	s10 =	smul.u32 $0x4F000, s11;
	s12 =	sadd.s32 $0x13800, s0;
	s19 =	sshll.u32 s11, $0xC  }
0x8: {  	s20 =	sshll.u32 s11, $0x6;
	s5 =	smul.u32 $0x13C000, s2;
	_ =	strace $0x8000004A  }
0x9: {  	s16 =	ssub.s32 $0x2, s2;
	[dreg:$0x5] =	wrdreg s12;
	s2 =	sshll.u32 s2, $0xB  }
0xa: {  	s13 =	sor.u32 $0x1C0B, s20;
	s20 =	simm.s32 $0x1000;
	s9 =	sshrl.u32 s16, $0x1  }
0xb: {  	s18 =	sshrl.u32 s10, $0x2;
	s21 =	sor.u32 s2, s19;
	[dreg:$0x6] =	wrdreg s13  }
0xc: {  	s5 =	sadd.s32 s6, s5;
	s17 =	ssub.s32 s16, s9;
	s6 =	sadd.s32 s18, s1  }
0xd: {  	s22 =	sadd.s32 s7, s21;
	s23 =	sor.u32 $0x80, s21;
	s11 =	sadd.s32 s8, s21  }
0xe: {  	s21 =	simm.s32 $0xB;
	s16 =	simm.s32 $0x400;
	s18 =	simm.s32 $0x9  }
0xf: {  	s9 =	simm.s32 $0x6;
	s5 =	sshrl.u32 s5, $0x3;
	[dreg:$0x7] =	wrdreg s22  }
0x10: {  	[dreg:$0x8] =	wrdreg s11;
	s24 =	sadd.s32 s7, s23;
	s7 =	sadd.s32 s19, s7  }
0x11: {  	s10 =	sadd.s32 s8, s23;
	s8 =	sadd.s32 s19, s8;
	s26 =	smax.u32 s17, $0x1  }
0x12: {  	s14 =	sshrl.u32 s6, $0x3;
	s17 =	simm.s32 $0xC00;
	s19 =	simm.s32 $0x50  }
0x13: {  	s23 =	simm.s32 $0x80;
	s22 =	simm.s32 $0x3800;
	s11 =	simm.s32 $0x7  }
0x14: {  	s6 =	simm.s32 $0x8;
	s0 =	sadd.s32 s5, s0;
	[dreg:$0x9] =	wrdreg s24  }
0x15: {  	[dreg:$0xa] =	wrdreg s10;
	s7 =	sadd.s32 s2, s7;
	s25 =	sadd.s32 s2, s8  }
0x16: {  	[dreg:$0xc] =	wrdreg s26;
	s24 =	simm.s32 $0x6000;
	s26 =	simm.s32 $0x8800  }
0x17: {  	s2 =	simm.s32 $0x4;
	s5 =	simm.s32 $0xE80;
	[dreg:$0xd] =	wrdreg s14  }
0x18: {  	s8 =	simm.s32 $0xF00;
	s10 =	simm.s32 $0xF80;
	[dreg:$0x3] =	wrdreg s7  }
0x19: {  	s0 =	sadd.s32 $0x85000, s0;
	[dreg:$0x4] =	wrdreg s25;
	s7 =	simm.s32 $0x5  }
0x1a: {  	s25 =	simm.s32 $0x100;
	[dreg:$0xb] =	wrdreg s0;
	s0 =	simm.s32 $0x0  }
.LBB2_1:
0x1b: {  	[dreg:$0xe] =	wrdreg s0  }
0x1c: {  	s12 =	rddreg [dreg:$0x5]  }
0x1d: {  	[spmem:s14], [sflag:s13] =	dma.local [hbm:s12], $0x2780  }
0x1e: {  	_ =	swait.ge [sflag:s21], $0x2780  }
0x1f: {  	[sflag:s21] =	ssyncset.done $0x0  }
0x20: {  	[sflag:s21] =	ssyncadd.s32 $0xFFFFD880  }
0x21: {  	[bflag:$0x0] =	sbarrier.arrive $0xFFFF  }
0x22: {  	s14 =	rddreg [dreg:$0x7]  }
0x23: {  	[tilespmem:s3], [sflag:$0x9] =	stream.linear.gather [hbm4b:s14+s3], $0x400, $0x38;
	[tilespmem:$0x1EC00] =	vst v63  }
0x24: {  	s21 =	rddreg [dreg:$0x8]  }
0x25: {  	[tilespmem:s15], [sflag:$0x9] =	stream.linear.gather [hbm4b:s21+s3], $0x400, $0x38;
	[tilespmem:$0x1EC00] =	vst v63  }
0x26: {  	s0 =	rddreg [dreg:$0x9]  }
0x27: {  	[tilespmem:s16], [sflag:$0xA] =	stream.linear.gather [hbm4b:s0+s3], $0x400, $0x38;
	[tilespmem:$0x1EC00] =	vst v63  }
0x28: {  	s13 =	rddreg [dreg:$0xa]  }
0x29: {  	[tilespmem:s17], [sflag:$0xA] =	stream.linear.gather [hbm4b:s13+s3], $0x400, $0x38;
	[tilespmem:$0x1EC00] =	vst v63  }
0x2a: {  	_ =	swait.ge [sflag:s18], $0x400  }
0x2b: {  	[sflag:s18] =	ssyncset.done $0x0  }
0x2c: {  	[sflag:s18] =	ssyncadd.s32 $0xFFFFFC00  }
0x2d: {  	_ =	swait.ge [sflag:s18], $0x400  }
0x2e: {  	[sflag:s18] =	ssyncset.done $0x0  }
0x2f: {  	[sflag:s18] =	ssyncadd.s32 $0xFFFFFC00  }
0x30: {  	[tilespmem:s20], [sflag:$0x1] =	stream.indirect.gather [hbm4b:s4+s19], $0x80, s3, s19, $0xb8;
	[tilespmem:$0x1EC00] =	vst v63  }
0x31: {  	_ = 	snop  }
0x32: {  	[tilespmem:s22], [sflag:$0x2] =	stream.indirect.gather [hbm4b:s4+s19], $0x80, s23, s19, $0xb8;
	[tilespmem:$0x1EC00] =	vst v63  }
0x33: {  	_ = 	snop  }
0x34: {  	[tilespmem:s24], [sflag:$0x3] =	stream.indirect.gather [hbm4b:s4+s19], $0x80, s25, s19, $0xb8;
	[tilespmem:$0x1EC00] =	vst v63  }
0x35: {  	s0 =	simm.s32 $0x180  }
0x36: {  	[tilespmem:s26], [sflag:$0x4] =	stream.indirect.gather [hbm4b:s4+s19], $0x80, s0, s19, $0xb8;
	[tilespmem:$0x1EC00] =	vst v63  }
0x37: {  	_ =	swait.ge [sflag:s28], $0x2800  }
0x38: {  	[sflag:s28] =	ssyncset.done $0x0  }
0x39: {  	[sflag:s28] =	ssyncadd.s32 $0xFFFFD800  }
0x3a: {  	[spmem:s1] =	stream.indirect.scatter.add.f32 [tilespmem:s20], [sflag:$0x5], $0x80, s15, s19, $0xb8;
	[tilespmem:$0x1EC00] =	vst v63  }
0x3b: {  	_ =	swait.ge [sflag:s29], $0x2800  }
0x3c: {  	[sflag:s29] =	ssyncset.done $0x0  }
0x3d: {  	s14 =	simm.s32 $0x880;
	[sflag:s29] =	ssyncadd.s32 $0xFFFFD800  }
0x3e: {  	[spmem:s1] =	stream.indirect.scatter.add.f32 [tilespmem:s22], [sflag:$0x6], $0x80, s14, s19, $0xb8;
	[tilespmem:$0x1EC00] =	vst v63  }
0x3f: {  	_ =	swait.ge [sflag:s31], $0x2800  }
0x40: {  	[sflag:s31] =	ssyncset.done $0x0  }
0x41: {  	s21 =	simm.s32 $0x900;
	[sflag:s31] =	ssyncadd.s32 $0xFFFFD800  }
0x42: {  	[spmem:s1] =	stream.indirect.scatter.add.f32 [tilespmem:s24], [sflag:$0x7], $0x80, s21, s19, $0xb8;
	[tilespmem:$0x1EC00] =	vst v63  }
0x43: {  	_ =	swait.ge [sflag:s2], $0x2800  }
0x44: {  	[sflag:s2] =	ssyncset.done $0x0  }
0x45: {  	s13 =	simm.s32 $0x980;
	[sflag:s2] =	ssyncadd.s32 $0xFFFFD800  }
0x46: {  	[spmem:s1] =	stream.indirect.scatter.add.f32 [tilespmem:s26], [sflag:$0x8], $0x80, s13, s19, $0xb8;
	[tilespmem:$0x1EC00] =	vst v63  }
0x47: {  	_ =	swait.ge [sflag:s7], $0x2800  }
0x48: {  	[sflag:s7] =	ssyncset.done $0x0  }
0x49: {  	s14 =	simm.s32 $0x200;
	[sflag:s7] =	ssyncadd.s32 $0xFFFFD800  }
0x4a: {  	[tilespmem:s20], [sflag:$0x1] =	stream.indirect.gather [hbm4b:s4+s19], $0x80, s14, s19, $0xb8;
	[tilespmem:$0x1EC00] =	vst v63  }
0x4b: {  	_ =	swait.ge [sflag:s9], $0x2800  }
0x4c: {  	[sflag:s9] =	ssyncset.done $0x0  }
0x4d: {  	s21 =	simm.s32 $0x280;
	[sflag:s9] =	ssyncadd.s32 $0xFFFFD800  }
0x4e: {  	[tilespmem:s22], [sflag:$0x2] =	stream.indirect.gather [hbm4b:s4+s19], $0x80, s21, s19, $0xb8;
	[tilespmem:$0x1EC00] =	vst v63  }
0x4f: {  	_ =	swait.ge [sflag:s11], $0x2800  }
0x50: {  	[sflag:s11] =	ssyncset.done $0x0  }
0x51: {  	s13 =	simm.s32 $0x300;
	[sflag:s11] =	ssyncadd.s32 $0xFFFFD800  }
0x52: {  	[tilespmem:s24], [sflag:$0x3] =	stream.indirect.gather [hbm4b:s4+s19], $0x80, s13, s19, $0xb8;
	[tilespmem:$0x1EC00] =	vst v63  }
0x53: {  	_ =	swait.ge [sflag:s6], $0x2800  }
0x54: {  	[sflag:s6] =	ssyncset.done $0x0  }
0x55: {  	s14 =	simm.s32 $0x380;
	[sflag:s6] =	ssyncadd.s32 $0xFFFFD800  }
0x56: {  	[tilespmem:s26], [sflag:$0x4] =	stream.indirect.gather [hbm4b:s4+s19], $0x80, s14, s19, $0xb8;
	[tilespmem:$0x1EC00] =	vst v63  }
0x57: {  	_ =	swait.ge [sflag:s28], $0x2800  }
0x58: {  	[sflag:s28] =	ssyncset.done $0x0  }
0x59: {  	s21 =	simm.s32 $0xA00;
	[sflag:s28] =	ssyncadd.s32 $0xFFFFD800  }
0x5a: {  	[spmem:s1] =	stream.indirect.scatter.add.f32 [tilespmem:s20], [sflag:$0x5], $0x80, s21, s19, $0xb8;
	[tilespmem:$0x1EC00] =	vst v63  }
0x5b: {  	_ =	swait.ge [sflag:s29], $0x2800  }
0x5c: {  	[sflag:s29] =	ssyncset.done $0x0  }
0x5d: {  	s13 =	simm.s32 $0xA80;
	[sflag:s29] =	ssyncadd.s32 $0xFFFFD800  }
0x5e: {  	[spmem:s1] =	stream.indirect.scatter.add.f32 [tilespmem:s22], [sflag:$0x6], $0x80, s13, s19, $0xb8;
	[tilespmem:$0x1EC00] =	vst v63  }
0x5f: {  	_ =	swait.ge [sflag:s31], $0x2800  }
0x60: {  	[sflag:s31] =	ssyncset.done $0x0  }
0x61: {  	s14 =	simm.s32 $0xB00;
	[sflag:s31] =	ssyncadd.s32 $0xFFFFD800  }
0x62: {  	[spmem:s1] =	stream.indirect.scatter.add.f32 [tilespmem:s24], [sflag:$0x7], $0x80, s14, s19, $0xb8;
	[tilespmem:$0x1EC00] =	vst v63  }
0x63: {  	_ =	swait.ge [sflag:s2], $0x2800  }
0x64: {  	[sflag:s2] =	ssyncset.done $0x0  }
0x65: {  	s21 =	simm.s32 $0xB80;
	[sflag:s2] =	ssyncadd.s32 $0xFFFFD800  }
0x66: {  	[spmem:s1] =	stream.indirect.scatter.add.f32 [tilespmem:s26], [sflag:$0x8], $0x80, s21, s19, $0xb8;
	[tilespmem:$0x1EC00] =	vst v63  }
0x67: {  	_ =	swait.ge [sflag:s30], $0x400  }
0x68: {  	[sflag:s30] =	ssyncset.done $0x0  }
0x69: {  	[sflag:s30] =	ssyncadd.s32 $0xFFFFFC00  }
0x6a: {  	_ =	swait.ge [sflag:s30], $0x400  }
0x6b: {  	[sflag:s30] =	ssyncset.done $0x0  }
0x6c: {  	[sflag:s30] =	ssyncadd.s32 $0xFFFFFC00  }
0x6d: {  	_ =	swait.ge [sflag:s7], $0x2800  }
0x6e: {  	[sflag:s7] =	ssyncset.done $0x0  }
0x6f: {  	[sflag:s7] =	ssyncadd.s32 $0xFFFFD800  }
0x70: {  	[tilespmem:s20], [sflag:$0x1] =	stream.indirect.gather [hbm4b:s4+s19], $0x80, s16, s19, $0xb8;
	[tilespmem:$0x1EC00] =	vst v63  }
0x71: {  	_ =	swait.ge [sflag:s9], $0x2800  }
0x72: {  	[sflag:s9] =	ssyncset.done $0x0  }
0x73: {  	s13 =	simm.s32 $0x480;
	[sflag:s9] =	ssyncadd.s32 $0xFFFFD800  }
0x74: {  	[tilespmem:s22], [sflag:$0x2] =	stream.indirect.gather [hbm4b:s4+s19], $0x80, s13, s19, $0xb8;
	[tilespmem:$0x1EC00] =	vst v63  }
0x75: {  	_ =	swait.ge [sflag:s11], $0x2800  }
0x76: {  	[sflag:s11] =	ssyncset.done $0x0  }
0x77: {  	s14 =	simm.s32 $0x500;
	[sflag:s11] =	ssyncadd.s32 $0xFFFFD800  }
0x78: {  	[tilespmem:s24], [sflag:$0x3] =	stream.indirect.gather [hbm4b:s4+s19], $0x80, s14, s19, $0xb8;
	[tilespmem:$0x1EC00] =	vst v63  }
0x79: {  	_ =	swait.ge [sflag:s6], $0x2800  }
0x7a: {  	s21 =	simm.s32 $0x580;
	[sflag:s6] =	ssyncset.done $0x0;
	s12 =	rddreg [dreg:$0x3]  }
0x7b: {  	s13 =	rddreg [dreg:$0x4];
	[sflag:s6] =	ssyncadd.s32 $0xFFFFD800;
	s12 =	sadd.s32 $0x0, s12  }
0x7c: {  	[tilespmem:s26], [sflag:$0x4] =	stream.indirect.gather [hbm4b:s4+s19], $0x80, s21, s19, $0xb8;
	[tilespmem:$0x1EC00] =	vst v63  }
0x7d: {  	s13 =	sadd.s32 $0x0, s13;
	s21 =	sadd.s32 $0x100, s12  }
0x7e: {  	[tilespmem:s3], [sflag:$0x9] =	stream.linear.gather [hbm4b:s21+s3], $0x400, $0x38;
	[tilespmem:$0x1EC00] =	vst v63  }
0x7f: {  	s21 =	sadd.s32 $0x100, s13  }
0x80: {  	[tilespmem:s15], [sflag:$0x9] =	stream.linear.gather [hbm4b:s21+s3], $0x400, $0x38;
	[tilespmem:$0x1EC00] =	vst v63  }
0x81: {  	_ =	swait.ge [sflag:s28], $0x2800  }
0x82: {  	[sflag:s28] =	ssyncset.done $0x0  }
0x83: {  	[sflag:s28] =	ssyncadd.s32 $0xFFFFD800  }
0x84: {  	[spmem:s1] =	stream.indirect.scatter.add.f32 [tilespmem:s20], [sflag:$0x5], $0x80, s17, s19, $0xb8;
	[tilespmem:$0x1EC00] =	vst v63  }
0x85: {  	_ =	swait.ge [sflag:s29], $0x2800  }
0x86: {  	[sflag:s29] =	ssyncset.done $0x0  }
0x87: {  	s21 =	simm.s32 $0xC80;
	[sflag:s29] =	ssyncadd.s32 $0xFFFFD800  }
0x88: {  	[spmem:s1] =	stream.indirect.scatter.add.f32 [tilespmem:s22], [sflag:$0x6], $0x80, s21, s19, $0xb8;
	[tilespmem:$0x1EC00] =	vst v63  }
0x89: {  	_ =	swait.ge [sflag:s31], $0x2800  }
0x8a: {  	[sflag:s31] =	ssyncset.done $0x0  }
0x8b: {  	s21 =	simm.s32 $0xD00;
	[sflag:s31] =	ssyncadd.s32 $0xFFFFD800  }
0x8c: {  	[spmem:s1] =	stream.indirect.scatter.add.f32 [tilespmem:s24], [sflag:$0x7], $0x80, s21, s19, $0xb8;
	[tilespmem:$0x1EC00] =	vst v63  }
0x8d: {  	_ =	swait.ge [sflag:s2], $0x2800  }
0x8e: {  	[sflag:s2] =	ssyncset.done $0x0  }
0x8f: {  	s21 =	simm.s32 $0xD80;
	[sflag:s2] =	ssyncadd.s32 $0xFFFFD800  }
0x90: {  	[spmem:s1] =	stream.indirect.scatter.add.f32 [tilespmem:s26], [sflag:$0x8], $0x80, s21, s19, $0xb8;
	[tilespmem:$0x1EC00] =	vst v63  }
0x91: {  	_ =	swait.ge [sflag:s7], $0x2800  }
0x92: {  	[sflag:s7] =	ssyncset.done $0x0  }
0x93: {  	s21 =	simm.s32 $0x600;
	[sflag:s7] =	ssyncadd.s32 $0xFFFFD800  }
0x94: {  	[tilespmem:s20], [sflag:$0x1] =	stream.indirect.gather [hbm4b:s4+s19], $0x80, s21, s19, $0xb8;
	[tilespmem:$0x1EC00] =	vst v63  }
0x95: {  	_ =	swait.ge [sflag:s9], $0x2800  }
0x96: {  	[sflag:s9] =	ssyncset.done $0x0  }
0x97: {  	s21 =	simm.s32 $0x680;
	[sflag:s9] =	ssyncadd.s32 $0xFFFFD800  }
0x98: {  	[tilespmem:s22], [sflag:$0x2] =	stream.indirect.gather [hbm4b:s4+s19], $0x80, s21, s19, $0xb8;
	[tilespmem:$0x1EC00] =	vst v63  }
0x99: {  	_ =	swait.ge [sflag:s11], $0x2800  }
0x9a: {  	[sflag:s11] =	ssyncset.done $0x0  }
0x9b: {  	s21 =	simm.s32 $0x700;
	[sflag:s11] =	ssyncadd.s32 $0xFFFFD800  }
0x9c: {  	[tilespmem:s24], [sflag:$0x3] =	stream.indirect.gather [hbm4b:s4+s19], $0x80, s21, s19, $0xb8;
	[tilespmem:$0x1EC00] =	vst v63  }
0x9d: {  	_ =	swait.ge [sflag:s6], $0x2800  }
0x9e: {  	[sflag:s6] =	ssyncset.done $0x0  }
0x9f: {  	s21 =	simm.s32 $0x780;
	[sflag:s6] =	ssyncadd.s32 $0xFFFFD800  }
0xa0: {  	[tilespmem:s26], [sflag:$0x4] =	stream.indirect.gather [hbm4b:s4+s19], $0x80, s21, s19, $0xb8;
	[tilespmem:$0x1EC00] =	vst v63  }
0xa1: {  	_ =	swait.ge [sflag:s28], $0x2800  }
0xa2: {  	[sflag:s28] =	ssyncset.done $0x0  }
0xa3: {  	s21 =	simm.s32 $0xE00;
	[sflag:s28] =	ssyncadd.s32 $0xFFFFD800  }
0xa4: {  	[spmem:s1] =	stream.indirect.scatter.add.f32 [tilespmem:s20], [sflag:$0x5], $0x80, s21, s19, $0xb8;
	[tilespmem:$0x1EC00] =	vst v63  }
0xa5: {  	_ =	swait.ge [sflag:s29], $0x2800  }
0xa6: {  	[sflag:s29] =	ssyncset.done $0x0  }
0xa7: {  	[sflag:s29] =	ssyncadd.s32 $0xFFFFD800  }
0xa8: {  	[spmem:s1] =	stream.indirect.scatter.add.f32 [tilespmem:s22], [sflag:$0x6], $0x80, s5, s19, $0xb8;
	[tilespmem:$0x1EC00] =	vst v63  }
0xa9: {  	_ =	swait.ge [sflag:s31], $0x2800  }
0xaa: {  	[sflag:s31] =	ssyncset.done $0x0  }
0xab: {  	[sflag:s31] =	ssyncadd.s32 $0xFFFFD800  }
0xac: {  	[spmem:s1] =	stream.indirect.scatter.add.f32 [tilespmem:s24], [sflag:$0x7], $0x80, s8, s19, $0xb8;
	[tilespmem:$0x1EC00] =	vst v63  }
0xad: {  	_ =	swait.ge [sflag:s2], $0x2800  }
0xae: {  	[sflag:s2] =	ssyncset.done $0x0  }
0xaf: {  	[sflag:s2] =	ssyncadd.s32 $0xFFFFD800  }
0xb0: {  	[spmem:s1] =	stream.indirect.scatter.add.f32 [tilespmem:s26], [sflag:$0x8], $0x80, s10, s19, $0xb8;
	[tilespmem:$0x1EC00] =	vst v63  }
0xb1: {  	_ =	swait.ge [sflag:s18], $0x400  }
0xb2: {  	[sflag:s18] =	ssyncset.done $0x0  }
0xb3: {  	[sflag:s18] =	ssyncadd.s32 $0xFFFFFC00  }
0xb4: {  	_ =	swait.ge [sflag:s18], $0x400  }
0xb5: {  	[sflag:s18] =	ssyncset.done $0x0  }
0xb6: {  	[sflag:s18] =	ssyncadd.s32 $0xFFFFFC00  }
0xb7: {  	_ =	swait.ge [sflag:s7], $0x2800  }
0xb8: {  	[sflag:s7] =	ssyncset.done $0x0  }
0xb9: {  	[sflag:s7] =	ssyncadd.s32 $0xFFFFD800  }
0xba: {  	[tilespmem:s20], [sflag:$0x1] =	stream.indirect.gather [hbm4b:s4+s19], $0x80, s3, s19, $0xb8;
	[tilespmem:$0x1EC00] =	vst v63  }
0xbb: {  	_ =	swait.ge [sflag:s9], $0x2800  }
0xbc: {  	[sflag:s9] =	ssyncset.done $0x0  }
0xbd: {  	[sflag:s9] =	ssyncadd.s32 $0xFFFFD800  }
0xbe: {  	[tilespmem:s22], [sflag:$0x2] =	stream.indirect.gather [hbm4b:s4+s19], $0x80, s23, s19, $0xb8;
	[tilespmem:$0x1EC00] =	vst v63  }
0xbf: {  	_ =	swait.ge [sflag:s11], $0x2800  }
0xc0: {  	[sflag:s11] =	ssyncset.done $0x0  }
0xc1: {  	[sflag:s11] =	ssyncadd.s32 $0xFFFFD800  }
0xc2: {  	[tilespmem:s24], [sflag:$0x3] =	stream.indirect.gather [hbm4b:s4+s19], $0x80, s25, s19, $0xb8;
	[tilespmem:$0x1EC00] =	vst v63  }
0xc3: {  	_ =	swait.ge [sflag:s6], $0x2800  }
0xc4: {  	[sflag:s6] =	ssyncset.done $0x0  }
0xc5: {  	[sflag:s6] =	ssyncadd.s32 $0xFFFFD800  }
0xc6: {  	[tilespmem:s26], [sflag:$0x4] =	stream.indirect.gather [hbm4b:s4+s19], $0x80, s0, s19, $0xb8;
	[tilespmem:$0x1EC00] =	vst v63  }
0xc7: {  	s12 =	sadd.s32 $0x180, s12  }
0xc8: {  	[tilespmem:s16], [sflag:$0xA] =	stream.linear.gather [hbm4b:s12+s3], $0x400, $0x38;
	[tilespmem:$0x1EC00] =	vst v63  }
0xc9: {  	s13 =	sadd.s32 $0x180, s13;
	s12 =	simm.s32 $0x100  }
.LBB2_2:
0xca: {  	[tilespmem:s17], [sflag:$0xA] =	stream.linear.gather [hbm4b:s13+s3], $0x400, $0x38;
	[tilespmem:$0x1EC00] =	vst v63  }
0xcb: {  	_ =	swait.ge [sflag:s28], $0x2800  }
0xcc: {  	[sflag:s28] =	ssyncset.done $0x0  }
0xcd: {  	[sflag:s28] =	ssyncadd.s32 $0xFFFFD800  }
0xce: {  	[spmem:s1] =	stream.indirect.scatter.add.f32 [tilespmem:s20], [sflag:$0x5], $0x80, s15, s19, $0xb8;
	[tilespmem:$0x1EC00] =	vst v63  }
0xcf: {  	_ =	swait.ge [sflag:s29], $0x2800  }
0xd0: {  	[sflag:s29] =	ssyncset.done $0x0  }
0xd1: {  	s14 =	simm.s32 $0x880;
	[sflag:s29] =	ssyncadd.s32 $0xFFFFD800  }
0xd2: {  	[spmem:s1] =	stream.indirect.scatter.add.f32 [tilespmem:s22], [sflag:$0x6], $0x80, s14, s19, $0xb8;
	[tilespmem:$0x1EC00] =	vst v63  }
0xd3: {  	_ =	swait.ge [sflag:s31], $0x2800  }
0xd4: {  	[sflag:s31] =	ssyncset.done $0x0  }
0xd5: {  	s21 =	simm.s32 $0x900;
	[sflag:s31] =	ssyncadd.s32 $0xFFFFD800  }
0xd6: {  	[spmem:s1] =	stream.indirect.scatter.add.f32 [tilespmem:s24], [sflag:$0x7], $0x80, s21, s19, $0xb8;
	[tilespmem:$0x1EC00] =	vst v63  }
0xd7: {  	_ =	swait.ge [sflag:s2], $0x2800  }
0xd8: {  	[sflag:s2] =	ssyncset.done $0x0  }
0xd9: {  	s23 =	simm.s32 $0x980;
	[sflag:s2] =	ssyncadd.s32 $0xFFFFD800  }
0xda: {  	[spmem:s1] =	stream.indirect.scatter.add.f32 [tilespmem:s26], [sflag:$0x8], $0x80, s23, s19, $0xb8;
	[tilespmem:$0x1EC00] =	vst v63  }
0xdb: {  	_ =	swait.ge [sflag:s7], $0x2800  }
0xdc: {  	[sflag:s7] =	ssyncset.done $0x0  }
0xdd: {  	s21 =	simm.s32 $0x200;
	[sflag:s7] =	ssyncadd.s32 $0xFFFFD800  }
0xde: {  	[tilespmem:s20], [sflag:$0x1] =	stream.indirect.gather [hbm4b:s4+s19], $0x80, s21, s19, $0xb8;
	[tilespmem:$0x1EC00] =	vst v63  }
0xdf: {  	_ =	swait.ge [sflag:s9], $0x2800  }
0xe0: {  	[sflag:s9] =	ssyncset.done $0x0  }
0xe1: {  	s23 =	simm.s32 $0x280;
	[sflag:s9] =	ssyncadd.s32 $0xFFFFD800  }
0xe2: {  	[tilespmem:s22], [sflag:$0x2] =	stream.indirect.gather [hbm4b:s4+s19], $0x80, s23, s19, $0xb8;
	[tilespmem:$0x1EC00] =	vst v63  }
0xe3: {  	_ =	swait.ge [sflag:s11], $0x2800  }
0xe4: {  	[sflag:s11] =	ssyncset.done $0x0  }
0xe5: {  	s21 =	simm.s32 $0x300;
	[sflag:s11] =	ssyncadd.s32 $0xFFFFD800  }
0xe6: {  	[tilespmem:s24], [sflag:$0x3] =	stream.indirect.gather [hbm4b:s4+s19], $0x80, s21, s19, $0xb8;
	[tilespmem:$0x1EC00] =	vst v63  }
0xe7: {  	_ =	swait.ge [sflag:s6], $0x2800  }
0xe8: {  	[sflag:s6] =	ssyncset.done $0x0  }
0xe9: {  	s23 =	simm.s32 $0x380;
	[sflag:s6] =	ssyncadd.s32 $0xFFFFD800  }
0xea: {  	[tilespmem:s26], [sflag:$0x4] =	stream.indirect.gather [hbm4b:s4+s19], $0x80, s23, s19, $0xb8;
	[tilespmem:$0x1EC00] =	vst v63  }
0xeb: {  	_ =	swait.ge [sflag:s28], $0x2800  }
0xec: {  	[sflag:s28] =	ssyncset.done $0x0  }
0xed: {  	s21 =	simm.s32 $0xA00;
	[sflag:s28] =	ssyncadd.s32 $0xFFFFD800  }
0xee: {  	[spmem:s1] =	stream.indirect.scatter.add.f32 [tilespmem:s20], [sflag:$0x5], $0x80, s21, s19, $0xb8;
	[tilespmem:$0x1EC00] =	vst v63  }
0xef: {  	_ =	swait.ge [sflag:s29], $0x2800  }
0xf0: {  	[sflag:s29] =	ssyncset.done $0x0  }
0xf1: {  	s23 =	simm.s32 $0xA80;
	[sflag:s29] =	ssyncadd.s32 $0xFFFFD800  }
0xf2: {  	[spmem:s1] =	stream.indirect.scatter.add.f32 [tilespmem:s22], [sflag:$0x6], $0x80, s23, s19, $0xb8;
	[tilespmem:$0x1EC00] =	vst v63  }
0xf3: {  	_ =	swait.ge [sflag:s31], $0x2800  }
0xf4: {  	[sflag:s31] =	ssyncset.done $0x0  }
0xf5: {  	s21 =	simm.s32 $0xB00;
	[sflag:s31] =	ssyncadd.s32 $0xFFFFD800  }
0xf6: {  	[spmem:s1] =	stream.indirect.scatter.add.f32 [tilespmem:s24], [sflag:$0x7], $0x80, s21, s19, $0xb8;
	[tilespmem:$0x1EC00] =	vst v63  }
0xf7: {  	_ =	swait.ge [sflag:s2], $0x2800  }
0xf8: {  	[sflag:s2] =	ssyncset.done $0x0  }
0xf9: {  	s23 =	simm.s32 $0xB80;
	[sflag:s2] =	ssyncadd.s32 $0xFFFFD800  }
0xfa: {  	[spmem:s1] =	stream.indirect.scatter.add.f32 [tilespmem:s26], [sflag:$0x8], $0x80, s23, s19, $0xb8;
	[tilespmem:$0x1EC00] =	vst v63  }
0xfb: {  	_ =	swait.ge [sflag:s30], $0x400  }
0xfc: {  	[sflag:s30] =	ssyncset.done $0x0  }
0xfd: {  	[sflag:s30] =	ssyncadd.s32 $0xFFFFFC00  }
0xfe: {  	_ =	swait.ge [sflag:s30], $0x400  }
0xff: {  	[sflag:s30] =	ssyncset.done $0x0  }
0x100: {  	[sflag:s30] =	ssyncadd.s32 $0xFFFFFC00  }
0x101: {  	_ =	swait.ge [sflag:s7], $0x2800  }
0x102: {  	[sflag:s7] =	ssyncset.done $0x0  }
0x103: {  	[sflag:s7] =	ssyncadd.s32 $0xFFFFD800  }
0x104: {  	[tilespmem:s20], [sflag:$0x1] =	stream.indirect.gather [hbm4b:s4+s19], $0x80, s16, s19, $0xb8;
	[tilespmem:$0x1EC00] =	vst v63  }
0x105: {  	_ =	swait.ge [sflag:s9], $0x2800  }
0x106: {  	[sflag:s9] =	ssyncset.done $0x0  }
0x107: {  	s21 =	simm.s32 $0x480;
	[sflag:s9] =	ssyncadd.s32 $0xFFFFD800  }
0x108: {  	[tilespmem:s22], [sflag:$0x2] =	stream.indirect.gather [hbm4b:s4+s19], $0x80, s21, s19, $0xb8;
	[tilespmem:$0x1EC00] =	vst v63  }
0x109: {  	_ =	swait.ge [sflag:s11], $0x2800  }
0x10a: {  	[sflag:s11] =	ssyncset.done $0x0  }
0x10b: {  	s23 =	simm.s32 $0x500;
	[sflag:s11] =	ssyncadd.s32 $0xFFFFD800  }
0x10c: {  	[tilespmem:s24], [sflag:$0x3] =	stream.indirect.gather [hbm4b:s4+s19], $0x80, s23, s19, $0xb8;
	[tilespmem:$0x1EC00] =	vst v63  }
0x10d: {  	s13 =	smov.u32 s12;
	_ =	swait.ge [sflag:s6], $0x2800  }
0x10e: {  	s23 =	simm.s32 $0x580;
	[sflag:s6] =	ssyncset.done $0x0;
	s14 =	rddreg [dreg:$0x3]  }
0x10f: {  	s21 =	rddreg [dreg:$0x4];
	[sflag:s6] =	ssyncadd.s32 $0xFFFFD800;
	s14 =	sadd.s32 s13, s14  }
0x110: {  	[tilespmem:s26], [sflag:$0x4] =	stream.indirect.gather [hbm4b:s4+s19], $0x80, s23, s19, $0xb8;
	[tilespmem:$0x1EC00] =	vst v63  }
0x111: {  	s13 =	sadd.s32 s13, s21;
	s23 =	sadd.s32 $0x100, s14  }
0x112: {  	[tilespmem:s3], [sflag:$0x9] =	stream.linear.gather [hbm4b:s23+s3], $0x400, $0x38;
	[tilespmem:$0x1EC00] =	vst v63  }
0x113: {  	s21 =	sadd.s32 $0x100, s13  }
0x114: {  	[tilespmem:s15], [sflag:$0x9] =	stream.linear.gather [hbm4b:s21+s3], $0x400, $0x38;
	[tilespmem:$0x1EC00] =	vst v63  }
0x115: {  	_ =	swait.ge [sflag:s28], $0x2800  }
0x116: {  	[sflag:s28] =	ssyncset.done $0x0  }
0x117: {  	[sflag:s28] =	ssyncadd.s32 $0xFFFFD800  }
0x118: {  	[spmem:s1] =	stream.indirect.scatter.add.f32 [tilespmem:s20], [sflag:$0x5], $0x80, s17, s19, $0xb8;
	[tilespmem:$0x1EC00] =	vst v63  }
0x119: {  	_ =	swait.ge [sflag:s29], $0x2800  }
0x11a: {  	[sflag:s29] =	ssyncset.done $0x0  }
0x11b: {  	s21 =	simm.s32 $0xC80;
	[sflag:s29] =	ssyncadd.s32 $0xFFFFD800  }
0x11c: {  	[spmem:s1] =	stream.indirect.scatter.add.f32 [tilespmem:s22], [sflag:$0x6], $0x80, s21, s19, $0xb8;
	[tilespmem:$0x1EC00] =	vst v63  }
0x11d: {  	_ =	swait.ge [sflag:s31], $0x2800  }
0x11e: {  	[sflag:s31] =	ssyncset.done $0x0  }
0x11f: {  	s21 =	simm.s32 $0xD00;
	[sflag:s31] =	ssyncadd.s32 $0xFFFFD800  }
0x120: {  	[spmem:s1] =	stream.indirect.scatter.add.f32 [tilespmem:s24], [sflag:$0x7], $0x80, s21, s19, $0xb8;
	[tilespmem:$0x1EC00] =	vst v63  }
0x121: {  	_ =	swait.ge [sflag:s2], $0x2800  }
0x122: {  	[sflag:s2] =	ssyncset.done $0x0  }
0x123: {  	s21 =	simm.s32 $0xD80;
	[sflag:s2] =	ssyncadd.s32 $0xFFFFD800  }
0x124: {  	[spmem:s1] =	stream.indirect.scatter.add.f32 [tilespmem:s26], [sflag:$0x8], $0x80, s21, s19, $0xb8;
	[tilespmem:$0x1EC00] =	vst v63  }
0x125: {  	_ =	swait.ge [sflag:s7], $0x2800  }
0x126: {  	[sflag:s7] =	ssyncset.done $0x0  }
0x127: {  	s21 =	simm.s32 $0x600;
	[sflag:s7] =	ssyncadd.s32 $0xFFFFD800  }
0x128: {  	[tilespmem:s20], [sflag:$0x1] =	stream.indirect.gather [hbm4b:s4+s19], $0x80, s21, s19, $0xb8;
	[tilespmem:$0x1EC00] =	vst v63  }
0x129: {  	_ =	swait.ge [sflag:s9], $0x2800  }
0x12a: {  	[sflag:s9] =	ssyncset.done $0x0  }
0x12b: {  	s21 =	simm.s32 $0x680;
	[sflag:s9] =	ssyncadd.s32 $0xFFFFD800  }
0x12c: {  	[tilespmem:s22], [sflag:$0x2] =	stream.indirect.gather [hbm4b:s4+s19], $0x80, s21, s19, $0xb8;
	[tilespmem:$0x1EC00] =	vst v63  }
0x12d: {  	_ =	swait.ge [sflag:s11], $0x2800  }
0x12e: {  	[sflag:s11] =	ssyncset.done $0x0  }
0x12f: {  	s21 =	simm.s32 $0x700;
	[sflag:s11] =	ssyncadd.s32 $0xFFFFD800  }
0x130: {  	[tilespmem:s24], [sflag:$0x3] =	stream.indirect.gather [hbm4b:s4+s19], $0x80, s21, s19, $0xb8;
	[tilespmem:$0x1EC00] =	vst v63  }
0x131: {  	_ =	swait.ge [sflag:s6], $0x2800  }
0x132: {  	[sflag:s6] =	ssyncset.done $0x0  }
0x133: {  	s21 =	simm.s32 $0x780;
	[sflag:s6] =	ssyncadd.s32 $0xFFFFD800  }
0x134: {  	[tilespmem:s26], [sflag:$0x4] =	stream.indirect.gather [hbm4b:s4+s19], $0x80, s21, s19, $0xb8;
	[tilespmem:$0x1EC00] =	vst v63  }
0x135: {  	_ =	swait.ge [sflag:s28], $0x2800  }
0x136: {  	[sflag:s28] =	ssyncset.done $0x0  }
0x137: {  	s21 =	simm.s32 $0xE00;
	[sflag:s28] =	ssyncadd.s32 $0xFFFFD800  }
0x138: {  	[spmem:s1] =	stream.indirect.scatter.add.f32 [tilespmem:s20], [sflag:$0x5], $0x80, s21, s19, $0xb8;
	[tilespmem:$0x1EC00] =	vst v63  }
0x139: {  	_ =	swait.ge [sflag:s29], $0x2800  }
0x13a: {  	[sflag:s29] =	ssyncset.done $0x0  }
0x13b: {  	[sflag:s29] =	ssyncadd.s32 $0xFFFFD800  }
0x13c: {  	[spmem:s1] =	stream.indirect.scatter.add.f32 [tilespmem:s22], [sflag:$0x6], $0x80, s5, s19, $0xb8;
	[tilespmem:$0x1EC00] =	vst v63  }
0x13d: {  	_ =	swait.ge [sflag:s31], $0x2800  }
0x13e: {  	[sflag:s31] =	ssyncset.done $0x0  }
0x13f: {  	[sflag:s31] =	ssyncadd.s32 $0xFFFFD800  }
0x140: {  	[spmem:s1] =	stream.indirect.scatter.add.f32 [tilespmem:s24], [sflag:$0x7], $0x80, s8, s19, $0xb8;
	[tilespmem:$0x1EC00] =	vst v63  }
0x141: {  	_ =	swait.ge [sflag:s2], $0x2800  }
0x142: {  	[sflag:s2] =	ssyncset.done $0x0  }
0x143: {  	[sflag:s2] =	ssyncadd.s32 $0xFFFFD800  }
0x144: {  	[spmem:s1] =	stream.indirect.scatter.add.f32 [tilespmem:s26], [sflag:$0x8], $0x80, s10, s19, $0xb8;
	[tilespmem:$0x1EC00] =	vst v63  }
0x145: {  	_ =	swait.ge [sflag:s18], $0x400  }
0x146: {  	[sflag:s18] =	ssyncset.done $0x0  }
0x147: {  	[sflag:s18] =	ssyncadd.s32 $0xFFFFFC00  }
0x148: {  	_ =	swait.ge [sflag:s18], $0x400  }
0x149: {  	[sflag:s18] =	ssyncset.done $0x0  }
0x14a: {  	[sflag:s18] =	ssyncadd.s32 $0xFFFFFC00  }
0x14b: {  	_ =	swait.ge [sflag:s7], $0x2800  }
0x14c: {  	[sflag:s7] =	ssyncset.done $0x0  }
0x14d: {  	[sflag:s7] =	ssyncadd.s32 $0xFFFFD800  }
0x14e: {  	[tilespmem:s20], [sflag:$0x1] =	stream.indirect.gather [hbm4b:s4+s19], $0x80, s3, s19, $0xb8;
	[tilespmem:$0x1EC00] =	vst v63  }
0x14f: {  	_ =	swait.ge [sflag:s9], $0x2800  }
0x150: {  	[sflag:s9] =	ssyncset.done $0x0  }
0x151: {  	s23 =	simm.s32 $0x80;
	[sflag:s9] =	ssyncadd.s32 $0xFFFFD800  }
0x152: {  	[tilespmem:s22], [sflag:$0x2] =	stream.indirect.gather [hbm4b:s4+s19], $0x80, s23, s19, $0xb8;
	[tilespmem:$0x1EC00] =	vst v63  }
0x153: {  	_ =	swait.ge [sflag:s11], $0x2800  }
0x154: {  	[sflag:s11] =	ssyncset.done $0x0  }
0x155: {  	[sflag:s11] =	ssyncadd.s32 $0xFFFFD800  }
0x156: {  	[tilespmem:s24], [sflag:$0x3] =	stream.indirect.gather [hbm4b:s4+s19], $0x80, s25, s19, $0xb8;
	[tilespmem:$0x1EC00] =	vst v63  }
0x157: {  	p0 =	sne.s32 s12, $0x600;
	_ =	swait.ge [sflag:s6], $0x2800  }
.Ltmp0:
0x158: {  	[sflag:s6] =	ssyncset.done $0x0;
	(pc) =	sbr.rel @p0 .LBB2_2-.Ltmp0, $4  }
0x159: {  	[sflag:s6] =	ssyncadd.s32 $0xFFFFD800  }
0x15a: {  	[tilespmem:s26], [sflag:$0x4] =	stream.indirect.gather [hbm4b:s4+s19], $0x80, s0, s19, $0xb8;
	[tilespmem:$0x1EC00] =	vst v63  }
0x15b: {  	s12 =	sadd.s32 $0x100, s12;
	s14 =	sadd.s32 $0x180, s14;
	s13 =	sadd.s32 $0x180, s13  }
0x15c: {  	[tilespmem:s16], [sflag:$0xA] =	stream.linear.gather [hbm4b:s14+s3], $0x400, $0x38;
	[tilespmem:$0x1EC00] =	vst v63  }
0x15d: {  	[tilespmem:s17], [sflag:$0xA] =	stream.linear.gather [hbm4b:s13+s3], $0x400, $0x38;
	[tilespmem:$0x1EC00] =	vst v63  }
0x15e: {  	_ =	swait.ge [sflag:s28], $0x2800  }
0x15f: {  	[sflag:s28] =	ssyncset.done $0x0  }
0x160: {  	[sflag:s28] =	ssyncadd.s32 $0xFFFFD800  }
0x161: {  	[spmem:s1] =	stream.indirect.scatter.add.f32 [tilespmem:s20], [sflag:$0x5], $0x80, s15, s19, $0xb8;
	[tilespmem:$0x1EC00] =	vst v63  }
0x162: {  	_ =	swait.ge [sflag:s29], $0x2800  }
0x163: {  	[sflag:s29] =	ssyncset.done $0x0  }
0x164: {  	s0 =	simm.s32 $0x880;
	[sflag:s29] =	ssyncadd.s32 $0xFFFFD800  }
0x165: {  	[spmem:s1] =	stream.indirect.scatter.add.f32 [tilespmem:s22], [sflag:$0x6], $0x80, s0, s19, $0xb8;
	[tilespmem:$0x1EC00] =	vst v63  }
0x166: {  	_ =	swait.ge [sflag:s31], $0x2800  }
0x167: {  	[sflag:s31] =	ssyncset.done $0x0  }
0x168: {  	s21 =	simm.s32 $0x900;
	[sflag:s31] =	ssyncadd.s32 $0xFFFFD800  }
0x169: {  	[spmem:s1] =	stream.indirect.scatter.add.f32 [tilespmem:s24], [sflag:$0x7], $0x80, s21, s19, $0xb8;
	[tilespmem:$0x1EC00] =	vst v63  }
0x16a: {  	_ =	swait.ge [sflag:s2], $0x2800  }
0x16b: {  	[sflag:s2] =	ssyncset.done $0x0  }
0x16c: {  	s12 =	simm.s32 $0x980;
	[sflag:s2] =	ssyncadd.s32 $0xFFFFD800  }
0x16d: {  	[spmem:s1] =	stream.indirect.scatter.add.f32 [tilespmem:s26], [sflag:$0x8], $0x80, s12, s19, $0xb8;
	[tilespmem:$0x1EC00] =	vst v63  }
0x16e: {  	_ =	swait.ge [sflag:s7], $0x2800  }
0x16f: {  	[sflag:s7] =	ssyncset.done $0x0  }
0x170: {  	s13 =	simm.s32 $0x200;
	[sflag:s7] =	ssyncadd.s32 $0xFFFFD800  }
0x171: {  	[tilespmem:s20], [sflag:$0x1] =	stream.indirect.gather [hbm4b:s4+s19], $0x80, s13, s19, $0xb8;
	[tilespmem:$0x1EC00] =	vst v63  }
0x172: {  	_ =	swait.ge [sflag:s9], $0x2800  }
0x173: {  	[sflag:s9] =	ssyncset.done $0x0  }
0x174: {  	s14 =	simm.s32 $0x280;
	[sflag:s9] =	ssyncadd.s32 $0xFFFFD800  }
0x175: {  	[tilespmem:s22], [sflag:$0x2] =	stream.indirect.gather [hbm4b:s4+s19], $0x80, s14, s19, $0xb8;
	[tilespmem:$0x1EC00] =	vst v63  }
0x176: {  	_ =	swait.ge [sflag:s11], $0x2800  }
0x177: {  	[sflag:s11] =	ssyncset.done $0x0  }
0x178: {  	s21 =	simm.s32 $0x300;
	[sflag:s11] =	ssyncadd.s32 $0xFFFFD800  }
0x179: {  	[tilespmem:s24], [sflag:$0x3] =	stream.indirect.gather [hbm4b:s4+s19], $0x80, s21, s19, $0xb8;
	[tilespmem:$0x1EC00] =	vst v63  }
0x17a: {  	_ =	swait.ge [sflag:s6], $0x2800  }
0x17b: {  	[sflag:s6] =	ssyncset.done $0x0  }
0x17c: {  	s12 =	simm.s32 $0x380;
	[sflag:s6] =	ssyncadd.s32 $0xFFFFD800  }
0x17d: {  	[tilespmem:s26], [sflag:$0x4] =	stream.indirect.gather [hbm4b:s4+s19], $0x80, s12, s19, $0xb8;
	[tilespmem:$0x1EC00] =	vst v63  }
0x17e: {  	_ =	swait.ge [sflag:s28], $0x2800  }
0x17f: {  	[sflag:s28] =	ssyncset.done $0x0  }
0x180: {  	s13 =	simm.s32 $0xA00;
	[sflag:s28] =	ssyncadd.s32 $0xFFFFD800  }
0x181: {  	[spmem:s1] =	stream.indirect.scatter.add.f32 [tilespmem:s20], [sflag:$0x5], $0x80, s13, s19, $0xb8;
	[tilespmem:$0x1EC00] =	vst v63  }
0x182: {  	_ =	swait.ge [sflag:s29], $0x2800  }
0x183: {  	[sflag:s29] =	ssyncset.done $0x0  }
0x184: {  	s14 =	simm.s32 $0xA80;
	[sflag:s29] =	ssyncadd.s32 $0xFFFFD800  }
0x185: {  	[spmem:s1] =	stream.indirect.scatter.add.f32 [tilespmem:s22], [sflag:$0x6], $0x80, s14, s19, $0xb8;
	[tilespmem:$0x1EC00] =	vst v63  }
0x186: {  	_ =	swait.ge [sflag:s31], $0x2800  }
0x187: {  	[sflag:s31] =	ssyncset.done $0x0  }
0x188: {  	s21 =	simm.s32 $0xB00;
	[sflag:s31] =	ssyncadd.s32 $0xFFFFD800  }
0x189: {  	[spmem:s1] =	stream.indirect.scatter.add.f32 [tilespmem:s24], [sflag:$0x7], $0x80, s21, s19, $0xb8;
	[tilespmem:$0x1EC00] =	vst v63  }
0x18a: {  	_ =	swait.ge [sflag:s2], $0x2800  }
0x18b: {  	[sflag:s2] =	ssyncset.done $0x0  }
0x18c: {  	s12 =	simm.s32 $0xB80;
	[sflag:s2] =	ssyncadd.s32 $0xFFFFD800  }
0x18d: {  	[spmem:s1] =	stream.indirect.scatter.add.f32 [tilespmem:s26], [sflag:$0x8], $0x80, s12, s19, $0xb8;
	[tilespmem:$0x1EC00] =	vst v63  }
0x18e: {  	_ =	swait.ge [sflag:s30], $0x400  }
0x18f: {  	[sflag:s30] =	ssyncset.done $0x0  }
0x190: {  	[sflag:s30] =	ssyncadd.s32 $0xFFFFFC00  }
0x191: {  	_ =	swait.ge [sflag:s30], $0x400  }
0x192: {  	[sflag:s30] =	ssyncset.done $0x0  }
0x193: {  	[sflag:s30] =	ssyncadd.s32 $0xFFFFFC00  }
0x194: {  	_ =	swait.ge [sflag:s7], $0x2800  }
0x195: {  	[sflag:s7] =	ssyncset.done $0x0  }
0x196: {  	[sflag:s7] =	ssyncadd.s32 $0xFFFFD800  }
0x197: {  	[tilespmem:s20], [sflag:$0x1] =	stream.indirect.gather [hbm4b:s4+s19], $0x80, s16, s19, $0xb8;
	[tilespmem:$0x1EC00] =	vst v63  }
0x198: {  	_ =	swait.ge [sflag:s9], $0x2800  }
0x199: {  	[sflag:s9] =	ssyncset.done $0x0  }
0x19a: {  	s13 =	simm.s32 $0x480;
	[sflag:s9] =	ssyncadd.s32 $0xFFFFD800  }
0x19b: {  	[tilespmem:s22], [sflag:$0x2] =	stream.indirect.gather [hbm4b:s4+s19], $0x80, s13, s19, $0xb8;
	[tilespmem:$0x1EC00] =	vst v63  }
0x19c: {  	_ =	swait.ge [sflag:s11], $0x2800  }
0x19d: {  	[sflag:s11] =	ssyncset.done $0x0  }
0x19e: {  	s14 =	simm.s32 $0x500;
	[sflag:s11] =	ssyncadd.s32 $0xFFFFD800  }
0x19f: {  	[tilespmem:s24], [sflag:$0x3] =	stream.indirect.gather [hbm4b:s4+s19], $0x80, s14, s19, $0xb8;
	[tilespmem:$0x1EC00] =	vst v63  }
0x1a0: {  	_ =	swait.ge [sflag:s6], $0x2800  }
0x1a1: {  	[sflag:s6] =	ssyncset.done $0x0  }
0x1a2: {  	s21 =	simm.s32 $0x580;
	[sflag:s6] =	ssyncadd.s32 $0xFFFFD800  }
0x1a3: {  	[tilespmem:s26], [sflag:$0x4] =	stream.indirect.gather [hbm4b:s4+s19], $0x80, s21, s19, $0xb8;
	[tilespmem:$0x1EC00] =	vst v63  }
0x1a4: {  	_ =	swait.ge [sflag:s28], $0x2800  }
0x1a5: {  	[sflag:s28] =	ssyncset.done $0x0  }
0x1a6: {  	[sflag:s28] =	ssyncadd.s32 $0xFFFFD800  }
0x1a7: {  	[spmem:s1] =	stream.indirect.scatter.add.f32 [tilespmem:s20], [sflag:$0x5], $0x80, s17, s19, $0xb8;
	[tilespmem:$0x1EC00] =	vst v63  }
0x1a8: {  	_ =	swait.ge [sflag:s29], $0x2800  }
0x1a9: {  	[sflag:s29] =	ssyncset.done $0x0  }
0x1aa: {  	s12 =	simm.s32 $0xC80;
	[sflag:s29] =	ssyncadd.s32 $0xFFFFD800  }
0x1ab: {  	[spmem:s1] =	stream.indirect.scatter.add.f32 [tilespmem:s22], [sflag:$0x6], $0x80, s12, s19, $0xb8;
	[tilespmem:$0x1EC00] =	vst v63  }
0x1ac: {  	_ =	swait.ge [sflag:s31], $0x2800  }
0x1ad: {  	[sflag:s31] =	ssyncset.done $0x0  }
0x1ae: {  	s13 =	simm.s32 $0xD00;
	[sflag:s31] =	ssyncadd.s32 $0xFFFFD800  }
0x1af: {  	[spmem:s1] =	stream.indirect.scatter.add.f32 [tilespmem:s24], [sflag:$0x7], $0x80, s13, s19, $0xb8;
	[tilespmem:$0x1EC00] =	vst v63  }
0x1b0: {  	_ =	swait.ge [sflag:s2], $0x2800  }
0x1b1: {  	[sflag:s2] =	ssyncset.done $0x0  }
0x1b2: {  	s14 =	simm.s32 $0xD80;
	[sflag:s2] =	ssyncadd.s32 $0xFFFFD800  }
0x1b3: {  	[spmem:s1] =	stream.indirect.scatter.add.f32 [tilespmem:s26], [sflag:$0x8], $0x80, s14, s19, $0xb8;
	[tilespmem:$0x1EC00] =	vst v63  }
0x1b4: {  	_ =	swait.ge [sflag:s7], $0x2800  }
0x1b5: {  	[sflag:s7] =	ssyncset.done $0x0  }
0x1b6: {  	s21 =	simm.s32 $0x600;
	[sflag:s7] =	ssyncadd.s32 $0xFFFFD800  }
0x1b7: {  	[tilespmem:s20], [sflag:$0x1] =	stream.indirect.gather [hbm4b:s4+s19], $0x80, s21, s19, $0xb8;
	[tilespmem:$0x1EC00] =	vst v63  }
0x1b8: {  	_ =	swait.ge [sflag:s9], $0x2800  }
0x1b9: {  	[sflag:s9] =	ssyncset.done $0x0  }
0x1ba: {  	s12 =	simm.s32 $0x680;
	[sflag:s9] =	ssyncadd.s32 $0xFFFFD800  }
0x1bb: {  	[tilespmem:s22], [sflag:$0x2] =	stream.indirect.gather [hbm4b:s4+s19], $0x80, s12, s19, $0xb8;
	[tilespmem:$0x1EC00] =	vst v63  }
0x1bc: {  	_ =	swait.ge [sflag:s11], $0x2800  }
0x1bd: {  	[sflag:s11] =	ssyncset.done $0x0  }
0x1be: {  	s13 =	simm.s32 $0x700;
	[sflag:s11] =	ssyncadd.s32 $0xFFFFD800  }
0x1bf: {  	[tilespmem:s24], [sflag:$0x3] =	stream.indirect.gather [hbm4b:s4+s19], $0x80, s13, s19, $0xb8;
	[tilespmem:$0x1EC00] =	vst v63  }
0x1c0: {  	_ =	swait.ge [sflag:s6], $0x2800  }
0x1c1: {  	[sflag:s6] =	ssyncset.done $0x0  }
0x1c2: {  	s14 =	simm.s32 $0x780;
	[sflag:s6] =	ssyncadd.s32 $0xFFFFD800  }
0x1c3: {  	[tilespmem:s26], [sflag:$0x4] =	stream.indirect.gather [hbm4b:s4+s19], $0x80, s14, s19, $0xb8;
	[tilespmem:$0x1EC00] =	vst v63  }
0x1c4: {  	_ =	swait.ge [sflag:s28], $0x2800  }
0x1c5: {  	[sflag:s28] =	ssyncset.done $0x0  }
0x1c6: {  	s21 =	simm.s32 $0xE00;
	[sflag:s28] =	ssyncadd.s32 $0xFFFFD800  }
0x1c7: {  	[spmem:s1] =	stream.indirect.scatter.add.f32 [tilespmem:s20], [sflag:$0x5], $0x80, s21, s19, $0xb8;
	[tilespmem:$0x1EC00] =	vst v63  }
0x1c8: {  	_ =	swait.ge [sflag:s29], $0x2800  }
0x1c9: {  	[sflag:s29] =	ssyncset.done $0x0  }
0x1ca: {  	[sflag:s29] =	ssyncadd.s32 $0xFFFFD800  }
0x1cb: {  	[spmem:s1] =	stream.indirect.scatter.add.f32 [tilespmem:s22], [sflag:$0x6], $0x80, s5, s19, $0xb8;
	[tilespmem:$0x1EC00] =	vst v63  }
0x1cc: {  	_ =	swait.ge [sflag:s31], $0x2800  }
0x1cd: {  	[sflag:s31] =	ssyncset.done $0x0  }
0x1ce: {  	[sflag:s31] =	ssyncadd.s32 $0xFFFFD800  }
0x1cf: {  	[spmem:s1] =	stream.indirect.scatter.add.f32 [tilespmem:s24], [sflag:$0x7], $0x80, s8, s19, $0xb8;
	[tilespmem:$0x1EC00] =	vst v63  }
0x1d0: {  	_ =	swait.ge [sflag:s2], $0x2800  }
0x1d1: {  	[sflag:s2] =	ssyncset.done $0x0  }
0x1d2: {  	[sflag:s2] =	ssyncadd.s32 $0xFFFFD800  }
0x1d3: {  	[spmem:s1] =	stream.indirect.scatter.add.f32 [tilespmem:s26], [sflag:$0x8], $0x80, s10, s19, $0xb8;
	[tilespmem:$0x1EC00] =	vst v63  }
0x1d4: {  	_ =	swait.ge [sflag:s7], $0x2800  }
0x1d5: {  	[sflag:s7] =	ssyncset.done $0x0  }
0x1d6: {  	[sflag:s7] =	ssyncadd.s32 $0xFFFFD800  }
0x1d7: {  	_ =	swait.ge [sflag:s9], $0x2800  }
0x1d8: {  	[sflag:s9] =	ssyncset.done $0x0  }
0x1d9: {  	[sflag:s9] =	ssyncadd.s32 $0xFFFFD800  }
0x1da: {  	_ =	swait.ge [sflag:s11], $0x2800  }
0x1db: {  	[sflag:s11] =	ssyncset.done $0x0  }
0x1dc: {  	[sflag:s11] =	ssyncadd.s32 $0xFFFFD800  }
0x1dd: {  	_ =	swait.ge [sflag:s6], $0x2800  }
0x1de: {  	[sflag:s6] =	ssyncset.done $0x0  }
0x1df: {  	[sflag:s6] =	ssyncadd.s32 $0xFFFFD800  }
0x1e0: {  	[bflag:$0x0] =	sbarrier.arrive $0xFFFF  }
0x1e1: {  	s13 =	rddreg [dreg:$0x6]  }
0x1e2: {  	s12 =	rddreg [dreg:$0xb]  }
0x1e3: {  	s21 =	simm.s32 $0xB;
	s14 =	rddreg [dreg:$0xd]  }
0x1e4: {  	[hbm:s12], [sflag:s13] =	dma.local [spmem:s14], $0x2780  }
0x1e5: {  	_ =	swait.ge [sflag:s21], $0x2780  }
0x1e6: {  	s12 =	rddreg [dreg:$0xe]  }
0x1e7: {  	s0 =	sadd.s32 $0x1, s12;
	s12 =	rddreg [dreg:$0xc]  }
0x1e8: {  	p0 =	sne.s32 s0, s12  }
.Ltmp1:
0x1e9: {  	_ = 	snop;
	(pc) =	sbr.rel @p0 .LBB2_1-.Ltmp1, $3  }
0x1ea: {  	_ =	sdelay $0x1  }
0x1eb: {  	[sflag:s21] =	ssyncset.done $0x0  }
0x1ec: {  	[sflag:s21] =	ssyncadd.s32 $0xFFFFD880  }
0x1ed: {  	_ =	sfence.sel $0x180000  }
0x1ee: {  	[bflag:$0x0] =	sbarrier.arrive $0xFFFF  }
0x1ef: {  	_ =	strace $0x9000004A  }
0x1f0: {  	s0 =	stileid.u32;
	[bflag:$0x2] =	sbarrier.arrive $0xFFFF  }
0x1f1: {  	p0 =	sne.s32 s0, $0x0;
	s0 =	rddreg [dreg:$0x2]  }
0x1f2: {  	s0 =	sadd.s32 @!p0 $0x100000, s0  }
0x1f3: {  	[sflag:s0] =	ssyncadd.tile.s32 @!p0 $0x1;
	_ =	shalt  }
.Lfunc_end2:
_tile_overlayer_lowered:
.L_overlay_start_2:
0x1f4: {  	(tag) =	ssettag $0x2  }
0x1f5: {  	s0 =	rddreg [dreg:$0x0];
	s2 =	stileid.u32  }
0x1f6: {  	s1 =	rddreg [dreg:$0x1];
	p0 =	sne.s32 s2, $0x0  }
0x1f7: {  	s3 =	rddreg [dreg:$0x2];
	[bflag:$0x3] =	sbarrier.arrive $0xFFFF;
	s2 =	simm.s32 @!p0 $0x1C0B  }
0x1f8: {  	[timem:s3], [sflag:s2] =	dma.local @!p0 [hbm:s0], s1  }
0x1f9: {  	s0 =	simm.s32 @!p0 $0xB  }
0x1fa: {  	_ =	swait.ge @!p0 [sflag:s0], s1  }
0x1fb: {  	s1 =	ssub.s32 @!p0 $0x0, s1;
	[sflag:s0] =	ssyncset.done @!p0 $0x0  }
0x1fc: {  	[sflag:s0] =	ssyncadd.s32 @!p0 s1  }
0x1fd: {  	[bflag:$0x3] =	sbarrier.arrive $0xFFFF  }
0x1fe: {  	_ =	shalt  }

</sc_bundles>
